<compile_context>
chip_gen: v7x
topology: tpu7x:2x2x1
jax: 0.10.2.dev20260603
libtpu: 0.0.44.dev20260713+nightly
codegen_flags: <defaults>
</compile_context>

<pallas_src>
import functools

import jax
import jax.numpy as jnp
from jax import lax
from jax.experimental import pallas as pl
from jax.experimental.pallas import tpu as pltpu
from jax.experimental.pallas import tpu_sc as plsc

N_NODES = 10000
N_EDGES = 320000
D = 128

NC = 2
NS = 16
NW = NC * NS
CH = 128
BL = 8
NBLK = 10
CPT = NBLK * BL
EDGES_PER_TILE = CPT * CH
REAL_PER_TILE = N_EDGES // NW
PAD_PER_TILE = EDGES_PER_TILE - REAL_PER_TILE
N_PAD = 10112
TRASH = N_PAD - N_NODES
ROWS_PER_TILE = N_PAD // NS


@functools.cache
def _make_agg_kernel():
    mesh = plsc.VectorSubcoreMesh(core_axis_name="c", subcore_axis_name="s")

    @functools.partial(
        pl.kernel,
        mesh=mesh,
        out_type=jax.ShapeDtypeStruct((NC, N_PAD, D), jnp.float32),
        scratch_types=[
            pltpu.VMEM((2, BL, CH), jnp.int32),
            pltpu.VMEM((2, BL, CH), jnp.int32),
            pltpu.VMEM((CH, D), jnp.float32),
            pltpu.VMEM((CH, D), jnp.float32),
            pltpu.VMEM_SHARED((N_PAD, D), jnp.float32),
            pltpu.SemaphoreType.DMA,
            pltpu.SemaphoreType.DMA,
            pltpu.SemaphoreType.DMA,
            pltpu.SemaphoreType.DMA,
        ],
    )
    def agg(h_hbm, idx_hbm, out_hbm, ib0, ib1, rows0, rows1, acc,
            semi0, semi1, sem0, sem1):
        c = lax.axis_index("c")
        s = lax.axis_index("s")
        rows = (rows0, rows1)
        sems = (sem0, sem1)

        def zrow(r, carry):
            for k in range(D // 16):
                rows0[r, pl.ds(k * 16, 16)] = jnp.zeros((16,), jnp.float32)
            return carry

        lax.fori_loop(0, CH, zrow, 0)
        base = s * ROWS_PER_TILE
        full = ROWS_PER_TILE // CH
        rem = ROWS_PER_TILE - full * CH
        for k in range(full):
            pltpu.sync_copy(rows0, acc.at[pl.ds(base + k * CH, CH)])
        if rem:
            pltpu.sync_copy(rows0.at[pl.ds(0, rem)],
                            acc.at[pl.ds(base + full * CH, rem)])
        plsc.subcore_barrier()

        pltpu.sync_copy(idx_hbm.at[c, s, 0], ib0)
        pltpu.async_copy(idx_hbm.at[c, s, 1], ib1, semi1)
        pltpu.async_copy(h_hbm.at[ib0.at[0, 0]], rows0, sem0)
        pltpu.async_copy(h_hbm.at[ib0.at[0, 1]], rows1, sem1)

        def pair(p, carry):
            bnext0 = jnp.minimum(2 * p + 2, NBLK - 1)
            bnext1 = jnp.minimum(2 * p + 3, NBLK - 1)
            for m in range(2 * BL):
                if m == 6:
                    pltpu.make_async_copy(
                        idx_hbm.at[c, s, 0], ib1, semi1).wait()
                if m == 8:
                    pltpu.async_copy(idx_hbm.at[c, s, bnext0], ib0, semi0)
                if m == 14:
                    pltpu.make_async_copy(
                        idx_hbm.at[c, s, 0], ib0, semi0).wait()
                r, sem = rows[m % 2], sems[m % 2]
                ib_cur, k_cur = (ib0, m) if m < BL else (ib1, m - BL)
                pltpu.make_async_copy(h_hbm.at[ib_cur.at[0, k_cur]], r,
                                      sem).wait()
                pltpu.sync_copy(r, acc.at[ib_cur.at[1, k_cur]], add=True)
                m2 = m + 2
                ib_n, k_n = ((ib0, m2) if m2 < BL else
                             (ib1, m2 - BL) if m2 < 2 * BL else
                             (ib0, m2 - 2 * BL))
                pltpu.async_copy(h_hbm.at[ib_n.at[0, k_n]], r, sem)
            pltpu.async_copy(idx_hbm.at[c, s, bnext1], ib1, semi1)
            return carry

        lax.fori_loop(0, NBLK // 2, pair, 0)
        pltpu.make_async_copy(h_hbm.at[ib0.at[0, 0]], rows0, sem0).wait()
        pltpu.make_async_copy(h_hbm.at[ib0.at[0, 1]], rows1, sem1).wait()
        pltpu.make_async_copy(idx_hbm.at[c, s, 0], ib1, semi1).wait()
        plsc.subcore_barrier()

        pltpu.sync_copy(acc.at[pl.ds(base, ROWS_PER_TILE)],
                        out_hbm.at[c, pl.ds(base, ROWS_PER_TILE)])

    return agg


_ROW_BLK = 1000


def _mlp1_body(h_ref, p_ref, w1_ref, b1_ref, w2_ref, b2_ref, o_ref):
    z = h_ref[...] + p_ref[0] + p_ref[1]
    a = jnp.dot(z, w1_ref[...], preferred_element_type=jnp.float32) + b1_ref[...]
    a = jnp.maximum(a, 0.0)
    z2 = jnp.dot(a, w2_ref[...], preferred_element_type=jnp.float32) + b2_ref[...]
    o_ref[...] = jnp.maximum(z2, 0.0)


def _mlp2_body(h_ref, p_ref, w1_ref, b1_ref, w2_ref, b2_ref, wr_ref, br_ref,
               o_ref):
    z = h_ref[...] + p_ref[0] + p_ref[1]
    a = jnp.dot(z, w1_ref[...], preferred_element_type=jnp.float32) + b1_ref[...]
    a = jnp.maximum(a, 0.0)
    z2 = jnp.dot(a, w2_ref[...], preferred_element_type=jnp.float32) + b2_ref[...]
    h2 = jnp.maximum(z2, 0.0)
    o_ref[...] = jnp.dot(h2, wr_ref[...], preferred_element_type=jnp.float32) + br_ref[...]


def _row_spec():
    return pl.BlockSpec((_ROW_BLK, D), lambda i: (i, 0))


def _part_spec():
    return pl.BlockSpec((2, _ROW_BLK, D), lambda i: (0, i, 0))


def _full_spec(shape):
    return pl.BlockSpec(shape, lambda i: tuple(0 for _ in shape))


def _mlp1(h, p, w1, b1, w2, b2):
    return pl.pallas_call(
        _mlp1_body,
        grid=(N_NODES // _ROW_BLK,),
        in_specs=[
            _row_spec(), _part_spec(),
            _full_spec((D, D)), _full_spec((1, D)),
            _full_spec((D, D)), _full_spec((1, D)),
        ],
        out_specs=_row_spec(),
        out_shape=jax.ShapeDtypeStruct((N_NODES, D), jnp.float32),
    )(h, p, w1, b1, w2, b2)


def _cast_and_pack_edges(edge_index):
    src = edge_index[0].astype(jnp.int32)
    dst = edge_index[1].astype(jnp.int32)
    pad_src = (jnp.arange(PAD_PER_TILE, dtype=jnp.int32) * 41) % N_NODES
    w_ids = jnp.arange(NW, dtype=jnp.int32) % NS
    pad_dst = (N_NODES + 7 * w_ids[:, None]
               + (jnp.arange(PAD_PER_TILE, dtype=jnp.int32)[None, :] % 7))
    src_t = jnp.concatenate(
        [src.reshape(NW, REAL_PER_TILE),
         jnp.broadcast_to(pad_src, (NW, PAD_PER_TILE))], axis=1,
    ).reshape(NW, NBLK, BL, CH)
    dst_t = jnp.concatenate(
        [dst.reshape(NW, REAL_PER_TILE), pad_dst], axis=1,
    ).reshape(NW, NBLK, BL, CH)
    return jnp.stack([src_t, dst_t], axis=2).reshape(NC, NS, NBLK, 2, BL, CH)


def _mlp2(h, p, w1, b1, w2, b2, wr, br):
    return pl.pallas_call(
        _mlp2_body,
        grid=(N_NODES // _ROW_BLK,),
        in_specs=[
            _row_spec(), _part_spec(),
            _full_spec((D, D)), _full_spec((1, D)),
            _full_spec((D, D)), _full_spec((1, D)),
            _full_spec((D, 1)), _full_spec((1, 1)),
        ],
        out_specs=pl.BlockSpec((_ROW_BLK, 1), lambda i: (i, 0)),
        out_shape=jax.ShapeDtypeStruct((N_NODES, 1), jnp.float32),
    )(h, p, w1, b1, w2, b2, wr, br)


@jax.jit
def kernel(x, edge_index, W1_0, b1_0, W2_0, b2_0, W1_1, b1_1, W2_1, b2_1, Wr, br):
    idx_g = _cast_and_pack_edges(edge_index)

    b1_0r = b1_0.reshape(1, D)
    b2_0r = b2_0.reshape(1, D)
    b1_1r = b1_1.reshape(1, D)
    b2_1r = b2_1.reshape(1, D)
    brr = br.reshape(1, 1)

    agg = _make_agg_kernel()
    p0 = agg(x, idx_g)
    h1 = _mlp1(x, p0, W1_0, b1_0r, W2_0, b2_0r)
    p1 = agg(h1, idx_g)
    out = _mlp2(h1, p1, W1_1, b1_1r, W2_1, b2_1r, Wr, brr)
    return out

# --- scband reference (transcript-rebuilt; emitter-appended) ---
"""Pipeline reference for scband-gin-37744172597911 (READ-ONLY COPY).

The authoritative reference and input builder live on the scoring server;
editing this copy changes nothing except your own understanding.
"""

import jax, jax.numpy as jnp
import numpy as np

N_NODES = 10000
N_EDGES = 320000
D_IN = 128
D_H = 128


def setup_inputs(seed: int = 0) -> dict:
    key = jax.random.key(seed)
    ks = [jax.random.fold_in(key, i) for i in range(16)]
    x = jax.random.normal(ks[0], (N_NODES, D_IN), dtype=jnp.float32)
    edge_index = jax.random.randint(ks[1], (2, N_EDGES), 0, N_NODES, dtype=jnp.int64)
    # GINConv layer 0 MLP: Linear(D_IN, D_H), ReLU, Linear(D_H, D_H)
    W1_0 = jax.random.normal(ks[2], (D_IN, D_H), dtype=jnp.float32) * 0.05
    b1_0 = jnp.zeros((D_H,), dtype=jnp.float32)
    W2_0 = jax.random.normal(ks[3], (D_H, D_H), dtype=jnp.float32) * 0.05
    b2_0 = jnp.zeros((D_H,), dtype=jnp.float32)
    # GINConv layer 1 MLP: Linear(D_H, D_H), ReLU, Linear(D_H, D_H)
    W1_1 = jax.random.normal(ks[4], (D_H, D_H), dtype=jnp.float32) * 0.05
    b1_1 = jnp.zeros((D_H,), dtype=jnp.float32)
    W2_1 = jax.random.normal(ks[5], (D_H, D_H), dtype=jnp.float32) * 0.05
    b2_1 = jnp.zeros((D_H,), dtype=jnp.float32)
    # Regressor: Linear(D_H, 1)
    Wr = jax.random.normal(ks[6], (D_H, 1), dtype=jnp.float32) * 0.05
    br = jnp.zeros((1,), dtype=jnp.float32)
    return {"x": x, "edge_index": edge_index,
            "W1_0": W1_0, "b1_0": b1_0, "W2_0": W2_0, "b2_0": b2_0,
            "W1_1": W1_1, "b1_1": b1_1, "W2_1": W2_1, "b2_1": b2_1,
            "Wr": Wr, "br": br}


def reference(x, edge_index, W1_0, b1_0, W2_0, b2_0, W1_1, b1_1, W2_1, b2_1, Wr, br):
    # GIN forward, eval mode (dropout disabled), eps = 0 (PyG GINConv default)
    src = edge_index[0]
    dst = edge_index[1]
    n = x.shape[0]
    h = x
    layers = ((W1_0, b1_0, W2_0, b2_0), (W1_1, b1_1, W2_1, b2_1))
    for (W1, b1, W2, b2) in layers:
        # message passing: sum aggregation over incoming edges
        agg = jax.ops.segment_sum(h[src], dst, num_segments=n)
        z = (1.0 + 0.0) * h + agg
        # MLP: Linear -> ReLU -> Linear
        z = jnp.maximum(z @ W1 + b1, 0.0) @ W2 + b2
        # F.relu after conv
        h = jnp.maximum(z, 0.0)
    out = h @ Wr + br
    return out

if __name__ == "__main__":
    import jax
    _d = setup_inputs()
    print(jax.jit(kernel)(*tuple(_d.values())))

</pallas_src>

<mosaic_0001>
#map = affine_map<(d0, d1) -> (0, 0)>
#map1 = affine_map<(d0, d1) -> (0, 0, 0, 0, 0, 0)>
#map2 = affine_map<(d0, d1) -> (0, 0, 0)>
module attributes {stable_mosaic.version = 14 : i64} {
  func.func @agg(%arg0: i32, %arg1: i32, %arg2: memref<10000x128xf32, #tpu.memory_space<hbm>>, %arg3: memref<2x16x10x2x8x128xi32, #tpu.memory_space<hbm>>, %arg4: memref<2x10112x128xf32, #tpu.memory_space<hbm>>, %arg5: memref<2x8x128xi32, #tpu.memory_space<vmem>>, %arg6: memref<2x8x128xi32, #tpu.memory_space<vmem>>, %arg7: memref<128x128xf32, #tpu.memory_space<vmem>>, %arg8: memref<128x128xf32, #tpu.memory_space<vmem>>, %arg9: memref<10112x128xf32, #tpu.memory_space<vmem_shared>>, %arg10: memref<!tpu.dma_semaphore, #tpu.memory_space<semaphore_mem>>, %arg11: memref<!tpu.dma_semaphore, #tpu.memory_space<semaphore_mem>>, %arg12: memref<!tpu.dma_semaphore, #tpu.memory_space<semaphore_mem>>, %arg13: memref<!tpu.dma_semaphore, #tpu.memory_space<semaphore_mem>>) attributes {dimension_semantics = [#tpu.dimension_semantics<core_parallel>, #tpu.dimension_semantics<subcore_parallel>], iteration_bounds = array<i64: 2, 16>, scalar_prefetch = 0 : i64, scratch_operands = 9 : i64, tpu.core_type = #tpu.core_type<sc_vector_subcore>, window_params = [{transform_indices = #map}, {transform_indices = #map1}, {transform_indices = #map2}]} {
    %scan3A = arith.constant 0 : i32
    %scan3A_0 = arith.constant 0 : i32
    %scan3A_1 = arith.constant 128 : i32
    %scan3A_2 = arith.addi %scan3A_0, %scan3A_1 : i32
    %scan3A_3 = arith.constant 1 : i32
    scf.for %scan3A_74 = %scan3A_0 to %scan3A_2 step %scan3A_3  : i32 {
      %broadcast_in_dim3A = arith.constant 0.000000e+00 : f32
      %broadcast_in_dim3A_75 = vector.broadcast %broadcast_in_dim3A : f32 to vector<16xf32>
      %swap3A = arith.index_cast %scan3A_74 : i32 to index
      %swap3A_76 = arith.constant 0 : index
      %swap3A_77 = tpu.vector_load %arg7[%swap3A, %swap3A_76] {strides = array<i32>} : memref<128x128xf32, #tpu.memory_space<vmem>>, vector<1x16xf32>,
      %swap3A_78 = vector.shape_cast %swap3A_77 : vector<1x16xf32> to vector<16xf32>
      %swap3A_79 = vector.shape_cast %broadcast_in_dim3A_75 : vector<16xf32> to vector<1x16xf32>
      tpu.vector_store %arg7[%swap3A, %swap3A_76], %swap3A_79 {strides = array<i32>} : memref<128x128xf32, #tpu.memory_space<vmem>>, vector<1x16xf32>,
      %broadcast_in_dim3A_80 = arith.constant 0.000000e+00 : f32
      %broadcast_in_dim3A_81 = vector.broadcast %broadcast_in_dim3A_80 : f32 to vector<16xf32>
      %swap3A_82 = arith.index_cast %scan3A_74 : i32 to index
      %swap3A_83 = arith.constant 16 : index
      %swap3A_84 = tpu.vector_load %arg7[%swap3A_82, %swap3A_83] {strides = array<i32>} : memref<128x128xf32, #tpu.memory_space<vmem>>, vector<1x16xf32>,
      %swap3A_85 = vector.shape_cast %swap3A_84 : vector<1x16xf32> to vector<16xf32>
      %swap3A_86 = vector.shape_cast %broadcast_in_dim3A_81 : vector<16xf32> to vector<1x16xf32>
      tpu.vector_store %arg7[%swap3A_82, %swap3A_83], %swap3A_86 {strides = array<i32>} : memref<128x128xf32, #tpu.memory_space<vmem>>, vector<1x16xf32>,
      %broadcast_in_dim3A_87 = arith.constant 0.000000e+00 : f32
      %broadcast_in_dim3A_88 = vector.broadcast %broadcast_in_dim3A_87 : f32 to vector<16xf32>
      %swap3A_89 = arith.index_cast %scan3A_74 : i32 to index
      %swap3A_90 = arith.constant 32 : index
      %swap3A_91 = tpu.vector_load %arg7[%swap3A_89, %swap3A_90] {strides = array<i32>} : memref<128x128xf32, #tpu.memory_space<vmem>>, vector<1x16xf32>,
      %swap3A_92 = vector.shape_cast %swap3A_91 : vector<1x16xf32> to vector<16xf32>
      %swap3A_93 = vector.shape_cast %broadcast_in_dim3A_88 : vector<16xf32> to vector<1x16xf32>
      tpu.vector_store %arg7[%swap3A_89, %swap3A_90], %swap3A_93 {strides = array<i32>} : memref<128x128xf32, #tpu.memory_space<vmem>>, vector<1x16xf32>,
      %broadcast_in_dim3A_94 = arith.constant 0.000000e+00 : f32
      %broadcast_in_dim3A_95 = vector.broadcast %broadcast_in_dim3A_94 : f32 to vector<16xf32>
      %swap3A_96 = arith.index_cast %scan3A_74 : i32 to index
      %swap3A_97 = arith.constant 48 : index
      %swap3A_98 = tpu.vector_load %arg7[%swap3A_96, %swap3A_97] {strides = array<i32>} : memref<128x128xf32, #tpu.memory_space<vmem>>, vector<1x16xf32>,
      %swap3A_99 = vector.shape_cast %swap3A_98 : vector<1x16xf32> to vector<16xf32>
      %swap3A_100 = vector.shape_cast %broadcast_in_dim3A_95 : vector<16xf32> to vector<1x16xf32>
      tpu.vector_store %arg7[%swap3A_96, %swap3A_97], %swap3A_100 {strides = array<i32>} : memref<128x128xf32, #tpu.memory_space<vmem>>, vector<1x16xf32>,
      %broadcast_in_dim3A_101 = arith.constant 0.000000e+00 : f32
      %broadcast_in_dim3A_102 = vector.broadcast %broadcast_in_dim3A_101 : f32 to vector<16xf32>
      %swap3A_103 = arith.index_cast %scan3A_74 : i32 to index
      %swap3A_104 = arith.constant 64 : index
      %swap3A_105 = tpu.vector_load %arg7[%swap3A_103, %swap3A_104] {strides = array<i32>} : memref<128x128xf32, #tpu.memory_space<vmem>>, vector<1x16xf32>,
      %swap3A_106 = vector.shape_cast %swap3A_105 : vector<1x16xf32> to vector<16xf32>
      %swap3A_107 = vector.shape_cast %broadcast_in_dim3A_102 : vector<16xf32> to vector<1x16xf32>
      tpu.vector_store %arg7[%swap3A_103, %swap3A_104], %swap3A_107 {strides = array<i32>} : memref<128x128xf32, #tpu.memory_space<vmem>>, vector<1x16xf32>,
      %broadcast_in_dim3A_108 = arith.constant 0.000000e+00 : f32
      %broadcast_in_dim3A_109 = vector.broadcast %broadcast_in_dim3A_108 : f32 to vector<16xf32>
      %swap3A_110 = arith.index_cast %scan3A_74 : i32 to index
      %swap3A_111 = arith.constant 80 : index
      %swap3A_112 = tpu.vector_load %arg7[%swap3A_110, %swap3A_111] {strides = array<i32>} : memref<128x128xf32, #tpu.memory_space<vmem>>, vector<1x16xf32>,
      %swap3A_113 = vector.shape_cast %swap3A_112 : vector<1x16xf32> to vector<16xf32>
      %swap3A_114 = vector.shape_cast %broadcast_in_dim3A_109 : vector<16xf32> to vector<1x16xf32>
      tpu.vector_store %arg7[%swap3A_110, %swap3A_111], %swap3A_114 {strides = array<i32>} : memref<128x128xf32, #tpu.memory_space<vmem>>, vector<1x16xf32>,
      %broadcast_in_dim3A_115 = arith.constant 0.000000e+00 : f32
      %broadcast_in_dim3A_116 = vector.broadcast %broadcast_in_dim3A_115 : f32 to vector<16xf32>
      %swap3A_117 = arith.index_cast %scan3A_74 : i32 to index
      %swap3A_118 = arith.constant 96 : index
      %swap3A_119 = tpu.vector_load %arg7[%swap3A_117, %swap3A_118] {strides = array<i32>} : memref<128x128xf32, #tpu.memory_space<vmem>>, vector<1x16xf32>,
      %swap3A_120 = vector.shape_cast %swap3A_119 : vector<1x16xf32> to vector<16xf32>
      %swap3A_121 = vector.shape_cast %broadcast_in_dim3A_116 : vector<16xf32> to vector<1x16xf32>
      tpu.vector_store %arg7[%swap3A_117, %swap3A_118], %swap3A_121 {strides = array<i32>} : memref<128x128xf32, #tpu.memory_space<vmem>>, vector<1x16xf32>,
      %broadcast_in_dim3A_122 = arith.constant 0.000000e+00 : f32
      %broadcast_in_dim3A_123 = vector.broadcast %broadcast_in_dim3A_122 : f32 to vector<16xf32>
      %swap3A_124 = arith.index_cast %scan3A_74 : i32 to index
      %swap3A_125 = arith.constant 112 : index
      %swap3A_126 = tpu.vector_load %arg7[%swap3A_124, %swap3A_125] {strides = array<i32>} : memref<128x128xf32, #tpu.memory_space<vmem>>, vector<1x16xf32>,
      %swap3A_127 = vector.shape_cast %swap3A_126 : vector<1x16xf32> to vector<16xf32>
      %swap3A_128 = vector.shape_cast %broadcast_in_dim3A_123 : vector<16xf32> to vector<1x16xf32>
      tpu.vector_store %arg7[%swap3A_124, %swap3A_125], %swap3A_128 {strides = array<i32>} : memref<128x128xf32, #tpu.memory_space<vmem>>, vector<1x16xf32>,
    }
    %scan3A_4 = arith.constant 128 : i32
    %mul3A = arith.constant 632 : i32
    %mul3A_5 = arith.muli %arg1, %mul3A : i32
    %add3A = arith.constant 0 : i32
    %add3A_6 = arith.addi %mul3A_5, %add3A : i32
    "tpu.region"() ({
      %run_scoped3A_74 = tpu.sem_alloc : memref<!tpu.dma_semaphore, #tpu.memory_space<semaphore_mem>>
      %dma_start3A_75 = arith.constant 0 : i32
      %dma_start3A_76 = tpu.memref_slice %arg9[%add3A_6, %dma_start3A_75] : memref<10112x128xf32, #tpu.memory_space<vmem_shared>> -> memref<128x128xf32, #tpu.memory_space<vmem_shared>>
      %dma_start3A_77 = arith.constant 0 : i32
      %dma_start3A_78 = tpu.memref_slice %arg9[%add3A_6, %dma_start3A_77] : memref<10112x128xf32, #tpu.memory_space<vmem_shared>> -> memref<128x128xf32, #tpu.memory_space<vmem_shared>>
      tpu.enqueue_dma source(%arg7 : memref<128x128xf32, #tpu.memory_space<vmem>>) target(%dma_start3A_78 : memref<128x128xf32, #tpu.memory_space<vmem_shared>>) target_semaphore(%run_scoped3A_74 : memref<!tpu.dma_semaphore, #tpu.memory_space<semaphore_mem>>)
      %dma_wait3A_79 = arith.constant 0 : i32
      %dma_wait3A_80 = tpu.memref_slice %arg9[%add3A_6, %dma_wait3A_79] : memref<10112x128xf32, #tpu.memory_space<vmem_shared>> -> memref<128x128xf32, #tpu.memory_space<vmem_shared>>
      %dma_wait3A_81 = arith.constant 0 : i32
      %dma_wait3A_82 = tpu.memref_slice %arg9[%add3A_6, %dma_wait3A_81] : memref<10112x128xf32, #tpu.memory_space<vmem_shared>> -> memref<128x128xf32, #tpu.memory_space<vmem_shared>>
      tpu.wait_dma2 semaphore(%run_scoped3A_74 : memref<!tpu.dma_semaphore, #tpu.memory_space<semaphore_mem>>) src(%arg7 : memref<128x128xf32, #tpu.memory_space<vmem>>) dst(%dma_wait3A_82 : memref<128x128xf32, #tpu.memory_space<vmem_shared>>)
      tpu.yield
    }) : () -> ()
    %add3A_7 = arith.constant 128 : i32
    %add3A_8 = arith.addi %mul3A_5, %add3A_7 : i32
    "tpu.region"() ({
      %run_scoped3A_74 = tpu.sem_alloc : memref<!tpu.dma_semaphore, #tpu.memory_space<semaphore_mem>>
      %dma_start3A_75 = arith.constant 0 : i32
      %dma_start3A_76 = tpu.memref_slice %arg9[%add3A_8, %dma_start3A_75] : memref<10112x128xf32, #tpu.memory_space<vmem_shared>> -> memref<128x128xf32, #tpu.memory_space<vmem_shared>>
      %dma_start3A_77 = arith.constant 0 : i32
      %dma_start3A_78 = tpu.memref_slice %arg9[%add3A_8, %dma_start3A_77] : memref<10112x128xf32, #tpu.memory_space<vmem_shared>> -> memref<128x128xf32, #tpu.memory_space<vmem_shared>>
      tpu.enqueue_dma source(%arg7 : memref<128x128xf32, #tpu.memory_space<vmem>>) target(%dma_start3A_78 : memref<128x128xf32, #tpu.memory_space<vmem_shared>>) target_semaphore(%run_scoped3A_74 : memref<!tpu.dma_semaphore, #tpu.memory_space<semaphore_mem>>)
      %dma_wait3A_79 = arith.constant 0 : i32
      %dma_wait3A_80 = tpu.memref_slice %arg9[%add3A_8, %dma_wait3A_79] : memref<10112x128xf32, #tpu.memory_space<vmem_shared>> -> memref<128x128xf32, #tpu.memory_space<vmem_shared>>
      %dma_wait3A_81 = arith.constant 0 : i32
      %dma_wait3A_82 = tpu.memref_slice %arg9[%add3A_8, %dma_wait3A_81] : memref<10112x128xf32, #tpu.memory_space<vmem_shared>> -> memref<128x128xf32, #tpu.memory_space<vmem_shared>>
      tpu.wait_dma2 semaphore(%run_scoped3A_74 : memref<!tpu.dma_semaphore, #tpu.memory_space<semaphore_mem>>) src(%arg7 : memref<128x128xf32, #tpu.memory_space<vmem>>) dst(%dma_wait3A_82 : memref<128x128xf32, #tpu.memory_space<vmem_shared>>)
      tpu.yield
    }) : () -> ()
    %add3A_9 = arith.constant 256 : i32
    %add3A_10 = arith.addi %mul3A_5, %add3A_9 : i32
    "tpu.region"() ({
      %run_scoped3A_74 = tpu.sem_alloc : memref<!tpu.dma_semaphore, #tpu.memory_space<semaphore_mem>>
      %dma_start3A_75 = arith.constant 0 : i32
      %dma_start3A_76 = tpu.memref_slice %arg9[%add3A_10, %dma_start3A_75] : memref<10112x128xf32, #tpu.memory_space<vmem_shared>> -> memref<128x128xf32, #tpu.memory_space<vmem_shared>>
      %dma_start3A_77 = arith.constant 0 : i32
      %dma_start3A_78 = tpu.memref_slice %arg9[%add3A_10, %dma_start3A_77] : memref<10112x128xf32, #tpu.memory_space<vmem_shared>> -> memref<128x128xf32, #tpu.memory_space<vmem_shared>>
      tpu.enqueue_dma source(%arg7 : memref<128x128xf32, #tpu.memory_space<vmem>>) target(%dma_start3A_78 : memref<128x128xf32, #tpu.memory_space<vmem_shared>>) target_semaphore(%run_scoped3A_74 : memref<!tpu.dma_semaphore, #tpu.memory_space<semaphore_mem>>)
      %dma_wait3A_79 = arith.constant 0 : i32
      %dma_wait3A_80 = tpu.memref_slice %arg9[%add3A_10, %dma_wait3A_79] : memref<10112x128xf32, #tpu.memory_space<vmem_shared>> -> memref<128x128xf32, #tpu.memory_space<vmem_shared>>
      %dma_wait3A_81 = arith.constant 0 : i32
      %dma_wait3A_82 = tpu.memref_slice %arg9[%add3A_10, %dma_wait3A_81] : memref<10112x128xf32, #tpu.memory_space<vmem_shared>> -> memref<128x128xf32, #tpu.memory_space<vmem_shared>>
      tpu.wait_dma2 semaphore(%run_scoped3A_74 : memref<!tpu.dma_semaphore, #tpu.memory_space<semaphore_mem>>) src(%arg7 : memref<128x128xf32, #tpu.memory_space<vmem>>) dst(%dma_wait3A_82 : memref<128x128xf32, #tpu.memory_space<vmem_shared>>)
      tpu.yield
    }) : () -> ()
    %add3A_11 = arith.constant 384 : i32
    %add3A_12 = arith.addi %mul3A_5, %add3A_11 : i32
    "tpu.region"() ({
      %run_scoped3A_74 = tpu.sem_alloc : memref<!tpu.dma_semaphore, #tpu.memory_space<semaphore_mem>>
      %dma_start3A_75 = arith.constant 0 : i32
      %dma_start3A_76 = tpu.memref_slice %arg9[%add3A_12, %dma_start3A_75] : memref<10112x128xf32, #tpu.memory_space<vmem_shared>> -> memref<128x128xf32, #tpu.memory_space<vmem_shared>>
      %dma_start3A_77 = arith.constant 0 : i32
      %dma_start3A_78 = tpu.memref_slice %arg9[%add3A_12, %dma_start3A_77] : memref<10112x128xf32, #tpu.memory_space<vmem_shared>> -> memref<128x128xf32, #tpu.memory_space<vmem_shared>>
      tpu.enqueue_dma source(%arg7 : memref<128x128xf32, #tpu.memory_space<vmem>>) target(%dma_start3A_78 : memref<128x128xf32, #tpu.memory_space<vmem_shared>>) target_semaphore(%run_scoped3A_74 : memref<!tpu.dma_semaphore, #tpu.memory_space<semaphore_mem>>)
      %dma_wait3A_79 = arith.constant 0 : i32
      %dma_wait3A_80 = tpu.memref_slice %arg9[%add3A_12, %dma_wait3A_79] : memref<10112x128xf32, #tpu.memory_space<vmem_shared>> -> memref<128x128xf32, #tpu.memory_space<vmem_shared>>
      %dma_wait3A_81 = arith.constant 0 : i32
      %dma_wait3A_82 = tpu.memref_slice %arg9[%add3A_12, %dma_wait3A_81] : memref<10112x128xf32, #tpu.memory_space<vmem_shared>> -> memref<128x128xf32, #tpu.memory_space<vmem_shared>>
      tpu.wait_dma2 semaphore(%run_scoped3A_74 : memref<!tpu.dma_semaphore, #tpu.memory_space<semaphore_mem>>) src(%arg7 : memref<128x128xf32, #tpu.memory_space<vmem>>) dst(%dma_wait3A_82 : memref<128x128xf32, #tpu.memory_space<vmem_shared>>)
      tpu.yield
    }) : () -> ()
    %add3A_13 = arith.constant 512 : i32
    %add3A_14 = arith.addi %mul3A_5, %add3A_13 : i32
    "tpu.region"() ({
      %run_scoped3A_74 = tpu.sem_alloc : memref<!tpu.dma_semaphore, #tpu.memory_space<semaphore_mem>>
      %dma_start3A_75 = arith.constant 0 : i32
      %dma_start3A_76 = arith.constant 0 : i32
      %dma_start3A_77 = tpu.memref_slice %arg7[%dma_start3A_75, %dma_start3A_76] : memref<128x128xf32, #tpu.memory_space<vmem>> -> memref<120x128xf32, #tpu.memory_space<vmem>>
      %dma_start3A_78 = arith.constant 0 : i32
      %dma_start3A_79 = tpu.memref_slice %arg9[%add3A_14, %dma_start3A_78] : memref<10112x128xf32, #tpu.memory_space<vmem_shared>> -> memref<120x128xf32, #tpu.memory_space<vmem_shared>>
      %dma_start3A_80 = arith.constant 0 : i32
      %dma_start3A_81 = tpu.memref_slice %arg9[%add3A_14, %dma_start3A_80] : memref<10112x128xf32, #tpu.memory_space<vmem_shared>> -> memref<120x128xf32, #tpu.memory_space<vmem_shared>>
      %dma_start3A_82 = arith.constant 0 : i32
      %dma_start3A_83 = arith.constant 0 : i32
      %dma_start3A_84 = tpu.memref_slice %arg7[%dma_start3A_82, %dma_start3A_83] : memref<128x128xf32, #tpu.memory_space<vmem>> -> memref<120x128xf32, #tpu.memory_space<vmem>>
      tpu.enqueue_dma source(%dma_start3A_84 : memref<120x128xf32, #tpu.memory_space<vmem>>) target(%dma_start3A_81 : memref<120x128xf32, #tpu.memory_space<vmem_shared>>) target_semaphore(%run_scoped3A_74 : memref<!tpu.dma_semaphore, #tpu.memory_space<semaphore_mem>>)
      %dma_wait3A_85 = arith.constant 0 : i32
      %dma_wait3A_86 = arith.constant 0 : i32
      %dma_wait3A_87 = tpu.memref_slice %arg7[%dma_wait3A_85, %dma_wait3A_86] : memref<128x128xf32, #tpu.memory_space<vmem>> -> memref<120x128xf32, #tpu.memory_space<vmem>>
      %dma_wait3A_88 = arith.constant 0 : i32
      %dma_wait3A_89 = tpu.memref_slice %arg9[%add3A_14, %dma_wait3A_88] : memref<10112x128xf32, #tpu.memory_space<vmem_shared>> -> memref<120x128xf32, #tpu.memory_space<vmem_shared>>
      %dma_wait3A_90 = arith.constant 0 : i32
      %dma_wait3A_91 = tpu.memref_slice %arg9[%add3A_14, %dma_wait3A_90] : memref<10112x128xf32, #tpu.memory_space<vmem_shared>> -> memref<120x128xf32, #tpu.memory_space<vmem_shared>>
      %dma_wait3A_92 = arith.constant 0 : i32
      %dma_wait3A_93 = arith.constant 0 : i32
      %dma_wait3A_94 = tpu.memref_slice %arg7[%dma_wait3A_92, %dma_wait3A_93] : memref<128x128xf32, #tpu.memory_space<vmem>> -> memref<120x128xf32, #tpu.memory_space<vmem>>
      tpu.wait_dma2 semaphore(%run_scoped3A_74 : memref<!tpu.dma_semaphore, #tpu.memory_space<semaphore_mem>>) src(%dma_wait3A_94 : memref<120x128xf32, #tpu.memory_space<vmem>>) dst(%dma_wait3A_91 : memref<120x128xf32, #tpu.memory_space<vmem_shared>>)
      tpu.yield
    }) : () -> ()
    %barrier3A = arith.constant 0 : index
    tpu.barrier barrier_id(%barrier3A)
    %run_scoped3A = arith.constant 0 : i32
    "tpu.region"() ({
      %run_scoped3A_74 = tpu.sem_alloc : memref<!tpu.dma_semaphore, #tpu.memory_space<semaphore_mem>>
      %dma_start3A_75 = arith.constant 0 : i32
      %dma_start3A_76 = arith.constant 0 : i32
      %dma_start3A_77 = arith.constant 0 : i32
      %dma_start3A_78 = tpu.memref_slice %arg3[%arg0, %arg1, %run_scoped3A, %dma_start3A_75, %dma_start3A_76, %dma_start3A_77] : memref<2x16x10x2x8x128xi32, #tpu.memory_space<hbm>> -> memref<1x1x1x2x8x128xi32, #tpu.memory_space<hbm>>
      %dma_start3A_79 = tpu.memref_squeeze %dma_start3A_78 : memref<1x1x1x2x8x128xi32, #tpu.memory_space<hbm>> -> memref<2x8x128xi32, #tpu.memory_space<hbm>>
      %dma_start3A_80 = arith.constant 0 : i32
      %dma_start3A_81 = arith.constant 0 : i32
      %dma_start3A_82 = arith.constant 0 : i32
      %dma_start3A_83 = tpu.memref_slice %arg3[%arg0, %arg1, %run_scoped3A, %dma_start3A_80, %dma_start3A_81, %dma_start3A_82] : memref<2x16x10x2x8x128xi32, #tpu.memory_space<hbm>> -> memref<1x1x1x2x8x128xi32, #tpu.memory_space<hbm>>
      %dma_start3A_84 = tpu.memref_squeeze %dma_start3A_83 : memref<1x1x1x2x8x128xi32, #tpu.memory_space<hbm>> -> memref<2x8x128xi32, #tpu.memory_space<hbm>>
      tpu.enqueue_dma source(%dma_start3A_84 : memref<2x8x128xi32, #tpu.memory_space<hbm>>) target(%arg5 : memref<2x8x128xi32, #tpu.memory_space<vmem>>) target_semaphore(%run_scoped3A_74 : memref<!tpu.dma_semaphore, #tpu.memory_space<semaphore_mem>>)
      %dma_wait3A_85 = arith.constant 0 : i32
      %dma_wait3A_86 = arith.constant 0 : i32
      %dma_wait3A_87 = arith.constant 0 : i32
      %dma_wait3A_88 = tpu.memref_slice %arg3[%arg0, %arg1, %run_scoped3A, %dma_wait3A_85, %dma_wait3A_86, %dma_wait3A_87] : memref<2x16x10x2x8x128xi32, #tpu.memory_space<hbm>> -> memref<1x1x1x2x8x128xi32, #tpu.memory_space<hbm>>
      %dma_wait3A_89 = tpu.memref_squeeze %dma_wait3A_88 : memref<1x1x1x2x8x128xi32, #tpu.memory_space<hbm>> -> memref<2x8x128xi32, #tpu.memory_space<hbm>>
      %dma_wait3A_90 = arith.constant 0 : i32
      %dma_wait3A_91 = arith.constant 0 : i32
      %dma_wait3A_92 = arith.constant 0 : i32
      %dma_wait3A_93 = tpu.memref_slice %arg3[%arg0, %arg1, %run_scoped3A, %dma_wait3A_90, %dma_wait3A_91, %dma_wait3A_92] : memref<2x16x10x2x8x128xi32, #tpu.memory_space<hbm>> -> memref<1x1x1x2x8x128xi32, #tpu.memory_space<hbm>>
      %dma_wait3A_94 = tpu.memref_squeeze %dma_wait3A_93 : memref<1x1x1x2x8x128xi32, #tpu.memory_space<hbm>> -> memref<2x8x128xi32, #tpu.memory_space<hbm>>
      tpu.wait_dma2 semaphore(%run_scoped3A_74 : memref<!tpu.dma_semaphore, #tpu.memory_space<semaphore_mem>>) src(%dma_wait3A_94 : memref<2x8x128xi32, #tpu.memory_space<hbm>>) dst(%arg5 : memref<2x8x128xi32, #tpu.memory_space<vmem>>)
      tpu.yield
    }) : () -> ()
    %dma_start3A = arith.constant 1 : i32
    %dma_start3A_15 = arith.constant 0 : i32
    %dma_start3A_16 = arith.constant 0 : i32
    %dma_start3A_17 = arith.constant 0 : i32
    %dma_start3A_18 = tpu.memref_slice %arg3[%arg0, %arg1, %dma_start3A, %dma_start3A_15, %dma_start3A_16, %dma_start3A_17] : memref<2x16x10x2x8x128xi32, #tpu.memory_space<hbm>> -> memref<1x1x1x2x8x128xi32, #tpu.memory_space<hbm>>
    %dma_start3A_19 = tpu.memref_squeeze %dma_start3A_18 : memref<1x1x1x2x8x128xi32, #tpu.memory_space<hbm>> -> memref<2x8x128xi32, #tpu.memory_space<hbm>>
    %dma_start3A_20 = arith.constant 0 : i32
    %dma_start3A_21 = arith.constant 0 : i32
    %dma_start3A_22 = arith.constant 0 : i32
    %dma_start3A_23 = tpu.memref_slice %arg3[%arg0, %arg1, %dma_start3A, %dma_start3A_20, %dma_start3A_21, %dma_start3A_22] : memref<2x16x10x2x8x128xi32, #tpu.memory_space<hbm>> -> memref<1x1x1x2x8x128xi32, #tpu.memory_space<hbm>>
    %dma_start3A_24 = tpu.memref_squeeze %dma_start3A_23 : memref<1x1x1x2x8x128xi32, #tpu.memory_space<hbm>> -> memref<2x8x128xi32, #tpu.memory_space<hbm>>
    tpu.enqueue_dma source(%dma_start3A_24 : memref<2x8x128xi32, #tpu.memory_space<hbm>>) target(%arg6 : memref<2x8x128xi32, #tpu.memory_space<vmem>>) target_semaphore(%arg11 : memref<!tpu.dma_semaphore, #tpu.memory_space<semaphore_mem>>)
    %dma_start3A_25 = arith.constant 0 : i32
    %dma_start3A_26 = arith.constant 0 : i32
    %dma_start3A_27 = arith.constant 0 : i32
    %dma_start3A_28 = tpu.memref_slice %arg5[%dma_start3A_25, %dma_start3A_26, %dma_start3A_27] : memref<2x8x128xi32, #tpu.memory_space<vmem>> -> memref<1x1x128xi32, #tpu.memory_space<vmem>>
    %dma_start3A_29 = tpu.memref_squeeze %dma_start3A_28 : memref<1x1x128xi32, #tpu.memory_space<vmem>> -> memref<128xi32, #tpu.memory_space<vmem>>
    %dma_start3A_30 = arith.constant 0 : i32
    %dma_start3A_31 = arith.constant 0 : i32
    %dma_start3A_32 = tpu.memref_slice %arg2[%dma_start3A_30, %dma_start3A_31] : memref<10000x128xf32, #tpu.memory_space<hbm>> -> memref<10000x128xf32, #tpu.memory_space<hbm>>
    tpu.enqueue_indirect_dma source(%dma_start3A_32 : memref<10000x128xf32, #tpu.memory_space<hbm>>) target(%arg7 : memref<128x128xf32, #tpu.memory_space<vmem>>) offsets(%dma_start3A_29 : memref<128xi32, #tpu.memory_space<vmem>>) semaphore(%arg12 : memref<!tpu.dma_semaphore, #tpu.memory_space<semaphore_mem>>)
    %dma_start3A_33 = arith.constant 0 : i32
    %dma_start3A_34 = arith.constant 1 : i32
    %dma_start3A_35 = arith.constant 0 : i32
    %dma_start3A_36 = tpu.memref_slice %arg5[%dma_start3A_33, %dma_start3A_34, %dma_start3A_35] : memref<2x8x128xi32, #tpu.memory_space<vmem>> -> memref<1x1x128xi32, #tpu.memory_space<vmem>>
    %dma_start3A_37 = tpu.memref_squeeze %dma_start3A_36 : memref<1x1x128xi32, #tpu.memory_space<vmem>> -> memref<128xi32, #tpu.memory_space<vmem>>
    %dma_start3A_38 = arith.constant 0 : i32
    %dma_start3A_39 = arith.constant 0 : i32
    %dma_start3A_40 = tpu.memref_slice %arg2[%dma_start3A_38, %dma_start3A_39] : memref<10000x128xf32, #tpu.memory_space<hbm>> -> memref<10000x128xf32, #tpu.memory_space<hbm>>
    tpu.enqueue_indirect_dma source(%dma_start3A_40 : memref<10000x128xf32, #tpu.memory_space<hbm>>) target(%arg8 : memref<128x128xf32, #tpu.memory_space<vmem>>) offsets(%dma_start3A_37 : memref<128xi32, #tpu.memory_space<vmem>>) semaphore(%arg13 : memref<!tpu.dma_semaphore, #tpu.memory_space<semaphore_mem>>)
    %scan3A_41 = arith.constant 0 : i32
    %scan3A_42 = arith.constant 0 : i32
    %scan3A_43 = arith.constant 5 : i32
    %scan3A_44 = arith.addi %scan3A_42, %scan3A_43 : i32
    %scan3A_45 = arith.constant 1 : i32
    scf.for %scan3A_74 = %scan3A_42 to %scan3A_44 step %scan3A_45  : i32 {
      %mul3A_75 = arith.constant 2 : i32
      %mul3A_76 = arith.muli %mul3A_75, %scan3A_74 : i32
      %add3A_77 = arith.constant 2 : i32
      %add3A_78 = arith.addi %mul3A_76, %add3A_77 : i32
      %min3A = arith.constant 9 : i32
      %min3A_79 = arith.minsi %add3A_78, %min3A : i32
      %mul3A_80 = arith.constant 2 : i32
      %mul3A_81 = arith.muli %mul3A_80, %scan3A_74 : i32
      %add3A_82 = arith.constant 3 : i32
      %add3A_83 = arith.addi %mul3A_81, %add3A_82 : i32
      %min3A_84 = arith.constant 9 : i32
      %min3A_85 = arith.minsi %add3A_83, %min3A_84 : i32
      %dma_wait3A_86 = arith.constant 0 : i32
      %dma_wait3A_87 = arith.constant 0 : i32
      %dma_wait3A_88 = arith.constant 0 : i32
      %dma_wait3A_89 = tpu.memref_slice %arg5[%dma_wait3A_86, %dma_wait3A_87, %dma_wait3A_88] : memref<2x8x128xi32, #tpu.memory_space<vmem>> -> memref<1x1x128xi32, #tpu.memory_space<vmem>>
      %dma_wait3A_90 = tpu.memref_squeeze %dma_wait3A_89 : memref<1x1x128xi32, #tpu.memory_space<vmem>> -> memref<128xi32, #tpu.memory_space<vmem>>
      %dma_wait3A_91 = arith.constant 0 : i32
      %dma_wait3A_92 = arith.constant 0 : i32
      %dma_wait3A_93 = tpu.memref_slice %arg2[%dma_wait3A_91, %dma_wait3A_92] : memref<10000x128xf32, #tpu.memory_space<hbm>> -> memref<10000x128xf32, #tpu.memory_space<hbm>>
      tpu.wait_indirect_dma semaphore(%arg12 : memref<!tpu.dma_semaphore, #tpu.memory_space<semaphore_mem>>) src(%dma_wait3A_93 : memref<10000x128xf32, #tpu.memory_space<hbm>>) dst(%arg7 : memref<128x128xf32, #tpu.memory_space<vmem>>)
      %run_scoped3A_94 = arith.constant 1 : i32
      %run_scoped3A_95 = arith.constant 0 : i32
      "tpu.region"() ({
        %run_scoped3A_416 = tpu.sem_alloc : memref<!tpu.dma_semaphore, #tpu.memory_space<semaphore_mem>>
        %dma_start3A_417 = arith.constant 0 : i32
        %dma_start3A_418 = tpu.memref_slice %arg5[%run_scoped3A_94, %run_scoped3A_95, %dma_start3A_417] : memref<2x8x128xi32, #tpu.memory_space<vmem>> -> memref<1x1x128xi32, #tpu.memory_space<vmem>>
        %dma_start3A_419 = tpu.memref_squeeze %dma_start3A_418 : memref<1x1x128xi32, #tpu.memory_space<vmem>> -> memref<128xi32, #tpu.memory_space<vmem>>
        %dma_start3A_420 = arith.constant 0 : i32
        %dma_start3A_421 = arith.constant 0 : i32
        %dma_start3A_422 = tpu.memref_slice %arg9[%dma_start3A_420, %dma_start3A_421] : memref<10112x128xf32, #tpu.memory_space<vmem_shared>> -> memref<10112x128xf32, #tpu.memory_space<vmem_shared>>
        tpu.enqueue_indirect_dma source(%arg7 : memref<128x128xf32, #tpu.memory_space<vmem>>) target(%dma_start3A_422 : memref<10112x128xf32, #tpu.memory_space<vmem_shared>>) offsets(%dma_start3A_419 : memref<128xi32, #tpu.memory_space<vmem>>) semaphore(%run_scoped3A_416 : memref<!tpu.dma_semaphore, #tpu.memory_space<semaphore_mem>>) {add = true}
        %dma_wait3A_423 = arith.constant 0 : i32
        %dma_wait3A_424 = tpu.memref_slice %arg5[%run_scoped3A_94, %run_scoped3A_95, %dma_wait3A_423] : memref<2x8x128xi32, #tpu.memory_space<vmem>> -> memref<1x1x128xi32, #tpu.memory_space<vmem>>
        %dma_wait3A_425 = tpu.memref_squeeze %dma_wait3A_424 : memref<1x1x128xi32, #tpu.memory_space<vmem>> -> memref<128xi32, #tpu.memory_space<vmem>>
        %dma_wait3A_426 = arith.constant 0 : i32
        %dma_wait3A_427 = arith.constant 0 : i32
        %dma_wait3A_428 = tpu.memref_slice %arg9[%dma_wait3A_426, %dma_wait3A_427] : memref<10112x128xf32, #tpu.memory_space<vmem_shared>> -> memref<10112x128xf32, #tpu.memory_space<vmem_shared>>
        tpu.wait_indirect_dma semaphore(%run_scoped3A_416 : memref<!tpu.dma_semaphore, #tpu.memory_space<semaphore_mem>>) src(%arg7 : memref<128x128xf32, #tpu.memory_space<vmem>>) dst(%dma_wait3A_428 : memref<10112x128xf32, #tpu.memory_space<vmem_shared>>)
        tpu.yield
      }) : () -> ()
      %dma_start3A_96 = arith.constant 0 : i32
      %dma_start3A_97 = arith.constant 2 : i32
      %dma_start3A_98 = arith.constant 0 : i32
      %dma_start3A_99 = tpu.memref_slice %arg5[%dma_start3A_96, %dma_start3A_97, %dma_start3A_98] : memref<2x8x128xi32, #tpu.memory_space<vmem>> -> memref<1x1x128xi32, #tpu.memory_space<vmem>>
      %dma_start3A_100 = tpu.memref_squeeze %dma_start3A_99 : memref<1x1x128xi32, #tpu.memory_space<vmem>> -> memref<128xi32, #tpu.memory_space<vmem>>
      %dma_start3A_101 = arith.constant 0 : i32
      %dma_start3A_102 = arith.constant 0 : i32
      %dma_start3A_103 = tpu.memref_slice %arg2[%dma_start3A_101, %dma_start3A_102] : memref<10000x128xf32, #tpu.memory_space<hbm>> -> memref<10000x128xf32, #tpu.memory_space<hbm>>
      tpu.enqueue_indirect_dma source(%dma_start3A_103 : memref<10000x128xf32, #tpu.memory_space<hbm>>) target(%arg7 : memref<128x128xf32, #tpu.memory_space<vmem>>) offsets(%dma_start3A_100 : memref<128xi32, #tpu.memory_space<vmem>>) semaphore(%arg12 : memref<!tpu.dma_semaphore, #tpu.memory_space<semaphore_mem>>)
      %dma_wait3A_104 = arith.constant 0 : i32
      %dma_wait3A_105 = arith.constant 1 : i32
      %dma_wait3A_106 = arith.constant 0 : i32
      %dma_wait3A_107 = tpu.memref_slice %arg5[%dma_wait3A_104, %dma_wait3A_105, %dma_wait3A_106] : memref<2x8x128xi32, #tpu.memory_space<vmem>> -> memref<1x1x128xi32, #tpu.memory_space<vmem>>
      %dma_wait3A_108 = tpu.memref_squeeze %dma_wait3A_107 : memref<1x1x128xi32, #tpu.memory_space<vmem>> -> memref<128xi32, #tpu.memory_space<vmem>>
      %dma_wait3A_109 = arith.constant 0 : i32
      %dma_wait3A_110 = arith.constant 0 : i32
      %dma_wait3A_111 = tpu.memref_slice %arg2[%dma_wait3A_109, %dma_wait3A_110] : memref<10000x128xf32, #tpu.memory_space<hbm>> -> memref<10000x128xf32, #tpu.memory_space<hbm>>
      tpu.wait_indirect_dma semaphore(%arg13 : memref<!tpu.dma_semaphore, #tpu.memory_space<semaphore_mem>>) src(%dma_wait3A_111 : memref<10000x128xf32, #tpu.memory_space<hbm>>) dst(%arg8 : memref<128x128xf32, #tpu.memory_space<vmem>>)
      %run_scoped3A_112 = arith.constant 1 : i32
      %run_scoped3A_113 = arith.constant 1 : i32
      "tpu.region"() ({
        %run_scoped3A_416 = tpu.sem_alloc : memref<!tpu.dma_semaphore, #tpu.memory_space<semaphore_mem>>
        %dma_start3A_417 = arith.constant 0 : i32
        %dma_start3A_418 = tpu.memref_slice %arg5[%run_scoped3A_112, %run_scoped3A_113, %dma_start3A_417] : memref<2x8x128xi32, #tpu.memory_space<vmem>> -> memref<1x1x128xi32, #tpu.memory_space<vmem>>
        %dma_start3A_419 = tpu.memref_squeeze %dma_start3A_418 : memref<1x1x128xi32, #tpu.memory_space<vmem>> -> memref<128xi32, #tpu.memory_space<vmem>>
        %dma_start3A_420 = arith.constant 0 : i32
        %dma_start3A_421 = arith.constant 0 : i32
        %dma_start3A_422 = tpu.memref_slice %arg9[%dma_start3A_420, %dma_start3A_421] : memref<10112x128xf32, #tpu.memory_space<vmem_shared>> -> memref<10112x128xf32, #tpu.memory_space<vmem_shared>>
        tpu.enqueue_indirect_dma source(%arg8 : memref<128x128xf32, #tpu.memory_space<vmem>>) target(%dma_start3A_422 : memref<10112x128xf32, #tpu.memory_space<vmem_shared>>) offsets(%dma_start3A_419 : memref<128xi32, #tpu.memory_space<vmem>>) semaphore(%run_scoped3A_416 : memref<!tpu.dma_semaphore, #tpu.memory_space<semaphore_mem>>) {add = true}
        %dma_wait3A_423 = arith.constant 0 : i32
        %dma_wait3A_424 = tpu.memref_slice %arg5[%run_scoped3A_112, %run_scoped3A_113, %dma_wait3A_423] : memref<2x8x128xi32, #tpu.memory_space<vmem>> -> memref<1x1x128xi32, #tpu.memory_space<vmem>>
        %dma_wait3A_425 = tpu.memref_squeeze %dma_wait3A_424 : memref<1x1x128xi32, #tpu.memory_space<vmem>> -> memref<128xi32, #tpu.memory_space<vmem>>
        %dma_wait3A_426 = arith.constant 0 : i32
        %dma_wait3A_427 = arith.constant 0 : i32
        %dma_wait3A_428 = tpu.memref_slice %arg9[%dma_wait3A_426, %dma_wait3A_427] : memref<10112x128xf32, #tpu.memory_space<vmem_shared>> -> memref<10112x128xf32, #tpu.memory_space<vmem_shared>>
        tpu.wait_indirect_dma semaphore(%run_scoped3A_416 : memref<!tpu.dma_semaphore, #tpu.memory_space<semaphore_mem>>) src(%arg8 : memref<128x128xf32, #tpu.memory_space<vmem>>) dst(%dma_wait3A_428 : memref<10112x128xf32, #tpu.memory_space<vmem_shared>>)
        tpu.yield
      }) : () -> ()
      %dma_start3A_114 = arith.constant 0 : i32
      %dma_start3A_115 = arith.constant 3 : i32
      %dma_start3A_116 = arith.constant 0 : i32
      %dma_start3A_117 = tpu.memref_slice %arg5[%dma_start3A_114, %dma_start3A_115, %dma_start3A_116] : memref<2x8x128xi32, #tpu.memory_space<vmem>> -> memref<1x1x128xi32, #tpu.memory_space<vmem>>
      %dma_start3A_118 = tpu.memref_squeeze %dma_start3A_117 : memref<1x1x128xi32, #tpu.memory_space<vmem>> -> memref<128xi32, #tpu.memory_space<vmem>>
      %dma_start3A_119 = arith.constant 0 : i32
      %dma_start3A_120 = arith.constant 0 : i32
      %dma_start3A_121 = tpu.memref_slice %arg2[%dma_start3A_119, %dma_start3A_120] : memref<10000x128xf32, #tpu.memory_space<hbm>> -> memref<10000x128xf32, #tpu.memory_space<hbm>>
      tpu.enqueue_indirect_dma source(%dma_start3A_121 : memref<10000x128xf32, #tpu.memory_space<hbm>>) target(%arg8 : memref<128x128xf32, #tpu.memory_space<vmem>>) offsets(%dma_start3A_118 : memref<128xi32, #tpu.memory_space<vmem>>) semaphore(%arg13 : memref<!tpu.dma_semaphore, #tpu.memory_space<semaphore_mem>>)
      %dma_wait3A_122 = arith.constant 0 : i32
      %dma_wait3A_123 = arith.constant 2 : i32
      %dma_wait3A_124 = arith.constant 0 : i32
      %dma_wait3A_125 = tpu.memref_slice %arg5[%dma_wait3A_122, %dma_wait3A_123, %dma_wait3A_124] : memref<2x8x128xi32, #tpu.memory_space<vmem>> -> memref<1x1x128xi32, #tpu.memory_space<vmem>>
      %dma_wait3A_126 = tpu.memref_squeeze %dma_wait3A_125 : memref<1x1x128xi32, #tpu.memory_space<vmem>> -> memref<128xi32, #tpu.memory_space<vmem>>
      %dma_wait3A_127 = arith.constant 0 : i32
      %dma_wait3A_128 = arith.constant 0 : i32
      %dma_wait3A_129 = tpu.memref_slice %arg2[%dma_wait3A_127, %dma_wait3A_128] : memref<10000x128xf32, #tpu.memory_space<hbm>> -> memref<10000x128xf32, #tpu.memory_space<hbm>>
      tpu.wait_indirect_dma semaphore(%arg12 : memref<!tpu.dma_semaphore, #tpu.memory_space<semaphore_mem>>) src(%dma_wait3A_129 : memref<10000x128xf32, #tpu.memory_space<hbm>>) dst(%arg7 : memref<128x128xf32, #tpu.memory_space<vmem>>)
      %run_scoped3A_130 = arith.constant 1 : i32
      %run_scoped3A_131 = arith.constant 2 : i32
      "tpu.region"() ({
        %run_scoped3A_416 = tpu.sem_alloc : memref<!tpu.dma_semaphore, #tpu.memory_space<semaphore_mem>>
        %dma_start3A_417 = arith.constant 0 : i32
        %dma_start3A_418 = tpu.memref_slice %arg5[%run_scoped3A_130, %run_scoped3A_131, %dma_start3A_417] : memref<2x8x128xi32, #tpu.memory_space<vmem>> -> memref<1x1x128xi32, #tpu.memory_space<vmem>>
        %dma_start3A_419 = tpu.memref_squeeze %dma_start3A_418 : memref<1x1x128xi32, #tpu.memory_space<vmem>> -> memref<128xi32, #tpu.memory_space<vmem>>
        %dma_start3A_420 = arith.constant 0 : i32
        %dma_start3A_421 = arith.constant 0 : i32
        %dma_start3A_422 = tpu.memref_slice %arg9[%dma_start3A_420, %dma_start3A_421] : memref<10112x128xf32, #tpu.memory_space<vmem_shared>> -> memref<10112x128xf32, #tpu.memory_space<vmem_shared>>
        tpu.enqueue_indirect_dma source(%arg7 : memref<128x128xf32, #tpu.memory_space<vmem>>) target(%dma_start3A_422 : memref<10112x128xf32, #tpu.memory_space<vmem_shared>>) offsets(%dma_start3A_419 : memref<128xi32, #tpu.memory_space<vmem>>) semaphore(%run_scoped3A_416 : memref<!tpu.dma_semaphore, #tpu.memory_space<semaphore_mem>>) {add = true}
        %dma_wait3A_423 = arith.constant 0 : i32
        %dma_wait3A_424 = tpu.memref_slice %arg5[%run_scoped3A_130, %run_scoped3A_131, %dma_wait3A_423] : memref<2x8x128xi32, #tpu.memory_space<vmem>> -> memref<1x1x128xi32, #tpu.memory_space<vmem>>
        %dma_wait3A_425 = tpu.memref_squeeze %dma_wait3A_424 : memref<1x1x128xi32, #tpu.memory_space<vmem>> -> memref<128xi32, #tpu.memory_space<vmem>>
        %dma_wait3A_426 = arith.constant 0 : i32
        %dma_wait3A_427 = arith.constant 0 : i32
        %dma_wait3A_428 = tpu.memref_slice %arg9[%dma_wait3A_426, %dma_wait3A_427] : memref<10112x128xf32, #tpu.memory_space<vmem_shared>> -> memref<10112x128xf32, #tpu.memory_space<vmem_shared>>
        tpu.wait_indirect_dma semaphore(%run_scoped3A_416 : memref<!tpu.dma_semaphore, #tpu.memory_space<semaphore_mem>>) src(%arg7 : memref<128x128xf32, #tpu.memory_space<vmem>>) dst(%dma_wait3A_428 : memref<10112x128xf32, #tpu.memory_space<vmem_shared>>)
        tpu.yield
      }) : () -> ()
      %dma_start3A_132 = arith.constant 0 : i32
      %dma_start3A_133 = arith.constant 4 : i32
      %dma_start3A_134 = arith.constant 0 : i32
      %dma_start3A_135 = tpu.memref_slice %arg5[%dma_start3A_132, %dma_start3A_133, %dma_start3A_134] : memref<2x8x128xi32, #tpu.memory_space<vmem>> -> memref<1x1x128xi32, #tpu.memory_space<vmem>>
      %dma_start3A_136 = tpu.memref_squeeze %dma_start3A_135 : memref<1x1x128xi32, #tpu.memory_space<vmem>> -> memref<128xi32, #tpu.memory_space<vmem>>
      %dma_start3A_137 = arith.constant 0 : i32
      %dma_start3A_138 = arith.constant 0 : i32
      %dma_start3A_139 = tpu.memref_slice %arg2[%dma_start3A_137, %dma_start3A_138] : memref<10000x128xf32, #tpu.memory_space<hbm>> -> memref<10000x128xf32, #tpu.memory_space<hbm>>
      tpu.enqueue_indirect_dma source(%dma_start3A_139 : memref<10000x128xf32, #tpu.memory_space<hbm>>) target(%arg7 : memref<128x128xf32, #tpu.memory_space<vmem>>) offsets(%dma_start3A_136 : memref<128xi32, #tpu.memory_space<vmem>>) semaphore(%arg12 : memref<!tpu.dma_semaphore, #tpu.memory_space<semaphore_mem>>)
      %dma_wait3A_140 = arith.constant 0 : i32
      %dma_wait3A_141 = arith.constant 3 : i32
      %dma_wait3A_142 = arith.constant 0 : i32
      %dma_wait3A_143 = tpu.memref_slice %arg5[%dma_wait3A_140, %dma_wait3A_141, %dma_wait3A_142] : memref<2x8x128xi32, #tpu.memory_space<vmem>> -> memref<1x1x128xi32, #tpu.memory_space<vmem>>
      %dma_wait3A_144 = tpu.memref_squeeze %dma_wait3A_143 : memref<1x1x128xi32, #tpu.memory_space<vmem>> -> memref<128xi32, #tpu.memory_space<vmem>>
      %dma_wait3A_145 = arith.constant 0 : i32
      %dma_wait3A_146 = arith.constant 0 : i32
      %dma_wait3A_147 = tpu.memref_slice %arg2[%dma_wait3A_145, %dma_wait3A_146] : memref<10000x128xf32, #tpu.memory_space<hbm>> -> memref<10000x128xf32, #tpu.memory_space<hbm>>
      tpu.wait_indirect_dma semaphore(%arg13 : memref<!tpu.dma_semaphore, #tpu.memory_space<semaphore_mem>>) src(%dma_wait3A_147 : memref<10000x128xf32, #tpu.memory_space<hbm>>) dst(%arg8 : memref<128x128xf32, #tpu.memory_space<vmem>>)
      %run_scoped3A_148 = arith.constant 1 : i32
      %run_scoped3A_149 = arith.constant 3 : i32
      "tpu.region"() ({
        %run_scoped3A_416 = tpu.sem_alloc : memref<!tpu.dma_semaphore, #tpu.memory_space<semaphore_mem>>
        %dma_start3A_417 = arith.constant 0 : i32
        %dma_start3A_418 = tpu.memref_slice %arg5[%run_scoped3A_148, %run_scoped3A_149, %dma_start3A_417] : memref<2x8x128xi32, #tpu.memory_space<vmem>> -> memref<1x1x128xi32, #tpu.memory_space<vmem>>
        %dma_start3A_419 = tpu.memref_squeeze %dma_start3A_418 : memref<1x1x128xi32, #tpu.memory_space<vmem>> -> memref<128xi32, #tpu.memory_space<vmem>>
        %dma_start3A_420 = arith.constant 0 : i32
        %dma_start3A_421 = arith.constant 0 : i32
        %dma_start3A_422 = tpu.memref_slice %arg9[%dma_start3A_420, %dma_start3A_421] : memref<10112x128xf32, #tpu.memory_space<vmem_shared>> -> memref<10112x128xf32, #tpu.memory_space<vmem_shared>>
        tpu.enqueue_indirect_dma source(%arg8 : memref<128x128xf32, #tpu.memory_space<vmem>>) target(%dma_start3A_422 : memref<10112x128xf32, #tpu.memory_space<vmem_shared>>) offsets(%dma_start3A_419 : memref<128xi32, #tpu.memory_space<vmem>>) semaphore(%run_scoped3A_416 : memref<!tpu.dma_semaphore, #tpu.memory_space<semaphore_mem>>) {add = true}
        %dma_wait3A_423 = arith.constant 0 : i32
        %dma_wait3A_424 = tpu.memref_slice %arg5[%run_scoped3A_148, %run_scoped3A_149, %dma_wait3A_423] : memref<2x8x128xi32, #tpu.memory_space<vmem>> -> memref<1x1x128xi32, #tpu.memory_space<vmem>>
        %dma_wait3A_425 = tpu.memref_squeeze %dma_wait3A_424 : memref<1x1x128xi32, #tpu.memory_space<vmem>> -> memref<128xi32, #tpu.memory_space<vmem>>
        %dma_wait3A_426 = arith.constant 0 : i32
        %dma_wait3A_427 = arith.constant 0 : i32
        %dma_wait3A_428 = tpu.memref_slice %arg9[%dma_wait3A_426, %dma_wait3A_427] : memref<10112x128xf32, #tpu.memory_space<vmem_shared>> -> memref<10112x128xf32, #tpu.memory_space<vmem_shared>>
        tpu.wait_indirect_dma semaphore(%run_scoped3A_416 : memref<!tpu.dma_semaphore, #tpu.memory_space<semaphore_mem>>) src(%arg8 : memref<128x128xf32, #tpu.memory_space<vmem>>) dst(%dma_wait3A_428 : memref<10112x128xf32, #tpu.memory_space<vmem_shared>>)
        tpu.yield
      }) : () -> ()
      %dma_start3A_150 = arith.constant 0 : i32
      %dma_start3A_151 = arith.constant 5 : i32
      %dma_start3A_152 = arith.constant 0 : i32
      %dma_start3A_153 = tpu.memref_slice %arg5[%dma_start3A_150, %dma_start3A_151, %dma_start3A_152] : memref<2x8x128xi32, #tpu.memory_space<vmem>> -> memref<1x1x128xi32, #tpu.memory_space<vmem>>
      %dma_start3A_154 = tpu.memref_squeeze %dma_start3A_153 : memref<1x1x128xi32, #tpu.memory_space<vmem>> -> memref<128xi32, #tpu.memory_space<vmem>>
      %dma_start3A_155 = arith.constant 0 : i32
      %dma_start3A_156 = arith.constant 0 : i32
      %dma_start3A_157 = tpu.memref_slice %arg2[%dma_start3A_155, %dma_start3A_156] : memref<10000x128xf32, #tpu.memory_space<hbm>> -> memref<10000x128xf32, #tpu.memory_space<hbm>>
      tpu.enqueue_indirect_dma source(%dma_start3A_157 : memref<10000x128xf32, #tpu.memory_space<hbm>>) target(%arg8 : memref<128x128xf32, #tpu.memory_space<vmem>>) offsets(%dma_start3A_154 : memref<128xi32, #tpu.memory_space<vmem>>) semaphore(%arg13 : memref<!tpu.dma_semaphore, #tpu.memory_space<semaphore_mem>>)
      %dma_wait3A_158 = arith.constant 0 : i32
      %dma_wait3A_159 = arith.constant 4 : i32
      %dma_wait3A_160 = arith.constant 0 : i32
      %dma_wait3A_161 = tpu.memref_slice %arg5[%dma_wait3A_158, %dma_wait3A_159, %dma_wait3A_160] : memref<2x8x128xi32, #tpu.memory_space<vmem>> -> memref<1x1x128xi32, #tpu.memory_space<vmem>>
      %dma_wait3A_162 = tpu.memref_squeeze %dma_wait3A_161 : memref<1x1x128xi32, #tpu.memory_space<vmem>> -> memref<128xi32, #tpu.memory_space<vmem>>
      %dma_wait3A_163 = arith.constant 0 : i32
      %dma_wait3A_164 = arith.constant 0 : i32
      %dma_wait3A_165 = tpu.memref_slice %arg2[%dma_wait3A_163, %dma_wait3A_164] : memref<10000x128xf32, #tpu.memory_space<hbm>> -> memref<10000x128xf32, #tpu.memory_space<hbm>>
      tpu.wait_indirect_dma semaphore(%arg12 : memref<!tpu.dma_semaphore, #tpu.memory_space<semaphore_mem>>) src(%dma_wait3A_165 : memref<10000x128xf32, #tpu.memory_space<hbm>>) dst(%arg7 : memref<128x128xf32, #tpu.memory_space<vmem>>)
      %run_scoped3A_166 = arith.constant 1 : i32
      %run_scoped3A_167 = arith.constant 4 : i32
      "tpu.region"() ({
        %run_scoped3A_416 = tpu.sem_alloc : memref<!tpu.dma_semaphore, #tpu.memory_space<semaphore_mem>>
        %dma_start3A_417 = arith.constant 0 : i32
        %dma_start3A_418 = tpu.memref_slice %arg5[%run_scoped3A_166, %run_scoped3A_167, %dma_start3A_417] : memref<2x8x128xi32, #tpu.memory_space<vmem>> -> memref<1x1x128xi32, #tpu.memory_space<vmem>>
        %dma_start3A_419 = tpu.memref_squeeze %dma_start3A_418 : memref<1x1x128xi32, #tpu.memory_space<vmem>> -> memref<128xi32, #tpu.memory_space<vmem>>
        %dma_start3A_420 = arith.constant 0 : i32
        %dma_start3A_421 = arith.constant 0 : i32
        %dma_start3A_422 = tpu.memref_slice %arg9[%dma_start3A_420, %dma_start3A_421] : memref<10112x128xf32, #tpu.memory_space<vmem_shared>> -> memref<10112x128xf32, #tpu.memory_space<vmem_shared>>
        tpu.enqueue_indirect_dma source(%arg7 : memref<128x128xf32, #tpu.memory_space<vmem>>) target(%dma_start3A_422 : memref<10112x128xf32, #tpu.memory_space<vmem_shared>>) offsets(%dma_start3A_419 : memref<128xi32, #tpu.memory_space<vmem>>) semaphore(%run_scoped3A_416 : memref<!tpu.dma_semaphore, #tpu.memory_space<semaphore_mem>>) {add = true}
        %dma_wait3A_423 = arith.constant 0 : i32
        %dma_wait3A_424 = tpu.memref_slice %arg5[%run_scoped3A_166, %run_scoped3A_167, %dma_wait3A_423] : memref<2x8x128xi32, #tpu.memory_space<vmem>> -> memref<1x1x128xi32, #tpu.memory_space<vmem>>
        %dma_wait3A_425 = tpu.memref_squeeze %dma_wait3A_424 : memref<1x1x128xi32, #tpu.memory_space<vmem>> -> memref<128xi32, #tpu.memory_space<vmem>>
        %dma_wait3A_426 = arith.constant 0 : i32
        %dma_wait3A_427 = arith.constant 0 : i32
        %dma_wait3A_428 = tpu.memref_slice %arg9[%dma_wait3A_426, %dma_wait3A_427] : memref<10112x128xf32, #tpu.memory_space<vmem_shared>> -> memref<10112x128xf32, #tpu.memory_space<vmem_shared>>
        tpu.wait_indirect_dma semaphore(%run_scoped3A_416 : memref<!tpu.dma_semaphore, #tpu.memory_space<semaphore_mem>>) src(%arg7 : memref<128x128xf32, #tpu.memory_space<vmem>>) dst(%dma_wait3A_428 : memref<10112x128xf32, #tpu.memory_space<vmem_shared>>)
        tpu.yield
      }) : () -> ()
      %dma_start3A_168 = arith.constant 0 : i32
      %dma_start3A_169 = arith.constant 6 : i32
      %dma_start3A_170 = arith.constant 0 : i32
      %dma_start3A_171 = tpu.memref_slice %arg5[%dma_start3A_168, %dma_start3A_169, %dma_start3A_170] : memref<2x8x128xi32, #tpu.memory_space<vmem>> -> memref<1x1x128xi32, #tpu.memory_space<vmem>>
      %dma_start3A_172 = tpu.memref_squeeze %dma_start3A_171 : memref<1x1x128xi32, #tpu.memory_space<vmem>> -> memref<128xi32, #tpu.memory_space<vmem>>
      %dma_start3A_173 = arith.constant 0 : i32
      %dma_start3A_174 = arith.constant 0 : i32
      %dma_start3A_175 = tpu.memref_slice %arg2[%dma_start3A_173, %dma_start3A_174] : memref<10000x128xf32, #tpu.memory_space<hbm>> -> memref<10000x128xf32, #tpu.memory_space<hbm>>
      tpu.enqueue_indirect_dma source(%dma_start3A_175 : memref<10000x128xf32, #tpu.memory_space<hbm>>) target(%arg7 : memref<128x128xf32, #tpu.memory_space<vmem>>) offsets(%dma_start3A_172 : memref<128xi32, #tpu.memory_space<vmem>>) semaphore(%arg12 : memref<!tpu.dma_semaphore, #tpu.memory_space<semaphore_mem>>)
      %dma_wait3A_176 = arith.constant 0 : i32
      %dma_wait3A_177 = arith.constant 5 : i32
      %dma_wait3A_178 = arith.constant 0 : i32
      %dma_wait3A_179 = tpu.memref_slice %arg5[%dma_wait3A_176, %dma_wait3A_177, %dma_wait3A_178] : memref<2x8x128xi32, #tpu.memory_space<vmem>> -> memref<1x1x128xi32, #tpu.memory_space<vmem>>
      %dma_wait3A_180 = tpu.memref_squeeze %dma_wait3A_179 : memref<1x1x128xi32, #tpu.memory_space<vmem>> -> memref<128xi32, #tpu.memory_space<vmem>>
      %dma_wait3A_181 = arith.constant 0 : i32
      %dma_wait3A_182 = arith.constant 0 : i32
      %dma_wait3A_183 = tpu.memref_slice %arg2[%dma_wait3A_181, %dma_wait3A_182] : memref<10000x128xf32, #tpu.memory_space<hbm>> -> memref<10000x128xf32, #tpu.memory_space<hbm>>
      tpu.wait_indirect_dma semaphore(%arg13 : memref<!tpu.dma_semaphore, #tpu.memory_space<semaphore_mem>>) src(%dma_wait3A_183 : memref<10000x128xf32, #tpu.memory_space<hbm>>) dst(%arg8 : memref<128x128xf32, #tpu.memory_space<vmem>>)
      %run_scoped3A_184 = arith.constant 1 : i32
      %run_scoped3A_185 = arith.constant 5 : i32
      "tpu.region"() ({
        %run_scoped3A_416 = tpu.sem_alloc : memref<!tpu.dma_semaphore, #tpu.memory_space<semaphore_mem>>
        %dma_start3A_417 = arith.constant 0 : i32
        %dma_start3A_418 = tpu.memref_slice %arg5[%run_scoped3A_184, %run_scoped3A_185, %dma_start3A_417] : memref<2x8x128xi32, #tpu.memory_space<vmem>> -> memref<1x1x128xi32, #tpu.memory_space<vmem>>
        %dma_start3A_419 = tpu.memref_squeeze %dma_start3A_418 : memref<1x1x128xi32, #tpu.memory_space<vmem>> -> memref<128xi32, #tpu.memory_space<vmem>>
        %dma_start3A_420 = arith.constant 0 : i32
        %dma_start3A_421 = arith.constant 0 : i32
        %dma_start3A_422 = tpu.memref_slice %arg9[%dma_start3A_420, %dma_start3A_421] : memref<10112x128xf32, #tpu.memory_space<vmem_shared>> -> memref<10112x128xf32, #tpu.memory_space<vmem_shared>>
        tpu.enqueue_indirect_dma source(%arg8 : memref<128x128xf32, #tpu.memory_space<vmem>>) target(%dma_start3A_422 : memref<10112x128xf32, #tpu.memory_space<vmem_shared>>) offsets(%dma_start3A_419 : memref<128xi32, #tpu.memory_space<vmem>>) semaphore(%run_scoped3A_416 : memref<!tpu.dma_semaphore, #tpu.memory_space<semaphore_mem>>) {add = true}
        %dma_wait3A_423 = arith.constant 0 : i32
        %dma_wait3A_424 = tpu.memref_slice %arg5[%run_scoped3A_184, %run_scoped3A_185, %dma_wait3A_423] : memref<2x8x128xi32, #tpu.memory_space<vmem>> -> memref<1x1x128xi32, #tpu.memory_space<vmem>>
        %dma_wait3A_425 = tpu.memref_squeeze %dma_wait3A_424 : memref<1x1x128xi32, #tpu.memory_space<vmem>> -> memref<128xi32, #tpu.memory_space<vmem>>
        %dma_wait3A_426 = arith.constant 0 : i32
        %dma_wait3A_427 = arith.constant 0 : i32
        %dma_wait3A_428 = tpu.memref_slice %arg9[%dma_wait3A_426, %dma_wait3A_427] : memref<10112x128xf32, #tpu.memory_space<vmem_shared>> -> memref<10112x128xf32, #tpu.memory_space<vmem_shared>>
        tpu.wait_indirect_dma semaphore(%run_scoped3A_416 : memref<!tpu.dma_semaphore, #tpu.memory_space<semaphore_mem>>) src(%arg8 : memref<128x128xf32, #tpu.memory_space<vmem>>) dst(%dma_wait3A_428 : memref<10112x128xf32, #tpu.memory_space<vmem_shared>>)
        tpu.yield
      }) : () -> ()
      %dma_start3A_186 = arith.constant 0 : i32
      %dma_start3A_187 = arith.constant 7 : i32
      %dma_start3A_188 = arith.constant 0 : i32
      %dma_start3A_189 = tpu.memref_slice %arg5[%dma_start3A_186, %dma_start3A_187, %dma_start3A_188] : memref<2x8x128xi32, #tpu.memory_space<vmem>> -> memref<1x1x128xi32, #tpu.memory_space<vmem>>
      %dma_start3A_190 = tpu.memref_squeeze %dma_start3A_189 : memref<1x1x128xi32, #tpu.memory_space<vmem>> -> memref<128xi32, #tpu.memory_space<vmem>>
      %dma_start3A_191 = arith.constant 0 : i32
      %dma_start3A_192 = arith.constant 0 : i32
      %dma_start3A_193 = tpu.memref_slice %arg2[%dma_start3A_191, %dma_start3A_192] : memref<10000x128xf32, #tpu.memory_space<hbm>> -> memref<10000x128xf32, #tpu.memory_space<hbm>>
      tpu.enqueue_indirect_dma source(%dma_start3A_193 : memref<10000x128xf32, #tpu.memory_space<hbm>>) target(%arg8 : memref<128x128xf32, #tpu.memory_space<vmem>>) offsets(%dma_start3A_190 : memref<128xi32, #tpu.memory_space<vmem>>) semaphore(%arg13 : memref<!tpu.dma_semaphore, #tpu.memory_space<semaphore_mem>>)
      %dma_wait3A_194 = arith.constant 0 : i32
      %dma_wait3A_195 = arith.constant 0 : i32
      %dma_wait3A_196 = arith.constant 0 : i32
      %dma_wait3A_197 = arith.constant 0 : i32
      %dma_wait3A_198 = tpu.memref_slice %arg3[%arg0, %arg1, %dma_wait3A_194, %dma_wait3A_195, %dma_wait3A_196, %dma_wait3A_197] : memref<2x16x10x2x8x128xi32, #tpu.memory_space<hbm>> -> memref<1x1x1x2x8x128xi32, #tpu.memory_space<hbm>>
      %dma_wait3A_199 = tpu.memref_squeeze %dma_wait3A_198 : memref<1x1x1x2x8x128xi32, #tpu.memory_space<hbm>> -> memref<2x8x128xi32, #tpu.memory_space<hbm>>
      %dma_wait3A_200 = arith.constant 0 : i32
      %dma_wait3A_201 = arith.constant 0 : i32
      %dma_wait3A_202 = arith.constant 0 : i32
      %dma_wait3A_203 = tpu.memref_slice %arg3[%arg0, %arg1, %dma_wait3A_194, %dma_wait3A_200, %dma_wait3A_201, %dma_wait3A_202] : memref<2x16x10x2x8x128xi32, #tpu.memory_space<hbm>> -> memref<1x1x1x2x8x128xi32, #tpu.memory_space<hbm>>
      %dma_wait3A_204 = tpu.memref_squeeze %dma_wait3A_203 : memref<1x1x1x2x8x128xi32, #tpu.memory_space<hbm>> -> memref<2x8x128xi32, #tpu.memory_space<hbm>>
      tpu.wait_dma2 semaphore(%arg11 : memref<!tpu.dma_semaphore, #tpu.memory_space<semaphore_mem>>) src(%dma_wait3A_204 : memref<2x8x128xi32, #tpu.memory_space<hbm>>) dst(%arg6 : memref<2x8x128xi32, #tpu.memory_space<vmem>>)
      %dma_wait3A_205 = arith.constant 0 : i32
      %dma_wait3A_206 = arith.constant 6 : i32
      %dma_wait3A_207 = arith.constant 0 : i32
      %dma_wait3A_208 = tpu.memref_slice %arg5[%dma_wait3A_205, %dma_wait3A_206, %dma_wait3A_207] : memref<2x8x128xi32, #tpu.memory_space<vmem>> -> memref<1x1x128xi32, #tpu.memory_space<vmem>>
      %dma_wait3A_209 = tpu.memref_squeeze %dma_wait3A_208 : memref<1x1x128xi32, #tpu.memory_space<vmem>> -> memref<128xi32, #tpu.memory_space<vmem>>
      %dma_wait3A_210 = arith.constant 0 : i32
      %dma_wait3A_211 = arith.constant 0 : i32
      %dma_wait3A_212 = tpu.memref_slice %arg2[%dma_wait3A_210, %dma_wait3A_211] : memref<10000x128xf32, #tpu.memory_space<hbm>> -> memref<10000x128xf32, #tpu.memory_space<hbm>>
      tpu.wait_indirect_dma semaphore(%arg12 : memref<!tpu.dma_semaphore, #tpu.memory_space<semaphore_mem>>) src(%dma_wait3A_212 : memref<10000x128xf32, #tpu.memory_space<hbm>>) dst(%arg7 : memref<128x128xf32, #tpu.memory_space<vmem>>)
      %run_scoped3A_213 = arith.constant 1 : i32
      %run_scoped3A_214 = arith.constant 6 : i32
      "tpu.region"() ({
        %run_scoped3A_416 = tpu.sem_alloc : memref<!tpu.dma_semaphore, #tpu.memory_space<semaphore_mem>>
        %dma_start3A_417 = arith.constant 0 : i32
        %dma_start3A_418 = tpu.memref_slice %arg5[%run_scoped3A_213, %run_scoped3A_214, %dma_start3A_417] : memref<2x8x128xi32, #tpu.memory_space<vmem>> -> memref<1x1x128xi32, #tpu.memory_space<vmem>>
        %dma_start3A_419 = tpu.memref_squeeze %dma_start3A_418 : memref<1x1x128xi32, #tpu.memory_space<vmem>> -> memref<128xi32, #tpu.memory_space<vmem>>
        %dma_start3A_420 = arith.constant 0 : i32
        %dma_start3A_421 = arith.constant 0 : i32
        %dma_start3A_422 = tpu.memref_slice %arg9[%dma_start3A_420, %dma_start3A_421] : memref<10112x128xf32, #tpu.memory_space<vmem_shared>> -> memref<10112x128xf32, #tpu.memory_space<vmem_shared>>
        tpu.enqueue_indirect_dma source(%arg7 : memref<128x128xf32, #tpu.memory_space<vmem>>) target(%dma_start3A_422 : memref<10112x128xf32, #tpu.memory_space<vmem_shared>>) offsets(%dma_start3A_419 : memref<128xi32, #tpu.memory_space<vmem>>) semaphore(%run_scoped3A_416 : memref<!tpu.dma_semaphore, #tpu.memory_space<semaphore_mem>>) {add = true}
        %dma_wait3A_423 = arith.constant 0 : i32
        %dma_wait3A_424 = tpu.memref_slice %arg5[%run_scoped3A_213, %run_scoped3A_214, %dma_wait3A_423] : memref<2x8x128xi32, #tpu.memory_space<vmem>> -> memref<1x1x128xi32, #tpu.memory_space<vmem>>
        %dma_wait3A_425 = tpu.memref_squeeze %dma_wait3A_424 : memref<1x1x128xi32, #tpu.memory_space<vmem>> -> memref<128xi32, #tpu.memory_space<vmem>>
        %dma_wait3A_426 = arith.constant 0 : i32
        %dma_wait3A_427 = arith.constant 0 : i32
        %dma_wait3A_428 = tpu.memref_slice %arg9[%dma_wait3A_426, %dma_wait3A_427] : memref<10112x128xf32, #tpu.memory_space<vmem_shared>> -> memref<10112x128xf32, #tpu.memory_space<vmem_shared>>
        tpu.wait_indirect_dma semaphore(%run_scoped3A_416 : memref<!tpu.dma_semaphore, #tpu.memory_space<semaphore_mem>>) src(%arg7 : memref<128x128xf32, #tpu.memory_space<vmem>>) dst(%dma_wait3A_428 : memref<10112x128xf32, #tpu.memory_space<vmem_shared>>)
        tpu.yield
      }) : () -> ()
      %dma_start3A_215 = arith.constant 0 : i32
      %dma_start3A_216 = arith.constant 0 : i32
      %dma_start3A_217 = arith.constant 0 : i32
      %dma_start3A_218 = tpu.memref_slice %arg6[%dma_start3A_215, %dma_start3A_216, %dma_start3A_217] : memref<2x8x128xi32, #tpu.memory_space<vmem>> -> memref<1x1x128xi32, #tpu.memory_space<vmem>>
      %dma_start3A_219 = tpu.memref_squeeze %dma_start3A_218 : memref<1x1x128xi32, #tpu.memory_space<vmem>> -> memref<128xi32, #tpu.memory_space<vmem>>
      %dma_start3A_220 = arith.constant 0 : i32
      %dma_start3A_221 = arith.constant 0 : i32
      %dma_start3A_222 = tpu.memref_slice %arg2[%dma_start3A_220, %dma_start3A_221] : memref<10000x128xf32, #tpu.memory_space<hbm>> -> memref<10000x128xf32, #tpu.memory_space<hbm>>
      tpu.enqueue_indirect_dma source(%dma_start3A_222 : memref<10000x128xf32, #tpu.memory_space<hbm>>) target(%arg7 : memref<128x128xf32, #tpu.memory_space<vmem>>) offsets(%dma_start3A_219 : memref<128xi32, #tpu.memory_space<vmem>>) semaphore(%arg12 : memref<!tpu.dma_semaphore, #tpu.memory_space<semaphore_mem>>)
      %dma_wait3A_223 = arith.constant 0 : i32
      %dma_wait3A_224 = arith.constant 7 : i32
      %dma_wait3A_225 = arith.constant 0 : i32
      %dma_wait3A_226 = tpu.memref_slice %arg5[%dma_wait3A_223, %dma_wait3A_224, %dma_wait3A_225] : memref<2x8x128xi32, #tpu.memory_space<vmem>> -> memref<1x1x128xi32, #tpu.memory_space<vmem>>
      %dma_wait3A_227 = tpu.memref_squeeze %dma_wait3A_226 : memref<1x1x128xi32, #tpu.memory_space<vmem>> -> memref<128xi32, #tpu.memory_space<vmem>>
      %dma_wait3A_228 = arith.constant 0 : i32
      %dma_wait3A_229 = arith.constant 0 : i32
      %dma_wait3A_230 = tpu.memref_slice %arg2[%dma_wait3A_228, %dma_wait3A_229] : memref<10000x128xf32, #tpu.memory_space<hbm>> -> memref<10000x128xf32, #tpu.memory_space<hbm>>
      tpu.wait_indirect_dma semaphore(%arg13 : memref<!tpu.dma_semaphore, #tpu.memory_space<semaphore_mem>>) src(%dma_wait3A_230 : memref<10000x128xf32, #tpu.memory_space<hbm>>) dst(%arg8 : memref<128x128xf32, #tpu.memory_space<vmem>>)
      %run_scoped3A_231 = arith.constant 1 : i32
      %run_scoped3A_232 = arith.constant 7 : i32
      "tpu.region"() ({
        %run_scoped3A_416 = tpu.sem_alloc : memref<!tpu.dma_semaphore, #tpu.memory_space<semaphore_mem>>
        %dma_start3A_417 = arith.constant 0 : i32
        %dma_start3A_418 = tpu.memref_slice %arg5[%run_scoped3A_231, %run_scoped3A_232, %dma_start3A_417] : memref<2x8x128xi32, #tpu.memory_space<vmem>> -> memref<1x1x128xi32, #tpu.memory_space<vmem>>
        %dma_start3A_419 = tpu.memref_squeeze %dma_start3A_418 : memref<1x1x128xi32, #tpu.memory_space<vmem>> -> memref<128xi32, #tpu.memory_space<vmem>>
        %dma_start3A_420 = arith.constant 0 : i32
        %dma_start3A_421 = arith.constant 0 : i32
        %dma_start3A_422 = tpu.memref_slice %arg9[%dma_start3A_420, %dma_start3A_421] : memref<10112x128xf32, #tpu.memory_space<vmem_shared>> -> memref<10112x128xf32, #tpu.memory_space<vmem_shared>>
        tpu.enqueue_indirect_dma source(%arg8 : memref<128x128xf32, #tpu.memory_space<vmem>>) target(%dma_start3A_422 : memref<10112x128xf32, #tpu.memory_space<vmem_shared>>) offsets(%dma_start3A_419 : memref<128xi32, #tpu.memory_space<vmem>>) semaphore(%run_scoped3A_416 : memref<!tpu.dma_semaphore, #tpu.memory_space<semaphore_mem>>) {add = true}
        %dma_wait3A_423 = arith.constant 0 : i32
        %dma_wait3A_424 = tpu.memref_slice %arg5[%run_scoped3A_231, %run_scoped3A_232, %dma_wait3A_423] : memref<2x8x128xi32, #tpu.memory_space<vmem>> -> memref<1x1x128xi32, #tpu.memory_space<vmem>>
        %dma_wait3A_425 = tpu.memref_squeeze %dma_wait3A_424 : memref<1x1x128xi32, #tpu.memory_space<vmem>> -> memref<128xi32, #tpu.memory_space<vmem>>
        %dma_wait3A_426 = arith.constant 0 : i32
        %dma_wait3A_427 = arith.constant 0 : i32
        %dma_wait3A_428 = tpu.memref_slice %arg9[%dma_wait3A_426, %dma_wait3A_427] : memref<10112x128xf32, #tpu.memory_space<vmem_shared>> -> memref<10112x128xf32, #tpu.memory_space<vmem_shared>>
        tpu.wait_indirect_dma semaphore(%run_scoped3A_416 : memref<!tpu.dma_semaphore, #tpu.memory_space<semaphore_mem>>) src(%arg8 : memref<128x128xf32, #tpu.memory_space<vmem>>) dst(%dma_wait3A_428 : memref<10112x128xf32, #tpu.memory_space<vmem_shared>>)
        tpu.yield
      }) : () -> ()
      %dma_start3A_233 = arith.constant 0 : i32
      %dma_start3A_234 = arith.constant 1 : i32
      %dma_start3A_235 = arith.constant 0 : i32
      %dma_start3A_236 = tpu.memref_slice %arg6[%dma_start3A_233, %dma_start3A_234, %dma_start3A_235] : memref<2x8x128xi32, #tpu.memory_space<vmem>> -> memref<1x1x128xi32, #tpu.memory_space<vmem>>
      %dma_start3A_237 = tpu.memref_squeeze %dma_start3A_236 : memref<1x1x128xi32, #tpu.memory_space<vmem>> -> memref<128xi32, #tpu.memory_space<vmem>>
      %dma_start3A_238 = arith.constant 0 : i32
      %dma_start3A_239 = arith.constant 0 : i32
      %dma_start3A_240 = tpu.memref_slice %arg2[%dma_start3A_238, %dma_start3A_239] : memref<10000x128xf32, #tpu.memory_space<hbm>> -> memref<10000x128xf32, #tpu.memory_space<hbm>>
      tpu.enqueue_indirect_dma source(%dma_start3A_240 : memref<10000x128xf32, #tpu.memory_space<hbm>>) target(%arg8 : memref<128x128xf32, #tpu.memory_space<vmem>>) offsets(%dma_start3A_237 : memref<128xi32, #tpu.memory_space<vmem>>) semaphore(%arg13 : memref<!tpu.dma_semaphore, #tpu.memory_space<semaphore_mem>>)
      %dma_start3A_241 = arith.constant 0 : i32
      %dma_start3A_242 = arith.constant 0 : i32
      %dma_start3A_243 = arith.constant 0 : i32
      %dma_start3A_244 = tpu.memref_slice %arg3[%arg0, %arg1, %min3A_79, %dma_start3A_241, %dma_start3A_242, %dma_start3A_243] : memref<2x16x10x2x8x128xi32, #tpu.memory_space<hbm>> -> memref<1x1x1x2x8x128xi32, #tpu.memory_space<hbm>>
      %dma_start3A_245 = tpu.memref_squeeze %dma_start3A_244 : memref<1x1x1x2x8x128xi32, #tpu.memory_space<hbm>> -> memref<2x8x128xi32, #tpu.memory_space<hbm>>
      %dma_start3A_246 = arith.constant 0 : i32
      %dma_start3A_247 = arith.constant 0 : i32
      %dma_start3A_248 = arith.constant 0 : i32
      %dma_start3A_249 = tpu.memref_slice %arg3[%arg0, %arg1, %min3A_79, %dma_start3A_246, %dma_start3A_247, %dma_start3A_248] : memref<2x16x10x2x8x128xi32, #tpu.memory_space<hbm>> -> memref<1x1x1x2x8x128xi32, #tpu.memory_space<hbm>>
      %dma_start3A_250 = tpu.memref_squeeze %dma_start3A_249 : memref<1x1x1x2x8x128xi32, #tpu.memory_space<hbm>> -> memref<2x8x128xi32, #tpu.memory_space<hbm>>
      tpu.enqueue_dma source(%dma_start3A_250 : memref<2x8x128xi32, #tpu.memory_space<hbm>>) target(%arg5 : memref<2x8x128xi32, #tpu.memory_space<vmem>>) target_semaphore(%arg10 : memref<!tpu.dma_semaphore, #tpu.memory_space<semaphore_mem>>)
      %dma_wait3A_251 = arith.constant 0 : i32
      %dma_wait3A_252 = arith.constant 0 : i32
      %dma_wait3A_253 = arith.constant 0 : i32
      %dma_wait3A_254 = tpu.memref_slice %arg6[%dma_wait3A_251, %dma_wait3A_252, %dma_wait3A_253] : memref<2x8x128xi32, #tpu.memory_space<vmem>> -> memref<1x1x128xi32, #tpu.memory_space<vmem>>
      %dma_wait3A_255 = tpu.memref_squeeze %dma_wait3A_254 : memref<1x1x128xi32, #tpu.memory_space<vmem>> -> memref<128xi32, #tpu.memory_space<vmem>>
      %dma_wait3A_256 = arith.constant 0 : i32
      %dma_wait3A_257 = arith.constant 0 : i32
      %dma_wait3A_258 = tpu.memref_slice %arg2[%dma_wait3A_256, %dma_wait3A_257] : memref<10000x128xf32, #tpu.memory_space<hbm>> -> memref<10000x128xf32, #tpu.memory_space<hbm>>
      tpu.wait_indirect_dma semaphore(%arg12 : memref<!tpu.dma_semaphore, #tpu.memory_space<semaphore_mem>>) src(%dma_wait3A_258 : memref<10000x128xf32, #tpu.memory_space<hbm>>) dst(%arg7 : memref<128x128xf32, #tpu.memory_space<vmem>>)
      %run_scoped3A_259 = arith.constant 1 : i32
      %run_scoped3A_260 = arith.constant 0 : i32
      "tpu.region"() ({
        %run_scoped3A_416 = tpu.sem_alloc : memref<!tpu.dma_semaphore, #tpu.memory_space<semaphore_mem>>
        %dma_start3A_417 = arith.constant 0 : i32
        %dma_start3A_418 = tpu.memref_slice %arg6[%run_scoped3A_259, %run_scoped3A_260, %dma_start3A_417] : memref<2x8x128xi32, #tpu.memory_space<vmem>> -> memref<1x1x128xi32, #tpu.memory_space<vmem>>
        %dma_start3A_419 = tpu.memref_squeeze %dma_start3A_418 : memref<1x1x128xi32, #tpu.memory_space<vmem>> -> memref<128xi32, #tpu.memory_space<vmem>>
        %dma_start3A_420 = arith.constant 0 : i32
        %dma_start3A_421 = arith.constant 0 : i32
        %dma_start3A_422 = tpu.memref_slice %arg9[%dma_start3A_420, %dma_start3A_421] : memref<10112x128xf32, #tpu.memory_space<vmem_shared>> -> memref<10112x128xf32, #tpu.memory_space<vmem_shared>>
        tpu.enqueue_indirect_dma source(%arg7 : memref<128x128xf32, #tpu.memory_space<vmem>>) target(%dma_start3A_422 : memref<10112x128xf32, #tpu.memory_space<vmem_shared>>) offsets(%dma_start3A_419 : memref<128xi32, #tpu.memory_space<vmem>>) semaphore(%run_scoped3A_416 : memref<!tpu.dma_semaphore, #tpu.memory_space<semaphore_mem>>) {add = true}
        %dma_wait3A_423 = arith.constant 0 : i32
        %dma_wait3A_424 = tpu.memref_slice %arg6[%run_scoped3A_259, %run_scoped3A_260, %dma_wait3A_423] : memref<2x8x128xi32, #tpu.memory_space<vmem>> -> memref<1x1x128xi32, #tpu.memory_space<vmem>>
        %dma_wait3A_425 = tpu.memref_squeeze %dma_wait3A_424 : memref<1x1x128xi32, #tpu.memory_space<vmem>> -> memref<128xi32, #tpu.memory_space<vmem>>
        %dma_wait3A_426 = arith.constant 0 : i32
        %dma_wait3A_427 = arith.constant 0 : i32
        %dma_wait3A_428 = tpu.memref_slice %arg9[%dma_wait3A_426, %dma_wait3A_427] : memref<10112x128xf32, #tpu.memory_space<vmem_shared>> -> memref<10112x128xf32, #tpu.memory_space<vmem_shared>>
        tpu.wait_indirect_dma semaphore(%run_scoped3A_416 : memref<!tpu.dma_semaphore, #tpu.memory_space<semaphore_mem>>) src(%arg7 : memref<128x128xf32, #tpu.memory_space<vmem>>) dst(%dma_wait3A_428 : memref<10112x128xf32, #tpu.memory_space<vmem_shared>>)
        tpu.yield
      }) : () -> ()
      %dma_start3A_261 = arith.constant 0 : i32
      %dma_start3A_262 = arith.constant 2 : i32
      %dma_start3A_263 = arith.constant 0 : i32
      %dma_start3A_264 = tpu.memref_slice %arg6[%dma_start3A_261, %dma_start3A_262, %dma_start3A_263] : memref<2x8x128xi32, #tpu.memory_space<vmem>> -> memref<1x1x128xi32, #tpu.memory_space<vmem>>
      %dma_start3A_265 = tpu.memref_squeeze %dma_start3A_264 : memref<1x1x128xi32, #tpu.memory_space<vmem>> -> memref<128xi32, #tpu.memory_space<vmem>>
      %dma_start3A_266 = arith.constant 0 : i32
      %dma_start3A_267 = arith.constant 0 : i32
      %dma_start3A_268 = tpu.memref_slice %arg2[%dma_start3A_266, %dma_start3A_267] : memref<10000x128xf32, #tpu.memory_space<hbm>> -> memref<10000x128xf32, #tpu.memory_space<hbm>>
      tpu.enqueue_indirect_dma source(%dma_start3A_268 : memref<10000x128xf32, #tpu.memory_space<hbm>>) target(%arg7 : memref<128x128xf32, #tpu.memory_space<vmem>>) offsets(%dma_start3A_265 : memref<128xi32, #tpu.memory_space<vmem>>) semaphore(%arg12 : memref<!tpu.dma_semaphore, #tpu.memory_space<semaphore_mem>>)
      %dma_wait3A_269 = arith.constant 0 : i32
      %dma_wait3A_270 = arith.constant 1 : i32
      %dma_wait3A_271 = arith.constant 0 : i32
      %dma_wait3A_272 = tpu.memref_slice %arg6[%dma_wait3A_269, %dma_wait3A_270, %dma_wait3A_271] : memref<2x8x128xi32, #tpu.memory_space<vmem>> -> memref<1x1x128xi32, #tpu.memory_space<vmem>>
      %dma_wait3A_273 = tpu.memref_squeeze %dma_wait3A_272 : memref<1x1x128xi32, #tpu.memory_space<vmem>> -> memref<128xi32, #tpu.memory_space<vmem>>
      %dma_wait3A_274 = arith.constant 0 : i32
      %dma_wait3A_275 = arith.constant 0 : i32
      %dma_wait3A_276 = tpu.memref_slice %arg2[%dma_wait3A_274, %dma_wait3A_275] : memref<10000x128xf32, #tpu.memory_space<hbm>> -> memref<10000x128xf32, #tpu.memory_space<hbm>>
      tpu.wait_indirect_dma semaphore(%arg13 : memref<!tpu.dma_semaphore, #tpu.memory_space<semaphore_mem>>) src(%dma_wait3A_276 : memref<10000x128xf32, #tpu.memory_space<hbm>>) dst(%arg8 : memref<128x128xf32, #tpu.memory_space<vmem>>)
      %run_scoped3A_277 = arith.constant 1 : i32
      %run_scoped3A_278 = arith.constant 1 : i32
      "tpu.region"() ({
        %run_scoped3A_416 = tpu.sem_alloc : memref<!tpu.dma_semaphore, #tpu.memory_space<semaphore_mem>>
        %dma_start3A_417 = arith.constant 0 : i32
        %dma_start3A_418 = tpu.memref_slice %arg6[%run_scoped3A_277, %run_scoped3A_278, %dma_start3A_417] : memref<2x8x128xi32, #tpu.memory_space<vmem>> -> memref<1x1x128xi32, #tpu.memory_space<vmem>>
        %dma_start3A_419 = tpu.memref_squeeze %dma_start3A_418 : memref<1x1x128xi32, #tpu.memory_space<vmem>> -> memref<128xi32, #tpu.memory_space<vmem>>
        %dma_start3A_420 = arith.constant 0 : i32
        %dma_start3A_421 = arith.constant 0 : i32
        %dma_start3A_422 = tpu.memref_slice %arg9[%dma_start3A_420, %dma_start3A_421] : memref<10112x128xf32, #tpu.memory_space<vmem_shared>> -> memref<10112x128xf32, #tpu.memory_space<vmem_shared>>
        tpu.enqueue_indirect_dma source(%arg8 : memref<128x128xf32, #tpu.memory_space<vmem>>) target(%dma_start3A_422 : memref<10112x128xf32, #tpu.memory_space<vmem_shared>>) offsets(%dma_start3A_419 : memref<128xi32, #tpu.memory_space<vmem>>) semaphore(%run_scoped3A_416 : memref<!tpu.dma_semaphore, #tpu.memory_space<semaphore_mem>>) {add = true}
        %dma_wait3A_423 = arith.constant 0 : i32
        %dma_wait3A_424 = tpu.memref_slice %arg6[%run_scoped3A_277, %run_scoped3A_278, %dma_wait3A_423] : memref<2x8x128xi32, #tpu.memory_space<vmem>> -> memref<1x1x128xi32, #tpu.memory_space<vmem>>
        %dma_wait3A_425 = tpu.memref_squeeze %dma_wait3A_424 : memref<1x1x128xi32, #tpu.memory_space<vmem>> -> memref<128xi32, #tpu.memory_space<vmem>>
        %dma_wait3A_426 = arith.constant 0 : i32
        %dma_wait3A_427 = arith.constant 0 : i32
        %dma_wait3A_428 = tpu.memref_slice %arg9[%dma_wait3A_426, %dma_wait3A_427] : memref<10112x128xf32, #tpu.memory_space<vmem_shared>> -> memref<10112x128xf32, #tpu.memory_space<vmem_shared>>
        tpu.wait_indirect_dma semaphore(%run_scoped3A_416 : memref<!tpu.dma_semaphore, #tpu.memory_space<semaphore_mem>>) src(%arg8 : memref<128x128xf32, #tpu.memory_space<vmem>>) dst(%dma_wait3A_428 : memref<10112x128xf32, #tpu.memory_space<vmem_shared>>)
        tpu.yield
      }) : () -> ()
      %dma_start3A_279 = arith.constant 0 : i32
      %dma_start3A_280 = arith.constant 3 : i32
      %dma_start3A_281 = arith.constant 0 : i32
      %dma_start3A_282 = tpu.memref_slice %arg6[%dma_start3A_279, %dma_start3A_280, %dma_start3A_281] : memref<2x8x128xi32, #tpu.memory_space<vmem>> -> memref<1x1x128xi32, #tpu.memory_space<vmem>>
      %dma_start3A_283 = tpu.memref_squeeze %dma_start3A_282 : memref<1x1x128xi32, #tpu.memory_space<vmem>> -> memref<128xi32, #tpu.memory_space<vmem>>
      %dma_start3A_284 = arith.constant 0 : i32
      %dma_start3A_285 = arith.constant 0 : i32
      %dma_start3A_286 = tpu.memref_slice %arg2[%dma_start3A_284, %dma_start3A_285] : memref<10000x128xf32, #tpu.memory_space<hbm>> -> memref<10000x128xf32, #tpu.memory_space<hbm>>
      tpu.enqueue_indirect_dma source(%dma_start3A_286 : memref<10000x128xf32, #tpu.memory_space<hbm>>) target(%arg8 : memref<128x128xf32, #tpu.memory_space<vmem>>) offsets(%dma_start3A_283 : memref<128xi32, #tpu.memory_space<vmem>>) semaphore(%arg13 : memref<!tpu.dma_semaphore, #tpu.memory_space<semaphore_mem>>)
      %dma_wait3A_287 = arith.constant 0 : i32
      %dma_wait3A_288 = arith.constant 2 : i32
      %dma_wait3A_289 = arith.constant 0 : i32
      %dma_wait3A_290 = tpu.memref_slice %arg6[%dma_wait3A_287, %dma_wait3A_288, %dma_wait3A_289] : memref<2x8x128xi32, #tpu.memory_space<vmem>> -> memref<1x1x128xi32, #tpu.memory_space<vmem>>
      %dma_wait3A_291 = tpu.memref_squeeze %dma_wait3A_290 : memref<1x1x128xi32, #tpu.memory_space<vmem>> -> memref<128xi32, #tpu.memory_space<vmem>>
      %dma_wait3A_292 = arith.constant 0 : i32
      %dma_wait3A_293 = arith.constant 0 : i32
      %dma_wait3A_294 = tpu.memref_slice %arg2[%dma_wait3A_292, %dma_wait3A_293] : memref<10000x128xf32, #tpu.memory_space<hbm>> -> memref<10000x128xf32, #tpu.memory_space<hbm>>
      tpu.wait_indirect_dma semaphore(%arg12 : memref<!tpu.dma_semaphore, #tpu.memory_space<semaphore_mem>>) src(%dma_wait3A_294 : memref<10000x128xf32, #tpu.memory_space<hbm>>) dst(%arg7 : memref<128x128xf32, #tpu.memory_space<vmem>>)
      %run_scoped3A_295 = arith.constant 1 : i32
      %run_scoped3A_296 = arith.constant 2 : i32
      "tpu.region"() ({
        %run_scoped3A_416 = tpu.sem_alloc : memref<!tpu.dma_semaphore, #tpu.memory_space<semaphore_mem>>
        %dma_start3A_417 = arith.constant 0 : i32
        %dma_start3A_418 = tpu.memref_slice %arg6[%run_scoped3A_295, %run_scoped3A_296, %dma_start3A_417] : memref<2x8x128xi32, #tpu.memory_space<vmem>> -> memref<1x1x128xi32, #tpu.memory_space<vmem>>
        %dma_start3A_419 = tpu.memref_squeeze %dma_start3A_418 : memref<1x1x128xi32, #tpu.memory_space<vmem>> -> memref<128xi32, #tpu.memory_space<vmem>>
        %dma_start3A_420 = arith.constant 0 : i32
        %dma_start3A_421 = arith.constant 0 : i32
        %dma_start3A_422 = tpu.memref_slice %arg9[%dma_start3A_420, %dma_start3A_421] : memref<10112x128xf32, #tpu.memory_space<vmem_shared>> -> memref<10112x128xf32, #tpu.memory_space<vmem_shared>>
        tpu.enqueue_indirect_dma source(%arg7 : memref<128x128xf32, #tpu.memory_space<vmem>>) target(%dma_start3A_422 : memref<10112x128xf32, #tpu.memory_space<vmem_shared>>) offsets(%dma_start3A_419 : memref<128xi32, #tpu.memory_space<vmem>>) semaphore(%run_scoped3A_416 : memref<!tpu.dma_semaphore, #tpu.memory_space<semaphore_mem>>) {add = true}
        %dma_wait3A_423 = arith.constant 0 : i32
        %dma_wait3A_424 = tpu.memref_slice %arg6[%run_scoped3A_295, %run_scoped3A_296, %dma_wait3A_423] : memref<2x8x128xi32, #tpu.memory_space<vmem>> -> memref<1x1x128xi32, #tpu.memory_space<vmem>>
        %dma_wait3A_425 = tpu.memref_squeeze %dma_wait3A_424 : memref<1x1x128xi32, #tpu.memory_space<vmem>> -> memref<128xi32, #tpu.memory_space<vmem>>
        %dma_wait3A_426 = arith.constant 0 : i32
        %dma_wait3A_427 = arith.constant 0 : i32
        %dma_wait3A_428 = tpu.memref_slice %arg9[%dma_wait3A_426, %dma_wait3A_427] : memref<10112x128xf32, #tpu.memory_space<vmem_shared>> -> memref<10112x128xf32, #tpu.memory_space<vmem_shared>>
        tpu.wait_indirect_dma semaphore(%run_scoped3A_416 : memref<!tpu.dma_semaphore, #tpu.memory_space<semaphore_mem>>) src(%arg7 : memref<128x128xf32, #tpu.memory_space<vmem>>) dst(%dma_wait3A_428 : memref<10112x128xf32, #tpu.memory_space<vmem_shared>>)
        tpu.yield
      }) : () -> ()
      %dma_start3A_297 = arith.constant 0 : i32
      %dma_start3A_298 = arith.constant 4 : i32
      %dma_start3A_299 = arith.constant 0 : i32
      %dma_start3A_300 = tpu.memref_slice %arg6[%dma_start3A_297, %dma_start3A_298, %dma_start3A_299] : memref<2x8x128xi32, #tpu.memory_space<vmem>> -> memref<1x1x128xi32, #tpu.memory_space<vmem>>
      %dma_start3A_301 = tpu.memref_squeeze %dma_start3A_300 : memref<1x1x128xi32, #tpu.memory_space<vmem>> -> memref<128xi32, #tpu.memory_space<vmem>>
      %dma_start3A_302 = arith.constant 0 : i32
      %dma_start3A_303 = arith.constant 0 : i32
      %dma_start3A_304 = tpu.memref_slice %arg2[%dma_start3A_302, %dma_start3A_303] : memref<10000x128xf32, #tpu.memory_space<hbm>> -> memref<10000x128xf32, #tpu.memory_space<hbm>>
      tpu.enqueue_indirect_dma source(%dma_start3A_304 : memref<10000x128xf32, #tpu.memory_space<hbm>>) target(%arg7 : memref<128x128xf32, #tpu.memory_space<vmem>>) offsets(%dma_start3A_301 : memref<128xi32, #tpu.memory_space<vmem>>) semaphore(%arg12 : memref<!tpu.dma_semaphore, #tpu.memory_space<semaphore_mem>>)
      %dma_wait3A_305 = arith.constant 0 : i32
      %dma_wait3A_306 = arith.constant 3 : i32
      %dma_wait3A_307 = arith.constant 0 : i32
      %dma_wait3A_308 = tpu.memref_slice %arg6[%dma_wait3A_305, %dma_wait3A_306, %dma_wait3A_307] : memref<2x8x128xi32, #tpu.memory_space<vmem>> -> memref<1x1x128xi32, #tpu.memory_space<vmem>>
      %dma_wait3A_309 = tpu.memref_squeeze %dma_wait3A_308 : memref<1x1x128xi32, #tpu.memory_space<vmem>> -> memref<128xi32, #tpu.memory_space<vmem>>
      %dma_wait3A_310 = arith.constant 0 : i32
      %dma_wait3A_311 = arith.constant 0 : i32
      %dma_wait3A_312 = tpu.memref_slice %arg2[%dma_wait3A_310, %dma_wait3A_311] : memref<10000x128xf32, #tpu.memory_space<hbm>> -> memref<10000x128xf32, #tpu.memory_space<hbm>>
      tpu.wait_indirect_dma semaphore(%arg13 : memref<!tpu.dma_semaphore, #tpu.memory_space<semaphore_mem>>) src(%dma_wait3A_312 : memref<10000x128xf32, #tpu.memory_space<hbm>>) dst(%arg8 : memref<128x128xf32, #tpu.memory_space<vmem>>)
      %run_scoped3A_313 = arith.constant 1 : i32
      %run_scoped3A_314 = arith.constant 3 : i32
      "tpu.region"() ({
        %run_scoped3A_416 = tpu.sem_alloc : memref<!tpu.dma_semaphore, #tpu.memory_space<semaphore_mem>>
        %dma_start3A_417 = arith.constant 0 : i32
        %dma_start3A_418 = tpu.memref_slice %arg6[%run_scoped3A_313, %run_scoped3A_314, %dma_start3A_417] : memref<2x8x128xi32, #tpu.memory_space<vmem>> -> memref<1x1x128xi32, #tpu.memory_space<vmem>>
        %dma_start3A_419 = tpu.memref_squeeze %dma_start3A_418 : memref<1x1x128xi32, #tpu.memory_space<vmem>> -> memref<128xi32, #tpu.memory_space<vmem>>
        %dma_start3A_420 = arith.constant 0 : i32
        %dma_start3A_421 = arith.constant 0 : i32
        %dma_start3A_422 = tpu.memref_slice %arg9[%dma_start3A_420, %dma_start3A_421] : memref<10112x128xf32, #tpu.memory_space<vmem_shared>> -> memref<10112x128xf32, #tpu.memory_space<vmem_shared>>
        tpu.enqueue_indirect_dma source(%arg8 : memref<128x128xf32, #tpu.memory_space<vmem>>) target(%dma_start3A_422 : memref<10112x128xf32, #tpu.memory_space<vmem_shared>>) offsets(%dma_start3A_419 : memref<128xi32, #tpu.memory_space<vmem>>) semaphore(%run_scoped3A_416 : memref<!tpu.dma_semaphore, #tpu.memory_space<semaphore_mem>>) {add = true}
        %dma_wait3A_423 = arith.constant 0 : i32
        %dma_wait3A_424 = tpu.memref_slice %arg6[%run_scoped3A_313, %run_scoped3A_314, %dma_wait3A_423] : memref<2x8x128xi32, #tpu.memory_space<vmem>> -> memref<1x1x128xi32, #tpu.memory_space<vmem>>
        %dma_wait3A_425 = tpu.memref_squeeze %dma_wait3A_424 : memref<1x1x128xi32, #tpu.memory_space<vmem>> -> memref<128xi32, #tpu.memory_space<vmem>>
        %dma_wait3A_426 = arith.constant 0 : i32
        %dma_wait3A_427 = arith.constant 0 : i32
        %dma_wait3A_428 = tpu.memref_slice %arg9[%dma_wait3A_426, %dma_wait3A_427] : memref<10112x128xf32, #tpu.memory_space<vmem_shared>> -> memref<10112x128xf32, #tpu.memory_space<vmem_shared>>
        tpu.wait_indirect_dma semaphore(%run_scoped3A_416 : memref<!tpu.dma_semaphore, #tpu.memory_space<semaphore_mem>>) src(%arg8 : memref<128x128xf32, #tpu.memory_space<vmem>>) dst(%dma_wait3A_428 : memref<10112x128xf32, #tpu.memory_space<vmem_shared>>)
        tpu.yield
      }) : () -> ()
      %dma_start3A_315 = arith.constant 0 : i32
      %dma_start3A_316 = arith.constant 5 : i32
      %dma_start3A_317 = arith.constant 0 : i32
      %dma_start3A_318 = tpu.memref_slice %arg6[%dma_start3A_315, %dma_start3A_316, %dma_start3A_317] : memref<2x8x128xi32, #tpu.memory_space<vmem>> -> memref<1x1x128xi32, #tpu.memory_space<vmem>>
      %dma_start3A_319 = tpu.memref_squeeze %dma_start3A_318 : memref<1x1x128xi32, #tpu.memory_space<vmem>> -> memref<128xi32, #tpu.memory_space<vmem>>
      %dma_start3A_320 = arith.constant 0 : i32
      %dma_start3A_321 = arith.constant 0 : i32
      %dma_start3A_322 = tpu.memref_slice %arg2[%dma_start3A_320, %dma_start3A_321] : memref<10000x128xf32, #tpu.memory_space<hbm>> -> memref<10000x128xf32, #tpu.memory_space<hbm>>
      tpu.enqueue_indirect_dma source(%dma_start3A_322 : memref<10000x128xf32, #tpu.memory_space<hbm>>) target(%arg8 : memref<128x128xf32, #tpu.memory_space<vmem>>) offsets(%dma_start3A_319 : memref<128xi32, #tpu.memory_space<vmem>>) semaphore(%arg13 : memref<!tpu.dma_semaphore, #tpu.memory_space<semaphore_mem>>)
      %dma_wait3A_323 = arith.constant 0 : i32
      %dma_wait3A_324 = arith.constant 4 : i32
      %dma_wait3A_325 = arith.constant 0 : i32
      %dma_wait3A_326 = tpu.memref_slice %arg6[%dma_wait3A_323, %dma_wait3A_324, %dma_wait3A_325] : memref<2x8x128xi32, #tpu.memory_space<vmem>> -> memref<1x1x128xi32, #tpu.memory_space<vmem>>
      %dma_wait3A_327 = tpu.memref_squeeze %dma_wait3A_326 : memref<1x1x128xi32, #tpu.memory_space<vmem>> -> memref<128xi32, #tpu.memory_space<vmem>>
      %dma_wait3A_328 = arith.constant 0 : i32
      %dma_wait3A_329 = arith.constant 0 : i32
      %dma_wait3A_330 = tpu.memref_slice %arg2[%dma_wait3A_328, %dma_wait3A_329] : memref<10000x128xf32, #tpu.memory_space<hbm>> -> memref<10000x128xf32, #tpu.memory_space<hbm>>
      tpu.wait_indirect_dma semaphore(%arg12 : memref<!tpu.dma_semaphore, #tpu.memory_space<semaphore_mem>>) src(%dma_wait3A_330 : memref<10000x128xf32, #tpu.memory_space<hbm>>) dst(%arg7 : memref<128x128xf32, #tpu.memory_space<vmem>>)
      %run_scoped3A_331 = arith.constant 1 : i32
      %run_scoped3A_332 = arith.constant 4 : i32
      "tpu.region"() ({
        %run_scoped3A_416 = tpu.sem_alloc : memref<!tpu.dma_semaphore, #tpu.memory_space<semaphore_mem>>
        %dma_start3A_417 = arith.constant 0 : i32
        %dma_start3A_418 = tpu.memref_slice %arg6[%run_scoped3A_331, %run_scoped3A_332, %dma_start3A_417] : memref<2x8x128xi32, #tpu.memory_space<vmem>> -> memref<1x1x128xi32, #tpu.memory_space<vmem>>
        %dma_start3A_419 = tpu.memref_squeeze %dma_start3A_418 : memref<1x1x128xi32, #tpu.memory_space<vmem>> -> memref<128xi32, #tpu.memory_space<vmem>>
        %dma_start3A_420 = arith.constant 0 : i32
        %dma_start3A_421 = arith.constant 0 : i32
        %dma_start3A_422 = tpu.memref_slice %arg9[%dma_start3A_420, %dma_start3A_421] : memref<10112x128xf32, #tpu.memory_space<vmem_shared>> -> memref<10112x128xf32, #tpu.memory_space<vmem_shared>>
        tpu.enqueue_indirect_dma source(%arg7 : memref<128x128xf32, #tpu.memory_space<vmem>>) target(%dma_start3A_422 : memref<10112x128xf32, #tpu.memory_space<vmem_shared>>) offsets(%dma_start3A_419 : memref<128xi32, #tpu.memory_space<vmem>>) semaphore(%run_scoped3A_416 : memref<!tpu.dma_semaphore, #tpu.memory_space<semaphore_mem>>) {add = true}
        %dma_wait3A_423 = arith.constant 0 : i32
        %dma_wait3A_424 = tpu.memref_slice %arg6[%run_scoped3A_331, %run_scoped3A_332, %dma_wait3A_423] : memref<2x8x128xi32, #tpu.memory_space<vmem>> -> memref<1x1x128xi32, #tpu.memory_space<vmem>>
        %dma_wait3A_425 = tpu.memref_squeeze %dma_wait3A_424 : memref<1x1x128xi32, #tpu.memory_space<vmem>> -> memref<128xi32, #tpu.memory_space<vmem>>
        %dma_wait3A_426 = arith.constant 0 : i32
        %dma_wait3A_427 = arith.constant 0 : i32
        %dma_wait3A_428 = tpu.memref_slice %arg9[%dma_wait3A_426, %dma_wait3A_427] : memref<10112x128xf32, #tpu.memory_space<vmem_shared>> -> memref<10112x128xf32, #tpu.memory_space<vmem_shared>>
        tpu.wait_indirect_dma semaphore(%run_scoped3A_416 : memref<!tpu.dma_semaphore, #tpu.memory_space<semaphore_mem>>) src(%arg7 : memref<128x128xf32, #tpu.memory_space<vmem>>) dst(%dma_wait3A_428 : memref<10112x128xf32, #tpu.memory_space<vmem_shared>>)
        tpu.yield
      }) : () -> ()
      %dma_start3A_333 = arith.constant 0 : i32
      %dma_start3A_334 = arith.constant 6 : i32
      %dma_start3A_335 = arith.constant 0 : i32
      %dma_start3A_336 = tpu.memref_slice %arg6[%dma_start3A_333, %dma_start3A_334, %dma_start3A_335] : memref<2x8x128xi32, #tpu.memory_space<vmem>> -> memref<1x1x128xi32, #tpu.memory_space<vmem>>
      %dma_start3A_337 = tpu.memref_squeeze %dma_start3A_336 : memref<1x1x128xi32, #tpu.memory_space<vmem>> -> memref<128xi32, #tpu.memory_space<vmem>>
      %dma_start3A_338 = arith.constant 0 : i32
      %dma_start3A_339 = arith.constant 0 : i32
      %dma_start3A_340 = tpu.memref_slice %arg2[%dma_start3A_338, %dma_start3A_339] : memref<10000x128xf32, #tpu.memory_space<hbm>> -> memref<10000x128xf32, #tpu.memory_space<hbm>>
      tpu.enqueue_indirect_dma source(%dma_start3A_340 : memref<10000x128xf32, #tpu.memory_space<hbm>>) target(%arg7 : memref<128x128xf32, #tpu.memory_space<vmem>>) offsets(%dma_start3A_337 : memref<128xi32, #tpu.memory_space<vmem>>) semaphore(%arg12 : memref<!tpu.dma_semaphore, #tpu.memory_space<semaphore_mem>>)
      %dma_wait3A_341 = arith.constant 0 : i32
      %dma_wait3A_342 = arith.constant 5 : i32
      %dma_wait3A_343 = arith.constant 0 : i32
      %dma_wait3A_344 = tpu.memref_slice %arg6[%dma_wait3A_341, %dma_wait3A_342, %dma_wait3A_343] : memref<2x8x128xi32, #tpu.memory_space<vmem>> -> memref<1x1x128xi32, #tpu.memory_space<vmem>>
      %dma_wait3A_345 = tpu.memref_squeeze %dma_wait3A_344 : memref<1x1x128xi32, #tpu.memory_space<vmem>> -> memref<128xi32, #tpu.memory_space<vmem>>
      %dma_wait3A_346 = arith.constant 0 : i32
      %dma_wait3A_347 = arith.constant 0 : i32
      %dma_wait3A_348 = tpu.memref_slice %arg2[%dma_wait3A_346, %dma_wait3A_347] : memref<10000x128xf32, #tpu.memory_space<hbm>> -> memref<10000x128xf32, #tpu.memory_space<hbm>>
      tpu.wait_indirect_dma semaphore(%arg13 : memref<!tpu.dma_semaphore, #tpu.memory_space<semaphore_mem>>) src(%dma_wait3A_348 : memref<10000x128xf32, #tpu.memory_space<hbm>>) dst(%arg8 : memref<128x128xf32, #tpu.memory_space<vmem>>)
      %run_scoped3A_349 = arith.constant 1 : i32
      %run_scoped3A_350 = arith.constant 5 : i32
      "tpu.region"() ({
        %run_scoped3A_416 = tpu.sem_alloc : memref<!tpu.dma_semaphore, #tpu.memory_space<semaphore_mem>>
        %dma_start3A_417 = arith.constant 0 : i32
        %dma_start3A_418 = tpu.memref_slice %arg6[%run_scoped3A_349, %run_scoped3A_350, %dma_start3A_417] : memref<2x8x128xi32, #tpu.memory_space<vmem>> -> memref<1x1x128xi32, #tpu.memory_space<vmem>>
        %dma_start3A_419 = tpu.memref_squeeze %dma_start3A_418 : memref<1x1x128xi32, #tpu.memory_space<vmem>> -> memref<128xi32, #tpu.memory_space<vmem>>
        %dma_start3A_420 = arith.constant 0 : i32
        %dma_start3A_421 = arith.constant 0 : i32
        %dma_start3A_422 = tpu.memref_slice %arg9[%dma_start3A_420, %dma_start3A_421] : memref<10112x128xf32, #tpu.memory_space<vmem_shared>> -> memref<10112x128xf32, #tpu.memory_space<vmem_shared>>
        tpu.enqueue_indirect_dma source(%arg8 : memref<128x128xf32, #tpu.memory_space<vmem>>) target(%dma_start3A_422 : memref<10112x128xf32, #tpu.memory_space<vmem_shared>>) offsets(%dma_start3A_419 : memref<128xi32, #tpu.memory_space<vmem>>) semaphore(%run_scoped3A_416 : memref<!tpu.dma_semaphore, #tpu.memory_space<semaphore_mem>>) {add = true}
        %dma_wait3A_423 = arith.constant 0 : i32
        %dma_wait3A_424 = tpu.memref_slice %arg6[%run_scoped3A_349, %run_scoped3A_350, %dma_wait3A_423] : memref<2x8x128xi32, #tpu.memory_space<vmem>> -> memref<1x1x128xi32, #tpu.memory_space<vmem>>
        %dma_wait3A_425 = tpu.memref_squeeze %dma_wait3A_424 : memref<1x1x128xi32, #tpu.memory_space<vmem>> -> memref<128xi32, #tpu.memory_space<vmem>>
        %dma_wait3A_426 = arith.constant 0 : i32
        %dma_wait3A_427 = arith.constant 0 : i32
        %dma_wait3A_428 = tpu.memref_slice %arg9[%dma_wait3A_426, %dma_wait3A_427] : memref<10112x128xf32, #tpu.memory_space<vmem_shared>> -> memref<10112x128xf32, #tpu.memory_space<vmem_shared>>
        tpu.wait_indirect_dma semaphore(%run_scoped3A_416 : memref<!tpu.dma_semaphore, #tpu.memory_space<semaphore_mem>>) src(%arg8 : memref<128x128xf32, #tpu.memory_space<vmem>>) dst(%dma_wait3A_428 : memref<10112x128xf32, #tpu.memory_space<vmem_shared>>)
        tpu.yield
      }) : () -> ()
      %dma_start3A_351 = arith.constant 0 : i32
      %dma_start3A_352 = arith.constant 7 : i32
      %dma_start3A_353 = arith.constant 0 : i32
      %dma_start3A_354 = tpu.memref_slice %arg6[%dma_start3A_351, %dma_start3A_352, %dma_start3A_353] : memref<2x8x128xi32, #tpu.memory_space<vmem>> -> memref<1x1x128xi32, #tpu.memory_space<vmem>>
      %dma_start3A_355 = tpu.memref_squeeze %dma_start3A_354 : memref<1x1x128xi32, #tpu.memory_space<vmem>> -> memref<128xi32, #tpu.memory_space<vmem>>
      %dma_start3A_356 = arith.constant 0 : i32
      %dma_start3A_357 = arith.constant 0 : i32
      %dma_start3A_358 = tpu.memref_slice %arg2[%dma_start3A_356, %dma_start3A_357] : memref<10000x128xf32, #tpu.memory_space<hbm>> -> memref<10000x128xf32, #tpu.memory_space<hbm>>
      tpu.enqueue_indirect_dma source(%dma_start3A_358 : memref<10000x128xf32, #tpu.memory_space<hbm>>) target(%arg8 : memref<128x128xf32, #tpu.memory_space<vmem>>) offsets(%dma_start3A_355 : memref<128xi32, #tpu.memory_space<vmem>>) semaphore(%arg13 : memref<!tpu.dma_semaphore, #tpu.memory_space<semaphore_mem>>)
      %dma_wait3A_359 = arith.constant 0 : i32
      %dma_wait3A_360 = arith.constant 0 : i32
      %dma_wait3A_361 = arith.constant 0 : i32
      %dma_wait3A_362 = arith.constant 0 : i32
      %dma_wait3A_363 = tpu.memref_slice %arg3[%arg0, %arg1, %dma_wait3A_359, %dma_wait3A_360, %dma_wait3A_361, %dma_wait3A_362] : memref<2x16x10x2x8x128xi32, #tpu.memory_space<hbm>> -> memref<1x1x1x2x8x128xi32, #tpu.memory_space<hbm>>
      %dma_wait3A_364 = tpu.memref_squeeze %dma_wait3A_363 : memref<1x1x1x2x8x128xi32, #tpu.memory_space<hbm>> -> memref<2x8x128xi32, #tpu.memory_space<hbm>>
      %dma_wait3A_365 = arith.constant 0 : i32
      %dma_wait3A_366 = arith.constant 0 : i32
      %dma_wait3A_367 = arith.constant 0 : i32
      %dma_wait3A_368 = tpu.memref_slice %arg3[%arg0, %arg1, %dma_wait3A_359, %dma_wait3A_365, %dma_wait3A_366, %dma_wait3A_367] : memref<2x16x10x2x8x128xi32, #tpu.memory_space<hbm>> -> memref<1x1x1x2x8x128xi32, #tpu.memory_space<hbm>>
      %dma_wait3A_369 = tpu.memref_squeeze %dma_wait3A_368 : memref<1x1x1x2x8x128xi32, #tpu.memory_space<hbm>> -> memref<2x8x128xi32, #tpu.memory_space<hbm>>
      tpu.wait_dma2 semaphore(%arg10 : memref<!tpu.dma_semaphore, #tpu.memory_space<semaphore_mem>>) src(%dma_wait3A_369 : memref<2x8x128xi32, #tpu.memory_space<hbm>>) dst(%arg5 : memref<2x8x128xi32, #tpu.memory_space<vmem>>)
      %dma_wait3A_370 = arith.constant 0 : i32
      %dma_wait3A_371 = arith.constant 6 : i32
      %dma_wait3A_372 = arith.constant 0 : i32
      %dma_wait3A_373 = tpu.memref_slice %arg6[%dma_wait3A_370, %dma_wait3A_371, %dma_wait3A_372] : memref<2x8x128xi32, #tpu.memory_space<vmem>> -> memref<1x1x128xi32, #tpu.memory_space<vmem>>
      %dma_wait3A_374 = tpu.memref_squeeze %dma_wait3A_373 : memref<1x1x128xi32, #tpu.memory_space<vmem>> -> memref<128xi32, #tpu.memory_space<vmem>>
      %dma_wait3A_375 = arith.constant 0 : i32
      %dma_wait3A_376 = arith.constant 0 : i32
      %dma_wait3A_377 = tpu.memref_slice %arg2[%dma_wait3A_375, %dma_wait3A_376] : memref<10000x128xf32, #tpu.memory_space<hbm>> -> memref<10000x128xf32, #tpu.memory_space<hbm>>
      tpu.wait_indirect_dma semaphore(%arg12 : memref<!tpu.dma_semaphore, #tpu.memory_space<semaphore_mem>>) src(%dma_wait3A_377 : memref<10000x128xf32, #tpu.memory_space<hbm>>) dst(%arg7 : memref<128x128xf32, #tpu.memory_space<vmem>>)
      %run_scoped3A_378 = arith.constant 1 : i32
      %run_scoped3A_379 = arith.constant 6 : i32
      "tpu.region"() ({
        %run_scoped3A_416 = tpu.sem_alloc : memref<!tpu.dma_semaphore, #tpu.memory_space<semaphore_mem>>
        %dma_start3A_417 = arith.constant 0 : i32
        %dma_start3A_418 = tpu.memref_slice %arg6[%run_scoped3A_378, %run_scoped3A_379, %dma_start3A_417] : memref<2x8x128xi32, #tpu.memory_space<vmem>> -> memref<1x1x128xi32, #tpu.memory_space<vmem>>
        %dma_start3A_419 = tpu.memref_squeeze %dma_start3A_418 : memref<1x1x128xi32, #tpu.memory_space<vmem>> -> memref<128xi32, #tpu.memory_space<vmem>>
        %dma_start3A_420 = arith.constant 0 : i32
        %dma_start3A_421 = arith.constant 0 : i32
        %dma_start3A_422 = tpu.memref_slice %arg9[%dma_start3A_420, %dma_start3A_421] : memref<10112x128xf32, #tpu.memory_space<vmem_shared>> -> memref<10112x128xf32, #tpu.memory_space<vmem_shared>>
        tpu.enqueue_indirect_dma source(%arg7 : memref<128x128xf32, #tpu.memory_space<vmem>>) target(%dma_start3A_422 : memref<10112x128xf32, #tpu.memory_space<vmem_shared>>) offsets(%dma_start3A_419 : memref<128xi32, #tpu.memory_space<vmem>>) semaphore(%run_scoped3A_416 : memref<!tpu.dma_semaphore, #tpu.memory_space<semaphore_mem>>) {add = true}
        %dma_wait3A_423 = arith.constant 0 : i32
        %dma_wait3A_424 = tpu.memref_slice %arg6[%run_scoped3A_378, %run_scoped3A_379, %dma_wait3A_423] : memref<2x8x128xi32, #tpu.memory_space<vmem>> -> memref<1x1x128xi32, #tpu.memory_space<vmem>>
        %dma_wait3A_425 = tpu.memref_squeeze %dma_wait3A_424 : memref<1x1x128xi32, #tpu.memory_space<vmem>> -> memref<128xi32, #tpu.memory_space<vmem>>
        %dma_wait3A_426 = arith.constant 0 : i32
        %dma_wait3A_427 = arith.constant 0 : i32
        %dma_wait3A_428 = tpu.memref_slice %arg9[%dma_wait3A_426, %dma_wait3A_427] : memref<10112x128xf32, #tpu.memory_space<vmem_shared>> -> memref<10112x128xf32, #tpu.memory_space<vmem_shared>>
        tpu.wait_indirect_dma semaphore(%run_scoped3A_416 : memref<!tpu.dma_semaphore, #tpu.memory_space<semaphore_mem>>) src(%arg7 : memref<128x128xf32, #tpu.memory_space<vmem>>) dst(%dma_wait3A_428 : memref<10112x128xf32, #tpu.memory_space<vmem_shared>>)
        tpu.yield
      }) : () -> ()
      %dma_start3A_380 = arith.constant 0 : i32
      %dma_start3A_381 = arith.constant 0 : i32
      %dma_start3A_382 = arith.constant 0 : i32
      %dma_start3A_383 = tpu.memref_slice %arg5[%dma_start3A_380, %dma_start3A_381, %dma_start3A_382] : memref<2x8x128xi32, #tpu.memory_space<vmem>> -> memref<1x1x128xi32, #tpu.memory_space<vmem>>
      %dma_start3A_384 = tpu.memref_squeeze %dma_start3A_383 : memref<1x1x128xi32, #tpu.memory_space<vmem>> -> memref<128xi32, #tpu.memory_space<vmem>>
      %dma_start3A_385 = arith.constant 0 : i32
      %dma_start3A_386 = arith.constant 0 : i32
      %dma_start3A_387 = tpu.memref_slice %arg2[%dma_start3A_385, %dma_start3A_386] : memref<10000x128xf32, #tpu.memory_space<hbm>> -> memref<10000x128xf32, #tpu.memory_space<hbm>>
      tpu.enqueue_indirect_dma source(%dma_start3A_387 : memref<10000x128xf32, #tpu.memory_space<hbm>>) target(%arg7 : memref<128x128xf32, #tpu.memory_space<vmem>>) offsets(%dma_start3A_384 : memref<128xi32, #tpu.memory_space<vmem>>) semaphore(%arg12 : memref<!tpu.dma_semaphore, #tpu.memory_space<semaphore_mem>>)
      %dma_wait3A_388 = arith.constant 0 : i32
      %dma_wait3A_389 = arith.constant 7 : i32
      %dma_wait3A_390 = arith.constant 0 : i32
      %dma_wait3A_391 = tpu.memref_slice %arg6[%dma_wait3A_388, %dma_wait3A_389, %dma_wait3A_390] : memref<2x8x128xi32, #tpu.memory_space<vmem>> -> memref<1x1x128xi32, #tpu.memory_space<vmem>>
      %dma_wait3A_392 = tpu.memref_squeeze %dma_wait3A_391 : memref<1x1x128xi32, #tpu.memory_space<vmem>> -> memref<128xi32, #tpu.memory_space<vmem>>
      %dma_wait3A_393 = arith.constant 0 : i32
      %dma_wait3A_394 = arith.constant 0 : i32
      %dma_wait3A_395 = tpu.memref_slice %arg2[%dma_wait3A_393, %dma_wait3A_394] : memref<10000x128xf32, #tpu.memory_space<hbm>> -> memref<10000x128xf32, #tpu.memory_space<hbm>>
      tpu.wait_indirect_dma semaphore(%arg13 : memref<!tpu.dma_semaphore, #tpu.memory_space<semaphore_mem>>) src(%dma_wait3A_395 : memref<10000x128xf32, #tpu.memory_space<hbm>>) dst(%arg8 : memref<128x128xf32, #tpu.memory_space<vmem>>)
      %run_scoped3A_396 = arith.constant 1 : i32
      %run_scoped3A_397 = arith.constant 7 : i32
      "tpu.region"() ({
        %run_scoped3A_416 = tpu.sem_alloc : memref<!tpu.dma_semaphore, #tpu.memory_space<semaphore_mem>>
        %dma_start3A_417 = arith.constant 0 : i32
        %dma_start3A_418 = tpu.memref_slice %arg6[%run_scoped3A_396, %run_scoped3A_397, %dma_start3A_417] : memref<2x8x128xi32, #tpu.memory_space<vmem>> -> memref<1x1x128xi32, #tpu.memory_space<vmem>>
        %dma_start3A_419 = tpu.memref_squeeze %dma_start3A_418 : memref<1x1x128xi32, #tpu.memory_space<vmem>> -> memref<128xi32, #tpu.memory_space<vmem>>
        %dma_start3A_420 = arith.constant 0 : i32
        %dma_start3A_421 = arith.constant 0 : i32
        %dma_start3A_422 = tpu.memref_slice %arg9[%dma_start3A_420, %dma_start3A_421] : memref<10112x128xf32, #tpu.memory_space<vmem_shared>> -> memref<10112x128xf32, #tpu.memory_space<vmem_shared>>
        tpu.enqueue_indirect_dma source(%arg8 : memref<128x128xf32, #tpu.memory_space<vmem>>) target(%dma_start3A_422 : memref<10112x128xf32, #tpu.memory_space<vmem_shared>>) offsets(%dma_start3A_419 : memref<128xi32, #tpu.memory_space<vmem>>) semaphore(%run_scoped3A_416 : memref<!tpu.dma_semaphore, #tpu.memory_space<semaphore_mem>>) {add = true}
        %dma_wait3A_423 = arith.constant 0 : i32
        %dma_wait3A_424 = tpu.memref_slice %arg6[%run_scoped3A_396, %run_scoped3A_397, %dma_wait3A_423] : memref<2x8x128xi32, #tpu.memory_space<vmem>> -> memref<1x1x128xi32, #tpu.memory_space<vmem>>
        %dma_wait3A_425 = tpu.memref_squeeze %dma_wait3A_424 : memref<1x1x128xi32, #tpu.memory_space<vmem>> -> memref<128xi32, #tpu.memory_space<vmem>>
        %dma_wait3A_426 = arith.constant 0 : i32
        %dma_wait3A_427 = arith.constant 0 : i32
        %dma_wait3A_428 = tpu.memref_slice %arg9[%dma_wait3A_426, %dma_wait3A_427] : memref<10112x128xf32, #tpu.memory_space<vmem_shared>> -> memref<10112x128xf32, #tpu.memory_space<vmem_shared>>
        tpu.wait_indirect_dma semaphore(%run_scoped3A_416 : memref<!tpu.dma_semaphore, #tpu.memory_space<semaphore_mem>>) src(%arg8 : memref<128x128xf32, #tpu.memory_space<vmem>>) dst(%dma_wait3A_428 : memref<10112x128xf32, #tpu.memory_space<vmem_shared>>)
        tpu.yield
      }) : () -> ()
      %dma_start3A_398 = arith.constant 0 : i32
      %dma_start3A_399 = arith.constant 1 : i32
      %dma_start3A_400 = arith.constant 0 : i32
      %dma_start3A_401 = tpu.memref_slice %arg5[%dma_start3A_398, %dma_start3A_399, %dma_start3A_400] : memref<2x8x128xi32, #tpu.memory_space<vmem>> -> memref<1x1x128xi32, #tpu.memory_space<vmem>>
      %dma_start3A_402 = tpu.memref_squeeze %dma_start3A_401 : memref<1x1x128xi32, #tpu.memory_space<vmem>> -> memref<128xi32, #tpu.memory_space<vmem>>
      %dma_start3A_403 = arith.constant 0 : i32
      %dma_start3A_404 = arith.constant 0 : i32
      %dma_start3A_405 = tpu.memref_slice %arg2[%dma_start3A_403, %dma_start3A_404] : memref<10000x128xf32, #tpu.memory_space<hbm>> -> memref<10000x128xf32, #tpu.memory_space<hbm>>
      tpu.enqueue_indirect_dma source(%dma_start3A_405 : memref<10000x128xf32, #tpu.memory_space<hbm>>) target(%arg8 : memref<128x128xf32, #tpu.memory_space<vmem>>) offsets(%dma_start3A_402 : memref<128xi32, #tpu.memory_space<vmem>>) semaphore(%arg13 : memref<!tpu.dma_semaphore, #tpu.memory_space<semaphore_mem>>)
      %dma_start3A_406 = arith.constant 0 : i32
      %dma_start3A_407 = arith.constant 0 : i32
      %dma_start3A_408 = arith.constant 0 : i32
      %dma_start3A_409 = tpu.memref_slice %arg3[%arg0, %arg1, %min3A_85, %dma_start3A_406, %dma_start3A_407, %dma_start3A_408] : memref<2x16x10x2x8x128xi32, #tpu.memory_space<hbm>> -> memref<1x1x1x2x8x128xi32, #tpu.memory_space<hbm>>
      %dma_start3A_410 = tpu.memref_squeeze %dma_start3A_409 : memref<1x1x1x2x8x128xi32, #tpu.memory_space<hbm>> -> memref<2x8x128xi32, #tpu.memory_space<hbm>>
      %dma_start3A_411 = arith.constant 0 : i32
      %dma_start3A_412 = arith.constant 0 : i32
      %dma_start3A_413 = arith.constant 0 : i32
      %dma_start3A_414 = tpu.memref_slice %arg3[%arg0, %arg1, %min3A_85, %dma_start3A_411, %dma_start3A_412, %dma_start3A_413] : memref<2x16x10x2x8x128xi32, #tpu.memory_space<hbm>> -> memref<1x1x1x2x8x128xi32, #tpu.memory_space<hbm>>
      %dma_start3A_415 = tpu.memref_squeeze %dma_start3A_414 : memref<1x1x1x2x8x128xi32, #tpu.memory_space<hbm>> -> memref<2x8x128xi32, #tpu.memory_space<hbm>>
      tpu.enqueue_dma source(%dma_start3A_415 : memref<2x8x128xi32, #tpu.memory_space<hbm>>) target(%arg6 : memref<2x8x128xi32, #tpu.memory_space<vmem>>) target_semaphore(%arg11 : memref<!tpu.dma_semaphore, #tpu.memory_space<semaphore_mem>>)
    }
    %scan3A_46 = arith.constant 5 : i32
    %dma_wait3A = arith.constant 0 : i32
    %dma_wait3A_47 = arith.constant 0 : i32
    %dma_wait3A_48 = arith.constant 0 : i32
    %dma_wait3A_49 = tpu.memref_slice %arg5[%dma_wait3A, %dma_wait3A_47, %dma_wait3A_48] : memref<2x8x128xi32, #tpu.memory_space<vmem>> -> memref<1x1x128xi32, #tpu.memory_space<vmem>>
    %dma_wait3A_50 = tpu.memref_squeeze %dma_wait3A_49 : memref<1x1x128xi32, #tpu.memory_space<vmem>> -> memref<128xi32, #tpu.memory_space<vmem>>
    %dma_wait3A_51 = arith.constant 0 : i32
    %dma_wait3A_52 = arith.constant 0 : i32
    %dma_wait3A_53 = tpu.memref_slice %arg2[%dma_wait3A_51, %dma_wait3A_52] : memref<10000x128xf32, #tpu.memory_space<hbm>> -> memref<10000x128xf32, #tpu.memory_space<hbm>>
    tpu.wait_indirect_dma semaphore(%arg12 : memref<!tpu.dma_semaphore, #tpu.memory_space<semaphore_mem>>) src(%dma_wait3A_53 : memref<10000x128xf32, #tpu.memory_space<hbm>>) dst(%arg7 : memref<128x128xf32, #tpu.memory_space<vmem>>)
    %dma_wait3A_54 = arith.constant 0 : i32
    %dma_wait3A_55 = arith.constant 1 : i32
    %dma_wait3A_56 = arith.constant 0 : i32
    %dma_wait3A_57 = tpu.memref_slice %arg5[%dma_wait3A_54, %dma_wait3A_55, %dma_wait3A_56] : memref<2x8x128xi32, #tpu.memory_space<vmem>> -> memref<1x1x128xi32, #tpu.memory_space<vmem>>
    %dma_wait3A_58 = tpu.memref_squeeze %dma_wait3A_57 : memref<1x1x128xi32, #tpu.memory_space<vmem>> -> memref<128xi32, #tpu.memory_space<vmem>>
    %dma_wait3A_59 = arith.constant 0 : i32
    %dma_wait3A_60 = arith.constant 0 : i32
    %dma_wait3A_61 = tpu.memref_slice %arg2[%dma_wait3A_59, %dma_wait3A_60] : memref<10000x128xf32, #tpu.memory_space<hbm>> -> memref<10000x128xf32, #tpu.memory_space<hbm>>
    tpu.wait_indirect_dma semaphore(%arg13 : memref<!tpu.dma_semaphore, #tpu.memory_space<semaphore_mem>>) src(%dma_wait3A_61 : memref<10000x128xf32, #tpu.memory_space<hbm>>) dst(%arg8 : memref<128x128xf32, #tpu.memory_space<vmem>>)
    %dma_wait3A_62 = arith.constant 0 : i32
    %dma_wait3A_63 = arith.constant 0 : i32
    %dma_wait3A_64 = arith.constant 0 : i32
    %dma_wait3A_65 = arith.constant 0 : i32
    %dma_wait3A_66 = tpu.memref_slice %arg3[%arg0, %arg1, %dma_wait3A_62, %dma_wait3A_63, %dma_wait3A_64, %dma_wait3A_65] : memref<2x16x10x2x8x128xi32, #tpu.memory_space<hbm>> -> memref<1x1x1x2x8x128xi32, #tpu.memory_space<hbm>>
    %dma_wait3A_67 = tpu.memref_squeeze %dma_wait3A_66 : memref<1x1x1x2x8x128xi32, #tpu.memory_space<hbm>> -> memref<2x8x128xi32, #tpu.memory_space<hbm>>
    %dma_wait3A_68 = arith.constant 0 : i32
    %dma_wait3A_69 = arith.constant 0 : i32
    %dma_wait3A_70 = arith.constant 0 : i32
    %dma_wait3A_71 = tpu.memref_slice %arg3[%arg0, %arg1, %dma_wait3A_62, %dma_wait3A_68, %dma_wait3A_69, %dma_wait3A_70] : memref<2x16x10x2x8x128xi32, #tpu.memory_space<hbm>> -> memref<1x1x1x2x8x128xi32, #tpu.memory_space<hbm>>
    %dma_wait3A_72 = tpu.memref_squeeze %dma_wait3A_71 : memref<1x1x1x2x8x128xi32, #tpu.memory_space<hbm>> -> memref<2x8x128xi32, #tpu.memory_space<hbm>>
    tpu.wait_dma2 semaphore(%arg11 : memref<!tpu.dma_semaphore, #tpu.memory_space<semaphore_mem>>) src(%dma_wait3A_72 : memref<2x8x128xi32, #tpu.memory_space<hbm>>) dst(%arg6 : memref<2x8x128xi32, #tpu.memory_space<vmem>>)
    %barrier3A_73 = arith.constant 0 : index
    tpu.barrier barrier_id(%barrier3A_73)
    "tpu.region"() ({
      %run_scoped3A_74 = tpu.sem_alloc : memref<!tpu.dma_semaphore, #tpu.memory_space<semaphore_mem>>
      %dma_start3A_75 = arith.constant 0 : i32
      %dma_start3A_76 = tpu.memref_slice %arg4[%arg0, %mul3A_5, %dma_start3A_75] : memref<2x10112x128xf32, #tpu.memory_space<hbm>> -> memref<1x632x128xf32, #tpu.memory_space<hbm>>
      %dma_start3A_77 = tpu.memref_squeeze %dma_start3A_76 : memref<1x632x128xf32, #tpu.memory_space<hbm>> -> memref<632x128xf32, #tpu.memory_space<hbm>>
      %dma_start3A_78 = arith.constant 0 : i32
      %dma_start3A_79 = tpu.memref_slice %arg9[%mul3A_5, %dma_start3A_78] : memref<10112x128xf32, #tpu.memory_space<vmem_shared>> -> memref<632x128xf32, #tpu.memory_space<vmem_shared>>
      tpu.enqueue_dma source(%dma_start3A_79 : memref<632x128xf32, #tpu.memory_space<vmem_shared>>) target(%dma_start3A_77 : memref<632x128xf32, #tpu.memory_space<hbm>>) target_semaphore(%run_scoped3A_74 : memref<!tpu.dma_semaphore, #tpu.memory_space<semaphore_mem>>)
      %dma_wait3A_80 = arith.constant 0 : i32
      %dma_wait3A_81 = tpu.memref_slice %arg4[%arg0, %mul3A_5, %dma_wait3A_80] : memref<2x10112x128xf32, #tpu.memory_space<hbm>> -> memref<1x632x128xf32, #tpu.memory_space<hbm>>
      %dma_wait3A_82 = tpu.memref_squeeze %dma_wait3A_81 : memref<1x632x128xf32, #tpu.memory_space<hbm>> -> memref<632x128xf32, #tpu.memory_space<hbm>>
      %dma_wait3A_83 = arith.constant 0 : i32
      %dma_wait3A_84 = tpu.memref_slice %arg9[%mul3A_5, %dma_wait3A_83] : memref<10112x128xf32, #tpu.memory_space<vmem_shared>> -> memref<632x128xf32, #tpu.memory_space<vmem_shared>>
      tpu.wait_dma2 semaphore(%run_scoped3A_74 : memref<!tpu.dma_semaphore, #tpu.memory_space<semaphore_mem>>) src(%dma_wait3A_84 : memref<632x128xf32, #tpu.memory_space<vmem_shared>>) dst(%dma_wait3A_82 : memref<632x128xf32, #tpu.memory_space<hbm>>)
      tpu.yield
    }) : () -> ()
    return
  }
}

#map = affine_map<(d0, d1) -> (0, 0)>
#map1 = affine_map<(d0, d1) -> (0, 0, 0, 0, 0, 0)>
#map2 = affine_map<(d0, d1) -> (0, 0, 0)>
module attributes {stable_mosaic.version = 14 : i64} {
  func.func @agg(%arg0: i32, %arg1: i32, %arg2: memref<10000x128xf32, #tpu.memory_space<hbm>>, %arg3: memref<2x16x10x2x8x128xi32, #tpu.memory_space<hbm>>, %arg4: memref<2x10112x128xf32, #tpu.memory_space<hbm>>, %arg5: memref<2x8x128xi32, #tpu.memory_space<vmem>>, %arg6: memref<2x8x128xi32, #tpu.memory_space<vmem>>, %arg7: memref<128x128xf32, #tpu.memory_space<vmem>>, %arg8: memref<128x128xf32, #tpu.memory_space<vmem>>, %arg9: memref<10112x128xf32, #tpu.memory_space<vmem_shared>>, %arg10: memref<!tpu.dma_semaphore, #tpu.memory_space<semaphore_mem>>, %arg11: memref<!tpu.dma_semaphore, #tpu.memory_space<semaphore_mem>>, %arg12: memref<!tpu.dma_semaphore, #tpu.memory_space<semaphore_mem>>, %arg13: memref<!tpu.dma_semaphore, #tpu.memory_space<semaphore_mem>>) attributes {dimension_semantics = [#tpu.dimension_semantics<core_parallel>, #tpu.dimension_semantics<subcore_parallel>], iteration_bounds = array<i64: 2, 16>, scalar_prefetch = 0 : i64, scratch_operands = 9 : i64, tpu.core_type = #tpu.core_type<sc_vector_subcore>, window_params = [{transform_indices = #map}, {transform_indices = #map1}, {transform_indices = #map2}]} {
    %scan3A = arith.constant 0 : i32
    %scan3A_0 = arith.constant 0 : i32
    %scan3A_1 = arith.constant 128 : i32
    %scan3A_2 = arith.addi %scan3A_0, %scan3A_1 : i32
    %scan3A_3 = arith.constant 1 : i32
    scf.for %scan3A_74 = %scan3A_0 to %scan3A_2 step %scan3A_3  : i32 {
      %broadcast_in_dim3A = arith.constant 0.000000e+00 : f32
      %broadcast_in_dim3A_75 = vector.broadcast %broadcast_in_dim3A : f32 to vector<16xf32>
      %swap3A = arith.index_cast %scan3A_74 : i32 to index
      %swap3A_76 = arith.constant 0 : index
      %swap3A_77 = tpu.vector_load %arg7[%swap3A, %swap3A_76] {strides = array<i32>} : memref<128x128xf32, #tpu.memory_space<vmem>>, vector<1x16xf32>,
      %swap3A_78 = vector.shape_cast %swap3A_77 : vector<1x16xf32> to vector<16xf32>
      %swap3A_79 = vector.shape_cast %broadcast_in_dim3A_75 : vector<16xf32> to vector<1x16xf32>
      tpu.vector_store %arg7[%swap3A, %swap3A_76], %swap3A_79 {strides = array<i32>} : memref<128x128xf32, #tpu.memory_space<vmem>>, vector<1x16xf32>,
      %broadcast_in_dim3A_80 = arith.constant 0.000000e+00 : f32
      %broadcast_in_dim3A_81 = vector.broadcast %broadcast_in_dim3A_80 : f32 to vector<16xf32>
      %swap3A_82 = arith.index_cast %scan3A_74 : i32 to index
      %swap3A_83 = arith.constant 16 : index
      %swap3A_84 = tpu.vector_load %arg7[%swap3A_82, %swap3A_83] {strides = array<i32>} : memref<128x128xf32, #tpu.memory_space<vmem>>, vector<1x16xf32>,
      %swap3A_85 = vector.shape_cast %swap3A_84 : vector<1x16xf32> to vector<16xf32>
      %swap3A_86 = vector.shape_cast %broadcast_in_dim3A_81 : vector<16xf32> to vector<1x16xf32>
      tpu.vector_store %arg7[%swap3A_82, %swap3A_83], %swap3A_86 {strides = array<i32>} : memref<128x128xf32, #tpu.memory_space<vmem>>, vector<1x16xf32>,
      %broadcast_in_dim3A_87 = arith.constant 0.000000e+00 : f32
      %broadcast_in_dim3A_88 = vector.broadcast %broadcast_in_dim3A_87 : f32 to vector<16xf32>
      %swap3A_89 = arith.index_cast %scan3A_74 : i32 to index
      %swap3A_90 = arith.constant 32 : index
      %swap3A_91 = tpu.vector_load %arg7[%swap3A_89, %swap3A_90] {strides = array<i32>} : memref<128x128xf32, #tpu.memory_space<vmem>>, vector<1x16xf32>,
      %swap3A_92 = vector.shape_cast %swap3A_91 : vector<1x16xf32> to vector<16xf32>
      %swap3A_93 = vector.shape_cast %broadcast_in_dim3A_88 : vector<16xf32> to vector<1x16xf32>
      tpu.vector_store %arg7[%swap3A_89, %swap3A_90], %swap3A_93 {strides = array<i32>} : memref<128x128xf32, #tpu.memory_space<vmem>>, vector<1x16xf32>,
      %broadcast_in_dim3A_94 = arith.constant 0.000000e+00 : f32
      %broadcast_in_dim3A_95 = vector.broadcast %broadcast_in_dim3A_94 : f32 to vector<16xf32>
      %swap3A_96 = arith.index_cast %scan3A_74 : i32 to index
      %swap3A_97 = arith.constant 48 : index
      %swap3A_98 = tpu.vector_load %arg7[%swap3A_96, %swap3A_97] {strides = array<i32>} : memref<128x128xf32, #tpu.memory_space<vmem>>, vector<1x16xf32>,
      %swap3A_99 = vector.shape_cast %swap3A_98 : vector<1x16xf32> to vector<16xf32>
      %swap3A_100 = vector.shape_cast %broadcast_in_dim3A_95 : vector<16xf32> to vector<1x16xf32>
      tpu.vector_store %arg7[%swap3A_96, %swap3A_97], %swap3A_100 {strides = array<i32>} : memref<128x128xf32, #tpu.memory_space<vmem>>, vector<1x16xf32>,
      %broadcast_in_dim3A_101 = arith.constant 0.000000e+00 : f32
      %broadcast_in_dim3A_102 = vector.broadcast %broadcast_in_dim3A_101 : f32 to vector<16xf32>
      %swap3A_103 = arith.index_cast %scan3A_74 : i32 to index
      %swap3A_104 = arith.constant 64 : index
      %swap3A_105 = tpu.vector_load %arg7[%swap3A_103, %swap3A_104] {strides = array<i32>} : memref<128x128xf32, #tpu.memory_space<vmem>>, vector<1x16xf32>,
      %swap3A_106 = vector.shape_cast %swap3A_105 : vector<1x16xf32> to vector<16xf32>
      %swap3A_107 = vector.shape_cast %broadcast_in_dim3A_102 : vector<16xf32> to vector<1x16xf32>
      tpu.vector_store %arg7[%swap3A_103, %swap3A_104], %swap3A_107 {strides = array<i32>} : memref<128x128xf32, #tpu.memory_space<vmem>>, vector<1x16xf32>,
      %broadcast_in_dim3A_108 = arith.constant 0.000000e+00 : f32
      %broadcast_in_dim3A_109 = vector.broadcast %broadcast_in_dim3A_108 : f32 to vector<16xf32>
      %swap3A_110 = arith.index_cast %scan3A_74 : i32 to index
      %swap3A_111 = arith.constant 80 : index
      %swap3A_112 = tpu.vector_load %arg7[%swap3A_110, %swap3A_111] {strides = array<i32>} : memref<128x128xf32, #tpu.memory_space<vmem>>, vector<1x16xf32>,
      %swap3A_113 = vector.shape_cast %swap3A_112 : vector<1x16xf32> to vector<16xf32>
      %swap3A_114 = vector.shape_cast %broadcast_in_dim3A_109 : vector<16xf32> to vector<1x16xf32>
      tpu.vector_store %arg7[%swap3A_110, %swap3A_111], %swap3A_114 {strides = array<i32>} : memref<128x128xf32, #tpu.memory_space<vmem>>, vector<1x16xf32>,
      %broadcast_in_dim3A_115 = arith.constant 0.000000e+00 : f32
      %broadcast_in_dim3A_116 = vector.broadcast %broadcast_in_dim3A_115 : f32 to vector<16xf32>
      %swap3A_117 = arith.index_cast %scan3A_74 : i32 to index
      %swap3A_118 = arith.constant 96 : index
      %swap3A_119 = tpu.vector_load %arg7[%swap3A_117, %swap3A_118] {strides = array<i32>} : memref<128x128xf32, #tpu.memory_space<vmem>>, vector<1x16xf32>,
      %swap3A_120 = vector.shape_cast %swap3A_119 : vector<1x16xf32> to vector<16xf32>
      %swap3A_121 = vector.shape_cast %broadcast_in_dim3A_116 : vector<16xf32> to vector<1x16xf32>
      tpu.vector_store %arg7[%swap3A_117, %swap3A_118], %swap3A_121 {strides = array<i32>} : memref<128x128xf32, #tpu.memory_space<vmem>>, vector<1x16xf32>,
      %broadcast_in_dim3A_122 = arith.constant 0.000000e+00 : f32
      %broadcast_in_dim3A_123 = vector.broadcast %broadcast_in_dim3A_122 : f32 to vector<16xf32>
      %swap3A_124 = arith.index_cast %scan3A_74 : i32 to index
      %swap3A_125 = arith.constant 112 : index
      %swap3A_126 = tpu.vector_load %arg7[%swap3A_124, %swap3A_125] {strides = array<i32>} : memref<128x128xf32, #tpu.memory_space<vmem>>, vector<1x16xf32>,
      %swap3A_127 = vector.shape_cast %swap3A_126 : vector<1x16xf32> to vector<16xf32>
      %swap3A_128 = vector.shape_cast %broadcast_in_dim3A_123 : vector<16xf32> to vector<1x16xf32>
      tpu.vector_store %arg7[%swap3A_124, %swap3A_125], %swap3A_128 {strides = array<i32>} : memref<128x128xf32, #tpu.memory_space<vmem>>, vector<1x16xf32>,
    }
    %scan3A_4 = arith.constant 128 : i32
    %mul3A = arith.constant 632 : i32
    %mul3A_5 = arith.muli %arg1, %mul3A : i32
    %add3A = arith.constant 0 : i32
    %add3A_6 = arith.addi %mul3A_5, %add3A : i32
    "tpu.region"() ({
      %run_scoped3A_74 = tpu.sem_alloc : memref<!tpu.dma_semaphore, #tpu.memory_space<semaphore_mem>>
      %dma_start3A_75 = arith.constant 0 : i32
      %dma_start3A_76 = tpu.memref_slice %arg9[%add3A_6, %dma_start3A_75] : memref<10112x128xf32, #tpu.memory_space<vmem_shared>> -> memref<128x128xf32, #tpu.memory_space<vmem_shared>>
      %dma_start3A_77 = arith.constant 0 : i32
      %dma_start3A_78 = tpu.memref_slice %arg9[%add3A_6, %dma_start3A_77] : memref<10112x128xf32, #tpu.memory_space<vmem_shared>> -> memref<128x128xf32, #tpu.memory_space<vmem_shared>>
      tpu.enqueue_dma source(%arg7 : memref<128x128xf32, #tpu.memory_space<vmem>>) target(%dma_start3A_78 : memref<128x128xf32, #tpu.memory_space<vmem_shared>>) target_semaphore(%run_scoped3A_74 : memref<!tpu.dma_semaphore, #tpu.memory_space<semaphore_mem>>)
      %dma_wait3A_79 = arith.constant 0 : i32
      %dma_wait3A_80 = tpu.memref_slice %arg9[%add3A_6, %dma_wait3A_79] : memref<10112x128xf32, #tpu.memory_space<vmem_shared>> -> memref<128x128xf32, #tpu.memory_space<vmem_shared>>
      %dma_wait3A_81 = arith.constant 0 : i32
      %dma_wait3A_82 = tpu.memref_slice %arg9[%add3A_6, %dma_wait3A_81] : memref<10112x128xf32, #tpu.memory_space<vmem_shared>> -> memref<128x128xf32, #tpu.memory_space<vmem_shared>>
      tpu.wait_dma2 semaphore(%run_scoped3A_74 : memref<!tpu.dma_semaphore, #tpu.memory_space<semaphore_mem>>) src(%arg7 : memref<128x128xf32, #tpu.memory_space<vmem>>) dst(%dma_wait3A_82 : memref<128x128xf32, #tpu.memory_space<vmem_shared>>)
      tpu.yield
    }) : () -> ()
    %add3A_7 = arith.constant 128 : i32
    %add3A_8 = arith.addi %mul3A_5, %add3A_7 : i32
    "tpu.region"() ({
      %run_scoped3A_74 = tpu.sem_alloc : memref<!tpu.dma_semaphore, #tpu.memory_space<semaphore_mem>>
      %dma_start3A_75 = arith.constant 0 : i32
      %dma_start3A_76 = tpu.memref_slice %arg9[%add3A_8, %dma_start3A_75] : memref<10112x128xf32, #tpu.memory_space<vmem_shared>> -> memref<128x128xf32, #tpu.memory_space<vmem_shared>>
      %dma_start3A_77 = arith.constant 0 : i32
      %dma_start3A_78 = tpu.memref_slice %arg9[%add3A_8, %dma_start3A_77] : memref<10112x128xf32, #tpu.memory_space<vmem_shared>> -> memref<128x128xf32, #tpu.memory_space<vmem_shared>>
      tpu.enqueue_dma source(%arg7 : memref<128x128xf32, #tpu.memory_space<vmem>>) target(%dma_start3A_78 : memref<128x128xf32, #tpu.memory_space<vmem_shared>>) target_semaphore(%run_scoped3A_74 : memref<!tpu.dma_semaphore, #tpu.memory_space<semaphore_mem>>)
      %dma_wait3A_79 = arith.constant 0 : i32
      %dma_wait3A_80 = tpu.memref_slice %arg9[%add3A_8, %dma_wait3A_79] : memref<10112x128xf32, #tpu.memory_space<vmem_shared>> -> memref<128x128xf32, #tpu.memory_space<vmem_shared>>
      %dma_wait3A_81 = arith.constant 0 : i32
      %dma_wait3A_82 = tpu.memref_slice %arg9[%add3A_8, %dma_wait3A_81] : memref<10112x128xf32, #tpu.memory_space<vmem_shared>> -> memref<128x128xf32, #tpu.memory_space<vmem_shared>>
      tpu.wait_dma2 semaphore(%run_scoped3A_74 : memref<!tpu.dma_semaphore, #tpu.memory_space<semaphore_mem>>) src(%arg7 : memref<128x128xf32, #tpu.memory_space<vmem>>) dst(%dma_wait3A_82 : memref<128x128xf32, #tpu.memory_space<vmem_shared>>)
      tpu.yield
    }) : () -> ()
    %add3A_9 = arith.constant 256 : i32
    %add3A_10 = arith.addi %mul3A_5, %add3A_9 : i32
    "tpu.region"() ({
      %run_scoped3A_74 = tpu.sem_alloc : memref<!tpu.dma_semaphore, #tpu.memory_space<semaphore_mem>>
      %dma_start3A_75 = arith.constant 0 : i32
      %dma_start3A_76 = tpu.memref_slice %arg9[%add3A_10, %dma_start3A_75] : memref<10112x128xf32, #tpu.memory_space<vmem_shared>> -> memref<128x128xf32, #tpu.memory_space<vmem_shared>>
      %dma_start3A_77 = arith.constant 0 : i32
      %dma_start3A_78 = tpu.memref_slice %arg9[%add3A_10, %dma_start3A_77] : memref<10112x128xf32, #tpu.memory_space<vmem_shared>> -> memref<128x128xf32, #tpu.memory_space<vmem_shared>>
      tpu.enqueue_dma source(%arg7 : memref<128x128xf32, #tpu.memory_space<vmem>>) target(%dma_start3A_78 : memref<128x128xf32, #tpu.memory_space<vmem_shared>>) target_semaphore(%run_scoped3A_74 : memref<!tpu.dma_semaphore, #tpu.memory_space<semaphore_mem>>)
      %dma_wait3A_79 = arith.constant 0 : i32
      %dma_wait3A_80 = tpu.memref_slice %arg9[%add3A_10, %dma_wait3A_79] : memref<10112x128xf32, #tpu.memory_space<vmem_shared>> -> memref<128x128xf32, #tpu.memory_space<vmem_shared>>
      %dma_wait3A_81 = arith.constant 0 : i32
      %dma_wait3A_82 = tpu.memref_slice %arg9[%add3A_10, %dma_wait3A_81] : memref<10112x128xf32, #tpu.memory_space<vmem_shared>> -> memref<128x128xf32, #tpu.memory_space<vmem_shared>>
      tpu.wait_dma2 semaphore(%run_scoped3A_74 : memref<!tpu.dma_semaphore, #tpu.memory_space<semaphore_mem>>) src(%arg7 : memref<128x128xf32, #tpu.memory_space<vmem>>) dst(%dma_wait3A_82 : memref<128x128xf32, #tpu.memory_space<vmem_shared>>)
      tpu.yield
    }) : () -> ()
    %add3A_11 = arith.constant 384 : i32
    %add3A_12 = arith.addi %mul3A_5, %add3A_11 : i32
    "tpu.region"() ({
      %run_scoped3A_74 = tpu.sem_alloc : memref<!tpu.dma_semaphore, #tpu.memory_space<semaphore_mem>>
      %dma_start3A_75 = arith.constant 0 : i32
      %dma_start3A_76 = tpu.memref_slice %arg9[%add3A_12, %dma_start3A_75] : memref<10112x128xf32, #tpu.memory_space<vmem_shared>> -> memref<128x128xf32, #tpu.memory_space<vmem_shared>>
      %dma_start3A_77 = arith.constant 0 : i32
      %dma_start3A_78 = tpu.memref_slice %arg9[%add3A_12, %dma_start3A_77] : memref<10112x128xf32, #tpu.memory_space<vmem_shared>> -> memref<128x128xf32, #tpu.memory_space<vmem_shared>>
      tpu.enqueue_dma source(%arg7 : memref<128x128xf32, #tpu.memory_space<vmem>>) target(%dma_start3A_78 : memref<128x128xf32, #tpu.memory_space<vmem_shared>>) target_semaphore(%run_scoped3A_74 : memref<!tpu.dma_semaphore, #tpu.memory_space<semaphore_mem>>)
      %dma_wait3A_79 = arith.constant 0 : i32
      %dma_wait3A_80 = tpu.memref_slice %arg9[%add3A_12, %dma_wait3A_79] : memref<10112x128xf32, #tpu.memory_space<vmem_shared>> -> memref<128x128xf32, #tpu.memory_space<vmem_shared>>
      %dma_wait3A_81 = arith.constant 0 : i32
      %dma_wait3A_82 = tpu.memref_slice %arg9[%add3A_12, %dma_wait3A_81] : memref<10112x128xf32, #tpu.memory_space<vmem_shared>> -> memref<128x128xf32, #tpu.memory_space<vmem_shared>>
      tpu.wait_dma2 semaphore(%run_scoped3A_74 : memref<!tpu.dma_semaphore, #tpu.memory_space<semaphore_mem>>) src(%arg7 : memref<128x128xf32, #tpu.memory_space<vmem>>) dst(%dma_wait3A_82 : memref<128x128xf32, #tpu.memory_space<vmem_shared>>)
      tpu.yield
    }) : () -> ()
    %add3A_13 = arith.constant 512 : i32
    %add3A_14 = arith.addi %mul3A_5, %add3A_13 : i32
    "tpu.region"() ({
      %run_scoped3A_74 = tpu.sem_alloc : memref<!tpu.dma_semaphore, #tpu.memory_space<semaphore_mem>>
      %dma_start3A_75 = arith.constant 0 : i32
      %dma_start3A_76 = arith.constant 0 : i32
      %dma_start3A_77 = tpu.memref_slice %arg7[%dma_start3A_75, %dma_start3A_76] : memref<128x128xf32, #tpu.memory_space<vmem>> -> memref<120x128xf32, #tpu.memory_space<vmem>>
      %dma_start3A_78 = arith.constant 0 : i32
      %dma_start3A_79 = tpu.memref_slice %arg9[%add3A_14, %dma_start3A_78] : memref<10112x128xf32, #tpu.memory_space<vmem_shared>> -> memref<120x128xf32, #tpu.memory_space<vmem_shared>>
      %dma_start3A_80 = arith.constant 0 : i32
      %dma_start3A_81 = tpu.memref_slice %arg9[%add3A_14, %dma_start3A_80] : memref<10112x128xf32, #tpu.memory_space<vmem_shared>> -> memref<120x128xf32, #tpu.memory_space<vmem_shared>>
      %dma_start3A_82 = arith.constant 0 : i32
      %dma_start3A_83 = arith.constant 0 : i32
      %dma_start3A_84 = tpu.memref_slice %arg7[%dma_start3A_82, %dma_start3A_83] : memref<128x128xf32, #tpu.memory_space<vmem>> -> memref<120x128xf32, #tpu.memory_space<vmem>>
      tpu.enqueue_dma source(%dma_start3A_84 : memref<120x128xf32, #tpu.memory_space<vmem>>) target(%dma_start3A_81 : memref<120x128xf32, #tpu.memory_space<vmem_shared>>) target_semaphore(%run_scoped3A_74 : memref<!tpu.dma_semaphore, #tpu.memory_space<semaphore_mem>>)
      %dma_wait3A_85 = arith.constant 0 : i32
      %dma_wait3A_86 = arith.constant 0 : i32
      %dma_wait3A_87 = tpu.memref_slice %arg7[%dma_wait3A_85, %dma_wait3A_86] : memref<128x128xf32, #tpu.memory_space<vmem>> -> memref<120x128xf32, #tpu.memory_space<vmem>>
      %dma_wait3A_88 = arith.constant 0 : i32
      %dma_wait3A_89 = tpu.memref_slice %arg9[%add3A_14, %dma_wait3A_88] : memref<10112x128xf32, #tpu.memory_space<vmem_shared>> -> memref<120x128xf32, #tpu.memory_space<vmem_shared>>
      %dma_wait3A_90 = arith.constant 0 : i32
      %dma_wait3A_91 = tpu.memref_slice %arg9[%add3A_14, %dma_wait3A_90] : memref<10112x128xf32, #tpu.memory_space<vmem_shared>> -> memref<120x128xf32, #tpu.memory_space<vmem_shared>>
      %dma_wait3A_92 = arith.constant 0 : i32
      %dma_wait3A_93 = arith.constant 0 : i32
      %dma_wait3A_94 = tpu.memref_slice %arg7[%dma_wait3A_92, %dma_wait3A_93] : memref<128x128xf32, #tpu.memory_space<vmem>> -> memref<120x128xf32, #tpu.memory_space<vmem>>
      tpu.wait_dma2 semaphore(%run_scoped3A_74 : memref<!tpu.dma_semaphore, #tpu.memory_space<semaphore_mem>>) src(%dma_wait3A_94 : memref<120x128xf32, #tpu.memory_space<vmem>>) dst(%dma_wait3A_91 : memref<120x128xf32, #tpu.memory_space<vmem_shared>>)
      tpu.yield
    }) : () -> ()
    %barrier3A = arith.constant 0 : index
    tpu.barrier barrier_id(%barrier3A)
    %run_scoped3A = arith.constant 0 : i32
    "tpu.region"() ({
      %run_scoped3A_74 = tpu.sem_alloc : memref<!tpu.dma_semaphore, #tpu.memory_space<semaphore_mem>>
      %dma_start3A_75 = arith.constant 0 : i32
      %dma_start3A_76 = arith.constant 0 : i32
      %dma_start3A_77 = arith.constant 0 : i32
      %dma_start3A_78 = tpu.memref_slice %arg3[%arg0, %arg1, %run_scoped3A, %dma_start3A_75, %dma_start3A_76, %dma_start3A_77] : memref<2x16x10x2x8x128xi32, #tpu.memory_space<hbm>> -> memref<1x1x1x2x8x128xi32, #tpu.memory_space<hbm>>
      %dma_start3A_79 = tpu.memref_squeeze %dma_start3A_78 : memref<1x1x1x2x8x128xi32, #tpu.memory_space<hbm>> -> memref<2x8x128xi32, #tpu.memory_space<hbm>>
      %dma_start3A_80 = arith.constant 0 : i32
      %dma_start3A_81 = arith.constant 0 : i32
      %dma_start3A_82 = arith.constant 0 : i32
      %dma_start3A_83 = tpu.memref_slice %arg3[%arg0, %arg1, %run_scoped3A, %dma_start3A_80, %dma_start3A_81, %dma_start3A_82] : memref<2x16x10x2x8x128xi32, #tpu.memory_space<hbm>> -> memref<1x1x1x2x8x128xi32, #tpu.memory_space<hbm>>
      %dma_start3A_84 = tpu.memref_squeeze %dma_start3A_83 : memref<1x1x1x2x8x128xi32, #tpu.memory_space<hbm>> -> memref<2x8x128xi32, #tpu.memory_space<hbm>>
      tpu.enqueue_dma source(%dma_start3A_84 : memref<2x8x128xi32, #tpu.memory_space<hbm>>) target(%arg5 : memref<2x8x128xi32, #tpu.memory_space<vmem>>) target_semaphore(%run_scoped3A_74 : memref<!tpu.dma_semaphore, #tpu.memory_space<semaphore_mem>>)
      %dma_wait3A_85 = arith.constant 0 : i32
      %dma_wait3A_86 = arith.constant 0 : i32
      %dma_wait3A_87 = arith.constant 0 : i32
      %dma_wait3A_88 = tpu.memref_slice %arg3[%arg0, %arg1, %run_scoped3A, %dma_wait3A_85, %dma_wait3A_86, %dma_wait3A_87] : memref<2x16x10x2x8x128xi32, #tpu.memory_space<hbm>> -> memref<1x1x1x2x8x128xi32, #tpu.memory_space<hbm>>
      %dma_wait3A_89 = tpu.memref_squeeze %dma_wait3A_88 : memref<1x1x1x2x8x128xi32, #tpu.memory_space<hbm>> -> memref<2x8x128xi32, #tpu.memory_space<hbm>>
      %dma_wait3A_90 = arith.constant 0 : i32
      %dma_wait3A_91 = arith.constant 0 : i32
      %dma_wait3A_92 = arith.constant 0 : i32
      %dma_wait3A_93 = tpu.memref_slice %arg3[%arg0, %arg1, %run_scoped3A, %dma_wait3A_90, %dma_wait3A_91, %dma_wait3A_92] : memref<2x16x10x2x8x128xi32, #tpu.memory_space<hbm>> -> memref<1x1x1x2x8x128xi32, #tpu.memory_space<hbm>>
      %dma_wait3A_94 = tpu.memref_squeeze %dma_wait3A_93 : memref<1x1x1x2x8x128xi32, #tpu.memory_space<hbm>> -> memref<2x8x128xi32, #tpu.memory_space<hbm>>
      tpu.wait_dma2 semaphore(%run_scoped3A_74 : memref<!tpu.dma_semaphore, #tpu.memory_space<semaphore_mem>>) src(%dma_wait3A_94 : memref<2x8x128xi32, #tpu.memory_space<hbm>>) dst(%arg5 : memref<2x8x128xi32, #tpu.memory_space<vmem>>)
      tpu.yield
    }) : () -> ()
    %dma_start3A = arith.constant 1 : i32
    %dma_start3A_15 = arith.constant 0 : i32
    %dma_start3A_16 = arith.constant 0 : i32
    %dma_start3A_17 = arith.constant 0 : i32
    %dma_start3A_18 = tpu.memref_slice %arg3[%arg0, %arg1, %dma_start3A, %dma_start3A_15, %dma_start3A_16, %dma_start3A_17] : memref<2x16x10x2x8x128xi32, #tpu.memory_space<hbm>> -> memref<1x1x1x2x8x128xi32, #tpu.memory_space<hbm>>
    %dma_start3A_19 = tpu.memref_squeeze %dma_start3A_18 : memref<1x1x1x2x8x128xi32, #tpu.memory_space<hbm>> -> memref<2x8x128xi32, #tpu.memory_space<hbm>>
    %dma_start3A_20 = arith.constant 0 : i32
    %dma_start3A_21 = arith.constant 0 : i32
    %dma_start3A_22 = arith.constant 0 : i32
    %dma_start3A_23 = tpu.memref_slice %arg3[%arg0, %arg1, %dma_start3A, %dma_start3A_20, %dma_start3A_21, %dma_start3A_22] : memref<2x16x10x2x8x128xi32, #tpu.memory_space<hbm>> -> memref<1x1x1x2x8x128xi32, #tpu.memory_space<hbm>>
    %dma_start3A_24 = tpu.memref_squeeze %dma_start3A_23 : memref<1x1x1x2x8x128xi32, #tpu.memory_space<hbm>> -> memref<2x8x128xi32, #tpu.memory_space<hbm>>
    tpu.enqueue_dma source(%dma_start3A_24 : memref<2x8x128xi32, #tpu.memory_space<hbm>>) target(%arg6 : memref<2x8x128xi32, #tpu.memory_space<vmem>>) target_semaphore(%arg11 : memref<!tpu.dma_semaphore, #tpu.memory_space<semaphore_mem>>)
    %dma_start3A_25 = arith.constant 0 : i32
    %dma_start3A_26 = arith.constant 0 : i32
    %dma_start3A_27 = arith.constant 0 : i32
    %dma_start3A_28 = tpu.memref_slice %arg5[%dma_start3A_25, %dma_start3A_26, %dma_start3A_27] : memref<2x8x128xi32, #tpu.memory_space<vmem>> -> memref<1x1x128xi32, #tpu.memory_space<vmem>>
    %dma_start3A_29 = tpu.memref_squeeze %dma_start3A_28 : memref<1x1x128xi32, #tpu.memory_space<vmem>> -> memref<128xi32, #tpu.memory_space<vmem>>
    %dma_start3A_30 = arith.constant 0 : i32
    %dma_start3A_31 = arith.constant 0 : i32
    %dma_start3A_32 = tpu.memref_slice %arg2[%dma_start3A_30, %dma_start3A_31] : memref<10000x128xf32, #tpu.memory_space<hbm>> -> memref<10000x128xf32, #tpu.memory_space<hbm>>
    tpu.enqueue_indirect_dma source(%dma_start3A_32 : memref<10000x128xf32, #tpu.memory_space<hbm>>) target(%arg7 : memref<128x128xf32, #tpu.memory_space<vmem>>) offsets(%dma_start3A_29 : memref<128xi32, #tpu.memory_space<vmem>>) semaphore(%arg12 : memref<!tpu.dma_semaphore, #tpu.memory_space<semaphore_mem>>)
    %dma_start3A_33 = arith.constant 0 : i32
    %dma_start3A_34 = arith.constant 1 : i32
    %dma_start3A_35 = arith.constant 0 : i32
    %dma_start3A_36 = tpu.memref_slice %arg5[%dma_start3A_33, %dma_start3A_34, %dma_start3A_35] : memref<2x8x128xi32, #tpu.memory_space<vmem>> -> memref<1x1x128xi32, #tpu.memory_space<vmem>>
    %dma_start3A_37 = tpu.memref_squeeze %dma_start3A_36 : memref<1x1x128xi32, #tpu.memory_space<vmem>> -> memref<128xi32, #tpu.memory_space<vmem>>
    %dma_start3A_38 = arith.constant 0 : i32
    %dma_start3A_39 = arith.constant 0 : i32
    %dma_start3A_40 = tpu.memref_slice %arg2[%dma_start3A_38, %dma_start3A_39] : memref<10000x128xf32, #tpu.memory_space<hbm>> -> memref<10000x128xf32, #tpu.memory_space<hbm>>
    tpu.enqueue_indirect_dma source(%dma_start3A_40 : memref<10000x128xf32, #tpu.memory_space<hbm>>) target(%arg8 : memref<128x128xf32, #tpu.memory_space<vmem>>) offsets(%dma_start3A_37 : memref<128xi32, #tpu.memory_space<vmem>>) semaphore(%arg13 : memref<!tpu.dma_semaphore, #tpu.memory_space<semaphore_mem>>)
    %scan3A_41 = arith.constant 0 : i32
    %scan3A_42 = arith.constant 0 : i32
    %scan3A_43 = arith.constant 5 : i32
    %scan3A_44 = arith.addi %scan3A_42, %scan3A_43 : i32
    %scan3A_45 = arith.constant 1 : i32
    scf.for %scan3A_74 = %scan3A_42 to %scan3A_44 step %scan3A_45  : i32 {
      %mul3A_75 = arith.constant 2 : i32
      %mul3A_76 = arith.muli %mul3A_75, %scan3A_74 : i32
      %add3A_77 = arith.constant 2 : i32
      %add3A_78 = arith.addi %mul3A_76, %add3A_77 : i32
      %min3A = arith.constant 9 : i32
      %min3A_79 = arith.minsi %add3A_78, %min3A : i32
      %mul3A_80 = arith.constant 2 : i32
      %mul3A_81 = arith.muli %mul3A_80, %scan3A_74 : i32
      %add3A_82 = arith.constant 3 : i32
      %add3A_83 = arith.addi %mul3A_81, %add3A_82 : i32
      %min3A_84 = arith.constant 9 : i32
      %min3A_85 = arith.minsi %add3A_83, %min3A_84 : i32
      %dma_wait3A_86 = arith.constant 0 : i32
      %dma_wait3A_87 = arith.constant 0 : i32
      %dma_wait3A_88 = arith.constant 0 : i32
      %dma_wait3A_89 = tpu.memref_slice %arg5[%dma_wait3A_86, %dma_wait3A_87, %dma_wait3A_88] : memref<2x8x128xi32, #tpu.memory_space<vmem>> -> memref<1x1x128xi32, #tpu.memory_space<vmem>>
      %dma_wait3A_90 = tpu.memref_squeeze %dma_wait3A_89 : memref<1x1x128xi32, #tpu.memory_space<vmem>> -> memref<128xi32, #tpu.memory_space<vmem>>
      %dma_wait3A_91 = arith.constant 0 : i32
      %dma_wait3A_92 = arith.constant 0 : i32
      %dma_wait3A_93 = tpu.memref_slice %arg2[%dma_wait3A_91, %dma_wait3A_92] : memref<10000x128xf32, #tpu.memory_space<hbm>> -> memref<10000x128xf32, #tpu.memory_space<hbm>>
      tpu.wait_indirect_dma semaphore(%arg12 : memref<!tpu.dma_semaphore, #tpu.memory_space<semaphore_mem>>) src(%dma_wait3A_93 : memref<10000x128xf32, #tpu.memory_space<hbm>>) dst(%arg7 : memref<128x128xf32, #tpu.memory_space<vmem>>)
      %run_scoped3A_94 = arith.constant 1 : i32
      %run_scoped3A_95 = arith.constant 0 : i32
      "tpu.region"() ({
        %run_scoped3A_416 = tpu.sem_alloc : memref<!tpu.dma_semaphore, #tpu.memory_space<semaphore_mem>>
        %dma_start3A_417 = arith.constant 0 : i32
        %dma_start3A_418 = tpu.memref_slice %arg5[%run_scoped3A_94, %run_scoped3A_95, %dma_start3A_417] : memref<2x8x128xi32, #tpu.memory_space<vmem>> -> memref<1x1x128xi32, #tpu.memory_space<vmem>>
        %dma_start3A_419 = tpu.memref_squeeze %dma_start3A_418 : memref<1x1x128xi32, #tpu.memory_space<vmem>> -> memref<128xi32, #tpu.memory_space<vmem>>
        %dma_start3A_420 = arith.constant 0 : i32
        %dma_start3A_421 = arith.constant 0 : i32
        %dma_start3A_422 = tpu.memref_slice %arg9[%dma_start3A_420, %dma_start3A_421] : memref<10112x128xf32, #tpu.memory_space<vmem_shared>> -> memref<10112x128xf32, #tpu.memory_space<vmem_shared>>
        tpu.enqueue_indirect_dma source(%arg7 : memref<128x128xf32, #tpu.memory_space<vmem>>) target(%dma_start3A_422 : memref<10112x128xf32, #tpu.memory_space<vmem_shared>>) offsets(%dma_start3A_419 : memref<128xi32, #tpu.memory_space<vmem>>) semaphore(%run_scoped3A_416 : memref<!tpu.dma_semaphore, #tpu.memory_space<semaphore_mem>>) {add = true}
        %dma_wait3A_423 = arith.constant 0 : i32
        %dma_wait3A_424 = tpu.memref_slice %arg5[%run_scoped3A_94, %run_scoped3A_95, %dma_wait3A_423] : memref<2x8x128xi32, #tpu.memory_space<vmem>> -> memref<1x1x128xi32, #tpu.memory_space<vmem>>
        %dma_wait3A_425 = tpu.memref_squeeze %dma_wait3A_424 : memref<1x1x128xi32, #tpu.memory_space<vmem>> -> memref<128xi32, #tpu.memory_space<vmem>>
        %dma_wait3A_426 = arith.constant 0 : i32
        %dma_wait3A_427 = arith.constant 0 : i32
        %dma_wait3A_428 = tpu.memref_slice %arg9[%dma_wait3A_426, %dma_wait3A_427] : memref<10112x128xf32, #tpu.memory_space<vmem_shared>> -> memref<10112x128xf32, #tpu.memory_space<vmem_shared>>
        tpu.wait_indirect_dma semaphore(%run_scoped3A_416 : memref<!tpu.dma_semaphore, #tpu.memory_space<semaphore_mem>>) src(%arg7 : memref<128x128xf32, #tpu.memory_space<vmem>>) dst(%dma_wait3A_428 : memref<10112x128xf32, #tpu.memory_space<vmem_shared>>)
        tpu.yield
      }) : () -> ()
      %dma_start3A_96 = arith.constant 0 : i32
      %dma_start3A_97 = arith.constant 2 : i32
      %dma_start3A_98 = arith.constant 0 : i32
      %dma_start3A_99 = tpu.memref_slice %arg5[%dma_start3A_96, %dma_start3A_97, %dma_start3A_98] : memref<2x8x128xi32, #tpu.memory_space<vmem>> -> memref<1x1x128xi32, #tpu.memory_space<vmem>>
      %dma_start3A_100 = tpu.memref_squeeze %dma_start3A_99 : memref<1x1x128xi32, #tpu.memory_space<vmem>> -> memref<128xi32, #tpu.memory_space<vmem>>
      %dma_start3A_101 = arith.constant 0 : i32
      %dma_start3A_102 = arith.constant 0 : i32
      %dma_start3A_103 = tpu.memref_slice %arg2[%dma_start3A_101, %dma_start3A_102] : memref<10000x128xf32, #tpu.memory_space<hbm>> -> memref<10000x128xf32, #tpu.memory_space<hbm>>
      tpu.enqueue_indirect_dma source(%dma_start3A_103 : memref<10000x128xf32, #tpu.memory_space<hbm>>) target(%arg7 : memref<128x128xf32, #tpu.memory_space<vmem>>) offsets(%dma_start3A_100 : memref<128xi32, #tpu.memory_space<vmem>>) semaphore(%arg12 : memref<!tpu.dma_semaphore, #tpu.memory_space<semaphore_mem>>)
      %dma_wait3A_104 = arith.constant 0 : i32
      %dma_wait3A_105 = arith.constant 1 : i32
      %dma_wait3A_106 = arith.constant 0 : i32
      %dma_wait3A_107 = tpu.memref_slice %arg5[%dma_wait3A_104, %dma_wait3A_105, %dma_wait3A_106] : memref<2x8x128xi32, #tpu.memory_space<vmem>> -> memref<1x1x128xi32, #tpu.memory_space<vmem>>
      %dma_wait3A_108 = tpu.memref_squeeze %dma_wait3A_107 : memref<1x1x128xi32, #tpu.memory_space<vmem>> -> memref<128xi32, #tpu.memory_space<vmem>>
      %dma_wait3A_109 = arith.constant 0 : i32
      %dma_wait3A_110 = arith.constant 0 : i32
      %dma_wait3A_111 = tpu.memref_slice %arg2[%dma_wait3A_109, %dma_wait3A_110] : memref<10000x128xf32, #tpu.memory_space<hbm>> -> memref<10000x128xf32, #tpu.memory_space<hbm>>
      tpu.wait_indirect_dma semaphore(%arg13 : memref<!tpu.dma_semaphore, #tpu.memory_space<semaphore_mem>>) src(%dma_wait3A_111 : memref<10000x128xf32, #tpu.memory_space<hbm>>) dst(%arg8 : memref<128x128xf32, #tpu.memory_space<vmem>>)
      %run_scoped3A_112 = arith.constant 1 : i32
      %run_scoped3A_113 = arith.constant 1 : i32
      "tpu.region"() ({
        %run_scoped3A_416 = tpu.sem_alloc : memref<!tpu.dma_semaphore, #tpu.memory_space<semaphore_mem>>
        %dma_start3A_417 = arith.constant 0 : i32
        %dma_start3A_418 = tpu.memref_slice %arg5[%run_scoped3A_112, %run_scoped3A_113, %dma_start3A_417] : memref<2x8x128xi32, #tpu.memory_space<vmem>> -> memref<1x1x128xi32, #tpu.memory_space<vmem>>
        %dma_start3A_419 = tpu.memref_squeeze %dma_start3A_418 : memref<1x1x128xi32, #tpu.memory_space<vmem>> -> memref<128xi32, #tpu.memory_space<vmem>>
        %dma_start3A_420 = arith.constant 0 : i32
        %dma_start3A_421 = arith.constant 0 : i32
        %dma_start3A_422 = tpu.memref_slice %arg9[%dma_start3A_420, %dma_start3A_421] : memref<10112x128xf32, #tpu.memory_space<vmem_shared>> -> memref<10112x128xf32, #tpu.memory_space<vmem_shared>>
        tpu.enqueue_indirect_dma source(%arg8 : memref<128x128xf32, #tpu.memory_space<vmem>>) target(%dma_start3A_422 : memref<10112x128xf32, #tpu.memory_space<vmem_shared>>) offsets(%dma_start3A_419 : memref<128xi32, #tpu.memory_space<vmem>>) semaphore(%run_scoped3A_416 : memref<!tpu.dma_semaphore, #tpu.memory_space<semaphore_mem>>) {add = true}
        %dma_wait3A_423 = arith.constant 0 : i32
        %dma_wait3A_424 = tpu.memref_slice %arg5[%run_scoped3A_112, %run_scoped3A_113, %dma_wait3A_423] : memref<2x8x128xi32, #tpu.memory_space<vmem>> -> memref<1x1x128xi32, #tpu.memory_space<vmem>>
        %dma_wait3A_425 = tpu.memref_squeeze %dma_wait3A_424 : memref<1x1x128xi32, #tpu.memory_space<vmem>> -> memref<128xi32, #tpu.memory_space<vmem>>
        %dma_wait3A_426 = arith.constant 0 : i32
        %dma_wait3A_427 = arith.constant 0 : i32
        %dma_wait3A_428 = tpu.memref_slice %arg9[%dma_wait3A_426, %dma_wait3A_427] : memref<10112x128xf32, #tpu.memory_space<vmem_shared>> -> memref<10112x128xf32, #tpu.memory_space<vmem_shared>>
        tpu.wait_indirect_dma semaphore(%run_scoped3A_416 : memref<!tpu.dma_semaphore, #tpu.memory_space<semaphore_mem>>) src(%arg8 : memref<128x128xf32, #tpu.memory_space<vmem>>) dst(%dma_wait3A_428 : memref<10112x128xf32, #tpu.memory_space<vmem_shared>>)
        tpu.yield
      }) : () -> ()
      %dma_start3A_114 = arith.constant 0 : i32
      %dma_start3A_115 = arith.constant 3 : i32
      %dma_start3A_116 = arith.constant 0 : i32
      %dma_start3A_117 = tpu.memref_slice %arg5[%dma_start3A_114, %dma_start3A_115, %dma_start3A_116] : memref<2x8x128xi32, #tpu.memory_space<vmem>> -> memref<1x1x128xi32, #tpu.memory_space<vmem>>
      %dma_start3A_118 = tpu.memref_squeeze %dma_start3A_117 : memref<1x1x128xi32, #tpu.memory_space<vmem>> -> memref<128xi32, #tpu.memory_space<vmem>>
      %dma_start3A_119 = arith.constant 0 : i32
      %dma_start3A_120 = arith.constant 0 : i32
      %dma_start3A_121 = tpu.memref_slice %arg2[%dma_start3A_119, %dma_start3A_120] : memref<10000x128xf32, #tpu.memory_space<hbm>> -> memref<10000x128xf32, #tpu.memory_space<hbm>>
      tpu.enqueue_indirect_dma source(%dma_start3A_121 : memref<10000x128xf32, #tpu.memory_space<hbm>>) target(%arg8 : memref<128x128xf32, #tpu.memory_space<vmem>>) offsets(%dma_start3A_118 : memref<128xi32, #tpu.memory_space<vmem>>) semaphore(%arg13 : memref<!tpu.dma_semaphore, #tpu.memory_space<semaphore_mem>>)
      %dma_wait3A_122 = arith.constant 0 : i32
      %dma_wait3A_123 = arith.constant 2 : i32
      %dma_wait3A_124 = arith.constant 0 : i32
      %dma_wait3A_125 = tpu.memref_slice %arg5[%dma_wait3A_122, %dma_wait3A_123, %dma_wait3A_124] : memref<2x8x128xi32, #tpu.memory_space<vmem>> -> memref<1x1x128xi32, #tpu.memory_space<vmem>>
      %dma_wait3A_126 = tpu.memref_squeeze %dma_wait3A_125 : memref<1x1x128xi32, #tpu.memory_space<vmem>> -> memref<128xi32, #tpu.memory_space<vmem>>
      %dma_wait3A_127 = arith.constant 0 : i32
      %dma_wait3A_128 = arith.constant 0 : i32
      %dma_wait3A_129 = tpu.memref_slice %arg2[%dma_wait3A_127, %dma_wait3A_128] : memref<10000x128xf32, #tpu.memory_space<hbm>> -> memref<10000x128xf32, #tpu.memory_space<hbm>>
      tpu.wait_indirect_dma semaphore(%arg12 : memref<!tpu.dma_semaphore, #tpu.memory_space<semaphore_mem>>) src(%dma_wait3A_129 : memref<10000x128xf32, #tpu.memory_space<hbm>>) dst(%arg7 : memref<128x128xf32, #tpu.memory_space<vmem>>)
      %run_scoped3A_130 = arith.constant 1 : i32
      %run_scoped3A_131 = arith.constant 2 : i32
      "tpu.region"() ({
        %run_scoped3A_416 = tpu.sem_alloc : memref<!tpu.dma_semaphore, #tpu.memory_space<semaphore_mem>>
        %dma_start3A_417 = arith.constant 0 : i32
        %dma_start3A_418 = tpu.memref_slice %arg5[%run_scoped3A_130, %run_scoped3A_131, %dma_start3A_417] : memref<2x8x128xi32, #tpu.memory_space<vmem>> -> memref<1x1x128xi32, #tpu.memory_space<vmem>>
        %dma_start3A_419 = tpu.memref_squeeze %dma_start3A_418 : memref<1x1x128xi32, #tpu.memory_space<vmem>> -> memref<128xi32, #tpu.memory_space<vmem>>
        %dma_start3A_420 = arith.constant 0 : i32
        %dma_start3A_421 = arith.constant 0 : i32
        %dma_start3A_422 = tpu.memref_slice %arg9[%dma_start3A_420, %dma_start3A_421] : memref<10112x128xf32, #tpu.memory_space<vmem_shared>> -> memref<10112x128xf32, #tpu.memory_space<vmem_shared>>
        tpu.enqueue_indirect_dma source(%arg7 : memref<128x128xf32, #tpu.memory_space<vmem>>) target(%dma_start3A_422 : memref<10112x128xf32, #tpu.memory_space<vmem_shared>>) offsets(%dma_start3A_419 : memref<128xi32, #tpu.memory_space<vmem>>) semaphore(%run_scoped3A_416 : memref<!tpu.dma_semaphore, #tpu.memory_space<semaphore_mem>>) {add = true}
        %dma_wait3A_423 = arith.constant 0 : i32
        %dma_wait3A_424 = tpu.memref_slice %arg5[%run_scoped3A_130, %run_scoped3A_131, %dma_wait3A_423] : memref<2x8x128xi32, #tpu.memory_space<vmem>> -> memref<1x1x128xi32, #tpu.memory_space<vmem>>
        %dma_wait3A_425 = tpu.memref_squeeze %dma_wait3A_424 : memref<1x1x128xi32, #tpu.memory_space<vmem>> -> memref<128xi32, #tpu.memory_space<vmem>>
        %dma_wait3A_426 = arith.constant 0 : i32
        %dma_wait3A_427 = arith.constant 0 : i32
        %dma_wait3A_428 = tpu.memref_slice %arg9[%dma_wait3A_426, %dma_wait3A_427] : memref<10112x128xf32, #tpu.memory_space<vmem_shared>> -> memref<10112x128xf32, #tpu.memory_space<vmem_shared>>
        tpu.wait_indirect_dma semaphore(%run_scoped3A_416 : memref<!tpu.dma_semaphore, #tpu.memory_space<semaphore_mem>>) src(%arg7 : memref<128x128xf32, #tpu.memory_space<vmem>>) dst(%dma_wait3A_428 : memref<10112x128xf32, #tpu.memory_space<vmem_shared>>)
        tpu.yield
      }) : () -> ()
      %dma_start3A_132 = arith.constant 0 : i32
      %dma_start3A_133 = arith.constant 4 : i32
      %dma_start3A_134 = arith.constant 0 : i32
      %dma_start3A_135 = tpu.memref_slice %arg5[%dma_start3A_132, %dma_start3A_133, %dma_start3A_134] : memref<2x8x128xi32, #tpu.memory_space<vmem>> -> memref<1x1x128xi32, #tpu.memory_space<vmem>>
      %dma_start3A_136 = tpu.memref_squeeze %dma_start3A_135 : memref<1x1x128xi32, #tpu.memory_space<vmem>> -> memref<128xi32, #tpu.memory_space<vmem>>
      %dma_start3A_137 = arith.constant 0 : i32
      %dma_start3A_138 = arith.constant 0 : i32
      %dma_start3A_139 = tpu.memref_slice %arg2[%dma_start3A_137, %dma_start3A_138] : memref<10000x128xf32, #tpu.memory_space<hbm>> -> memref<10000x128xf32, #tpu.memory_space<hbm>>
      tpu.enqueue_indirect_dma source(%dma_start3A_139 : memref<10000x128xf32, #tpu.memory_space<hbm>>) target(%arg7 : memref<128x128xf32, #tpu.memory_space<vmem>>) offsets(%dma_start3A_136 : memref<128xi32, #tpu.memory_space<vmem>>) semaphore(%arg12 : memref<!tpu.dma_semaphore, #tpu.memory_space<semaphore_mem>>)
      %dma_wait3A_140 = arith.constant 0 : i32
      %dma_wait3A_141 = arith.constant 3 : i32
      %dma_wait3A_142 = arith.constant 0 : i32
      %dma_wait3A_143 = tpu.memref_slice %arg5[%dma_wait3A_140, %dma_wait3A_141, %dma_wait3A_142] : memref<2x8x128xi32, #tpu.memory_space<vmem>> -> memref<1x1x128xi32, #tpu.memory_space<vmem>>
      %dma_wait3A_144 = tpu.memref_squeeze %dma_wait3A_143 : memref<1x1x128xi32, #tpu.memory_space<vmem>> -> memref<128xi32, #tpu.memory_space<vmem>>
      %dma_wait3A_145 = arith.constant 0 : i32
      %dma_wait3A_146 = arith.constant 0 : i32
      %dma_wait3A_147 = tpu.memref_slice %arg2[%dma_wait3A_145, %dma_wait3A_146] : memref<10000x128xf32, #tpu.memory_space<hbm>> -> memref<10000x128xf32, #tpu.memory_space<hbm>>
      tpu.wait_indirect_dma semaphore(%arg13 : memref<!tpu.dma_semaphore, #tpu.memory_space<semaphore_mem>>) src(%dma_wait3A_147 : memref<10000x128xf32, #tpu.memory_space<hbm>>) dst(%arg8 : memref<128x128xf32, #tpu.memory_space<vmem>>)
      %run_scoped3A_148 = arith.constant 1 : i32
      %run_scoped3A_149 = arith.constant 3 : i32
      "tpu.region"() ({
        %run_scoped3A_416 = tpu.sem_alloc : memref<!tpu.dma_semaphore, #tpu.memory_space<semaphore_mem>>
        %dma_start3A_417 = arith.constant 0 : i32
        %dma_start3A_418 = tpu.memref_slice %arg5[%run_scoped3A_148, %run_scoped3A_149, %dma_start3A_417] : memref<2x8x128xi32, #tpu.memory_space<vmem>> -> memref<1x1x128xi32, #tpu.memory_space<vmem>>
        %dma_start3A_419 = tpu.memref_squeeze %dma_start3A_418 : memref<1x1x128xi32, #tpu.memory_space<vmem>> -> memref<128xi32, #tpu.memory_space<vmem>>
        %dma_start3A_420 = arith.constant 0 : i32
        %dma_start3A_421 = arith.constant 0 : i32
        %dma_start3A_422 = tpu.memref_slice %arg9[%dma_start3A_420, %dma_start3A_421] : memref<10112x128xf32, #tpu.memory_space<vmem_shared>> -> memref<10112x128xf32, #tpu.memory_space<vmem_shared>>
        tpu.enqueue_indirect_dma source(%arg8 : memref<128x128xf32, #tpu.memory_space<vmem>>) target(%dma_start3A_422 : memref<10112x128xf32, #tpu.memory_space<vmem_shared>>) offsets(%dma_start3A_419 : memref<128xi32, #tpu.memory_space<vmem>>) semaphore(%run_scoped3A_416 : memref<!tpu.dma_semaphore, #tpu.memory_space<semaphore_mem>>) {add = true}
        %dma_wait3A_423 = arith.constant 0 : i32
        %dma_wait3A_424 = tpu.memref_slice %arg5[%run_scoped3A_148, %run_scoped3A_149, %dma_wait3A_423] : memref<2x8x128xi32, #tpu.memory_space<vmem>> -> memref<1x1x128xi32, #tpu.memory_space<vmem>>
        %dma_wait3A_425 = tpu.memref_squeeze %dma_wait3A_424 : memref<1x1x128xi32, #tpu.memory_space<vmem>> -> memref<128xi32, #tpu.memory_space<vmem>>
        %dma_wait3A_426 = arith.constant 0 : i32
        %dma_wait3A_427 = arith.constant 0 : i32
        %dma_wait3A_428 = tpu.memref_slice %arg9[%dma_wait3A_426, %dma_wait3A_427] : memref<10112x128xf32, #tpu.memory_space<vmem_shared>> -> memref<10112x128xf32, #tpu.memory_space<vmem_shared>>
        tpu.wait_indirect_dma semaphore(%run_scoped3A_416 : memref<!tpu.dma_semaphore, #tpu.memory_space<semaphore_mem>>) src(%arg8 : memref<128x128xf32, #tpu.memory_space<vmem>>) dst(%dma_wait3A_428 : memref<10112x128xf32, #tpu.memory_space<vmem_shared>>)
        tpu.yield
      }) : () -> ()
      %dma_start3A_150 = arith.constant 0 : i32
      %dma_start3A_151 = arith.constant 5 : i32
      %dma_start3A_152 = arith.constant 0 : i32
      %dma_start3A_153 = tpu.memref_slice %arg5[%dma_start3A_150, %dma_start3A_151, %dma_start3A_152] : memref<2x8x128xi32, #tpu.memory_space<vmem>> -> memref<1x1x128xi32, #tpu.memory_space<vmem>>
      %dma_start3A_154 = tpu.memref_squeeze %dma_start3A_153 : memref<1x1x128xi32, #tpu.memory_space<vmem>> -> memref<128xi32, #tpu.memory_space<vmem>>
      %dma_start3A_155 = arith.constant 0 : i32
      %dma_start3A_156 = arith.constant 0 : i32
      %dma_start3A_157 = tpu.memref_slice %arg2[%dma_start3A_155, %dma_start3A_156] : memref<10000x128xf32, #tpu.memory_space<hbm>> -> memref<10000x128xf32, #tpu.memory_space<hbm>>
      tpu.enqueue_indirect_dma source(%dma_start3A_157 : memref<10000x128xf32, #tpu.memory_space<hbm>>) target(%arg8 : memref<128x128xf32, #tpu.memory_space<vmem>>) offsets(%dma_start3A_154 : memref<128xi32, #tpu.memory_space<vmem>>) semaphore(%arg13 : memref<!tpu.dma_semaphore, #tpu.memory_space<semaphore_mem>>)
      %dma_wait3A_158 = arith.constant 0 : i32
      %dma_wait3A_159 = arith.constant 4 : i32
      %dma_wait3A_160 = arith.constant 0 : i32
      %dma_wait3A_161 = tpu.memref_slice %arg5[%dma_wait3A_158, %dma_wait3A_159, %dma_wait3A_160] : memref<2x8x128xi32, #tpu.memory_space<vmem>> -> memref<1x1x128xi32, #tpu.memory_space<vmem>>
      %dma_wait3A_162 = tpu.memref_squeeze %dma_wait3A_161 : memref<1x1x128xi32, #tpu.memory_space<vmem>> -> memref<128xi32, #tpu.memory_space<vmem>>
      %dma_wait3A_163 = arith.constant 0 : i32
      %dma_wait3A_164 = arith.constant 0 : i32
      %dma_wait3A_165 = tpu.memref_slice %arg2[%dma_wait3A_163, %dma_wait3A_164] : memref<10000x128xf32, #tpu.memory_space<hbm>> -> memref<10000x128xf32, #tpu.memory_space<hbm>>
      tpu.wait_indirect_dma semaphore(%arg12 : memref<!tpu.dma_semaphore, #tpu.memory_space<semaphore_mem>>) src(%dma_wait3A_165 : memref<10000x128xf32, #tpu.memory_space<hbm>>) dst(%arg7 : memref<128x128xf32, #tpu.memory_space<vmem>>)
      %run_scoped3A_166 = arith.constant 1 : i32
      %run_scoped3A_167 = arith.constant 4 : i32
      "tpu.region"() ({
        %run_scoped3A_416 = tpu.sem_alloc : memref<!tpu.dma_semaphore, #tpu.memory_space<semaphore_mem>>
        %dma_start3A_417 = arith.constant 0 : i32
        %dma_start3A_418 = tpu.memref_slice %arg5[%run_scoped3A_166, %run_scoped3A_167, %dma_start3A_417] : memref<2x8x128xi32, #tpu.memory_space<vmem>> -> memref<1x1x128xi32, #tpu.memory_space<vmem>>
        %dma_start3A_419 = tpu.memref_squeeze %dma_start3A_418 : memref<1x1x128xi32, #tpu.memory_space<vmem>> -> memref<128xi32, #tpu.memory_space<vmem>>
        %dma_start3A_420 = arith.constant 0 : i32
        %dma_start3A_421 = arith.constant 0 : i32
        %dma_start3A_422 = tpu.memref_slice %arg9[%dma_start3A_420, %dma_start3A_421] : memref<10112x128xf32, #tpu.memory_space<vmem_shared>> -> memref<10112x128xf32, #tpu.memory_space<vmem_shared>>
        tpu.enqueue_indirect_dma source(%arg7 : memref<128x128xf32, #tpu.memory_space<vmem>>) target(%dma_start3A_422 : memref<10112x128xf32, #tpu.memory_space<vmem_shared>>) offsets(%dma_start3A_419 : memref<128xi32, #tpu.memory_space<vmem>>) semaphore(%run_scoped3A_416 : memref<!tpu.dma_semaphore, #tpu.memory_space<semaphore_mem>>) {add = true}
        %dma_wait3A_423 = arith.constant 0 : i32
        %dma_wait3A_424 = tpu.memref_slice %arg5[%run_scoped3A_166, %run_scoped3A_167, %dma_wait3A_423] : memref<2x8x128xi32, #tpu.memory_space<vmem>> -> memref<1x1x128xi32, #tpu.memory_space<vmem>>
        %dma_wait3A_425 = tpu.memref_squeeze %dma_wait3A_424 : memref<1x1x128xi32, #tpu.memory_space<vmem>> -> memref<128xi32, #tpu.memory_space<vmem>>
        %dma_wait3A_426 = arith.constant 0 : i32
        %dma_wait3A_427 = arith.constant 0 : i32
        %dma_wait3A_428 = tpu.memref_slice %arg9[%dma_wait3A_426, %dma_wait3A_427] : memref<10112x128xf32, #tpu.memory_space<vmem_shared>> -> memref<10112x128xf32, #tpu.memory_space<vmem_shared>>
        tpu.wait_indirect_dma semaphore(%run_scoped3A_416 : memref<!tpu.dma_semaphore, #tpu.memory_space<semaphore_mem>>) src(%arg7 : memref<128x128xf32, #tpu.memory_space<vmem>>) dst(%dma_wait3A_428 : memref<10112x128xf32, #tpu.memory_space<vmem_shared>>)
        tpu.yield
      }) : () -> ()
      %dma_start3A_168 = arith.constant 0 : i32
      %dma_start3A_169 = arith.constant 6 : i32
      %dma_start3A_170 = arith.constant 0 : i32
      %dma_start3A_171 = tpu.memref_slice %arg5[%dma_start3A_168, %dma_start3A_169, %dma_start3A_170] : memref<2x8x128xi32, #tpu.memory_space<vmem>> -> memref<1x1x128xi32, #tpu.memory_space<vmem>>
      %dma_start3A_172 = tpu.memref_squeeze %dma_start3A_171 : memref<1x1x128xi32, #tpu.memory_space<vmem>> -> memref<128xi32, #tpu.memory_space<vmem>>
      %dma_start3A_173 = arith.constant 0 : i32
      %dma_start3A_174 = arith.constant 0 : i32
      %dma_start3A_175 = tpu.memref_slice %arg2[%dma_start3A_173, %dma_start3A_174] : memref<10000x128xf32, #tpu.memory_space<hbm>> -> memref<10000x128xf32, #tpu.memory_space<hbm>>
      tpu.enqueue_indirect_dma source(%dma_start3A_175 : memref<10000x128xf32, #tpu.memory_space<hbm>>) target(%arg7 : memref<128x128xf32, #tpu.memory_space<vmem>>) offsets(%dma_start3A_172 : memref<128xi32, #tpu.memory_space<vmem>>) semaphore(%arg12 : memref<!tpu.dma_semaphore, #tpu.memory_space<semaphore_mem>>)
      %dma_wait3A_176 = arith.constant 0 : i32
      %dma_wait3A_177 = arith.constant 5 : i32
      %dma_wait3A_178 = arith.constant 0 : i32
      %dma_wait3A_179 = tpu.memref_slice %arg5[%dma_wait3A_176, %dma_wait3A_177, %dma_wait3A_178] : memref<2x8x128xi32, #tpu.memory_space<vmem>> -> memref<1x1x128xi32, #tpu.memory_space<vmem>>
      %dma_wait3A_180 = tpu.memref_squeeze %dma_wait3A_179 : memref<1x1x128xi32, #tpu.memory_space<vmem>> -> memref<128xi32, #tpu.memory_space<vmem>>
      %dma_wait3A_181 = arith.constant 0 : i32
      %dma_wait3A_182 = arith.constant 0 : i32
      %dma_wait3A_183 = tpu.memref_slice %arg2[%dma_wait3A_181, %dma_wait3A_182] : memref<10000x128xf32, #tpu.memory_space<hbm>> -> memref<10000x128xf32, #tpu.memory_space<hbm>>
      tpu.wait_indirect_dma semaphore(%arg13 : memref<!tpu.dma_semaphore, #tpu.memory_space<semaphore_mem>>) src(%dma_wait3A_183 : memref<10000x128xf32, #tpu.memory_space<hbm>>) dst(%arg8 : memref<128x128xf32, #tpu.memory_space<vmem>>)
      %run_scoped3A_184 = arith.constant 1 : i32
      %run_scoped3A_185 = arith.constant 5 : i32
      "tpu.region"() ({
        %run_scoped3A_416 = tpu.sem_alloc : memref<!tpu.dma_semaphore, #tpu.memory_space<semaphore_mem>>
        %dma_start3A_417 = arith.constant 0 : i32
        %dma_start3A_418 = tpu.memref_slice %arg5[%run_scoped3A_184, %run_scoped3A_185, %dma_start3A_417] : memref<2x8x128xi32, #tpu.memory_space<vmem>> -> memref<1x1x128xi32, #tpu.memory_space<vmem>>
        %dma_start3A_419 = tpu.memref_squeeze %dma_start3A_418 : memref<1x1x128xi32, #tpu.memory_space<vmem>> -> memref<128xi32, #tpu.memory_space<vmem>>
        %dma_start3A_420 = arith.constant 0 : i32
        %dma_start3A_421 = arith.constant 0 : i32
        %dma_start3A_422 = tpu.memref_slice %arg9[%dma_start3A_420, %dma_start3A_421] : memref<10112x128xf32, #tpu.memory_space<vmem_shared>> -> memref<10112x128xf32, #tpu.memory_space<vmem_shared>>
        tpu.enqueue_indirect_dma source(%arg8 : memref<128x128xf32, #tpu.memory_space<vmem>>) target(%dma_start3A_422 : memref<10112x128xf32, #tpu.memory_space<vmem_shared>>) offsets(%dma_start3A_419 : memref<128xi32, #tpu.memory_space<vmem>>) semaphore(%run_scoped3A_416 : memref<!tpu.dma_semaphore, #tpu.memory_space<semaphore_mem>>) {add = true}
        %dma_wait3A_423 = arith.constant 0 : i32
        %dma_wait3A_424 = tpu.memref_slice %arg5[%run_scoped3A_184, %run_scoped3A_185, %dma_wait3A_423] : memref<2x8x128xi32, #tpu.memory_space<vmem>> -> memref<1x1x128xi32, #tpu.memory_space<vmem>>
        %dma_wait3A_425 = tpu.memref_squeeze %dma_wait3A_424 : memref<1x1x128xi32, #tpu.memory_space<vmem>> -> memref<128xi32, #tpu.memory_space<vmem>>
        %dma_wait3A_426 = arith.constant 0 : i32
        %dma_wait3A_427 = arith.constant 0 : i32
        %dma_wait3A_428 = tpu.memref_slice %arg9[%dma_wait3A_426, %dma_wait3A_427] : memref<10112x128xf32, #tpu.memory_space<vmem_shared>> -> memref<10112x128xf32, #tpu.memory_space<vmem_shared>>
        tpu.wait_indirect_dma semaphore(%run_scoped3A_416 : memref<!tpu.dma_semaphore, #tpu.memory_space<semaphore_mem>>) src(%arg8 : memref<128x128xf32, #tpu.memory_space<vmem>>) dst(%dma_wait3A_428 : memref<10112x128xf32, #tpu.memory_space<vmem_shared>>)
        tpu.yield
      }) : () -> ()
      %dma_start3A_186 = arith.constant 0 : i32
      %dma_start3A_187 = arith.constant 7 : i32
      %dma_start3A_188 = arith.constant 0 : i32
      %dma_start3A_189 = tpu.memref_slice %arg5[%dma_start3A_186, %dma_start3A_187, %dma_start3A_188] : memref<2x8x128xi32, #tpu.memory_space<vmem>> -> memref<1x1x128xi32, #tpu.memory_space<vmem>>
      %dma_start3A_190 = tpu.memref_squeeze %dma_start3A_189 : memref<1x1x128xi32, #tpu.memory_space<vmem>> -> memref<128xi32, #tpu.memory_space<vmem>>
      %dma_start3A_191 = arith.constant 0 : i32
      %dma_start3A_192 = arith.constant 0 : i32
      %dma_start3A_193 = tpu.memref_slice %arg2[%dma_start3A_191, %dma_start3A_192] : memref<10000x128xf32, #tpu.memory_space<hbm>> -> memref<10000x128xf32, #tpu.memory_space<hbm>>
      tpu.enqueue_indirect_dma source(%dma_start3A_193 : memref<10000x128xf32, #tpu.memory_space<hbm>>) target(%arg8 : memref<128x128xf32, #tpu.memory_space<vmem>>) offsets(%dma_start3A_190 : memref<128xi32, #tpu.memory_space<vmem>>) semaphore(%arg13 : memref<!tpu.dma_semaphore, #tpu.memory_space<semaphore_mem>>)
      %dma_wait3A_194 = arith.constant 0 : i32
      %dma_wait3A_195 = arith.constant 0 : i32
      %dma_wait3A_196 = arith.constant 0 : i32
      %dma_wait3A_197 = arith.constant 0 : i32
      %dma_wait3A_198 = tpu.memref_slice %arg3[%arg0, %arg1, %dma_wait3A_194, %dma_wait3A_195, %dma_wait3A_196, %dma_wait3A_197] : memref<2x16x10x2x8x128xi32, #tpu.memory_space<hbm>> -> memref<1x1x1x2x8x128xi32, #tpu.memory_space<hbm>>
      %dma_wait3A_199 = tpu.memref_squeeze %dma_wait3A_198 : memref<1x1x1x2x8x128xi32, #tpu.memory_space<hbm>> -> memref<2x8x128xi32, #tpu.memory_space<hbm>>
      %dma_wait3A_200 = arith.constant 0 : i32
      %dma_wait3A_201 = arith.constant 0 : i32
      %dma_wait3A_202 = arith.constant 0 : i32
      %dma_wait3A_203 = tpu.memref_slice %arg3[%arg0, %arg1, %dma_wait3A_194, %dma_wait3A_200, %dma_wait3A_201, %dma_wait3A_202] : memref<2x16x10x2x8x128xi32, #tpu.memory_space<hbm>> -> memref<1x1x1x2x8x128xi32, #tpu.memory_space<hbm>>
      %dma_wait3A_204 = tpu.memref_squeeze %dma_wait3A_203 : memref<1x1x1x2x8x128xi32, #tpu.memory_space<hbm>> -> memref<2x8x128xi32, #tpu.memory_space<hbm>>
      tpu.wait_dma2 semaphore(%arg11 : memref<!tpu.dma_semaphore, #tpu.memory_space<semaphore_mem>>) src(%dma_wait3A_204 : memref<2x8x128xi32, #tpu.memory_space<hbm>>) dst(%arg6 : memref<2x8x128xi32, #tpu.memory_space<vmem>>)
      %dma_wait3A_205 = arith.constant 0 : i32
      %dma_wait3A_206 = arith.constant 6 : i32
      %dma_wait3A_207 = arith.constant 0 : i32
      %dma_wait3A_208 = tpu.memref_slice %arg5[%dma_wait3A_205, %dma_wait3A_206, %dma_wait3A_207] : memref<2x8x128xi32, #tpu.memory_space<vmem>> -> memref<1x1x128xi32, #tpu.memory_space<vmem>>
      %dma_wait3A_209 = tpu.memref_squeeze %dma_wait3A_208 : memref<1x1x128xi32, #tpu.memory_space<vmem>> -> memref<128xi32, #tpu.memory_space<vmem>>
      %dma_wait3A_210 = arith.constant 0 : i32
      %dma_wait3A_211 = arith.constant 0 : i32
      %dma_wait3A_212 = tpu.memref_slice %arg2[%dma_wait3A_210, %dma_wait3A_211] : memref<10000x128xf32, #tpu.memory_space<hbm>> -> memref<10000x128xf32, #tpu.memory_space<hbm>>
      tpu.wait_indirect_dma semaphore(%arg12 : memref<!tpu.dma_semaphore, #tpu.memory_space<semaphore_mem>>) src(%dma_wait3A_212 : memref<10000x128xf32, #tpu.memory_space<hbm>>) dst(%arg7 : memref<128x128xf32, #tpu.memory_space<vmem>>)
      %run_scoped3A_213 = arith.constant 1 : i32
      %run_scoped3A_214 = arith.constant 6 : i32
      "tpu.region"() ({
        %run_scoped3A_416 = tpu.sem_alloc : memref<!tpu.dma_semaphore, #tpu.memory_space<semaphore_mem>>
        %dma_start3A_417 = arith.constant 0 : i32
        %dma_start3A_418 = tpu.memref_slice %arg5[%run_scoped3A_213, %run_scoped3A_214, %dma_start3A_417] : memref<2x8x128xi32, #tpu.memory_space<vmem>> -> memref<1x1x128xi32, #tpu.memory_space<vmem>>
        %dma_start3A_419 = tpu.memref_squeeze %dma_start3A_418 : memref<1x1x128xi32, #tpu.memory_space<vmem>> -> memref<128xi32, #tpu.memory_space<vmem>>
        %dma_start3A_420 = arith.constant 0 : i32
        %dma_start3A_421 = arith.constant 0 : i32
        %dma_start3A_422 = tpu.memref_slice %arg9[%dma_start3A_420, %dma_start3A_421] : memref<10112x128xf32, #tpu.memory_space<vmem_shared>> -> memref<10112x128xf32, #tpu.memory_space<vmem_shared>>
        tpu.enqueue_indirect_dma source(%arg7 : memref<128x128xf32, #tpu.memory_space<vmem>>) target(%dma_start3A_422 : memref<10112x128xf32, #tpu.memory_space<vmem_shared>>) offsets(%dma_start3A_419 : memref<128xi32, #tpu.memory_space<vmem>>) semaphore(%run_scoped3A_416 : memref<!tpu.dma_semaphore, #tpu.memory_space<semaphore_mem>>) {add = true}
        %dma_wait3A_423 = arith.constant 0 : i32
        %dma_wait3A_424 = tpu.memref_slice %arg5[%run_scoped3A_213, %run_scoped3A_214, %dma_wait3A_423] : memref<2x8x128xi32, #tpu.memory_space<vmem>> -> memref<1x1x128xi32, #tpu.memory_space<vmem>>
        %dma_wait3A_425 = tpu.memref_squeeze %dma_wait3A_424 : memref<1x1x128xi32, #tpu.memory_space<vmem>> -> memref<128xi32, #tpu.memory_space<vmem>>
        %dma_wait3A_426 = arith.constant 0 : i32
        %dma_wait3A_427 = arith.constant 0 : i32
        %dma_wait3A_428 = tpu.memref_slice %arg9[%dma_wait3A_426, %dma_wait3A_427] : memref<10112x128xf32, #tpu.memory_space<vmem_shared>> -> memref<10112x128xf32, #tpu.memory_space<vmem_shared>>
        tpu.wait_indirect_dma semaphore(%run_scoped3A_416 : memref<!tpu.dma_semaphore, #tpu.memory_space<semaphore_mem>>) src(%arg7 : memref<128x128xf32, #tpu.memory_space<vmem>>) dst(%dma_wait3A_428 : memref<10112x128xf32, #tpu.memory_space<vmem_shared>>)
        tpu.yield
      }) : () -> ()
      %dma_start3A_215 = arith.constant 0 : i32
      %dma_start3A_216 = arith.constant 0 : i32
      %dma_start3A_217 = arith.constant 0 : i32
      %dma_start3A_218 = tpu.memref_slice %arg6[%dma_start3A_215, %dma_start3A_216, %dma_start3A_217] : memref<2x8x128xi32, #tpu.memory_space<vmem>> -> memref<1x1x128xi32, #tpu.memory_space<vmem>>
      %dma_start3A_219 = tpu.memref_squeeze %dma_start3A_218 : memref<1x1x128xi32, #tpu.memory_space<vmem>> -> memref<128xi32, #tpu.memory_space<vmem>>
      %dma_start3A_220 = arith.constant 0 : i32
      %dma_start3A_221 = arith.constant 0 : i32
      %dma_start3A_222 = tpu.memref_slice %arg2[%dma_start3A_220, %dma_start3A_221] : memref<10000x128xf32, #tpu.memory_space<hbm>> -> memref<10000x128xf32, #tpu.memory_space<hbm>>
      tpu.enqueue_indirect_dma source(%dma_start3A_222 : memref<10000x128xf32, #tpu.memory_space<hbm>>) target(%arg7 : memref<128x128xf32, #tpu.memory_space<vmem>>) offsets(%dma_start3A_219 : memref<128xi32, #tpu.memory_space<vmem>>) semaphore(%arg12 : memref<!tpu.dma_semaphore, #tpu.memory_space<semaphore_mem>>)
      %dma_wait3A_223 = arith.constant 0 : i32
      %dma_wait3A_224 = arith.constant 7 : i32
      %dma_wait3A_225 = arith.constant 0 : i32
      %dma_wait3A_226 = tpu.memref_slice %arg5[%dma_wait3A_223, %dma_wait3A_224, %dma_wait3A_225] : memref<2x8x128xi32, #tpu.memory_space<vmem>> -> memref<1x1x128xi32, #tpu.memory_space<vmem>>
      %dma_wait3A_227 = tpu.memref_squeeze %dma_wait3A_226 : memref<1x1x128xi32, #tpu.memory_space<vmem>> -> memref<128xi32, #tpu.memory_space<vmem>>
      %dma_wait3A_228 = arith.constant 0 : i32
      %dma_wait3A_229 = arith.constant 0 : i32
      %dma_wait3A_230 = tpu.memref_slice %arg2[%dma_wait3A_228, %dma_wait3A_229] : memref<10000x128xf32, #tpu.memory_space<hbm>> -> memref<10000x128xf32, #tpu.memory_space<hbm>>
      tpu.wait_indirect_dma semaphore(%arg13 : memref<!tpu.dma_semaphore, #tpu.memory_space<semaphore_mem>>) src(%dma_wait3A_230 : memref<10000x128xf32, #tpu.memory_space<hbm>>) dst(%arg8 : memref<128x128xf32, #tpu.memory_space<vmem>>)
      %run_scoped3A_231 = arith.constant 1 : i32
      %run_scoped3A_232 = arith.constant 7 : i32
      "tpu.region"() ({
        %run_scoped3A_416 = tpu.sem_alloc : memref<!tpu.dma_semaphore, #tpu.memory_space<semaphore_mem>>
        %dma_start3A_417 = arith.constant 0 : i32
        %dma_start3A_418 = tpu.memref_slice %arg5[%run_scoped3A_231, %run_scoped3A_232, %dma_start3A_417] : memref<2x8x128xi32, #tpu.memory_space<vmem>> -> memref<1x1x128xi32, #tpu.memory_space<vmem>>
        %dma_start3A_419 = tpu.memref_squeeze %dma_start3A_418 : memref<1x1x128xi32, #tpu.memory_space<vmem>> -> memref<128xi32, #tpu.memory_space<vmem>>
        %dma_start3A_420 = arith.constant 0 : i32
        %dma_start3A_421 = arith.constant 0 : i32
        %dma_start3A_422 = tpu.memref_slice %arg9[%dma_start3A_420, %dma_start3A_421] : memref<10112x128xf32, #tpu.memory_space<vmem_shared>> -> memref<10112x128xf32, #tpu.memory_space<vmem_shared>>
        tpu.enqueue_indirect_dma source(%arg8 : memref<128x128xf32, #tpu.memory_space<vmem>>) target(%dma_start3A_422 : memref<10112x128xf32, #tpu.memory_space<vmem_shared>>) offsets(%dma_start3A_419 : memref<128xi32, #tpu.memory_space<vmem>>) semaphore(%run_scoped3A_416 : memref<!tpu.dma_semaphore, #tpu.memory_space<semaphore_mem>>) {add = true}
        %dma_wait3A_423 = arith.constant 0 : i32
        %dma_wait3A_424 = tpu.memref_slice %arg5[%run_scoped3A_231, %run_scoped3A_232, %dma_wait3A_423] : memref<2x8x128xi32, #tpu.memory_space<vmem>> -> memref<1x1x128xi32, #tpu.memory_space<vmem>>
        %dma_wait3A_425 = tpu.memref_squeeze %dma_wait3A_424 : memref<1x1x128xi32, #tpu.memory_space<vmem>> -> memref<128xi32, #tpu.memory_space<vmem>>
        %dma_wait3A_426 = arith.constant 0 : i32
        %dma_wait3A_427 = arith.constant 0 : i32
        %dma_wait3A_428 = tpu.memref_slice %arg9[%dma_wait3A_426, %dma_wait3A_427] : memref<10112x128xf32, #tpu.memory_space<vmem_shared>> -> memref<10112x128xf32, #tpu.memory_space<vmem_shared>>
        tpu.wait_indirect_dma semaphore(%run_scoped3A_416 : memref<!tpu.dma_semaphore, #tpu.memory_space<semaphore_mem>>) src(%arg8 : memref<128x128xf32, #tpu.memory_space<vmem>>) dst(%dma_wait3A_428 : memref<10112x128xf32, #tpu.memory_space<vmem_shared>>)
        tpu.yield
      }) : () -> ()
      %dma_start3A_233 = arith.constant 0 : i32
      %dma_start3A_234 = arith.constant 1 : i32
      %dma_start3A_235 = arith.constant 0 : i32
      %dma_start3A_236 = tpu.memref_slice %arg6[%dma_start3A_233, %dma_start3A_234, %dma_start3A_235] : memref<2x8x128xi32, #tpu.memory_space<vmem>> -> memref<1x1x128xi32, #tpu.memory_space<vmem>>
      %dma_start3A_237 = tpu.memref_squeeze %dma_start3A_236 : memref<1x1x128xi32, #tpu.memory_space<vmem>> -> memref<128xi32, #tpu.memory_space<vmem>>
      %dma_start3A_238 = arith.constant 0 : i32
      %dma_start3A_239 = arith.constant 0 : i32
      %dma_start3A_240 = tpu.memref_slice %arg2[%dma_start3A_238, %dma_start3A_239] : memref<10000x128xf32, #tpu.memory_space<hbm>> -> memref<10000x128xf32, #tpu.memory_space<hbm>>
      tpu.enqueue_indirect_dma source(%dma_start3A_240 : memref<10000x128xf32, #tpu.memory_space<hbm>>) target(%arg8 : memref<128x128xf32, #tpu.memory_space<vmem>>) offsets(%dma_start3A_237 : memref<128xi32, #tpu.memory_space<vmem>>) semaphore(%arg13 : memref<!tpu.dma_semaphore, #tpu.memory_space<semaphore_mem>>)
      %dma_start3A_241 = arith.constant 0 : i32
      %dma_start3A_242 = arith.constant 0 : i32
      %dma_start3A_243 = arith.constant 0 : i32
      %dma_start3A_244 = tpu.memref_slice %arg3[%arg0, %arg1, %min3A_79, %dma_start3A_241, %dma_start3A_242, %dma_start3A_243] : memref<2x16x10x2x8x128xi32, #tpu.memory_space<hbm>> -> memref<1x1x1x2x8x128xi32, #tpu.memory_space<hbm>>
      %dma_start3A_245 = tpu.memref_squeeze %dma_start3A_244 : memref<1x1x1x2x8x128xi32, #tpu.memory_space<hbm>> -> memref<2x8x128xi32, #tpu.memory_space<hbm>>
      %dma_start3A_246 = arith.constant 0 : i32
      %dma_start3A_247 = arith.constant 0 : i32
      %dma_start3A_248 = arith.constant 0 : i32
      %dma_start3A_249 = tpu.memref_slice %arg3[%arg0, %arg1, %min3A_79, %dma_start3A_246, %dma_start3A_247, %dma_start3A_248] : memref<2x16x10x2x8x128xi32, #tpu.memory_space<hbm>> -> memref<1x1x1x2x8x128xi32, #tpu.memory_space<hbm>>
      %dma_start3A_250 = tpu.memref_squeeze %dma_start3A_249 : memref<1x1x1x2x8x128xi32, #tpu.memory_space<hbm>> -> memref<2x8x128xi32, #tpu.memory_space<hbm>>
      tpu.enqueue_dma source(%dma_start3A_250 : memref<2x8x128xi32, #tpu.memory_space<hbm>>) target(%arg5 : memref<2x8x128xi32, #tpu.memory_space<vmem>>) target_semaphore(%arg10 : memref<!tpu.dma_semaphore, #tpu.memory_space<semaphore_mem>>)
      %dma_wait3A_251 = arith.constant 0 : i32
      %dma_wait3A_252 = arith.constant 0 : i32
      %dma_wait3A_253 = arith.constant 0 : i32
      %dma_wait3A_254 = tpu.memref_slice %arg6[%dma_wait3A_251, %dma_wait3A_252, %dma_wait3A_253] : memref<2x8x128xi32, #tpu.memory_space<vmem>> -> memref<1x1x128xi32, #tpu.memory_space<vmem>>
      %dma_wait3A_255 = tpu.memref_squeeze %dma_wait3A_254 : memref<1x1x128xi32, #tpu.memory_space<vmem>> -> memref<128xi32, #tpu.memory_space<vmem>>
      %dma_wait3A_256 = arith.constant 0 : i32
      %dma_wait3A_257 = arith.constant 0 : i32
      %dma_wait3A_258 = tpu.memref_slice %arg2[%dma_wait3A_256, %dma_wait3A_257] : memref<10000x128xf32, #tpu.memory_space<hbm>> -> memref<10000x128xf32, #tpu.memory_space<hbm>>
      tpu.wait_indirect_dma semaphore(%arg12 : memref<!tpu.dma_semaphore, #tpu.memory_space<semaphore_mem>>) src(%dma_wait3A_258 : memref<10000x128xf32, #tpu.memory_space<hbm>>) dst(%arg7 : memref<128x128xf32, #tpu.memory_space<vmem>>)
      %run_scoped3A_259 = arith.constant 1 : i32
      %run_scoped3A_260 = arith.constant 0 : i32
      "tpu.region"() ({
        %run_scoped3A_416 = tpu.sem_alloc : memref<!tpu.dma_semaphore, #tpu.memory_space<semaphore_mem>>
        %dma_start3A_417 = arith.constant 0 : i32
        %dma_start3A_418 = tpu.memref_slice %arg6[%run_scoped3A_259, %run_scoped3A_260, %dma_start3A_417] : memref<2x8x128xi32, #tpu.memory_space<vmem>> -> memref<1x1x128xi32, #tpu.memory_space<vmem>>
        %dma_start3A_419 = tpu.memref_squeeze %dma_start3A_418 : memref<1x1x128xi32, #tpu.memory_space<vmem>> -> memref<128xi32, #tpu.memory_space<vmem>>
        %dma_start3A_420 = arith.constant 0 : i32
        %dma_start3A_421 = arith.constant 0 : i32
        %dma_start3A_422 = tpu.memref_slice %arg9[%dma_start3A_420, %dma_start3A_421] : memref<10112x128xf32, #tpu.memory_space<vmem_shared>> -> memref<10112x128xf32, #tpu.memory_space<vmem_shared>>
        tpu.enqueue_indirect_dma source(%arg7 : memref<128x128xf32, #tpu.memory_space<vmem>>) target(%dma_start3A_422 : memref<10112x128xf32, #tpu.memory_space<vmem_shared>>) offsets(%dma_start3A_419 : memref<128xi32, #tpu.memory_space<vmem>>) semaphore(%run_scoped3A_416 : memref<!tpu.dma_semaphore, #tpu.memory_space<semaphore_mem>>) {add = true}
        %dma_wait3A_423 = arith.constant 0 : i32
        %dma_wait3A_424 = tpu.memref_slice %arg6[%run_scoped3A_259, %run_scoped3A_260, %dma_wait3A_423] : memref<2x8x128xi32, #tpu.memory_space<vmem>> -> memref<1x1x128xi32, #tpu.memory_space<vmem>>
        %dma_wait3A_425 = tpu.memref_squeeze %dma_wait3A_424 : memref<1x1x128xi32, #tpu.memory_space<vmem>> -> memref<128xi32, #tpu.memory_space<vmem>>
        %dma_wait3A_426 = arith.constant 0 : i32
        %dma_wait3A_427 = arith.constant 0 : i32
        %dma_wait3A_428 = tpu.memref_slice %arg9[%dma_wait3A_426, %dma_wait3A_427] : memref<10112x128xf32, #tpu.memory_space<vmem_shared>> -> memref<10112x128xf32, #tpu.memory_space<vmem_shared>>
        tpu.wait_indirect_dma semaphore(%run_scoped3A_416 : memref<!tpu.dma_semaphore, #tpu.memory_space<semaphore_mem>>) src(%arg7 : memref<128x128xf32, #tpu.memory_space<vmem>>) dst(%dma_wait3A_428 : memref<10112x128xf32, #tpu.memory_space<vmem_shared>>)
        tpu.yield
      }) : () -> ()
      %dma_start3A_261 = arith.constant 0 : i32
      %dma_start3A_262 = arith.constant 2 : i32
      %dma_start3A_263 = arith.constant 0 : i32
      %dma_start3A_264 = tpu.memref_slice %arg6[%dma_start3A_261, %dma_start3A_262, %dma_start3A_263] : memref<2x8x128xi32, #tpu.memory_space<vmem>> -> memref<1x1x128xi32, #tpu.memory_space<vmem>>
      %dma_start3A_265 = tpu.memref_squeeze %dma_start3A_264 : memref<1x1x128xi32, #tpu.memory_space<vmem>> -> memref<128xi32, #tpu.memory_space<vmem>>
      %dma_start3A_266 = arith.constant 0 : i32
      %dma_start3A_267 = arith.constant 0 : i32
      %dma_start3A_268 = tpu.memref_slice %arg2[%dma_start3A_266, %dma_start3A_267] : memref<10000x128xf32, #tpu.memory_space<hbm>> -> memref<10000x128xf32, #tpu.memory_space<hbm>>
      tpu.enqueue_indirect_dma source(%dma_start3A_268 : memref<10000x128xf32, #tpu.memory_space<hbm>>) target(%arg7 : memref<128x128xf32, #tpu.memory_space<vmem>>) offsets(%dma_start3A_265 : memref<128xi32, #tpu.memory_space<vmem>>) semaphore(%arg12 : memref<!tpu.dma_semaphore, #tpu.memory_space<semaphore_mem>>)
      %dma_wait3A_269 = arith.constant 0 : i32
      %dma_wait3A_270 = arith.constant 1 : i32
      %dma_wait3A_271 = arith.constant 0 : i32
      %dma_wait3A_272 = tpu.memref_slice %arg6[%dma_wait3A_269, %dma_wait3A_270, %dma_wait3A_271] : memref<2x8x128xi32, #tpu.memory_space<vmem>> -> memref<1x1x128xi32, #tpu.memory_space<vmem>>
      %dma_wait3A_273 = tpu.memref_squeeze %dma_wait3A_272 : memref<1x1x128xi32, #tpu.memory_space<vmem>> -> memref<128xi32, #tpu.memory_space<vmem>>
      %dma_wait3A_274 = arith.constant 0 : i32
      %dma_wait3A_275 = arith.constant 0 : i32
      %dma_wait3A_276 = tpu.memref_slice %arg2[%dma_wait3A_274, %dma_wait3A_275] : memref<10000x128xf32, #tpu.memory_space<hbm>> -> memref<10000x128xf32, #tpu.memory_space<hbm>>
      tpu.wait_indirect_dma semaphore(%arg13 : memref<!tpu.dma_semaphore, #tpu.memory_space<semaphore_mem>>) src(%dma_wait3A_276 : memref<10000x128xf32, #tpu.memory_space<hbm>>) dst(%arg8 : memref<128x128xf32, #tpu.memory_space<vmem>>)
      %run_scoped3A_277 = arith.constant 1 : i32
      %run_scoped3A_278 = arith.constant 1 : i32
      "tpu.region"() ({
        %run_scoped3A_416 = tpu.sem_alloc : memref<!tpu.dma_semaphore, #tpu.memory_space<semaphore_mem>>
        %dma_start3A_417 = arith.constant 0 : i32
        %dma_start3A_418 = tpu.memref_slice %arg6[%run_scoped3A_277, %run_scoped3A_278, %dma_start3A_417] : memref<2x8x128xi32, #tpu.memory_space<vmem>> -> memref<1x1x128xi32, #tpu.memory_space<vmem>>
        %dma_start3A_419 = tpu.memref_squeeze %dma_start3A_418 : memref<1x1x128xi32, #tpu.memory_space<vmem>> -> memref<128xi32, #tpu.memory_space<vmem>>
        %dma_start3A_420 = arith.constant 0 : i32
        %dma_start3A_421 = arith.constant 0 : i32
        %dma_start3A_422 = tpu.memref_slice %arg9[%dma_start3A_420, %dma_start3A_421] : memref<10112x128xf32, #tpu.memory_space<vmem_shared>> -> memref<10112x128xf32, #tpu.memory_space<vmem_shared>>
        tpu.enqueue_indirect_dma source(%arg8 : memref<128x128xf32, #tpu.memory_space<vmem>>) target(%dma_start3A_422 : memref<10112x128xf32, #tpu.memory_space<vmem_shared>>) offsets(%dma_start3A_419 : memref<128xi32, #tpu.memory_space<vmem>>) semaphore(%run_scoped3A_416 : memref<!tpu.dma_semaphore, #tpu.memory_space<semaphore_mem>>) {add = true}
        %dma_wait3A_423 = arith.constant 0 : i32
        %dma_wait3A_424 = tpu.memref_slice %arg6[%run_scoped3A_277, %run_scoped3A_278, %dma_wait3A_423] : memref<2x8x128xi32, #tpu.memory_space<vmem>> -> memref<1x1x128xi32, #tpu.memory_space<vmem>>
        %dma_wait3A_425 = tpu.memref_squeeze %dma_wait3A_424 : memref<1x1x128xi32, #tpu.memory_space<vmem>> -> memref<128xi32, #tpu.memory_space<vmem>>
        %dma_wait3A_426 = arith.constant 0 : i32
        %dma_wait3A_427 = arith.constant 0 : i32
        %dma_wait3A_428 = tpu.memref_slice %arg9[%dma_wait3A_426, %dma_wait3A_427] : memref<10112x128xf32, #tpu.memory_space<vmem_shared>> -> memref<10112x128xf32, #tpu.memory_space<vmem_shared>>
        tpu.wait_indirect_dma semaphore(%run_scoped3A_416 : memref<!tpu.dma_semaphore, #tpu.memory_space<semaphore_mem>>) src(%arg8 : memref<128x128xf32, #tpu.memory_space<vmem>>) dst(%dma_wait3A_428 : memref<10112x128xf32, #tpu.memory_space<vmem_shared>>)
        tpu.yield
      }) : () -> ()
      %dma_start3A_279 = arith.constant 0 : i32
      %dma_start3A_280 = arith.constant 3 : i32
      %dma_start3A_281 = arith.constant 0 : i32
      %dma_start3A_282 = tpu.memref_slice %arg6[%dma_start3A_279, %dma_start3A_280, %dma_start3A_281] : memref<2x8x128xi32, #tpu.memory_space<vmem>> -> memref<1x1x128xi32, #tpu.memory_space<vmem>>
      %dma_start3A_283 = tpu.memref_squeeze %dma_start3A_282 : memref<1x1x128xi32, #tpu.memory_space<vmem>> -> memref<128xi32, #tpu.memory_space<vmem>>
      %dma_start3A_284 = arith.constant 0 : i32
      %dma_start3A_285 = arith.constant 0 : i32
      %dma_start3A_286 = tpu.memref_slice %arg2[%dma_start3A_284, %dma_start3A_285] : memref<10000x128xf32, #tpu.memory_space<hbm>> -> memref<10000x128xf32, #tpu.memory_space<hbm>>
      tpu.enqueue_indirect_dma source(%dma_start3A_286 : memref<10000x128xf32, #tpu.memory_space<hbm>>) target(%arg8 : memref<128x128xf32, #tpu.memory_space<vmem>>) offsets(%dma_start3A_283 : memref<128xi32, #tpu.memory_space<vmem>>) semaphore(%arg13 : memref<!tpu.dma_semaphore, #tpu.memory_space<semaphore_mem>>)
      %dma_wait3A_287 = arith.constant 0 : i32
      %dma_wait3A_288 = arith.constant 2 : i32
      %dma_wait3A_289 = arith.constant 0 : i32
      %dma_wait3A_290 = tpu.memref_slice %arg6[%dma_wait3A_287, %dma_wait3A_288, %dma_wait3A_289] : memref<2x8x128xi32, #tpu.memory_space<vmem>> -> memref<1x1x128xi32, #tpu.memory_space<vmem>>
      %dma_wait3A_291 = tpu.memref_squeeze %dma_wait3A_290 : memref<1x1x128xi32, #tpu.memory_space<vmem>> -> memref<128xi32, #tpu.memory_space<vmem>>
      %dma_wait3A_292 = arith.constant 0 : i32
      %dma_wait3A_293 = arith.constant 0 : i32
      %dma_wait3A_294 = tpu.memref_slice %arg2[%dma_wait3A_292, %dma_wait3A_293] : memref<10000x128xf32, #tpu.memory_space<hbm>> -> memref<10000x128xf32, #tpu.memory_space<hbm>>
      tpu.wait_indirect_dma semaphore(%arg12 : memref<!tpu.dma_semaphore, #tpu.memory_space<semaphore_mem>>) src(%dma_wait3A_294 : memref<10000x128xf32, #tpu.memory_space<hbm>>) dst(%arg7 : memref<128x128xf32, #tpu.memory_space<vmem>>)
      %run_scoped3A_295 = arith.constant 1 : i32
      %run_scoped3A_296 = arith.constant 2 : i32
      "tpu.region"() ({
        %run_scoped3A_416 = tpu.sem_alloc : memref<!tpu.dma_semaphore, #tpu.memory_space<semaphore_mem>>
        %dma_start3A_417 = arith.constant 0 : i32
        %dma_start3A_418 = tpu.memref_slice %arg6[%run_scoped3A_295, %run_scoped3A_296, %dma_start3A_417] : memref<2x8x128xi32, #tpu.memory_space<vmem>> -> memref<1x1x128xi32, #tpu.memory_space<vmem>>
        %dma_start3A_419 = tpu.memref_squeeze %dma_start3A_418 : memref<1x1x128xi32, #tpu.memory_space<vmem>> -> memref<128xi32, #tpu.memory_space<vmem>>
        %dma_start3A_420 = arith.constant 0 : i32
        %dma_start3A_421 = arith.constant 0 : i32
        %dma_start3A_422 = tpu.memref_slice %arg9[%dma_start3A_420, %dma_start3A_421] : memref<10112x128xf32, #tpu.memory_space<vmem_shared>> -> memref<10112x128xf32, #tpu.memory_space<vmem_shared>>
        tpu.enqueue_indirect_dma source(%arg7 : memref<128x128xf32, #tpu.memory_space<vmem>>) target(%dma_start3A_422 : memref<10112x128xf32, #tpu.memory_space<vmem_shared>>) offsets(%dma_start3A_419 : memref<128xi32, #tpu.memory_space<vmem>>) semaphore(%run_scoped3A_416 : memref<!tpu.dma_semaphore, #tpu.memory_space<semaphore_mem>>) {add = true}
        %dma_wait3A_423 = arith.constant 0 : i32
        %dma_wait3A_424 = tpu.memref_slice %arg6[%run_scoped3A_295, %run_scoped3A_296, %dma_wait3A_423] : memref<2x8x128xi32, #tpu.memory_space<vmem>> -> memref<1x1x128xi32, #tpu.memory_space<vmem>>
        %dma_wait3A_425 = tpu.memref_squeeze %dma_wait3A_424 : memref<1x1x128xi32, #tpu.memory_space<vmem>> -> memref<128xi32, #tpu.memory_space<vmem>>
        %dma_wait3A_426 = arith.constant 0 : i32
        %dma_wait3A_427 = arith.constant 0 : i32
        %dma_wait3A_428 = tpu.memref_slice %arg9[%dma_wait3A_426, %dma_wait3A_427] : memref<10112x128xf32, #tpu.memory_space<vmem_shared>> -> memref<10112x128xf32, #tpu.memory_space<vmem_shared>>
        tpu.wait_indirect_dma semaphore(%run_scoped3A_416 : memref<!tpu.dma_semaphore, #tpu.memory_space<semaphore_mem>>) src(%arg7 : memref<128x128xf32, #tpu.memory_space<vmem>>) dst(%dma_wait3A_428 : memref<10112x128xf32, #tpu.memory_space<vmem_shared>>)
        tpu.yield
      }) : () -> ()
      %dma_start3A_297 = arith.constant 0 : i32
      %dma_start3A_298 = arith.constant 4 : i32
      %dma_start3A_299 = arith.constant 0 : i32
      %dma_start3A_300 = tpu.memref_slice %arg6[%dma_start3A_297, %dma_start3A_298, %dma_start3A_299] : memref<2x8x128xi32, #tpu.memory_space<vmem>> -> memref<1x1x128xi32, #tpu.memory_space<vmem>>
      %dma_start3A_301 = tpu.memref_squeeze %dma_start3A_300 : memref<1x1x128xi32, #tpu.memory_space<vmem>> -> memref<128xi32, #tpu.memory_space<vmem>>
      %dma_start3A_302 = arith.constant 0 : i32
      %dma_start3A_303 = arith.constant 0 : i32
      %dma_start3A_304 = tpu.memref_slice %arg2[%dma_start3A_302, %dma_start3A_303] : memref<10000x128xf32, #tpu.memory_space<hbm>> -> memref<10000x128xf32, #tpu.memory_space<hbm>>
      tpu.enqueue_indirect_dma source(%dma_start3A_304 : memref<10000x128xf32, #tpu.memory_space<hbm>>) target(%arg7 : memref<128x128xf32, #tpu.memory_space<vmem>>) offsets(%dma_start3A_301 : memref<128xi32, #tpu.memory_space<vmem>>) semaphore(%arg12 : memref<!tpu.dma_semaphore, #tpu.memory_space<semaphore_mem>>)
      %dma_wait3A_305 = arith.constant 0 : i32
      %dma_wait3A_306 = arith.constant 3 : i32
      %dma_wait3A_307 = arith.constant 0 : i32
      %dma_wait3A_308 = tpu.memref_slice %arg6[%dma_wait3A_305, %dma_wait3A_306, %dma_wait3A_307] : memref<2x8x128xi32, #tpu.memory_space<vmem>> -> memref<1x1x128xi32, #tpu.memory_space<vmem>>
      %dma_wait3A_309 = tpu.memref_squeeze %dma_wait3A_308 : memref<1x1x128xi32, #tpu.memory_space<vmem>> -> memref<128xi32, #tpu.memory_space<vmem>>
      %dma_wait3A_310 = arith.constant 0 : i32
      %dma_wait3A_311 = arith.constant 0 : i32
      %dma_wait3A_312 = tpu.memref_slice %arg2[%dma_wait3A_310, %dma_wait3A_311] : memref<10000x128xf32, #tpu.memory_space<hbm>> -> memref<10000x128xf32, #tpu.memory_space<hbm>>
      tpu.wait_indirect_dma semaphore(%arg13 : memref<!tpu.dma_semaphore, #tpu.memory_space<semaphore_mem>>) src(%dma_wait3A_312 : memref<10000x128xf32, #tpu.memory_space<hbm>>) dst(%arg8 : memref<128x128xf32, #tpu.memory_space<vmem>>)
      %run_scoped3A_313 = arith.constant 1 : i32
      %run_scoped3A_314 = arith.constant 3 : i32
      "tpu.region"() ({
        %run_scoped3A_416 = tpu.sem_alloc : memref<!tpu.dma_semaphore, #tpu.memory_space<semaphore_mem>>
        %dma_start3A_417 = arith.constant 0 : i32
        %dma_start3A_418 = tpu.memref_slice %arg6[%run_scoped3A_313, %run_scoped3A_314, %dma_start3A_417] : memref<2x8x128xi32, #tpu.memory_space<vmem>> -> memref<1x1x128xi32, #tpu.memory_space<vmem>>
        %dma_start3A_419 = tpu.memref_squeeze %dma_start3A_418 : memref<1x1x128xi32, #tpu.memory_space<vmem>> -> memref<128xi32, #tpu.memory_space<vmem>>
        %dma_start3A_420 = arith.constant 0 : i32
        %dma_start3A_421 = arith.constant 0 : i32
        %dma_start3A_422 = tpu.memref_slice %arg9[%dma_start3A_420, %dma_start3A_421] : memref<10112x128xf32, #tpu.memory_space<vmem_shared>> -> memref<10112x128xf32, #tpu.memory_space<vmem_shared>>
        tpu.enqueue_indirect_dma source(%arg8 : memref<128x128xf32, #tpu.memory_space<vmem>>) target(%dma_start3A_422 : memref<10112x128xf32, #tpu.memory_space<vmem_shared>>) offsets(%dma_start3A_419 : memref<128xi32, #tpu.memory_space<vmem>>) semaphore(%run_scoped3A_416 : memref<!tpu.dma_semaphore, #tpu.memory_space<semaphore_mem>>) {add = true}
        %dma_wait3A_423 = arith.constant 0 : i32
        %dma_wait3A_424 = tpu.memref_slice %arg6[%run_scoped3A_313, %run_scoped3A_314, %dma_wait3A_423] : memref<2x8x128xi32, #tpu.memory_space<vmem>> -> memref<1x1x128xi32, #tpu.memory_space<vmem>>
        %dma_wait3A_425 = tpu.memref_squeeze %dma_wait3A_424 : memref<1x1x128xi32, #tpu.memory_space<vmem>> -> memref<128xi32, #tpu.memory_space<vmem>>
        %dma_wait3A_426 = arith.constant 0 : i32
        %dma_wait3A_427 = arith.constant 0 : i32
        %dma_wait3A_428 = tpu.memref_slice %arg9[%dma_wait3A_426, %dma_wait3A_427] : memref<10112x128xf32, #tpu.memory_space<vmem_shared>> -> memref<10112x128xf32, #tpu.memory_space<vmem_shared>>
        tpu.wait_indirect_dma semaphore(%run_scoped3A_416 : memref<!tpu.dma_semaphore, #tpu.memory_space<semaphore_mem>>) src(%arg8 : memref<128x128xf32, #tpu.memory_space<vmem>>) dst(%dma_wait3A_428 : memref<10112x128xf32, #tpu.memory_space<vmem_shared>>)
        tpu.yield
      }) : () -> ()
      %dma_start3A_315 = arith.constant 0 : i32
      %dma_start3A_316 = arith.constant 5 : i32
      %dma_start3A_317 = arith.constant 0 : i32
      %dma_start3A_318 = tpu.memref_slice %arg6[%dma_start3A_315, %dma_start3A_316, %dma_start3A_317] : memref<2x8x128xi32, #tpu.memory_space<vmem>> -> memref<1x1x128xi32, #tpu.memory_space<vmem>>
      %dma_start3A_319 = tpu.memref_squeeze %dma_start3A_318 : memref<1x1x128xi32, #tpu.memory_space<vmem>> -> memref<128xi32, #tpu.memory_space<vmem>>
      %dma_start3A_320 = arith.constant 0 : i32
      %dma_start3A_321 = arith.constant 0 : i32
      %dma_start3A_322 = tpu.memref_slice %arg2[%dma_start3A_320, %dma_start3A_321] : memref<10000x128xf32, #tpu.memory_space<hbm>> -> memref<10000x128xf32, #tpu.memory_space<hbm>>
      tpu.enqueue_indirect_dma source(%dma_start3A_322 : memref<10000x128xf32, #tpu.memory_space<hbm>>) target(%arg8 : memref<128x128xf32, #tpu.memory_space<vmem>>) offsets(%dma_start3A_319 : memref<128xi32, #tpu.memory_space<vmem>>) semaphore(%arg13 : memref<!tpu.dma_semaphore, #tpu.memory_space<semaphore_mem>>)
      %dma_wait3A_323 = arith.constant 0 : i32
      %dma_wait3A_324 = arith.constant 4 : i32
      %dma_wait3A_325 = arith.constant 0 : i32
      %dma_wait3A_326 = tpu.memref_slice %arg6[%dma_wait3A_323, %dma_wait3A_324, %dma_wait3A_325] : memref<2x8x128xi32, #tpu.memory_space<vmem>> -> memref<1x1x128xi32, #tpu.memory_space<vmem>>
      %dma_wait3A_327 = tpu.memref_squeeze %dma_wait3A_326 : memref<1x1x128xi32, #tpu.memory_space<vmem>> -> memref<128xi32, #tpu.memory_space<vmem>>
      %dma_wait3A_328 = arith.constant 0 : i32
      %dma_wait3A_329 = arith.constant 0 : i32
      %dma_wait3A_330 = tpu.memref_slice %arg2[%dma_wait3A_328, %dma_wait3A_329] : memref<10000x128xf32, #tpu.memory_space<hbm>> -> memref<10000x128xf32, #tpu.memory_space<hbm>>
      tpu.wait_indirect_dma semaphore(%arg12 : memref<!tpu.dma_semaphore, #tpu.memory_space<semaphore_mem>>) src(%dma_wait3A_330 : memref<10000x128xf32, #tpu.memory_space<hbm>>) dst(%arg7 : memref<128x128xf32, #tpu.memory_space<vmem>>)
      %run_scoped3A_331 = arith.constant 1 : i32
      %run_scoped3A_332 = arith.constant 4 : i32
      "tpu.region"() ({
        %run_scoped3A_416 = tpu.sem_alloc : memref<!tpu.dma_semaphore, #tpu.memory_space<semaphore_mem>>
        %dma_start3A_417 = arith.constant 0 : i32
        %dma_start3A_418 = tpu.memref_slice %arg6[%run_scoped3A_331, %run_scoped3A_332, %dma_start3A_417] : memref<2x8x128xi32, #tpu.memory_space<vmem>> -> memref<1x1x128xi32, #tpu.memory_space<vmem>>
        %dma_start3A_419 = tpu.memref_squeeze %dma_start3A_418 : memref<1x1x128xi32, #tpu.memory_space<vmem>> -> memref<128xi32, #tpu.memory_space<vmem>>
        %dma_start3A_420 = arith.constant 0 : i32
        %dma_start3A_421 = arith.constant 0 : i32
        %dma_start3A_422 = tpu.memref_slice %arg9[%dma_start3A_420, %dma_start3A_421] : memref<10112x128xf32, #tpu.memory_space<vmem_shared>> -> memref<10112x128xf32, #tpu.memory_space<vmem_shared>>
        tpu.enqueue_indirect_dma source(%arg7 : memref<128x128xf32, #tpu.memory_space<vmem>>) target(%dma_start3A_422 : memref<10112x128xf32, #tpu.memory_space<vmem_shared>>) offsets(%dma_start3A_419 : memref<128xi32, #tpu.memory_space<vmem>>) semaphore(%run_scoped3A_416 : memref<!tpu.dma_semaphore, #tpu.memory_space<semaphore_mem>>) {add = true}
        %dma_wait3A_423 = arith.constant 0 : i32
        %dma_wait3A_424 = tpu.memref_slice %arg6[%run_scoped3A_331, %run_scoped3A_332, %dma_wait3A_423] : memref<2x8x128xi32, #tpu.memory_space<vmem>> -> memref<1x1x128xi32, #tpu.memory_space<vmem>>
        %dma_wait3A_425 = tpu.memref_squeeze %dma_wait3A_424 : memref<1x1x128xi32, #tpu.memory_space<vmem>> -> memref<128xi32, #tpu.memory_space<vmem>>
        %dma_wait3A_426 = arith.constant 0 : i32
        %dma_wait3A_427 = arith.constant 0 : i32
        %dma_wait3A_428 = tpu.memref_slice %arg9[%dma_wait3A_426, %dma_wait3A_427] : memref<10112x128xf32, #tpu.memory_space<vmem_shared>> -> memref<10112x128xf32, #tpu.memory_space<vmem_shared>>
        tpu.wait_indirect_dma semaphore(%run_scoped3A_416 : memref<!tpu.dma_semaphore, #tpu.memory_space<semaphore_mem>>) src(%arg7 : memref<128x128xf32, #tpu.memory_space<vmem>>) dst(%dma_wait3A_428 : memref<10112x128xf32, #tpu.memory_space<vmem_shared>>)
        tpu.yield
      }) : () -> ()
      %dma_start3A_333 = arith.constant 0 : i32
      %dma_start3A_334 = arith.constant 6 : i32
      %dma_start3A_335 = arith.constant 0 : i32
      %dma_start3A_336 = tpu.memref_slice %arg6[%dma_start3A_333, %dma_start3A_334, %dma_start3A_335] : memref<2x8x128xi32, #tpu.memory_space<vmem>> -> memref<1x1x128xi32, #tpu.memory_space<vmem>>
      %dma_start3A_337 = tpu.memref_squeeze %dma_start3A_336 : memref<1x1x128xi32, #tpu.memory_space<vmem>> -> memref<128xi32, #tpu.memory_space<vmem>>
      %dma_start3A_338 = arith.constant 0 : i32
      %dma_start3A_339 = arith.constant 0 : i32
      %dma_start3A_340 = tpu.memref_slice %arg2[%dma_start3A_338, %dma_start3A_339] : memref<10000x128xf32, #tpu.memory_space<hbm>> -> memref<10000x128xf32, #tpu.memory_space<hbm>>
      tpu.enqueue_indirect_dma source(%dma_start3A_340 : memref<10000x128xf32, #tpu.memory_space<hbm>>) target(%arg7 : memref<128x128xf32, #tpu.memory_space<vmem>>) offsets(%dma_start3A_337 : memref<128xi32, #tpu.memory_space<vmem>>) semaphore(%arg12 : memref<!tpu.dma_semaphore, #tpu.memory_space<semaphore_mem>>)
      %dma_wait3A_341 = arith.constant 0 : i32
      %dma_wait3A_342 = arith.constant 5 : i32
      %dma_wait3A_343 = arith.constant 0 : i32
      %dma_wait3A_344 = tpu.memref_slice %arg6[%dma_wait3A_341, %dma_wait3A_342, %dma_wait3A_343] : memref<2x8x128xi32, #tpu.memory_space<vmem>> -> memref<1x1x128xi32, #tpu.memory_space<vmem>>
      %dma_wait3A_345 = tpu.memref_squeeze %dma_wait3A_344 : memref<1x1x128xi32, #tpu.memory_space<vmem>> -> memref<128xi32, #tpu.memory_space<vmem>>
      %dma_wait3A_346 = arith.constant 0 : i32
      %dma_wait3A_347 = arith.constant 0 : i32
      %dma_wait3A_348 = tpu.memref_slice %arg2[%dma_wait3A_346, %dma_wait3A_347] : memref<10000x128xf32, #tpu.memory_space<hbm>> -> memref<10000x128xf32, #tpu.memory_space<hbm>>
      tpu.wait_indirect_dma semaphore(%arg13 : memref<!tpu.dma_semaphore, #tpu.memory_space<semaphore_mem>>) src(%dma_wait3A_348 : memref<10000x128xf32, #tpu.memory_space<hbm>>) dst(%arg8 : memref<128x128xf32, #tpu.memory_space<vmem>>)
      %run_scoped3A_349 = arith.constant 1 : i32
      %run_scoped3A_350 = arith.constant 5 : i32
      "tpu.region"() ({
        %run_scoped3A_416 = tpu.sem_alloc : memref<!tpu.dma_semaphore, #tpu.memory_space<semaphore_mem>>
        %dma_start3A_417 = arith.constant 0 : i32
        %dma_start3A_418 = tpu.memref_slice %arg6[%run_scoped3A_349, %run_scoped3A_350, %dma_start3A_417] : memref<2x8x128xi32, #tpu.memory_space<vmem>> -> memref<1x1x128xi32, #tpu.memory_space<vmem>>
        %dma_start3A_419 = tpu.memref_squeeze %dma_start3A_418 : memref<1x1x128xi32, #tpu.memory_space<vmem>> -> memref<128xi32, #tpu.memory_space<vmem>>
        %dma_start3A_420 = arith.constant 0 : i32
        %dma_start3A_421 = arith.constant 0 : i32
        %dma_start3A_422 = tpu.memref_slice %arg9[%dma_start3A_420, %dma_start3A_421] : memref<10112x128xf32, #tpu.memory_space<vmem_shared>> -> memref<10112x128xf32, #tpu.memory_space<vmem_shared>>
        tpu.enqueue_indirect_dma source(%arg8 : memref<128x128xf32, #tpu.memory_space<vmem>>) target(%dma_start3A_422 : memref<10112x128xf32, #tpu.memory_space<vmem_shared>>) offsets(%dma_start3A_419 : memref<128xi32, #tpu.memory_space<vmem>>) semaphore(%run_scoped3A_416 : memref<!tpu.dma_semaphore, #tpu.memory_space<semaphore_mem>>) {add = true}
        %dma_wait3A_423 = arith.constant 0 : i32
        %dma_wait3A_424 = tpu.memref_slice %arg6[%run_scoped3A_349, %run_scoped3A_350, %dma_wait3A_423] : memref<2x8x128xi32, #tpu.memory_space<vmem>> -> memref<1x1x128xi32, #tpu.memory_space<vmem>>
        %dma_wait3A_425 = tpu.memref_squeeze %dma_wait3A_424 : memref<1x1x128xi32, #tpu.memory_space<vmem>> -> memref<128xi32, #tpu.memory_space<vmem>>
        %dma_wait3A_426 = arith.constant 0 : i32
        %dma_wait3A_427 = arith.constant 0 : i32
        %dma_wait3A_428 = tpu.memref_slice %arg9[%dma_wait3A_426, %dma_wait3A_427] : memref<10112x128xf32, #tpu.memory_space<vmem_shared>> -> memref<10112x128xf32, #tpu.memory_space<vmem_shared>>
        tpu.wait_indirect_dma semaphore(%run_scoped3A_416 : memref<!tpu.dma_semaphore, #tpu.memory_space<semaphore_mem>>) src(%arg8 : memref<128x128xf32, #tpu.memory_space<vmem>>) dst(%dma_wait3A_428 : memref<10112x128xf32, #tpu.memory_space<vmem_shared>>)
        tpu.yield
      }) : () -> ()
      %dma_start3A_351 = arith.constant 0 : i32
      %dma_start3A_352 = arith.constant 7 : i32
      %dma_start3A_353 = arith.constant 0 : i32
      %dma_start3A_354 = tpu.memref_slice %arg6[%dma_start3A_351, %dma_start3A_352, %dma_start3A_353] : memref<2x8x128xi32, #tpu.memory_space<vmem>> -> memref<1x1x128xi32, #tpu.memory_space<vmem>>
      %dma_start3A_355 = tpu.memref_squeeze %dma_start3A_354 : memref<1x1x128xi32, #tpu.memory_space<vmem>> -> memref<128xi32, #tpu.memory_space<vmem>>
      %dma_start3A_356 = arith.constant 0 : i32
      %dma_start3A_357 = arith.constant 0 : i32
      %dma_start3A_358 = tpu.memref_slice %arg2[%dma_start3A_356, %dma_start3A_357] : memref<10000x128xf32, #tpu.memory_space<hbm>> -> memref<10000x128xf32, #tpu.memory_space<hbm>>
      tpu.enqueue_indirect_dma source(%dma_start3A_358 : memref<10000x128xf32, #tpu.memory_space<hbm>>) target(%arg8 : memref<128x128xf32, #tpu.memory_space<vmem>>) offsets(%dma_start3A_355 : memref<128xi32, #tpu.memory_space<vmem>>) semaphore(%arg13 : memref<!tpu.dma_semaphore, #tpu.memory_space<semaphore_mem>>)
      %dma_wait3A_359 = arith.constant 0 : i32
      %dma_wait3A_360 = arith.constant 0 : i32
      %dma_wait3A_361 = arith.constant 0 : i32
      %dma_wait3A_362 = arith.constant 0 : i32
      %dma_wait3A_363 = tpu.memref_slice %arg3[%arg0, %arg1, %dma_wait3A_359, %dma_wait3A_360, %dma_wait3A_361, %dma_wait3A_362] : memref<2x16x10x2x8x128xi32, #tpu.memory_space<hbm>> -> memref<1x1x1x2x8x128xi32, #tpu.memory_space<hbm>>
      %dma_wait3A_364 = tpu.memref_squeeze %dma_wait3A_363 : memref<1x1x1x2x8x128xi32, #tpu.memory_space<hbm>> -> memref<2x8x128xi32, #tpu.memory_space<hbm>>
      %dma_wait3A_365 = arith.constant 0 : i32
      %dma_wait3A_366 = arith.constant 0 : i32
      %dma_wait3A_367 = arith.constant 0 : i32
      %dma_wait3A_368 = tpu.memref_slice %arg3[%arg0, %arg1, %dma_wait3A_359, %dma_wait3A_365, %dma_wait3A_366, %dma_wait3A_367] : memref<2x16x10x2x8x128xi32, #tpu.memory_space<hbm>> -> memref<1x1x1x2x8x128xi32, #tpu.memory_space<hbm>>
      %dma_wait3A_369 = tpu.memref_squeeze %dma_wait3A_368 : memref<1x1x1x2x8x128xi32, #tpu.memory_space<hbm>> -> memref<2x8x128xi32, #tpu.memory_space<hbm>>
      tpu.wait_dma2 semaphore(%arg10 : memref<!tpu.dma_semaphore, #tpu.memory_space<semaphore_mem>>) src(%dma_wait3A_369 : memref<2x8x128xi32, #tpu.memory_space<hbm>>) dst(%arg5 : memref<2x8x128xi32, #tpu.memory_space<vmem>>)
      %dma_wait3A_370 = arith.constant 0 : i32
      %dma_wait3A_371 = arith.constant 6 : i32
      %dma_wait3A_372 = arith.constant 0 : i32
      %dma_wait3A_373 = tpu.memref_slice %arg6[%dma_wait3A_370, %dma_wait3A_371, %dma_wait3A_372] : memref<2x8x128xi32, #tpu.memory_space<vmem>> -> memref<1x1x128xi32, #tpu.memory_space<vmem>>
      %dma_wait3A_374 = tpu.memref_squeeze %dma_wait3A_373 : memref<1x1x128xi32, #tpu.memory_space<vmem>> -> memref<128xi32, #tpu.memory_space<vmem>>
      %dma_wait3A_375 = arith.constant 0 : i32
      %dma_wait3A_376 = arith.constant 0 : i32
      %dma_wait3A_377 = tpu.memref_slice %arg2[%dma_wait3A_375, %dma_wait3A_376] : memref<10000x128xf32, #tpu.memory_space<hbm>> -> memref<10000x128xf32, #tpu.memory_space<hbm>>
      tpu.wait_indirect_dma semaphore(%arg12 : memref<!tpu.dma_semaphore, #tpu.memory_space<semaphore_mem>>) src(%dma_wait3A_377 : memref<10000x128xf32, #tpu.memory_space<hbm>>) dst(%arg7 : memref<128x128xf32, #tpu.memory_space<vmem>>)
      %run_scoped3A_378 = arith.constant 1 : i32
      %run_scoped3A_379 = arith.constant 6 : i32
      "tpu.region"() ({
        %run_scoped3A_416 = tpu.sem_alloc : memref<!tpu.dma_semaphore, #tpu.memory_space<semaphore_mem>>
        %dma_start3A_417 = arith.constant 0 : i32
        %dma_start3A_418 = tpu.memref_slice %arg6[%run_scoped3A_378, %run_scoped3A_379, %dma_start3A_417] : memref<2x8x128xi32, #tpu.memory_space<vmem>> -> memref<1x1x128xi32, #tpu.memory_space<vmem>>
        %dma_start3A_419 = tpu.memref_squeeze %dma_start3A_418 : memref<1x1x128xi32, #tpu.memory_space<vmem>> -> memref<128xi32, #tpu.memory_space<vmem>>
        %dma_start3A_420 = arith.constant 0 : i32
        %dma_start3A_421 = arith.constant 0 : i32
        %dma_start3A_422 = tpu.memref_slice %arg9[%dma_start3A_420, %dma_start3A_421] : memref<10112x128xf32, #tpu.memory_space<vmem_shared>> -> memref<10112x128xf32, #tpu.memory_space<vmem_shared>>
        tpu.enqueue_indirect_dma source(%arg7 : memref<128x128xf32, #tpu.memory_space<vmem>>) target(%dma_start3A_422 : memref<10112x128xf32, #tpu.memory_space<vmem_shared>>) offsets(%dma_start3A_419 : memref<128xi32, #tpu.memory_space<vmem>>) semaphore(%run_scoped3A_416 : memref<!tpu.dma_semaphore, #tpu.memory_space<semaphore_mem>>) {add = true}
        %dma_wait3A_423 = arith.constant 0 : i32
        %dma_wait3A_424 = tpu.memref_slice %arg6[%run_scoped3A_378, %run_scoped3A_379, %dma_wait3A_423] : memref<2x8x128xi32, #tpu.memory_space<vmem>> -> memref<1x1x128xi32, #tpu.memory_space<vmem>>
        %dma_wait3A_425 = tpu.memref_squeeze %dma_wait3A_424 : memref<1x1x128xi32, #tpu.memory_space<vmem>> -> memref<128xi32, #tpu.memory_space<vmem>>
        %dma_wait3A_426 = arith.constant 0 : i32
        %dma_wait3A_427 = arith.constant 0 : i32
        %dma_wait3A_428 = tpu.memref_slice %arg9[%dma_wait3A_426, %dma_wait3A_427] : memref<10112x128xf32, #tpu.memory_space<vmem_shared>> -> memref<10112x128xf32, #tpu.memory_space<vmem_shared>>
        tpu.wait_indirect_dma semaphore(%run_scoped3A_416 : memref<!tpu.dma_semaphore, #tpu.memory_space<semaphore_mem>>) src(%arg7 : memref<128x128xf32, #tpu.memory_space<vmem>>) dst(%dma_wait3A_428 : memref<10112x128xf32, #tpu.memory_space<vmem_shared>>)
        tpu.yield
      }) : () -> ()
      %dma_start3A_380 = arith.constant 0 : i32
      %dma_start3A_381 = arith.constant 0 : i32
      %dma_start3A_382 = arith.constant 0 : i32
      %dma_start3A_383 = tpu.memref_slice %arg5[%dma_start3A_380, %dma_start3A_381, %dma_start3A_382] : memref<2x8x128xi32, #tpu.memory_space<vmem>> -> memref<1x1x128xi32, #tpu.memory_space<vmem>>
      %dma_start3A_384 = tpu.memref_squeeze %dma_start3A_383 : memref<1x1x128xi32, #tpu.memory_space<vmem>> -> memref<128xi32, #tpu.memory_space<vmem>>
      %dma_start3A_385 = arith.constant 0 : i32
      %dma_start3A_386 = arith.constant 0 : i32
      %dma_start3A_387 = tpu.memref_slice %arg2[%dma_start3A_385, %dma_start3A_386] : memref<10000x128xf32, #tpu.memory_space<hbm>> -> memref<10000x128xf32, #tpu.memory_space<hbm>>
      tpu.enqueue_indirect_dma source(%dma_start3A_387 : memref<10000x128xf32, #tpu.memory_space<hbm>>) target(%arg7 : memref<128x128xf32, #tpu.memory_space<vmem>>) offsets(%dma_start3A_384 : memref<128xi32, #tpu.memory_space<vmem>>) semaphore(%arg12 : memref<!tpu.dma_semaphore, #tpu.memory_space<semaphore_mem>>)
      %dma_wait3A_388 = arith.constant 0 : i32
      %dma_wait3A_389 = arith.constant 7 : i32
      %dma_wait3A_390 = arith.constant 0 : i32
      %dma_wait3A_391 = tpu.memref_slice %arg6[%dma_wait3A_388, %dma_wait3A_389, %dma_wait3A_390] : memref<2x8x128xi32, #tpu.memory_space<vmem>> -> memref<1x1x128xi32, #tpu.memory_space<vmem>>
      %dma_wait3A_392 = tpu.memref_squeeze %dma_wait3A_391 : memref<1x1x128xi32, #tpu.memory_space<vmem>> -> memref<128xi32, #tpu.memory_space<vmem>>
      %dma_wait3A_393 = arith.constant 0 : i32
      %dma_wait3A_394 = arith.constant 0 : i32
      %dma_wait3A_395 = tpu.memref_slice %arg2[%dma_wait3A_393, %dma_wait3A_394] : memref<10000x128xf32, #tpu.memory_space<hbm>> -> memref<10000x128xf32, #tpu.memory_space<hbm>>
      tpu.wait_indirect_dma semaphore(%arg13 : memref<!tpu.dma_semaphore, #tpu.memory_space<semaphore_mem>>) src(%dma_wait3A_395 : memref<10000x128xf32, #tpu.memory_space<hbm>>) dst(%arg8 : memref<128x128xf32, #tpu.memory_space<vmem>>)
      %run_scoped3A_396 = arith.constant 1 : i32
      %run_scoped3A_397 = arith.constant 7 : i32
      "tpu.region"() ({
        %run_scoped3A_416 = tpu.sem_alloc : memref<!tpu.dma_semaphore, #tpu.memory_space<semaphore_mem>>
        %dma_start3A_417 = arith.constant 0 : i32
        %dma_start3A_418 = tpu.memref_slice %arg6[%run_scoped3A_396, %run_scoped3A_397, %dma_start3A_417] : memref<2x8x128xi32, #tpu.memory_space<vmem>> -> memref<1x1x128xi32, #tpu.memory_space<vmem>>
        %dma_start3A_419 = tpu.memref_squeeze %dma_start3A_418 : memref<1x1x128xi32, #tpu.memory_space<vmem>> -> memref<128xi32, #tpu.memory_space<vmem>>
        %dma_start3A_420 = arith.constant 0 : i32
        %dma_start3A_421 = arith.constant 0 : i32
        %dma_start3A_422 = tpu.memref_slice %arg9[%dma_start3A_420, %dma_start3A_421] : memref<10112x128xf32, #tpu.memory_space<vmem_shared>> -> memref<10112x128xf32, #tpu.memory_space<vmem_shared>>
        tpu.enqueue_indirect_dma source(%arg8 : memref<128x128xf32, #tpu.memory_space<vmem>>) target(%dma_start3A_422 : memref<10112x128xf32, #tpu.memory_space<vmem_shared>>) offsets(%dma_start3A_419 : memref<128xi32, #tpu.memory_space<vmem>>) semaphore(%run_scoped3A_416 : memref<!tpu.dma_semaphore, #tpu.memory_space<semaphore_mem>>) {add = true}
        %dma_wait3A_423 = arith.constant 0 : i32
        %dma_wait3A_424 = tpu.memref_slice %arg6[%run_scoped3A_396, %run_scoped3A_397, %dma_wait3A_423] : memref<2x8x128xi32, #tpu.memory_space<vmem>> -> memref<1x1x128xi32, #tpu.memory_space<vmem>>
        %dma_wait3A_425 = tpu.memref_squeeze %dma_wait3A_424 : memref<1x1x128xi32, #tpu.memory_space<vmem>> -> memref<128xi32, #tpu.memory_space<vmem>>
        %dma_wait3A_426 = arith.constant 0 : i32
        %dma_wait3A_427 = arith.constant 0 : i32
        %dma_wait3A_428 = tpu.memref_slice %arg9[%dma_wait3A_426, %dma_wait3A_427] : memref<10112x128xf32, #tpu.memory_space<vmem_shared>> -> memref<10112x128xf32, #tpu.memory_space<vmem_shared>>
        tpu.wait_indirect_dma semaphore(%run_scoped3A_416 : memref<!tpu.dma_semaphore, #tpu.memory_space<semaphore_mem>>) src(%arg8 : memref<128x128xf32, #tpu.memory_space<vmem>>) dst(%dma_wait3A_428 : memref<10112x128xf32, #tpu.memory_space<vmem_shared>>)
        tpu.yield
      }) : () -> ()
      %dma_start3A_398 = arith.constant 0 : i32
      %dma_start3A_399 = arith.constant 1 : i32
      %dma_start3A_400 = arith.constant 0 : i32
      %dma_start3A_401 = tpu.memref_slice %arg5[%dma_start3A_398, %dma_start3A_399, %dma_start3A_400] : memref<2x8x128xi32, #tpu.memory_space<vmem>> -> memref<1x1x128xi32, #tpu.memory_space<vmem>>
      %dma_start3A_402 = tpu.memref_squeeze %dma_start3A_401 : memref<1x1x128xi32, #tpu.memory_space<vmem>> -> memref<128xi32, #tpu.memory_space<vmem>>
      %dma_start3A_403 = arith.constant 0 : i32
      %dma_start3A_404 = arith.constant 0 : i32
      %dma_start3A_405 = tpu.memref_slice %arg2[%dma_start3A_403, %dma_start3A_404] : memref<10000x128xf32, #tpu.memory_space<hbm>> -> memref<10000x128xf32, #tpu.memory_space<hbm>>
      tpu.enqueue_indirect_dma source(%dma_start3A_405 : memref<10000x128xf32, #tpu.memory_space<hbm>>) target(%arg8 : memref<128x128xf32, #tpu.memory_space<vmem>>) offsets(%dma_start3A_402 : memref<128xi32, #tpu.memory_space<vmem>>) semaphore(%arg13 : memref<!tpu.dma_semaphore, #tpu.memory_space<semaphore_mem>>)
      %dma_start3A_406 = arith.constant 0 : i32
      %dma_start3A_407 = arith.constant 0 : i32
      %dma_start3A_408 = arith.constant 0 : i32
      %dma_start3A_409 = tpu.memref_slice %arg3[%arg0, %arg1, %min3A_85, %dma_start3A_406, %dma_start3A_407, %dma_start3A_408] : memref<2x16x10x2x8x128xi32, #tpu.memory_space<hbm>> -> memref<1x1x1x2x8x128xi32, #tpu.memory_space<hbm>>
      %dma_start3A_410 = tpu.memref_squeeze %dma_start3A_409 : memref<1x1x1x2x8x128xi32, #tpu.memory_space<hbm>> -> memref<2x8x128xi32, #tpu.memory_space<hbm>>
      %dma_start3A_411 = arith.constant 0 : i32
      %dma_start3A_412 = arith.constant 0 : i32
      %dma_start3A_413 = arith.constant 0 : i32
      %dma_start3A_414 = tpu.memref_slice %arg3[%arg0, %arg1, %min3A_85, %dma_start3A_411, %dma_start3A_412, %dma_start3A_413] : memref<2x16x10x2x8x128xi32, #tpu.memory_space<hbm>> -> memref<1x1x1x2x8x128xi32, #tpu.memory_space<hbm>>
      %dma_start3A_415 = tpu.memref_squeeze %dma_start3A_414 : memref<1x1x1x2x8x128xi32, #tpu.memory_space<hbm>> -> memref<2x8x128xi32, #tpu.memory_space<hbm>>
      tpu.enqueue_dma source(%dma_start3A_415 : memref<2x8x128xi32, #tpu.memory_space<hbm>>) target(%arg6 : memref<2x8x128xi32, #tpu.memory_space<vmem>>) target_semaphore(%arg11 : memref<!tpu.dma_semaphore, #tpu.memory_space<semaphore_mem>>)
    }
    %scan3A_46 = arith.constant 5 : i32
    %dma_wait3A = arith.constant 0 : i32
    %dma_wait3A_47 = arith.constant 0 : i32
    %dma_wait3A_48 = arith.constant 0 : i32
    %dma_wait3A_49 = tpu.memref_slice %arg5[%dma_wait3A, %dma_wait3A_47, %dma_wait3A_48] : memref<2x8x128xi32, #tpu.memory_space<vmem>> -> memref<1x1x128xi32, #tpu.memory_space<vmem>>
    %dma_wait3A_50 = tpu.memref_squeeze %dma_wait3A_49 : memref<1x1x128xi32, #tpu.memory_space<vmem>> -> memref<128xi32, #tpu.memory_space<vmem>>
    %dma_wait3A_51 = arith.constant 0 : i32
    %dma_wait3A_52 = arith.constant 0 : i32
    %dma_wait3A_53 = tpu.memref_slice %arg2[%dma_wait3A_51, %dma_wait3A_52] : memref<10000x128xf32, #tpu.memory_space<hbm>> -> memref<10000x128xf32, #tpu.memory_space<hbm>>
    tpu.wait_indirect_dma semaphore(%arg12 : memref<!tpu.dma_semaphore, #tpu.memory_space<semaphore_mem>>) src(%dma_wait3A_53 : memref<10000x128xf32, #tpu.memory_space<hbm>>) dst(%arg7 : memref<128x128xf32, #tpu.memory_space<vmem>>)
    %dma_wait3A_54 = arith.constant 0 : i32
    %dma_wait3A_55 = arith.constant 1 : i32
    %dma_wait3A_56 = arith.constant 0 : i32
    %dma_wait3A_57 = tpu.memref_slice %arg5[%dma_wait3A_54, %dma_wait3A_55, %dma_wait3A_56] : memref<2x8x128xi32, #tpu.memory_space<vmem>> -> memref<1x1x128xi32, #tpu.memory_space<vmem>>
    %dma_wait3A_58 = tpu.memref_squeeze %dma_wait3A_57 : memref<1x1x128xi32, #tpu.memory_space<vmem>> -> memref<128xi32, #tpu.memory_space<vmem>>
    %dma_wait3A_59 = arith.constant 0 : i32
    %dma_wait3A_60 = arith.constant 0 : i32
    %dma_wait3A_61 = tpu.memref_slice %arg2[%dma_wait3A_59, %dma_wait3A_60] : memref<10000x128xf32, #tpu.memory_space<hbm>> -> memref<10000x128xf32, #tpu.memory_space<hbm>>
    tpu.wait_indirect_dma semaphore(%arg13 : memref<!tpu.dma_semaphore, #tpu.memory_space<semaphore_mem>>) src(%dma_wait3A_61 : memref<10000x128xf32, #tpu.memory_space<hbm>>) dst(%arg8 : memref<128x128xf32, #tpu.memory_space<vmem>>)
    %dma_wait3A_62 = arith.constant 0 : i32
    %dma_wait3A_63 = arith.constant 0 : i32
    %dma_wait3A_64 = arith.constant 0 : i32
    %dma_wait3A_65 = arith.constant 0 : i32
    %dma_wait3A_66 = tpu.memref_slice %arg3[%arg0, %arg1, %dma_wait3A_62, %dma_wait3A_63, %dma_wait3A_64, %dma_wait3A_65] : memref<2x16x10x2x8x128xi32, #tpu.memory_space<hbm>> -> memref<1x1x1x2x8x128xi32, #tpu.memory_space<hbm>>
    %dma_wait3A_67 = tpu.memref_squeeze %dma_wait3A_66 : memref<1x1x1x2x8x128xi32, #tpu.memory_space<hbm>> -> memref<2x8x128xi32, #tpu.memory_space<hbm>>
    %dma_wait3A_68 = arith.constant 0 : i32
    %dma_wait3A_69 = arith.constant 0 : i32
    %dma_wait3A_70 = arith.constant 0 : i32
    %dma_wait3A_71 = tpu.memref_slice %arg3[%arg0, %arg1, %dma_wait3A_62, %dma_wait3A_68, %dma_wait3A_69, %dma_wait3A_70] : memref<2x16x10x2x8x128xi32, #tpu.memory_space<hbm>> -> memref<1x1x1x2x8x128xi32, #tpu.memory_space<hbm>>
    %dma_wait3A_72 = tpu.memref_squeeze %dma_wait3A_71 : memref<1x1x1x2x8x128xi32, #tpu.memory_space<hbm>> -> memref<2x8x128xi32, #tpu.memory_space<hbm>>
    tpu.wait_dma2 semaphore(%arg11 : memref<!tpu.dma_semaphore, #tpu.memory_space<semaphore_mem>>) src(%dma_wait3A_72 : memref<2x8x128xi32, #tpu.memory_space<hbm>>) dst(%arg6 : memref<2x8x128xi32, #tpu.memory_space<vmem>>)
    %barrier3A_73 = arith.constant 0 : index
    tpu.barrier barrier_id(%barrier3A_73)
    "tpu.region"() ({
      %run_scoped3A_74 = tpu.sem_alloc : memref<!tpu.dma_semaphore, #tpu.memory_space<semaphore_mem>>
      %dma_start3A_75 = arith.constant 0 : i32
      %dma_start3A_76 = tpu.memref_slice %arg4[%arg0, %mul3A_5, %dma_start3A_75] : memref<2x10112x128xf32, #tpu.memory_space<hbm>> -> memref<1x632x128xf32, #tpu.memory_space<hbm>>
      %dma_start3A_77 = tpu.memref_squeeze %dma_start3A_76 : memref<1x632x128xf32, #tpu.memory_space<hbm>> -> memref<632x128xf32, #tpu.memory_space<hbm>>
      %dma_start3A_78 = arith.constant 0 : i32
      %dma_start3A_79 = tpu.memref_slice %arg9[%mul3A_5, %dma_start3A_78] : memref<10112x128xf32, #tpu.memory_space<vmem_shared>> -> memref<632x128xf32, #tpu.memory_space<vmem_shared>>
      tpu.enqueue_dma source(%dma_start3A_79 : memref<632x128xf32, #tpu.memory_space<vmem_shared>>) target(%dma_start3A_77 : memref<632x128xf32, #tpu.memory_space<hbm>>) target_semaphore(%run_scoped3A_74 : memref<!tpu.dma_semaphore, #tpu.memory_space<semaphore_mem>>)
      %dma_wait3A_80 = arith.constant 0 : i32
      %dma_wait3A_81 = tpu.memref_slice %arg4[%arg0, %mul3A_5, %dma_wait3A_80] : memref<2x10112x128xf32, #tpu.memory_space<hbm>> -> memref<1x632x128xf32, #tpu.memory_space<hbm>>
      %dma_wait3A_82 = tpu.memref_squeeze %dma_wait3A_81 : memref<1x632x128xf32, #tpu.memory_space<hbm>> -> memref<632x128xf32, #tpu.memory_space<hbm>>
      %dma_wait3A_83 = arith.constant 0 : i32
      %dma_wait3A_84 = tpu.memref_slice %arg9[%mul3A_5, %dma_wait3A_83] : memref<10112x128xf32, #tpu.memory_space<vmem_shared>> -> memref<632x128xf32, #tpu.memory_space<vmem_shared>>
      tpu.wait_dma2 semaphore(%run_scoped3A_74 : memref<!tpu.dma_semaphore, #tpu.memory_space<semaphore_mem>>) src(%dma_wait3A_84 : memref<632x128xf32, #tpu.memory_space<vmem_shared>>) dst(%dma_wait3A_82 : memref<632x128xf32, #tpu.memory_space<hbm>>)
      tpu.yield
    }) : () -> ()
    return
  }
}

module attributes {stable_mosaic.version = 14 : i64} {
  func.func @_mlp1_body(%arg0: i32, %arg1: memref<1000x128xf32, #tpu.memory_space<vmem>>, %arg2: memref<2x1000x128xf32, #tpu.memory_space<vmem>>, %arg3: memref<128x128xf32, #tpu.memory_space<vmem>>, %arg4: memref<1x128xf32, #tpu.memory_space<vmem>>, %arg5: memref<128x128xf32, #tpu.memory_space<vmem>>, %arg6: memref<1x128xf32, #tpu.memory_space<vmem>>, %arg7: memref<1000x128xf32, #tpu.memory_space<vmem>>) attributes {dimension_semantics = [#tpu.dimension_semantics<arbitrary>], iteration_bounds = array<i64: 10>, scalar_prefetch = 0 : i64, scratch_operands = 0 : i64, tpu.core_type = #tpu.core_type<tc>, window_params = [{transform_indices = @transform_0, window_bounds = array<i64: 1000, 128>}, {transform_indices = @transform_1, window_bounds = array<i64: 2, 1000, 128>}, {pipeline_mode = #tpu.pipeline_mode<synchronous>, transform_indices = @transform_2, window_bounds = array<i64: 128, 128>}, {pipeline_mode = #tpu.pipeline_mode<synchronous>, transform_indices = @transform_3, window_bounds = array<i64: 1, 128>}, {pipeline_mode = #tpu.pipeline_mode<synchronous>, transform_indices = @transform_4, window_bounds = array<i64: 128, 128>}, {pipeline_mode = #tpu.pipeline_mode<synchronous>, transform_indices = @transform_5, window_bounds = array<i64: 1, 128>}, {transform_indices = @transform_6, window_bounds = array<i64: 1000, 128>}]} {
    %get3A = arith.constant 0 : index
    %get3A_0 = arith.constant 0 : index
    %get3A_1 = vector.load %arg1[%get3A, %get3A_0] : memref<1000x128xf32, #tpu.memory_space<vmem>>, vector<1000x128xf32>
    %get3A_2 = arith.constant 0 : index
    %get3A_3 = arith.constant 0 : index
    %get3A_4 = arith.constant 0 : index
    %get3A_5 = vector.load %arg2[%get3A_2, %get3A_3, %get3A_4] : memref<2x1000x128xf32, #tpu.memory_space<vmem>>, vector<1x1000x128xf32>
    %get3A_6 = vector.shape_cast %get3A_5 : vector<1x1000x128xf32> to vector<1000x128xf32>
    %add3A = arith.addf %get3A_1, %get3A_6 : vector<1000x128xf32>
    %get3A_7 = arith.constant 1 : index
    %get3A_8 = arith.constant 0 : index
    %get3A_9 = arith.constant 0 : index
    %get3A_10 = vector.load %arg2[%get3A_7, %get3A_8, %get3A_9] : memref<2x1000x128xf32, #tpu.memory_space<vmem>>, vector<1x1000x128xf32>
    %get3A_11 = vector.shape_cast %get3A_10 : vector<1x1000x128xf32> to vector<1000x128xf32>
    %add3A_12 = arith.addf %add3A, %get3A_11 : vector<1000x128xf32>
    %get3A_13 = arith.constant 0 : index
    %get3A_14 = arith.constant 0 : index
    %get3A_15 = vector.load %arg3[%get3A_13, %get3A_14] : memref<128x128xf32, #tpu.memory_space<vmem>>, vector<128x128xf32>
    %dot_general3A = arith.constant dense<0.000000e+00> : vector<1000x128xf32>
    %dot_general3A_16 = tpu.matmul %add3A_12, %get3A_15, %dot_general3A {dimension_numbers = #tpu.dot_dimension_numbers<[1], [0], [0], [1], [0, 0, 1, 1], [], []>, transpose_lhs_hint = false} : vector<1000x128xf32>, vector<128x128xf32>, vector<1000x128xf32> -> vector<1000x128xf32>
    %get3A_17 = arith.constant 0 : index
    %get3A_18 = arith.constant 0 : index
    %get3A_19 = vector.load %arg4[%get3A_17, %get3A_18] : memref<1x128xf32, #tpu.memory_space<vmem>>, vector<1x128xf32>
    %add3A_20 = vector.broadcast %get3A_19 : vector<1x128xf32> to vector<1000x128xf32>
    %add3A_21 = arith.addf %dot_general3A_16, %add3A_20 : vector<1000x128xf32>
    %max3A = arith.constant 0.000000e+00 : f32
    %max3A_22 = vector.broadcast %max3A : f32 to vector<1000x128xf32>
    %max3A_23 = arith.maximumf %add3A_21, %max3A_22 : vector<1000x128xf32>
    %get3A_24 = arith.constant 0 : index
    %get3A_25 = arith.constant 0 : index
    %get3A_26 = vector.load %arg5[%get3A_24, %get3A_25] : memref<128x128xf32, #tpu.memory_space<vmem>>, vector<128x128xf32>
    %dot_general3A_27 = arith.constant dense<0.000000e+00> : vector<1000x128xf32>
    %dot_general3A_28 = tpu.matmul %max3A_23, %get3A_26, %dot_general3A_27 {dimension_numbers = #tpu.dot_dimension_numbers<[1], [0], [0], [1], [0, 0, 1, 1], [], []>, transpose_lhs_hint = false} : vector<1000x128xf32>, vector<128x128xf32>, vector<1000x128xf32> -> vector<1000x128xf32>
    %get3A_29 = arith.constant 0 : index
    %get3A_30 = arith.constant 0 : index
    %get3A_31 = vector.load %arg6[%get3A_29, %get3A_30] : memref<1x128xf32, #tpu.memory_space<vmem>>, vector<1x128xf32>
    %add3A_32 = vector.broadcast %get3A_31 : vector<1x128xf32> to vector<1000x128xf32>
    %add3A_33 = arith.addf %dot_general3A_28, %add3A_32 : vector<1000x128xf32>
    %max3A_34 = arith.constant 0.000000e+00 : f32
    %max3A_35 = vector.broadcast %max3A_34 : f32 to vector<1000x128xf32>
    %max3A_36 = arith.maximumf %add3A_33, %max3A_35 : vector<1000x128xf32>
    %swap3A = arith.constant 0 : index
    %swap3A_37 = arith.constant 0 : index
    %swap3A_38 = vector.load %arg7[%swap3A, %swap3A_37] : memref<1000x128xf32, #tpu.memory_space<vmem>>, vector<1000x128xf32>
    tpu.vector_store %arg7[%swap3A, %swap3A_37], %max3A_36 {strides = array<i32>} : memref<1000x128xf32, #tpu.memory_space<vmem>>, vector<1000x128xf32>,
    return
  }
  func.func @transform_0(%arg0: i32) -> (i32, i32) {
    %c0_i32 = arith.constant 0 : i32
    %c0_i32_0 = arith.constant 0 : i32
    return %arg0, %c0_i32 : i32, i32
  }
  func.func @transform_1(%arg0: i32) -> (i32, i32, i32) {
    %c0_i32 = arith.constant 0 : i32
    %c0_i32_0 = arith.constant 0 : i32
    %c0_i32_1 = arith.constant 0 : i32
    return %c0_i32, %arg0, %c0_i32_0 : i32, i32, i32
  }
  func.func @transform_2(%arg0: i32) -> (i32, i32) {
    %c0_i32 = arith.constant 0 : i32
    %c0_i32_0 = arith.constant 0 : i32
    %c0_i32_1 = arith.constant 0 : i32
    return %c0_i32, %c0_i32_0 : i32, i32
  }
  func.func @transform_3(%arg0: i32) -> (i32, i32) {
    %c0_i32 = arith.constant 0 : i32
    %c0_i32_0 = arith.constant 0 : i32
    %c0_i32_1 = arith.constant 0 : i32
    return %c0_i32, %c0_i32_0 : i32, i32
  }
  func.func @transform_4(%arg0: i32) -> (i32, i32) {
    %c0_i32 = arith.constant 0 : i32
    %c0_i32_0 = arith.constant 0 : i32
    %c0_i32_1 = arith.constant 0 : i32
    return %c0_i32, %c0_i32_0 : i32, i32
  }
  func.func @transform_5(%arg0: i32) -> (i32, i32) {
    %c0_i32 = arith.constant 0 : i32
    %c0_i32_0 = arith.constant 0 : i32
    %c0_i32_1 = arith.constant 0 : i32
    return %c0_i32, %c0_i32_0 : i32, i32
  }
  func.func @transform_6(%arg0: i32) -> (i32, i32) {
    %c0_i32 = arith.constant 0 : i32
    %c0_i32_0 = arith.constant 0 : i32
    return %arg0, %c0_i32 : i32, i32
  }
}

module attributes {stable_mosaic.version = 14 : i64} {
  func.func @_mlp2_body(%arg0: i32, %arg1: memref<1000x128xf32, #tpu.memory_space<vmem>>, %arg2: memref<2x1000x128xf32, #tpu.memory_space<vmem>>, %arg3: memref<128x128xf32, #tpu.memory_space<vmem>>, %arg4: memref<1x128xf32, #tpu.memory_space<vmem>>, %arg5: memref<128x128xf32, #tpu.memory_space<vmem>>, %arg6: memref<1x128xf32, #tpu.memory_space<vmem>>, %arg7: memref<128x1xf32, #tpu.memory_space<vmem>>, %arg8: memref<1x1xf32, #tpu.memory_space<vmem>>, %arg9: memref<1000x1xf32, #tpu.memory_space<vmem>>) attributes {dimension_semantics = [#tpu.dimension_semantics<arbitrary>], iteration_bounds = array<i64: 10>, scalar_prefetch = 0 : i64, scratch_operands = 0 : i64, tpu.core_type = #tpu.core_type<tc>, window_params = [{transform_indices = @transform_0, window_bounds = array<i64: 1000, 128>}, {transform_indices = @transform_1, window_bounds = array<i64: 2, 1000, 128>}, {pipeline_mode = #tpu.pipeline_mode<synchronous>, transform_indices = @transform_2, window_bounds = array<i64: 128, 128>}, {pipeline_mode = #tpu.pipeline_mode<synchronous>, transform_indices = @transform_3, window_bounds = array<i64: 1, 128>}, {pipeline_mode = #tpu.pipeline_mode<synchronous>, transform_indices = @transform_4, window_bounds = array<i64: 128, 128>}, {pipeline_mode = #tpu.pipeline_mode<synchronous>, transform_indices = @transform_5, window_bounds = array<i64: 1, 128>}, {pipeline_mode = #tpu.pipeline_mode<synchronous>, transform_indices = @transform_6, window_bounds = array<i64: 128, 1>}, {pipeline_mode = #tpu.pipeline_mode<synchronous>, transform_indices = @transform_7, window_bounds = array<i64: 1, 1>}, {transform_indices = @transform_8, window_bounds = array<i64: 1000, 1>}]} {
    %get3A = arith.constant 0 : index
    %get3A_0 = arith.constant 0 : index
    %get3A_1 = vector.load %arg1[%get3A, %get3A_0] : memref<1000x128xf32, #tpu.memory_space<vmem>>, vector<1000x128xf32>
    %get3A_2 = arith.constant 0 : index
    %get3A_3 = arith.constant 0 : index
    %get3A_4 = arith.constant 0 : index
    %get3A_5 = vector.load %arg2[%get3A_2, %get3A_3, %get3A_4] : memref<2x1000x128xf32, #tpu.memory_space<vmem>>, vector<1x1000x128xf32>
    %get3A_6 = vector.shape_cast %get3A_5 : vector<1x1000x128xf32> to vector<1000x128xf32>
    %add3A = arith.addf %get3A_1, %get3A_6 : vector<1000x128xf32>
    %get3A_7 = arith.constant 1 : index
    %get3A_8 = arith.constant 0 : index
    %get3A_9 = arith.constant 0 : index
    %get3A_10 = vector.load %arg2[%get3A_7, %get3A_8, %get3A_9] : memref<2x1000x128xf32, #tpu.memory_space<vmem>>, vector<1x1000x128xf32>
    %get3A_11 = vector.shape_cast %get3A_10 : vector<1x1000x128xf32> to vector<1000x128xf32>
    %add3A_12 = arith.addf %add3A, %get3A_11 : vector<1000x128xf32>
    %get3A_13 = arith.constant 0 : index
    %get3A_14 = arith.constant 0 : index
    %get3A_15 = vector.load %arg3[%get3A_13, %get3A_14] : memref<128x128xf32, #tpu.memory_space<vmem>>, vector<128x128xf32>
    %dot_general3A = arith.constant dense<0.000000e+00> : vector<1000x128xf32>
    %dot_general3A_16 = tpu.matmul %add3A_12, %get3A_15, %dot_general3A {dimension_numbers = #tpu.dot_dimension_numbers<[1], [0], [0], [1], [0, 0, 1, 1], [], []>, transpose_lhs_hint = false} : vector<1000x128xf32>, vector<128x128xf32>, vector<1000x128xf32> -> vector<1000x128xf32>
    %get3A_17 = arith.constant 0 : index
    %get3A_18 = arith.constant 0 : index
    %get3A_19 = vector.load %arg4[%get3A_17, %get3A_18] : memref<1x128xf32, #tpu.memory_space<vmem>>, vector<1x128xf32>
    %add3A_20 = vector.broadcast %get3A_19 : vector<1x128xf32> to vector<1000x128xf32>
    %add3A_21 = arith.addf %dot_general3A_16, %add3A_20 : vector<1000x128xf32>
    %max3A = arith.constant 0.000000e+00 : f32
    %max3A_22 = vector.broadcast %max3A : f32 to vector<1000x128xf32>
    %max3A_23 = arith.maximumf %add3A_21, %max3A_22 : vector<1000x128xf32>
    %get3A_24 = arith.constant 0 : index
    %get3A_25 = arith.constant 0 : index
    %get3A_26 = vector.load %arg5[%get3A_24, %get3A_25] : memref<128x128xf32, #tpu.memory_space<vmem>>, vector<128x128xf32>
    %dot_general3A_27 = arith.constant dense<0.000000e+00> : vector<1000x128xf32>
    %dot_general3A_28 = tpu.matmul %max3A_23, %get3A_26, %dot_general3A_27 {dimension_numbers = #tpu.dot_dimension_numbers<[1], [0], [0], [1], [0, 0, 1, 1], [], []>, transpose_lhs_hint = false} : vector<1000x128xf32>, vector<128x128xf32>, vector<1000x128xf32> -> vector<1000x128xf32>
    %get3A_29 = arith.constant 0 : index
    %get3A_30 = arith.constant 0 : index
    %get3A_31 = vector.load %arg6[%get3A_29, %get3A_30] : memref<1x128xf32, #tpu.memory_space<vmem>>, vector<1x128xf32>
    %add3A_32 = vector.broadcast %get3A_31 : vector<1x128xf32> to vector<1000x128xf32>
    %add3A_33 = arith.addf %dot_general3A_28, %add3A_32 : vector<1000x128xf32>
    %max3A_34 = arith.constant 0.000000e+00 : f32
    %max3A_35 = vector.broadcast %max3A_34 : f32 to vector<1000x128xf32>
    %max3A_36 = arith.maximumf %add3A_33, %max3A_35 : vector<1000x128xf32>
    %get3A_37 = arith.constant 0 : index
    %get3A_38 = arith.constant 0 : index
    %get3A_39 = vector.load %arg7[%get3A_37, %get3A_38] : memref<128x1xf32, #tpu.memory_space<vmem>>, vector<128x1xf32>
    %dot_general3A_40 = arith.constant dense<0.000000e+00> : vector<1000x1xf32>
    %dot_general3A_41 = tpu.matmul %max3A_36, %get3A_39, %dot_general3A_40 {dimension_numbers = #tpu.dot_dimension_numbers<[1], [0], [0], [1], [0, 0, 1, 1], [], []>, transpose_lhs_hint = false} : vector<1000x128xf32>, vector<128x1xf32>, vector<1000x1xf32> -> vector<1000x1xf32>
    %get3A_42 = arith.constant 0 : index
    %get3A_43 = arith.constant 0 : index
    %get3A_44 = vector.load %arg8[%get3A_42, %get3A_43] : memref<1x1xf32, #tpu.memory_space<vmem>>, vector<1x1xf32>
    %add3A_45 = vector.broadcast %get3A_44 : vector<1x1xf32> to vector<1000x1xf32>
    %add3A_46 = arith.addf %dot_general3A_41, %add3A_45 : vector<1000x1xf32>
    %swap3A = arith.constant 0 : index
    %swap3A_47 = arith.constant 0 : index
    %swap3A_48 = vector.load %arg9[%swap3A, %swap3A_47] : memref<1000x1xf32, #tpu.memory_space<vmem>>, vector<1000x1xf32>
    tpu.vector_store %arg9[%swap3A, %swap3A_47], %add3A_46 {strides = array<i32>} : memref<1000x1xf32, #tpu.memory_space<vmem>>, vector<1000x1xf32>,
    return
  }
  func.func @transform_0(%arg0: i32) -> (i32, i32) {
    %c0_i32 = arith.constant 0 : i32
    %c0_i32_0 = arith.constant 0 : i32
    return %arg0, %c0_i32 : i32, i32
  }
  func.func @transform_1(%arg0: i32) -> (i32, i32, i32) {
    %c0_i32 = arith.constant 0 : i32
    %c0_i32_0 = arith.constant 0 : i32
    %c0_i32_1 = arith.constant 0 : i32
    return %c0_i32, %arg0, %c0_i32_0 : i32, i32, i32
  }
  func.func @transform_2(%arg0: i32) -> (i32, i32) {
    %c0_i32 = arith.constant 0 : i32
    %c0_i32_0 = arith.constant 0 : i32
    %c0_i32_1 = arith.constant 0 : i32
    return %c0_i32, %c0_i32_0 : i32, i32
  }
  func.func @transform_3(%arg0: i32) -> (i32, i32) {
    %c0_i32 = arith.constant 0 : i32
    %c0_i32_0 = arith.constant 0 : i32
    %c0_i32_1 = arith.constant 0 : i32
    return %c0_i32, %c0_i32_0 : i32, i32
  }
  func.func @transform_4(%arg0: i32) -> (i32, i32) {
    %c0_i32 = arith.constant 0 : i32
    %c0_i32_0 = arith.constant 0 : i32
    %c0_i32_1 = arith.constant 0 : i32
    return %c0_i32, %c0_i32_0 : i32, i32
  }
  func.func @transform_5(%arg0: i32) -> (i32, i32) {
    %c0_i32 = arith.constant 0 : i32
    %c0_i32_0 = arith.constant 0 : i32
    %c0_i32_1 = arith.constant 0 : i32
    return %c0_i32, %c0_i32_0 : i32, i32
  }
  func.func @transform_6(%arg0: i32) -> (i32, i32) {
    %c0_i32 = arith.constant 0 : i32
    %c0_i32_0 = arith.constant 0 : i32
    %c0_i32_1 = arith.constant 0 : i32
    return %c0_i32, %c0_i32_0 : i32, i32
  }
  func.func @transform_7(%arg0: i32) -> (i32, i32) {
    %c0_i32 = arith.constant 0 : i32
    %c0_i32_0 = arith.constant 0 : i32
    %c0_i32_1 = arith.constant 0 : i32
    return %c0_i32, %c0_i32_0 : i32, i32
  }
  func.func @transform_8(%arg0: i32) -> (i32, i32) {
    %c0_i32 = arith.constant 0 : i32
    %c0_i32_0 = arith.constant 0 : i32
    return %arg0, %c0_i32 : i32, i32
  }
}

</mosaic_0001>

<sc_bundles>
// kernel: kernel.6.cloned.1.call-start
scs
__scs_entry_jumppad:
0x0: {  	(pc) =	sbr.rel $0x88, $3  }
0x1: {  	(tag) =	ssettag $0x0;
	lr =	simm.s32 $0x1  }
0x2: {  	[smem:$0x3F95] =	sst lr;
	_ =	strace $0xD0000000  }
0x3: {  	_ = 	snop  }
0x4: {  	_ = 	snop  }
0x5: {  	_ = 	snop  }
0x6: {  	_ = 	snop  }
0x7: {  	_ = 	snop  }
__scs_overlays_trampoline_lowered:
0x8: {  	[smem:$0x3FA4] =	sst s0  }
0x9: {  	[smem:$0x3FA5] =	sst s1  }
0xa: {  	[smem:$0x3FA6] =	sst s2  }
0xb: {  	[smem:$0x3FA7] =	sst s3  }
0xc: {  	[smem:$0x3FA8] =	sst s4  }
0xd: {  	[smem:$0x3FA9] =	sst s5  }
0xe: {  	[smem:$0x3FAA] =	sst s6  }
0xf: {  	[smem:$0x3FAB] =	sst s7  }
0x10: {  	[smem:$0x3FAC] =	sst s8  }
0x11: {  	[smem:$0x3FAD] =	sst s9;
	s0 =	simm.s32 @!p0 $0x0  }
0x12: {  	s1 =	sld [smem:$0x3F93];
	s0 =	simm.s32 @p0 $0x1  }
0x13: {  	[smem:$0x3FAE] =	sst s0;
	s0 =	simm.s32 @!p1 $0x0  }
0x14: {  	s2 =	sld [smem:$0x3F92];
	s0 =	simm.s32 @p1 $0x1  }
0x15: {  	[smem:$0x3FAF] =	sst s0;
	s0 =	simm.s32 @!p2 $0x0  }
0x16: {  	s3 =	sld [smem:$0x3FDB];
	s0 =	simm.s32 @p2 $0x1  }
0x17: {  	s4 =	simm.s32 $0x1BF5;
	[smem:$0x3FB1] =	sst s0  }
0x18: {  	s0 =	sld [smem:$0x3F94];
	_ =	swait.ge [sflag:s4], $0x0  }
0x19: {  	s7 =	sld [smem:$0x3F95]  }
0x1a: {  	s8 =	sadd.s32 $0xFFFFE003, lr  }
0x1b: {  	s9 =	sadd.s32 $0xFFFFFEF7, lr;
	s5 =	simm.s32 $0xFFFFFFFF;
	p2 =	slt.u32 s8, $0xFFFFF086  }
0x1c: {  	p1 =	slt.u32 s9, $0xF7A;
	s5 =	simm.s32 @!p2 $0x0  }
0x1d: {  	s5 =	simm.s32 @p1 $0x1;
	p0 =	seq.s32 s7, s2  }
0x1e: {  	s7 =	smul.u32 @!p0 $0xF7A, s2;
	p2 =	seq.s32 @!p0 s5, $0x0  }
0x1f: {  	s9 =	smul.u32 $0xF7A, s1;
	s8 =	simm.s32 @!p0 $0x1BF5;
	p2 =	por !p2, p0  }
0x20: {  	[sflag:s8] =	ssyncset.s32 @!p0 $0xFFFFF086;
	s6 =	sadd.s32 @!p0 s3, s7;
	s7 =	simm.s32 @!p0 $0x108  }
0x21: {  	s3 =	sadd.s32 s3, s9;
	s6 =	sadd.s32 @!p0 $0x88, s6;
	s7 =	simm.s32 @p2 $0x1082  }
0x22: {  	[simem:s7], [sflag:s8] =	dma.local @!p0 [hbm:s6], $0xF7A  }
0x23: {  	s9 =	sor.u32 $0xD0000000, s2;
	s6 =	simm.s32 $0x108;
	_ =	swait.ge @!p0 [sflag:s8], $0x0  }
0x24: {  	s3 =	sadd.s32 $0x88, s3;
	s6 =	simm.s32 @!p1 $0x1082;
	[sflag:s4] =	ssyncset.s32 $0xFFFFF086  }
0x25: {  	[simem:s6], [sflag:s4] =	dma.local [hbm:s3], $0xF7A  }
0x26: {  	[smem:$0x3F95] =	sst s1;
	(tag) =	ssettag s2;
	_ =	strace s9  }
0x27: {  	s1 =	sld [smem:$0x3FA5]  }
0x28: {  	s2 =	sld [smem:$0x3FA6]  }
0x29: {  	s4 =	sld [smem:$0x3FA8]  }
0x2a: {  	p0 =	seq.s32 s5, $0x0;
	s5 =	sld [smem:$0x3FA9]  }
0x2b: {  	s6 =	sld [smem:$0x3FAA]  }
0x2c: {  	s7 =	sld [smem:$0x3FAB]  }
0x2d: {  	s3 =	simm.s32 $0x108;
	s8 =	sld [smem:$0x3FAC]  }
0x2e: {  	s3 =	simm.s32 @!p0 $0x1082;
	s9 =	sld [smem:$0x3FAD]  }
0x2f: {  	lr =	sadd.s32 s0, s3;
	s0 =	sld [smem:$0x3FA4]  }
0x30: {  	s3 =	sld [smem:$0x3FA7]  }
0x31: {  	[smem:$0x3FB0] =	sst s10  }
0x32: {  	s10 =	sld [smem:$0x3FAE];
	_ =	sdelay $0x3  }
0x33: {  	p0 =	seq.s32 s10, $0x1;
	s10 =	sld [smem:$0x3FB0];
	_ =	sdelay $0x3  }
0x34: {  	[smem:$0x3FB0] =	sst s10  }
0x35: {  	s10 =	sld [smem:$0x3FAF];
	_ =	sdelay $0x3  }
0x36: {  	p1 =	seq.s32 s10, $0x1;
	s10 =	sld [smem:$0x3FB0];
	_ =	sdelay $0x3  }
0x37: {  	[smem:$0x3FB0] =	sst s10  }
0x38: {  	s10 =	sld [smem:$0x3FB1]  }
0x39: {  	_ = 	snop;
	(pc) =	sbr.ind lr, $3  }
0x3a: {  	_ = 	snop  }
0x3b: {  	_ = 	snop  }
0x3c: {  	p2 =	seq.s32 s10, $0x1;
	s10 =	sld [smem:$0x3FB0]  }
0x3d: {  	_ =	shalt  }
0x3e: {  	_ =	shalt  }
0x3f: {  	_ =	shalt  }
0x40: {  	_ =	shalt  }
0x41: {  	_ =	shalt  }
0x42: {  	_ =	shalt  }
0x43: {  	_ =	shalt  }
0x44: {  	_ =	shalt  }
0x45: {  	_ =	shalt  }
0x46: {  	_ =	shalt  }
0x47: {  	_ =	shalt  }
0x48: {  	_ =	shalt  }
0x49: {  	_ =	shalt  }
0x4a: {  	_ =	shalt  }
0x4b: {  	_ =	shalt  }
0x4c: {  	_ =	shalt  }
0x4d: {  	_ =	shalt  }
0x4e: {  	_ =	shalt  }
0x4f: {  	_ =	shalt  }
0x50: {  	_ =	shalt  }
0x51: {  	_ =	shalt  }
0x52: {  	_ =	shalt  }
0x53: {  	_ =	shalt  }
0x54: {  	_ =	shalt  }
0x55: {  	_ =	shalt  }
0x56: {  	_ =	shalt  }
0x57: {  	_ =	shalt  }
0x58: {  	_ =	shalt  }
0x59: {  	_ =	shalt  }
0x5a: {  	_ =	shalt  }
0x5b: {  	_ =	shalt  }
0x5c: {  	_ =	shalt  }
0x5d: {  	_ =	shalt  }
0x5e: {  	_ =	shalt  }
0x5f: {  	_ =	shalt  }
0x60: {  	_ =	shalt  }
0x61: {  	_ =	shalt  }
0x62: {  	_ =	shalt  }
0x63: {  	_ =	shalt  }
0x64: {  	_ =	shalt  }
0x65: {  	_ =	shalt  }
0x66: {  	_ =	shalt  }
0x67: {  	_ =	shalt  }
0x68: {  	_ =	shalt  }
0x69: {  	_ =	shalt  }
0x6a: {  	_ =	shalt  }
0x6b: {  	_ =	shalt  }
0x6c: {  	_ =	shalt  }
0x6d: {  	_ =	shalt  }
0x6e: {  	_ =	shalt  }
0x6f: {  	_ =	shalt  }
0x70: {  	_ =	shalt  }
0x71: {  	_ =	shalt  }
0x72: {  	_ =	shalt  }
0x73: {  	_ =	shalt  }
0x74: {  	_ =	shalt  }
0x75: {  	_ =	shalt  }
0x76: {  	_ =	shalt  }
0x77: {  	_ =	shalt  }
0x78: {  	_ =	shalt  }
0x79: {  	_ =	shalt  }
0x7a: {  	_ =	shalt  }
0x7b: {  	_ =	shalt  }
0x7c: {  	_ =	shalt  }
0x7d: {  	_ =	shalt  }
0x7e: {  	_ =	shalt  }
0x7f: {  	_ =	shalt  }
0x80: {  	_ =	shalt  }
0x81: {  	_ =	shalt  }
0x82: {  	_ =	shalt  }
0x83: {  	_ =	shalt  }
0x84: {  	_ =	shalt  }
0x85: {  	_ =	shalt  }
0x86: {  	_ =	shalt  }
0x87: {  	_ =	shalt  }
.Lfunc_end0:
.L_simem_size_0:
called_computation_lowered:
.L_overlay_start_0:
0x88: {  	s2 =	sld [smem:$0x3FD9]  }
0x89: {  	s3 =	sld [smem:$0x3FFE];
	_ =	sdelay $0x1  }
0x8a: {  	s1 =	srdreg.scid  }
0x8b: {  	s0 =	sand.u32 $0x1, s1  }
0x8c: {  	s17 =	sshll.u32 s0, $0xA;
	s2 =	sadd.s32 s3, s2  }
0x8d: {  	s2 =	sadd.s32 s2, s17  }
0x8e: {  	[smem:$0x3FBC] =	sst s2  }
0x8f: {  	_ = 	snop  }
0x90: {  	s2 =	sld [smem:$0x3FC9];
	(tm) =	ssettm $0x1  }
0x91: {  	s18 =	sld [smem:$0x3FFB];
	_ =	sdelay $0x3  }
0x92: {  	_ =	strace s18  }
0x93: {  	s3 =	sld [smem:$0x3FFC];
	_ =	sdelay $0x3  }
0x94: {  	_ =	strace s3  }
0x95: {  	s3 =	sld [smem:$0x3FFD];
	_ =	sdelay $0x3  }
0x96: {  	_ =	strace s3  }
0x97: {  	_ =	strace $0x8FFFFFFF  }
0x98: {  	s19 =	sld [smem:$0x3FDB];
	_ =	sdelay $0x1  }
0x99: {  	s4 =	simm.s32 $_scs_section_size  }
0x9a: {  	s5 =	simm.s32 $_size__tile_overlayer_lowered;
	s6 =	simm.s32 $_tile_overlayer_lowered  }
0x9b: {  	s22 =	simm.s32 $0x1BFF;
	s21 =	sshll.u32 s6, $0x1;
	s3 =	sadd.s32 s4, s19  }
0x9c: {  	s7 =	simm.s32 $0x0;
	s20 =	sshll.u32 s5, $0x1;
	s5 =	sadd.s32 s21, s3  }
0x9d: {  	[timem:s7], [sflag:s22] =	dma.local [hbm:s5], s20  }
0x9e: {  	_ =	swait.ge [sflag:s22], s20  }
0x9f: {  	s4 =	ssub.s32 $0x0, s20;
	[sflag:s22] =	ssyncset.done $0x0  }
0xa0: {  	[sflag:s22] =	ssyncadd.s32 s4;
	_ =	sdelay $0x1  }
0xa1: {  	s23 =	simm.s32 $0x1B8B  }
0xa2: {  	_ =	swait.ge [sflag:s23], $0x1  }
0xa3: {  	[sflag:s23] =	ssyncset.done $0x0  }
0xa4: {  	s25 =	simm.s32 $0x1B8E;
	s24 =	sld [smem:$0x3FFE];
	[sflag:s23] =	ssyncadd.s32 $0xFFFFFFFF  }
0xa5: {  	s26 =	simm.s32 $execute0_lowered;
	[smem:$0x3FD2] =	sst s25  }
0xa6: {  	s5 =	sshll.u32 s26, $0x1;
	_ =	strace $0x80000046;
	[dreg:$0x1] =	wrdreg $0xFFFFFFFF  }
0xa7: {  	s28 =	simm.s32 $_size_execute0_lowered;
	s3 =	sadd.s32 s3, s5;
	[dreg:$0x0] =	wrdreg $0x0  }
0xa8: {  	s5 =	sshll.u32 s28, $0x1;
	[dreg:$0x2] =	wrdreg s3  }
0xa9: {  	[dreg:$0x3] =	wrdreg s5  }
0xaa: {  	[dreg:$0x4] =	wrdreg $0xC0  }
0xab: {  	_ =	task [dreg:s7], $0x5FFFF  }
0xac: {  	[dreg:$0x1] =	wrdreg $0xFFFFFFFF  }
0xad: {  	[dreg:$0x0] =	wrdreg $0x60  }
0xae: {  	[dreg:$0x2] =	wrdreg s2  }
0xaf: {  	[dreg:$0x3] =	wrdreg s24  }
0xb0: {  	[dreg:$0x4] =	wrdreg $0x90000  }
0xb1: {  	[dreg:$0x5] =	wrdreg $0x9  }
0xb2: {  	_ =	task.clear_ibuf [dreg:s7], $0x6FFFF;
	_ =	strace $0x90000046  }
0xb3: {  	s29 =	simm.s32 $0x9;
	_ =	strace $0x80000048  }
0xb4: {  	_ =	swait.ge [sflag:s29], $0x1  }
0xb5: {  	[sflag:s29] =	ssyncadd.s32 $0xFFFFFFFF  }
0xb6: {  	_ =	strace $0x90000048  }
0xb7: {  	_ =	sfence  }
0xb8: {  	s30 =	sld [smem:$0x0];
	_ =	sdelay $0x2  }
0xb9: {  	s31 =	sshll.u32 s1, $0xD;
	s1 =	sshrl.u32 s1, $0x2  }
0xba: {  	s3 =	sand.u32 $0x4000, s31;
	s1 =	sadd.s32 s1, s30  }
0xbb: {  	s0 =	sor.u32 s3, s0;
	s1 =	sshll.u32 s1, $0x11  }
0xbc: {  	s0 =	sor.u32 s1, s0  }
0xbd: {  	s0 =	sadd.s32 $0x8F2B, s0  }
0xbe: {  	[sflag:s0] =	ssyncadd.remote.s32 $0x1  }
0xbf: {  	_ =	sfence.sel $0xFFFF  }
0xc0: {  	[dreg:$0x0] =	wrdreg $0xFFFFFFFF;
	(pc) =	sbr.abs _section_cstart, $3  }
0xc1: {  	[dreg:$0x1] =	wrdreg $0xFFFFFFFF  }
0xc2: {  	_ =	task.clear_ibuf [dreg:s7], $0x2FFFF;
	_ =	strace $0x9FFFFFFF  }
0xc3: {  	(tm) =	ssettm $0x7FFFFFFF  }
tec
execute0_lowered:
.L_overlay_start_1:
0x0: {  	(tag) =	ssettag $0x1  }
0x1: {  	s1 =	rddreg [dreg:$0x0]  }
0x2: {  	s0 =	srdreg.scid;
	s6 =	rddreg [dreg:$0x1]  }
0x3: {  	s9 =	stileid.u32;
	s3 =	rddreg [dreg:$0x2];
	s4 =	simm.s32 $0x0  }
0x4: {  	s17 =	simm.s32 $0x400;
	s18 =	simm.s32 $0x100;
	s19 =	simm.s32 $0x480  }
0x5: {  	s21 =	simm.s32 $0x180;
	s22 =	simm.s32 $0x500;
	[smem:$0x7FF] =	sst s4  }
0x6: {  	s24 =	simm.s32 $0x200;
	_ =	strace $0x80000047;
	[dreg:$0x6] =	wrdreg s17  }
0x7: {  	s26 =	simm.s32 $0x580;
	s11 =	simm.s32 $0x280;
	[dreg:$0x7] =	wrdreg s18  }
0x8: {  	s13 =	simm.s32 $0x600;
	s28 =	simm.s32 $0xE80;
	[dreg:$0x8] =	wrdreg s19  }
0x9: {  	s29 =	simm.s32 $0xB80;
	s5 =	smul.u32 $0x13C00, s9;
	[dreg:$0x9] =	wrdreg s21  }
0xa: {  	s30 =	simm.s32 $0x1;
	s8 =	smul.u32 $0x5000, s9;
	[dreg:$0xa] =	wrdreg s22  }
0xb: {  	s0 =	sand.u32 $0x1, s0;
	s9 =	smul.u32 $0x4F000, s9;
	[dreg:$0xb] =	wrdreg s24  }
0xc: {  	s31 =	simm.s32 $0xF00;
	s2 =	smul.u32 $0x13C000, s0;
	[dreg:$0xc] =	wrdreg s26  }
0xd: {  	s7 =	smul.u32 $0x50000, s0;
	s0 =	ssub.s32 $0x2, s0;
	[dreg:$0xd] =	wrdreg s11  }
0xe: {  	[dreg:$0xe] =	wrdreg s13;
	s17 =	simm.s32 $0x380;
	s18 =	simm.s32 $0x700  }
0xf: {  	s19 =	simm.s32 $0x780;
	s21 =	simm.s32 $0xC00;
	[dreg:$0x11] =	wrdreg s17  }
0x10: {  	s22 =	simm.s32 $0x900;
	s24 =	simm.s32 $0x980;
	[dreg:$0x12] =	wrdreg s18  }
0x11: {  	s26 =	simm.s32 $0xA00;
	s16 =	sshrl.u32 s0, $0x1;
	[dreg:$0x13] =	wrdreg s19  }
0x12: {  	s20 =	sshrl.u32 s9, $0x2;
	s17 =	simm.s32 $0x800;
	[dreg:$0x15] =	wrdreg s21  }
0x13: {  	s18 =	simm.s32 $0x80;
	[dreg:$0x16] =	wrdreg s22;
	s19 =	simm.s32 $0x5000  }
0x14: {  	[dreg:$0x18] =	wrdreg s24;
	s21 =	simm.s32 $0x4;
	s22 =	simm.s32 $0x2  }
0x15: {  	[dreg:$0x1a] =	wrdreg s26;
	s24 =	simm.s32 $0xA80;
	s26 =	simm.s32 $0xB00  }
0x16: {  	s2 =	sadd.s32 s5, s2;
	s7 =	sadd.s32 s8, s7;
	s5 =	sadd.s32 $0x2400, s6  }
0x17: {  	s0 =	ssub.s32 s0, s16;
	s2 =	sshrl.u32 s2, $0x3;
	s14 =	sadd.s32 $0x1000, s7  }
0x18: {  	s15 =	sadd.s32 $0x1800, s7;
	s7 =	sshrl.u32 s7, $0x3;
	[dreg:$0x4] =	wrdreg s14  }
0x19: {  	s2 =	sadd.s32 s2, s6;
	[dreg:$0x5] =	wrdreg s15;
	s14 =	simm.s32 $0x300  }
0x1a: {  	s6 =	sadd.s32 s20, s3;
	s15 =	simm.s32 $0x680;
	[dreg:$0xf] =	wrdreg s14  }
0x1b: {  	s11 =	sadd.s32 s5, s7;
	s20 =	simm.s32 $0x880;
	[dreg:$0x10] =	wrdreg s15  }
0x1c: {  	s23 =	sadd.s32 $0x4000, s6;
	s25 =	sadd.s32 $0x8000, s6;
	[dreg:$0x14] =	wrdreg s20  }
0x1d: {  	s10 =	sadd.s32 $0xC000, s6;
	s12 =	sadd.s32 $0x10000, s6;
	[dreg:$0x1b] =	wrdreg s23  }
0x1e: {  	s16 =	sadd.s32 $0x100, s11;
	s13 =	sadd.s32 $0x16400, s2;
	[dreg:$0x1c] =	wrdreg s25  }
0x1f: {  	s14 =	smax.u32 s0, $0x1;
	s15 =	simm.s32 $0x1000;
	[dreg:$0x1d] =	wrdreg s10  }
0x20: {  	s20 =	simm.s32 $0x3;
	s2 =	simm.s32 $0xF80;
	[dreg:$0x1e] =	wrdreg s12  }
0x21: {  	s0 =	simm.s32 $0x0;
	[dreg:$0x1f] =	wrdreg s16;
	s23 =	simm.s32 $0xC80  }
0x22: {  	s16 =	simm.s32 $0x5;
	s25 =	simm.s32 $0xD00;
	[dreg:$0x17] =	wrdreg s23  }
0x23: {  	v0 =	vimm.f32 $0.0e+00;
	[dreg:$0x19] =	wrdreg s25;
	s23 =	simm.s32 $0xD80;
	s25 =	simm.s32 $0xE00  }
.LBB2_1:
0x24: {  	s7 =	simm.s32 $0x0;
	s8 =	simm.s32 $0x200  }
.LBB2_2:
0x25: {  	p0 =	sne.s32 s8, $0xFE00;
	[tilespmem:s7+$0x1070] =	vst v0  }
0x26: {  	[tilespmem:s7+$0x1000] =	vst v0  }
0x27: {  	[tilespmem:s7+$0x1010] =	vst v0  }
.Ltmp0:
0x28: {  	[tilespmem:s7+$0x1020] =	vst v0;
	(pc) =	sbr.rel @p0 .LBB2_2-.Ltmp0, $4  }
0x29: {  	[tilespmem:s7+$0x1030] =	vst v0  }
0x2a: {  	[tilespmem:s7+$0x1040] =	vst v0  }
0x2b: {  	[tilespmem:s7+$0x1050] =	vst v0  }
0x2c: {  	[tilespmem:s7+$0x1060] =	vst v0;
	s7 =	sshra.s32 s8, $0x2;
	s8 =	sadd.s32 $0x200, s8  }
0x2d: {  	[tilespmem:s7+$0x1070] =	vst v0  }
0x2e: {  	[tilespmem:s7+$0x1000] =	vst v0  }
0x2f: {  	[tilespmem:s7+$0x1010] =	vst v0  }
0x30: {  	[tilespmem:s7+$0x1020] =	vst v0  }
0x31: {  	[tilespmem:s7+$0x1030] =	vst v0  }
0x32: {  	[tilespmem:s7+$0x1040] =	vst v0  }
0x33: {  	[tilespmem:s7+$0x1050] =	vst v0  }
0x34: {  	[tilespmem:s7+$0x1060] =	vst v0  }
0x35: {  	[spmem:s6] =	stream.linear.scatter [tilespmem:s15], [sflag:$0x5], $0x4000, $0x38;
	[tilespmem:$0x1CC00] =	vst v63  }
0x36: {  	_ =	swait.ge [sflag:s16], $0x4000  }
0x37: {  	[sflag:s16] =	ssyncset.done $0x0  }
0x38: {  	s9 =	rddreg [dreg:$0x1b];
	[sflag:s16] =	ssyncadd.s32 $0xFFFFC000  }
0x39: {  	[spmem:s9] =	stream.linear.scatter [tilespmem:s15], [sflag:$0x5], $0x4000, $0x38;
	[tilespmem:$0x1CC00] =	vst v63  }
0x3a: {  	_ =	swait.ge [sflag:s16], $0x4000  }
0x3b: {  	[sflag:s16] =	ssyncset.done $0x0  }
0x3c: {  	s10 =	rddreg [dreg:$0x1c];
	[sflag:s16] =	ssyncadd.s32 $0xFFFFC000  }
0x3d: {  	[spmem:s10] =	stream.linear.scatter [tilespmem:s15], [sflag:$0x5], $0x4000, $0x38;
	[tilespmem:$0x1CC00] =	vst v63  }
0x3e: {  	_ =	swait.ge [sflag:s16], $0x4000  }
0x3f: {  	[sflag:s16] =	ssyncset.done $0x0  }
0x40: {  	s12 =	rddreg [dreg:$0x1d];
	[sflag:s16] =	ssyncadd.s32 $0xFFFFC000  }
0x41: {  	[spmem:s12] =	stream.linear.scatter [tilespmem:s15], [sflag:$0x5], $0x4000, $0x38;
	[tilespmem:$0x1CC00] =	vst v63  }
0x42: {  	_ =	swait.ge [sflag:s16], $0x4000  }
0x43: {  	[sflag:s16] =	ssyncset.done $0x0  }
0x44: {  	s8 =	rddreg [dreg:$0x1e];
	[sflag:s16] =	ssyncadd.s32 $0xFFFFC000  }
0x45: {  	[spmem:s8] =	stream.linear.scatter [tilespmem:s15], [sflag:$0x5], $0x3C00, $0x38;
	[tilespmem:$0x1CC00] =	vst v63  }
0x46: {  	_ =	swait.ge [sflag:s16], $0x3C00  }
0x47: {  	[sflag:s16] =	ssyncset.done $0x0  }
0x48: {  	[sflag:s16] =	ssyncadd.s32 $0xFFFFC400  }
0x49: {  	s7 =	simm.s32 $0x0;
	[bflag:$0x0] =	sbarrier.arrive $0xFFFF  }
0x4a: {  	[tilespmem:s7], [sflag:$0x5] =	stream.linear.gather [hbm4b:s11+s7], $0x800, $0x38;
	[tilespmem:$0x1CC00] =	vst v63  }
0x4b: {  	_ =	swait.ge [sflag:s16], $0x800  }
0x4c: {  	[sflag:s16] =	ssyncset.done $0x0  }
0x4d: {  	s8 =	rddreg [dreg:$0x1f];
	[sflag:s16] =	ssyncadd.s32 $0xFFFFF800  }
0x4e: {  	[tilespmem:s17], [sflag:$0x2] =	stream.linear.gather [hbm4b:s8+s7], $0x800, $0x38;
	[tilespmem:$0x1CC00] =	vst v63  }
0x4f: {  	_ = 	snop  }
0x50: {  	[tilespmem:s15], [sflag:$0x3] =	stream.indirect.gather [hbm4b:s1+s18], $0x80, s7, s18, $0xb8;
	[tilespmem:$0x1CC00] =	vst v63  }
0x51: {  	_ = 	snop  }
0x52: {  	[tilespmem:s19], [sflag:$0x4] =	stream.indirect.gather [hbm4b:s1+s18], $0x80, s18, s18, $0xb8;
	[tilespmem:$0x1CC00] =	vst v63  }
0x53: {  	_ =	swait.ge [sflag:s20], $0x4000  }
0x54: {  	[sflag:s20] =	ssyncset.done $0x0  }
0x55: {  	s9 =	rddreg [dreg:$0x6];
	[sflag:s20] =	ssyncadd.s32 $0xFFFFC000  }
0x56: {  	[spmem:s3] =	stream.indirect.scatter.add.f32 [tilespmem:s15], [sflag:$0x5], $0x80, s9, s18, $0xb8;
	[tilespmem:$0x1CC00] =	vst v63  }
0x57: {  	_ =	swait.ge [sflag:s16], $0x4000  }
0x58: {  	[sflag:s16] =	ssyncset.done $0x0  }
0x59: {  	s10 =	rddreg [dreg:$0x7];
	[sflag:s16] =	ssyncadd.s32 $0xFFFFC000  }
0x5a: {  	[tilespmem:s15], [sflag:$0x3] =	stream.indirect.gather [hbm4b:s1+s18], $0x80, s10, s18, $0xb8;
	[tilespmem:$0x1CC00] =	vst v63  }
0x5b: {  	_ =	swait.ge [sflag:s21], $0x4000  }
0x5c: {  	[sflag:s21] =	ssyncset.done $0x0  }
0x5d: {  	s12 =	rddreg [dreg:$0x8];
	[sflag:s21] =	ssyncadd.s32 $0xFFFFC000  }
0x5e: {  	[spmem:s3] =	stream.indirect.scatter.add.f32 [tilespmem:s19], [sflag:$0x5], $0x80, s12, s18, $0xb8;
	[tilespmem:$0x1CC00] =	vst v63  }
0x5f: {  	_ =	swait.ge [sflag:s16], $0x4000  }
0x60: {  	[sflag:s16] =	ssyncset.done $0x0  }
0x61: {  	s9 =	rddreg [dreg:$0x9];
	[sflag:s16] =	ssyncadd.s32 $0xFFFFC000  }
0x62: {  	[tilespmem:s19], [sflag:$0x4] =	stream.indirect.gather [hbm4b:s1+s18], $0x80, s9, s18, $0xb8;
	[tilespmem:$0x1CC00] =	vst v63  }
0x63: {  	_ =	swait.ge [sflag:s20], $0x4000  }
0x64: {  	[sflag:s20] =	ssyncset.done $0x0  }
0x65: {  	s10 =	rddreg [dreg:$0xa];
	[sflag:s20] =	ssyncadd.s32 $0xFFFFC000  }
0x66: {  	[spmem:s3] =	stream.indirect.scatter.add.f32 [tilespmem:s15], [sflag:$0x5], $0x80, s10, s18, $0xb8;
	[tilespmem:$0x1CC00] =	vst v63  }
0x67: {  	_ =	swait.ge [sflag:s16], $0x4000  }
0x68: {  	[sflag:s16] =	ssyncset.done $0x0  }
0x69: {  	s12 =	rddreg [dreg:$0xb];
	[sflag:s16] =	ssyncadd.s32 $0xFFFFC000  }
0x6a: {  	[tilespmem:s15], [sflag:$0x3] =	stream.indirect.gather [hbm4b:s1+s18], $0x80, s12, s18, $0xb8;
	[tilespmem:$0x1CC00] =	vst v63  }
0x6b: {  	_ =	swait.ge [sflag:s21], $0x4000  }
0x6c: {  	[sflag:s21] =	ssyncset.done $0x0  }
0x6d: {  	s9 =	rddreg [dreg:$0xc];
	[sflag:s21] =	ssyncadd.s32 $0xFFFFC000  }
0x6e: {  	[spmem:s3] =	stream.indirect.scatter.add.f32 [tilespmem:s19], [sflag:$0x5], $0x80, s9, s18, $0xb8;
	[tilespmem:$0x1CC00] =	vst v63  }
0x6f: {  	_ =	swait.ge [sflag:s16], $0x4000  }
0x70: {  	[sflag:s16] =	ssyncset.done $0x0  }
0x71: {  	s10 =	rddreg [dreg:$0xd];
	[sflag:s16] =	ssyncadd.s32 $0xFFFFC000  }
0x72: {  	[tilespmem:s19], [sflag:$0x4] =	stream.indirect.gather [hbm4b:s1+s18], $0x80, s10, s18, $0xb8;
	[tilespmem:$0x1CC00] =	vst v63  }
0x73: {  	_ =	swait.ge [sflag:s20], $0x4000  }
0x74: {  	[sflag:s20] =	ssyncset.done $0x0  }
0x75: {  	s12 =	rddreg [dreg:$0xe];
	[sflag:s20] =	ssyncadd.s32 $0xFFFFC000  }
0x76: {  	[spmem:s3] =	stream.indirect.scatter.add.f32 [tilespmem:s15], [sflag:$0x5], $0x80, s12, s18, $0xb8;
	[tilespmem:$0x1CC00] =	vst v63  }
0x77: {  	_ =	swait.ge [sflag:s16], $0x4000  }
0x78: {  	[sflag:s16] =	ssyncset.done $0x0  }
0x79: {  	s9 =	rddreg [dreg:$0xf];
	[sflag:s16] =	ssyncadd.s32 $0xFFFFC000  }
0x7a: {  	[tilespmem:s15], [sflag:$0x3] =	stream.indirect.gather [hbm4b:s1+s18], $0x80, s9, s18, $0xb8;
	[tilespmem:$0x1CC00] =	vst v63  }
0x7b: {  	_ =	swait.ge [sflag:s21], $0x4000  }
0x7c: {  	[sflag:s21] =	ssyncset.done $0x0  }
0x7d: {  	s10 =	rddreg [dreg:$0x10];
	[sflag:s21] =	ssyncadd.s32 $0xFFFFC000  }
0x7e: {  	[spmem:s3] =	stream.indirect.scatter.add.f32 [tilespmem:s19], [sflag:$0x5], $0x80, s10, s18, $0xb8;
	[tilespmem:$0x1CC00] =	vst v63  }
0x7f: {  	_ =	swait.ge [sflag:s16], $0x4000  }
0x80: {  	[sflag:s16] =	ssyncset.done $0x0  }
0x81: {  	s12 =	rddreg [dreg:$0x11];
	[sflag:s16] =	ssyncadd.s32 $0xFFFFC000  }
0x82: {  	[tilespmem:s19], [sflag:$0x4] =	stream.indirect.gather [hbm4b:s1+s18], $0x80, s12, s18, $0xb8;
	[tilespmem:$0x1CC00] =	vst v63  }
0x83: {  	_ =	swait.ge [sflag:s22], $0x800  }
0x84: {  	[sflag:s22] =	ssyncset.done $0x0  }
0x85: {  	[sflag:s22] =	ssyncadd.s32 $0xFFFFF800  }
0x86: {  	_ =	swait.ge [sflag:s20], $0x4000  }
0x87: {  	[sflag:s20] =	ssyncset.done $0x0  }
0x88: {  	s9 =	rddreg [dreg:$0x12];
	[sflag:s20] =	ssyncadd.s32 $0xFFFFC000  }
0x89: {  	[spmem:s3] =	stream.indirect.scatter.add.f32 [tilespmem:s15], [sflag:$0x5], $0x80, s9, s18, $0xb8;
	[tilespmem:$0x1CC00] =	vst v63  }
0x8a: {  	_ =	swait.ge [sflag:s16], $0x4000  }
0x8b: {  	[sflag:s16] =	ssyncset.done $0x0  }
0x8c: {  	[sflag:s16] =	ssyncadd.s32 $0xFFFFC000  }
0x8d: {  	[tilespmem:s15], [sflag:$0x3] =	stream.indirect.gather [hbm4b:s1+s18], $0x80, s17, s18, $0xb8;
	[tilespmem:$0x1CC00] =	vst v63  }
0x8e: {  	_ =	swait.ge [sflag:s21], $0x4000  }
0x8f: {  	[sflag:s21] =	ssyncset.done $0x0  }
0x90: {  	s10 =	rddreg [dreg:$0x13];
	[sflag:s21] =	ssyncadd.s32 $0xFFFFC000  }
0x91: {  	[spmem:s3] =	stream.indirect.scatter.add.f32 [tilespmem:s19], [sflag:$0x5], $0x80, s10, s18, $0xb8;
	[tilespmem:$0x1CC00] =	vst v63  }
0x92: {  	s10 =	smin.u32 s7, $0x7;
	_ =	swait.ge [sflag:s16], $0x4000  }
0x93: {  	s10 =	sshll.u32 s10, $0xB;
	s12 =	rddreg [dreg:$0x4];
	[sflag:s16] =	ssyncset.done $0x0  }
0x94: {  	s9 =	rddreg [dreg:$0x14];
	s8 =	sadd.s32 s10, s12;
	[sflag:s16] =	ssyncadd.s32 $0xFFFFC000  }
0x95: {  	[tilespmem:s19], [sflag:$0x4] =	stream.indirect.gather [hbm4b:s1+s18], $0x80, s9, s18, $0xb8;
	[tilespmem:$0x1CC00] =	vst v63  }
0x96: {  	s8 =	sshrl.u32 s8, $0x3  }
0x97: {  	s8 =	sadd.s32 s5, s8  }
0x98: {  	[tilespmem:s4], [sflag:$0x1] =	stream.linear.gather [hbm4b:s8+s4], $0x800, $0x38;
	[tilespmem:$0x1CC00] =	vst v63  }
0x99: {  	_ =	swait.ge [sflag:s20], $0x4000  }
0x9a: {  	[sflag:s20] =	ssyncset.done $0x0  }
0x9b: {  	s12 =	rddreg [dreg:$0x15];
	[sflag:s20] =	ssyncadd.s32 $0xFFFFC000  }
0x9c: {  	[spmem:s3] =	stream.indirect.scatter.add.f32 [tilespmem:s15], [sflag:$0x5], $0x80, s12, s18, $0xb8;
	[tilespmem:$0x1CC00] =	vst v63  }
0x9d: {  	_ =	swait.ge [sflag:s16], $0x4000  }
0x9e: {  	[sflag:s16] =	ssyncset.done $0x0  }
0x9f: {  	s9 =	rddreg [dreg:$0x16];
	[sflag:s16] =	ssyncadd.s32 $0xFFFFC000  }
0xa0: {  	[tilespmem:s15], [sflag:$0x3] =	stream.indirect.gather [hbm4b:s1+s18], $0x80, s9, s18, $0xb8;
	[tilespmem:$0x1CC00] =	vst v63  }
0xa1: {  	_ =	swait.ge [sflag:s21], $0x4000  }
0xa2: {  	[sflag:s21] =	ssyncset.done $0x0  }
0xa3: {  	s10 =	rddreg [dreg:$0x17];
	[sflag:s21] =	ssyncadd.s32 $0xFFFFC000  }
0xa4: {  	[spmem:s3] =	stream.indirect.scatter.add.f32 [tilespmem:s19], [sflag:$0x5], $0x80, s10, s18, $0xb8;
	[tilespmem:$0x1CC00] =	vst v63  }
0xa5: {  	_ =	swait.ge [sflag:s16], $0x4000  }
0xa6: {  	[sflag:s16] =	ssyncset.done $0x0  }
0xa7: {  	s12 =	rddreg [dreg:$0x18];
	[sflag:s16] =	ssyncadd.s32 $0xFFFFC000  }
0xa8: {  	[tilespmem:s19], [sflag:$0x4] =	stream.indirect.gather [hbm4b:s1+s18], $0x80, s12, s18, $0xb8;
	[tilespmem:$0x1CC00] =	vst v63  }
0xa9: {  	_ =	swait.ge [sflag:s20], $0x4000  }
0xaa: {  	[sflag:s20] =	ssyncset.done $0x0  }
0xab: {  	s9 =	rddreg [dreg:$0x19];
	[sflag:s20] =	ssyncadd.s32 $0xFFFFC000  }
0xac: {  	[spmem:s3] =	stream.indirect.scatter.add.f32 [tilespmem:s15], [sflag:$0x5], $0x80, s9, s18, $0xb8;
	[tilespmem:$0x1CC00] =	vst v63  }
0xad: {  	_ =	swait.ge [sflag:s16], $0x4000  }
0xae: {  	[sflag:s16] =	ssyncset.done $0x0  }
0xaf: {  	s10 =	rddreg [dreg:$0x1a];
	[sflag:s16] =	ssyncadd.s32 $0xFFFFC000  }
0xb0: {  	[tilespmem:s15], [sflag:$0x3] =	stream.indirect.gather [hbm4b:s1+s18], $0x80, s10, s18, $0xb8;
	[tilespmem:$0x1CC00] =	vst v63  }
0xb1: {  	_ =	swait.ge [sflag:s21], $0x4000  }
0xb2: {  	[sflag:s21] =	ssyncset.done $0x0  }
0xb3: {  	[sflag:s21] =	ssyncadd.s32 $0xFFFFC000  }
0xb4: {  	[spmem:s3] =	stream.indirect.scatter.add.f32 [tilespmem:s19], [sflag:$0x5], $0x80, s23, s18, $0xb8;
	[tilespmem:$0x1CC00] =	vst v63  }
0xb5: {  	_ =	swait.ge [sflag:s16], $0x4000  }
0xb6: {  	[sflag:s16] =	ssyncset.done $0x0  }
0xb7: {  	[sflag:s16] =	ssyncadd.s32 $0xFFFFC000  }
0xb8: {  	[tilespmem:s19], [sflag:$0x4] =	stream.indirect.gather [hbm4b:s1+s18], $0x80, s24, s18, $0xb8;
	[tilespmem:$0x1CC00] =	vst v63  }
0xb9: {  	_ =	swait.ge [sflag:s20], $0x4000  }
0xba: {  	[sflag:s20] =	ssyncset.done $0x0  }
0xbb: {  	[sflag:s20] =	ssyncadd.s32 $0xFFFFC000  }
0xbc: {  	[spmem:s3] =	stream.indirect.scatter.add.f32 [tilespmem:s15], [sflag:$0x5], $0x80, s25, s18, $0xb8;
	[tilespmem:$0x1CC00] =	vst v63  }
0xbd: {  	_ =	swait.ge [sflag:s16], $0x4000  }
0xbe: {  	[sflag:s16] =	ssyncset.done $0x0  }
0xbf: {  	[sflag:s16] =	ssyncadd.s32 $0xFFFFC000  }
0xc0: {  	[tilespmem:s15], [sflag:$0x3] =	stream.indirect.gather [hbm4b:s1+s18], $0x80, s26, s18, $0xb8;
	[tilespmem:$0x1CC00] =	vst v63  }
0xc1: {  	_ =	swait.ge [sflag:s21], $0x4000  }
0xc2: {  	[sflag:s21] =	ssyncset.done $0x0  }
0xc3: {  	[sflag:s21] =	ssyncadd.s32 $0xFFFFC000  }
0xc4: {  	[spmem:s3] =	stream.indirect.scatter.add.f32 [tilespmem:s19], [sflag:$0x5], $0x80, s28, s18, $0xb8;
	[tilespmem:$0x1CC00] =	vst v63  }
0xc5: {  	_ =	swait.ge [sflag:s16], $0x4000  }
0xc6: {  	[sflag:s16] =	ssyncset.done $0x0  }
0xc7: {  	[sflag:s16] =	ssyncadd.s32 $0xFFFFC000  }
0xc8: {  	[tilespmem:s19], [sflag:$0x4] =	stream.indirect.gather [hbm4b:s1+s18], $0x80, s29, s18, $0xb8;
	[tilespmem:$0x1CC00] =	vst v63  }
0xc9: {  	_ =	swait.ge [sflag:s30], $0x800  }
0xca: {  	[sflag:s30] =	ssyncset.done $0x0  }
0xcb: {  	[sflag:s30] =	ssyncadd.s32 $0xFFFFF800  }
0xcc: {  	_ =	swait.ge [sflag:s20], $0x4000  }
0xcd: {  	[sflag:s20] =	ssyncset.done $0x0  }
0xce: {  	[sflag:s20] =	ssyncadd.s32 $0xFFFFC000  }
0xcf: {  	[spmem:s3] =	stream.indirect.scatter.add.f32 [tilespmem:s15], [sflag:$0x5], $0x80, s31, s18, $0xb8;
	[tilespmem:$0x1CC00] =	vst v63  }
0xd0: {  	_ =	swait.ge [sflag:s16], $0x4000  }
0xd1: {  	[sflag:s16] =	ssyncset.done $0x0  }
0xd2: {  	[sflag:s16] =	ssyncadd.s32 $0xFFFFC000  }
0xd3: {  	[tilespmem:s15], [sflag:$0x3] =	stream.indirect.gather [hbm4b:s1+s18], $0x80, s4, s18, $0xb8;
	[tilespmem:$0x1CC00] =	vst v63  }
0xd4: {  	_ =	swait.ge [sflag:s21], $0x4000  }
0xd5: {  	[sflag:s21] =	ssyncset.done $0x0  }
0xd6: {  	[sflag:s21] =	ssyncadd.s32 $0xFFFFC000  }
0xd7: {  	[spmem:s3] =	stream.indirect.scatter.add.f32 [tilespmem:s19], [sflag:$0x5], $0x80, s2, s18, $0xb8;
	[tilespmem:$0x1CC00] =	vst v63  }
0xd8: {  	s7 =	smin.u32 s7, $0x6;
	_ =	swait.ge [sflag:s16], $0x4000  }
0xd9: {  	s7 =	sshll.u32 s7, $0xB;
	[sflag:s16] =	ssyncset.done $0x0;
	s12 =	rddreg [dreg:$0x5]  }
0xda: {  	[sflag:s16] =	ssyncadd.s32 $0xFFFFC000;
	s8 =	sadd.s32 s7, s12;
	s7 =	simm.s32 $0x2  }
0xdb: {  	[tilespmem:s19], [sflag:$0x4] =	stream.indirect.gather [hbm4b:s1+s18], $0x80, s18, s18, $0xb8;
	[tilespmem:$0x1CC00] =	vst v63  }
.LBB2_4:
0xdc: {  	s9 =	sshrl.u32 s8, $0x3  }
0xdd: {  	s9 =	sadd.s32 s5, s9  }
0xde: {  	[tilespmem:s17], [sflag:$0x2] =	stream.linear.gather [hbm4b:s9+s4], $0x800, $0x38;
	[tilespmem:$0x1CC00] =	vst v63  }
0xdf: {  	_ =	swait.ge [sflag:s20], $0x4000  }
0xe0: {  	[sflag:s20] =	ssyncset.done $0x0  }
0xe1: {  	s12 =	rddreg [dreg:$0x6];
	[sflag:s20] =	ssyncadd.s32 $0xFFFFC000  }
0xe2: {  	[spmem:s3] =	stream.indirect.scatter.add.f32 [tilespmem:s15], [sflag:$0x5], $0x80, s12, s18, $0xb8;
	[tilespmem:$0x1CC00] =	vst v63  }
0xe3: {  	_ =	swait.ge [sflag:s16], $0x4000  }
0xe4: {  	[sflag:s16] =	ssyncset.done $0x0  }
0xe5: {  	s10 =	rddreg [dreg:$0x7];
	[sflag:s16] =	ssyncadd.s32 $0xFFFFC000  }
0xe6: {  	[tilespmem:s15], [sflag:$0x3] =	stream.indirect.gather [hbm4b:s1+s18], $0x80, s10, s18, $0xb8;
	[tilespmem:$0x1CC00] =	vst v63  }
0xe7: {  	_ =	swait.ge [sflag:s21], $0x4000  }
0xe8: {  	[sflag:s21] =	ssyncset.done $0x0  }
0xe9: {  	s12 =	rddreg [dreg:$0x8];
	[sflag:s21] =	ssyncadd.s32 $0xFFFFC000  }
0xea: {  	[spmem:s3] =	stream.indirect.scatter.add.f32 [tilespmem:s19], [sflag:$0x5], $0x80, s12, s18, $0xb8;
	[tilespmem:$0x1CC00] =	vst v63  }
0xeb: {  	_ =	swait.ge [sflag:s16], $0x4000  }
0xec: {  	[sflag:s16] =	ssyncset.done $0x0  }
0xed: {  	s10 =	rddreg [dreg:$0x9];
	[sflag:s16] =	ssyncadd.s32 $0xFFFFC000  }
0xee: {  	[tilespmem:s19], [sflag:$0x4] =	stream.indirect.gather [hbm4b:s1+s18], $0x80, s10, s18, $0xb8;
	[tilespmem:$0x1CC00] =	vst v63  }
0xef: {  	_ =	swait.ge [sflag:s20], $0x4000  }
0xf0: {  	[sflag:s20] =	ssyncset.done $0x0  }
0xf1: {  	s12 =	rddreg [dreg:$0xa];
	[sflag:s20] =	ssyncadd.s32 $0xFFFFC000  }
0xf2: {  	[spmem:s3] =	stream.indirect.scatter.add.f32 [tilespmem:s15], [sflag:$0x5], $0x80, s12, s18, $0xb8;
	[tilespmem:$0x1CC00] =	vst v63  }
0xf3: {  	_ =	swait.ge [sflag:s16], $0x4000  }
0xf4: {  	[sflag:s16] =	ssyncset.done $0x0  }
0xf5: {  	s10 =	rddreg [dreg:$0xb];
	[sflag:s16] =	ssyncadd.s32 $0xFFFFC000  }
0xf6: {  	[tilespmem:s15], [sflag:$0x3] =	stream.indirect.gather [hbm4b:s1+s18], $0x80, s10, s18, $0xb8;
	[tilespmem:$0x1CC00] =	vst v63  }
0xf7: {  	_ =	swait.ge [sflag:s21], $0x4000  }
0xf8: {  	[sflag:s21] =	ssyncset.done $0x0  }
0xf9: {  	s12 =	rddreg [dreg:$0xc];
	[sflag:s21] =	ssyncadd.s32 $0xFFFFC000  }
0xfa: {  	[spmem:s3] =	stream.indirect.scatter.add.f32 [tilespmem:s19], [sflag:$0x5], $0x80, s12, s18, $0xb8;
	[tilespmem:$0x1CC00] =	vst v63  }
0xfb: {  	_ =	swait.ge [sflag:s16], $0x4000  }
0xfc: {  	[sflag:s16] =	ssyncset.done $0x0  }
0xfd: {  	s10 =	rddreg [dreg:$0xd];
	[sflag:s16] =	ssyncadd.s32 $0xFFFFC000  }
0xfe: {  	[tilespmem:s19], [sflag:$0x4] =	stream.indirect.gather [hbm4b:s1+s18], $0x80, s10, s18, $0xb8;
	[tilespmem:$0x1CC00] =	vst v63  }
0xff: {  	_ =	swait.ge [sflag:s20], $0x4000  }
0x100: {  	[sflag:s20] =	ssyncset.done $0x0  }
0x101: {  	s12 =	rddreg [dreg:$0xe];
	[sflag:s20] =	ssyncadd.s32 $0xFFFFC000  }
0x102: {  	[spmem:s3] =	stream.indirect.scatter.add.f32 [tilespmem:s15], [sflag:$0x5], $0x80, s12, s18, $0xb8;
	[tilespmem:$0x1CC00] =	vst v63  }
0x103: {  	_ =	swait.ge [sflag:s16], $0x4000  }
0x104: {  	[sflag:s16] =	ssyncset.done $0x0  }
0x105: {  	s10 =	rddreg [dreg:$0xf];
	[sflag:s16] =	ssyncadd.s32 $0xFFFFC000  }
0x106: {  	[tilespmem:s15], [sflag:$0x3] =	stream.indirect.gather [hbm4b:s1+s18], $0x80, s10, s18, $0xb8;
	[tilespmem:$0x1CC00] =	vst v63  }
0x107: {  	_ =	swait.ge [sflag:s21], $0x4000  }
0x108: {  	[sflag:s21] =	ssyncset.done $0x0  }
0x109: {  	s12 =	rddreg [dreg:$0x10];
	[sflag:s21] =	ssyncadd.s32 $0xFFFFC000  }
0x10a: {  	[spmem:s3] =	stream.indirect.scatter.add.f32 [tilespmem:s19], [sflag:$0x5], $0x80, s12, s18, $0xb8;
	[tilespmem:$0x1CC00] =	vst v63  }
0x10b: {  	_ =	swait.ge [sflag:s16], $0x4000  }
0x10c: {  	[sflag:s16] =	ssyncset.done $0x0  }
0x10d: {  	s10 =	rddreg [dreg:$0x11];
	[sflag:s16] =	ssyncadd.s32 $0xFFFFC000  }
0x10e: {  	[tilespmem:s19], [sflag:$0x4] =	stream.indirect.gather [hbm4b:s1+s18], $0x80, s10, s18, $0xb8;
	[tilespmem:$0x1CC00] =	vst v63  }
0x10f: {  	_ =	swait.ge [sflag:s22], $0x800  }
0x110: {  	[sflag:s22] =	ssyncset.done $0x0  }
0x111: {  	[sflag:s22] =	ssyncadd.s32 $0xFFFFF800  }
0x112: {  	_ =	swait.ge [sflag:s20], $0x4000  }
0x113: {  	[sflag:s20] =	ssyncset.done $0x0  }
0x114: {  	s12 =	rddreg [dreg:$0x12];
	[sflag:s20] =	ssyncadd.s32 $0xFFFFC000  }
0x115: {  	[spmem:s3] =	stream.indirect.scatter.add.f32 [tilespmem:s15], [sflag:$0x5], $0x80, s12, s18, $0xb8;
	[tilespmem:$0x1CC00] =	vst v63  }
0x116: {  	_ =	swait.ge [sflag:s16], $0x4000  }
0x117: {  	[sflag:s16] =	ssyncset.done $0x0  }
0x118: {  	[sflag:s16] =	ssyncadd.s32 $0xFFFFC000  }
0x119: {  	[tilespmem:s15], [sflag:$0x3] =	stream.indirect.gather [hbm4b:s1+s18], $0x80, s17, s18, $0xb8;
	[tilespmem:$0x1CC00] =	vst v63  }
0x11a: {  	_ =	swait.ge [sflag:s21], $0x4000  }
0x11b: {  	[sflag:s21] =	ssyncset.done $0x0  }
0x11c: {  	s8 =	smov.u32 s7;
	s10 =	rddreg [dreg:$0x13];
	[sflag:s21] =	ssyncadd.s32 $0xFFFFC000  }
0x11d: {  	[spmem:s3] =	stream.indirect.scatter.add.f32 [tilespmem:s19], [sflag:$0x5], $0x80, s10, s18, $0xb8;
	[tilespmem:$0x1CC00] =	vst v63  }
0x11e: {  	s12 =	smin.u32 s8, $0x7;
	_ =	swait.ge [sflag:s16], $0x4000  }
0x11f: {  	s12 =	sshll.u32 s12, $0xB;
	s9 =	rddreg [dreg:$0x4]  }
0x120: {  	[sflag:s16] =	ssyncset.done $0x0;
	s9 =	sadd.s32 s12, s9  }
0x121: {  	s10 =	rddreg [dreg:$0x14];
	[sflag:s16] =	ssyncadd.s32 $0xFFFFC000;
	s9 =	sshrl.u32 s9, $0x3  }
0x122: {  	[tilespmem:s19], [sflag:$0x4] =	stream.indirect.gather [hbm4b:s1+s18], $0x80, s10, s18, $0xb8;
	[tilespmem:$0x1CC00] =	vst v63  }
0x123: {  	s9 =	sadd.s32 s5, s9  }
0x124: {  	[tilespmem:s4], [sflag:$0x1] =	stream.linear.gather [hbm4b:s9+s4], $0x800, $0x38;
	[tilespmem:$0x1CC00] =	vst v63  }
0x125: {  	_ =	swait.ge [sflag:s20], $0x4000  }
0x126: {  	[sflag:s20] =	ssyncset.done $0x0  }
0x127: {  	s12 =	rddreg [dreg:$0x15];
	[sflag:s20] =	ssyncadd.s32 $0xFFFFC000  }
0x128: {  	[spmem:s3] =	stream.indirect.scatter.add.f32 [tilespmem:s15], [sflag:$0x5], $0x80, s12, s18, $0xb8;
	[tilespmem:$0x1CC00] =	vst v63  }
0x129: {  	_ =	swait.ge [sflag:s16], $0x4000  }
0x12a: {  	[sflag:s16] =	ssyncset.done $0x0  }
0x12b: {  	s10 =	rddreg [dreg:$0x16];
	[sflag:s16] =	ssyncadd.s32 $0xFFFFC000  }
0x12c: {  	[tilespmem:s15], [sflag:$0x3] =	stream.indirect.gather [hbm4b:s1+s18], $0x80, s10, s18, $0xb8;
	[tilespmem:$0x1CC00] =	vst v63  }
0x12d: {  	_ =	swait.ge [sflag:s21], $0x4000  }
0x12e: {  	[sflag:s21] =	ssyncset.done $0x0  }
0x12f: {  	s12 =	rddreg [dreg:$0x17];
	[sflag:s21] =	ssyncadd.s32 $0xFFFFC000  }
0x130: {  	[spmem:s3] =	stream.indirect.scatter.add.f32 [tilespmem:s19], [sflag:$0x5], $0x80, s12, s18, $0xb8;
	[tilespmem:$0x1CC00] =	vst v63  }
0x131: {  	_ =	swait.ge [sflag:s16], $0x4000  }
0x132: {  	[sflag:s16] =	ssyncset.done $0x0  }
0x133: {  	s10 =	rddreg [dreg:$0x18];
	[sflag:s16] =	ssyncadd.s32 $0xFFFFC000  }
0x134: {  	[tilespmem:s19], [sflag:$0x4] =	stream.indirect.gather [hbm4b:s1+s18], $0x80, s10, s18, $0xb8;
	[tilespmem:$0x1CC00] =	vst v63  }
0x135: {  	_ =	swait.ge [sflag:s20], $0x4000  }
0x136: {  	[sflag:s20] =	ssyncset.done $0x0  }
0x137: {  	s12 =	rddreg [dreg:$0x19];
	[sflag:s20] =	ssyncadd.s32 $0xFFFFC000  }
0x138: {  	[spmem:s3] =	stream.indirect.scatter.add.f32 [tilespmem:s15], [sflag:$0x5], $0x80, s12, s18, $0xb8;
	[tilespmem:$0x1CC00] =	vst v63  }
0x139: {  	_ =	swait.ge [sflag:s16], $0x4000  }
0x13a: {  	[sflag:s16] =	ssyncset.done $0x0  }
0x13b: {  	s10 =	rddreg [dreg:$0x1a];
	[sflag:s16] =	ssyncadd.s32 $0xFFFFC000  }
0x13c: {  	[tilespmem:s15], [sflag:$0x3] =	stream.indirect.gather [hbm4b:s1+s18], $0x80, s10, s18, $0xb8;
	[tilespmem:$0x1CC00] =	vst v63  }
0x13d: {  	_ =	swait.ge [sflag:s21], $0x4000  }
0x13e: {  	[sflag:s21] =	ssyncset.done $0x0  }
0x13f: {  	[sflag:s21] =	ssyncadd.s32 $0xFFFFC000  }
0x140: {  	[spmem:s3] =	stream.indirect.scatter.add.f32 [tilespmem:s19], [sflag:$0x5], $0x80, s23, s18, $0xb8;
	[tilespmem:$0x1CC00] =	vst v63  }
0x141: {  	_ =	swait.ge [sflag:s16], $0x4000  }
0x142: {  	[sflag:s16] =	ssyncset.done $0x0  }
0x143: {  	[sflag:s16] =	ssyncadd.s32 $0xFFFFC000  }
0x144: {  	[tilespmem:s19], [sflag:$0x4] =	stream.indirect.gather [hbm4b:s1+s18], $0x80, s24, s18, $0xb8;
	[tilespmem:$0x1CC00] =	vst v63  }
0x145: {  	_ =	swait.ge [sflag:s20], $0x4000  }
0x146: {  	[sflag:s20] =	ssyncset.done $0x0  }
0x147: {  	[sflag:s20] =	ssyncadd.s32 $0xFFFFC000  }
0x148: {  	[spmem:s3] =	stream.indirect.scatter.add.f32 [tilespmem:s15], [sflag:$0x5], $0x80, s25, s18, $0xb8;
	[tilespmem:$0x1CC00] =	vst v63  }
0x149: {  	_ =	swait.ge [sflag:s16], $0x4000  }
0x14a: {  	[sflag:s16] =	ssyncset.done $0x0  }
0x14b: {  	[sflag:s16] =	ssyncadd.s32 $0xFFFFC000  }
0x14c: {  	[tilespmem:s15], [sflag:$0x3] =	stream.indirect.gather [hbm4b:s1+s18], $0x80, s26, s18, $0xb8;
	[tilespmem:$0x1CC00] =	vst v63  }
0x14d: {  	_ =	swait.ge [sflag:s21], $0x4000  }
0x14e: {  	[sflag:s21] =	ssyncset.done $0x0  }
0x14f: {  	[sflag:s21] =	ssyncadd.s32 $0xFFFFC000  }
0x150: {  	[spmem:s3] =	stream.indirect.scatter.add.f32 [tilespmem:s19], [sflag:$0x5], $0x80, s28, s18, $0xb8;
	[tilespmem:$0x1CC00] =	vst v63  }
0x151: {  	_ =	swait.ge [sflag:s16], $0x4000  }
0x152: {  	[sflag:s16] =	ssyncset.done $0x0  }
0x153: {  	[sflag:s16] =	ssyncadd.s32 $0xFFFFC000  }
0x154: {  	[tilespmem:s19], [sflag:$0x4] =	stream.indirect.gather [hbm4b:s1+s18], $0x80, s29, s18, $0xb8;
	[tilespmem:$0x1CC00] =	vst v63  }
0x155: {  	_ =	swait.ge [sflag:s30], $0x800  }
0x156: {  	[sflag:s30] =	ssyncset.done $0x0  }
0x157: {  	[sflag:s30] =	ssyncadd.s32 $0xFFFFF800  }
0x158: {  	_ =	swait.ge [sflag:s20], $0x4000  }
0x159: {  	[sflag:s20] =	ssyncset.done $0x0  }
0x15a: {  	[sflag:s20] =	ssyncadd.s32 $0xFFFFC000  }
0x15b: {  	[spmem:s3] =	stream.indirect.scatter.add.f32 [tilespmem:s15], [sflag:$0x5], $0x80, s31, s18, $0xb8;
	[tilespmem:$0x1CC00] =	vst v63  }
0x15c: {  	_ =	swait.ge [sflag:s16], $0x4000  }
0x15d: {  	[sflag:s16] =	ssyncset.done $0x0  }
0x15e: {  	[sflag:s16] =	ssyncadd.s32 $0xFFFFC000  }
0x15f: {  	[tilespmem:s15], [sflag:$0x3] =	stream.indirect.gather [hbm4b:s1+s18], $0x80, s4, s18, $0xb8;
	[tilespmem:$0x1CC00] =	vst v63  }
0x160: {  	_ =	swait.ge [sflag:s21], $0x4000  }
0x161: {  	[sflag:s21] =	ssyncset.done $0x0  }
0x162: {  	p0 =	sne.s32 s7, $0x8;
	[sflag:s21] =	ssyncadd.s32 $0xFFFFC000  }
0x163: {  	[spmem:s3] =	stream.indirect.scatter.add.f32 [tilespmem:s19], [sflag:$0x5], $0x80, s2, s18, $0xb8;
	[tilespmem:$0x1CC00] =	vst v63  }
.Ltmp1:
0x164: {  	_ = 	snop;
	(pc) =	sbr.rel @p0 .LBB2_4-.Ltmp1, $4  }
0x165: {  	s8 =	smin.u32 s8, $0x6;
	_ =	swait.ge [sflag:s16], $0x4000  }
0x166: {  	s8 =	sshll.u32 s8, $0xB;
	[sflag:s16] =	ssyncset.done $0x0;
	s12 =	rddreg [dreg:$0x5]  }
0x167: {  	s7 =	sadd.s32 $0x2, s7;
	[sflag:s16] =	ssyncadd.s32 $0xFFFFC000;
	s8 =	sadd.s32 s8, s12  }
0x168: {  	[tilespmem:s19], [sflag:$0x4] =	stream.indirect.gather [hbm4b:s1+s18], $0x80, s18, s18, $0xb8;
	[tilespmem:$0x1CC00] =	vst v63  }
0x169: {  	s7 =	sshrl.u32 s8, $0x3  }
0x16a: {  	s7 =	sadd.s32 s5, s7  }
0x16b: {  	[tilespmem:s17], [sflag:$0x2] =	stream.linear.gather [hbm4b:s7+s4], $0x800, $0x38;
	[tilespmem:$0x1CC00] =	vst v63  }
0x16c: {  	_ =	swait.ge [sflag:s20], $0x4000  }
0x16d: {  	[sflag:s20] =	ssyncset.done $0x0  }
0x16e: {  	[sflag:s20] =	ssyncadd.s32 $0xFFFFC000  }
0x16f: {  	_ =	swait.ge [sflag:s21], $0x4000  }
0x170: {  	[sflag:s21] =	ssyncset.done $0x0  }
0x171: {  	[sflag:s21] =	ssyncadd.s32 $0xFFFFC000  }
0x172: {  	s10 =	stileid.u32;
	_ =	swait.ge [sflag:s22], $0x800  }
0x173: {  	s12 =	sshrl.u32 s6, $0x3;
	s0 =	sadd.s32 $0x1, s0;
	[sflag:s22] =	ssyncset.done $0x0  }
0x174: {  	p0 =	sne.s32 s0, s14;
	s7 =	sshll.u32 s10, $0x6;
	[sflag:s22] =	ssyncadd.s32 $0xFFFFF800  }
.Ltmp2:
0x175: {  	s7 =	sor.u32 $0x1C05, s7;
	[bflag:$0x0] =	sbarrier.arrive $0xFFFF;
	(pc) =	sbr.rel @p0 .LBB2_1-.Ltmp2, $4  }
0x176: {  	[hbm:s13], [sflag:s7] =	dma.local [spmem:s12], $0x2780  }
0x177: {  	_ =	swait.ge [sflag:s16], $0x2780  }
0x178: {  	[sflag:s16] =	ssyncset.done $0x0  }
0x179: {  	[sflag:s16] =	ssyncadd.s32 $0xFFFFD880  }
0x17a: {  	_ =	sfence.sel $0x180000  }
0x17b: {  	[bflag:$0x0] =	sbarrier.arrive $0xFFFF  }
0x17c: {  	_ =	strace $0x90000047  }
0x17d: {  	s0 =	stileid.u32;
	[bflag:$0x2] =	sbarrier.arrive $0xFFFF  }
0x17e: {  	p0 =	sne.s32 s0, $0x0;
	s0 =	rddreg [dreg:$0x3]  }
0x17f: {  	s0 =	sadd.s32 @!p0 $0x100000, s0  }
0x180: {  	[sflag:s0] =	ssyncadd.tile.s32 @!p0 $0x1;
	_ =	shalt  }
.Lfunc_end2:
_tile_overlayer_lowered:
.L_overlay_start_2:
0x181: {  	(tag) =	ssettag $0x2  }
0x182: {  	s0 =	rddreg [dreg:$0x0];
	s2 =	stileid.u32  }
0x183: {  	s1 =	rddreg [dreg:$0x1];
	p0 =	sne.s32 s2, $0x0  }
0x184: {  	s3 =	rddreg [dreg:$0x2];
	[bflag:$0x3] =	sbarrier.arrive $0xFFFF;
	s2 =	simm.s32 @!p0 $0x1C05  }
0x185: {  	[timem:s3], [sflag:s2] =	dma.local @!p0 [hbm:s0], s1  }
0x186: {  	s0 =	simm.s32 @!p0 $0x5  }
0x187: {  	_ =	swait.ge @!p0 [sflag:s0], s1  }
0x188: {  	s1 =	ssub.s32 @!p0 $0x0, s1;
	[sflag:s0] =	ssyncset.done @!p0 $0x0  }
0x189: {  	[sflag:s0] =	ssyncadd.s32 @!p0 s1  }
0x18a: {  	[bflag:$0x3] =	sbarrier.arrive $0xFFFF  }
0x18b: {  	_ =	shalt  }

// kernel: kernel.9.cloned.1.call-start
scs
__scs_entry_jumppad:
0x0: {  	(pc) =	sbr.rel $0x88, $3  }
0x1: {  	(tag) =	ssettag $0x0;
	lr =	simm.s32 $0x1  }
0x2: {  	[smem:$0x3F95] =	sst lr;
	_ =	strace $0xD0000000  }
0x3: {  	_ = 	snop  }
0x4: {  	_ = 	snop  }
0x5: {  	_ = 	snop  }
0x6: {  	_ = 	snop  }
0x7: {  	_ = 	snop  }
__scs_overlays_trampoline_lowered:
0x8: {  	[smem:$0x3FA4] =	sst s0  }
0x9: {  	[smem:$0x3FA5] =	sst s1  }
0xa: {  	[smem:$0x3FA6] =	sst s2  }
0xb: {  	[smem:$0x3FA7] =	sst s3  }
0xc: {  	[smem:$0x3FA8] =	sst s4  }
0xd: {  	[smem:$0x3FA9] =	sst s5  }
0xe: {  	[smem:$0x3FAA] =	sst s6  }
0xf: {  	[smem:$0x3FAB] =	sst s7  }
0x10: {  	[smem:$0x3FAC] =	sst s8  }
0x11: {  	[smem:$0x3FAD] =	sst s9;
	s0 =	simm.s32 @!p0 $0x0  }
0x12: {  	s1 =	sld [smem:$0x3F93];
	s0 =	simm.s32 @p0 $0x1  }
0x13: {  	[smem:$0x3FAE] =	sst s0;
	s0 =	simm.s32 @!p1 $0x0  }
0x14: {  	s2 =	sld [smem:$0x3F92];
	s0 =	simm.s32 @p1 $0x1  }
0x15: {  	[smem:$0x3FAF] =	sst s0;
	s0 =	simm.s32 @!p2 $0x0  }
0x16: {  	s3 =	sld [smem:$0x3FDB];
	s0 =	simm.s32 @p2 $0x1  }
0x17: {  	s4 =	simm.s32 $0x1BF5;
	[smem:$0x3FB1] =	sst s0  }
0x18: {  	s0 =	sld [smem:$0x3F94];
	_ =	swait.ge [sflag:s4], $0x0  }
0x19: {  	s7 =	sld [smem:$0x3F95]  }
0x1a: {  	s8 =	sadd.s32 $0xFFFFE003, lr  }
0x1b: {  	s9 =	sadd.s32 $0xFFFFFEF7, lr;
	s5 =	simm.s32 $0xFFFFFFFF;
	p2 =	slt.u32 s8, $0xFFFFF086  }
0x1c: {  	p1 =	slt.u32 s9, $0xF7A;
	s5 =	simm.s32 @!p2 $0x0  }
0x1d: {  	s5 =	simm.s32 @p1 $0x1;
	p0 =	seq.s32 s7, s2  }
0x1e: {  	s7 =	smul.u32 @!p0 $0xF7A, s2;
	p2 =	seq.s32 @!p0 s5, $0x0  }
0x1f: {  	s9 =	smul.u32 $0xF7A, s1;
	s8 =	simm.s32 @!p0 $0x1BF5;
	p2 =	por !p2, p0  }
0x20: {  	[sflag:s8] =	ssyncset.s32 @!p0 $0xFFFFF086;
	s6 =	sadd.s32 @!p0 s3, s7;
	s7 =	simm.s32 @!p0 $0x108  }
0x21: {  	s3 =	sadd.s32 s3, s9;
	s6 =	sadd.s32 @!p0 $0x88, s6;
	s7 =	simm.s32 @p2 $0x1082  }
0x22: {  	[simem:s7], [sflag:s8] =	dma.local @!p0 [hbm:s6], $0xF7A  }
0x23: {  	s9 =	sor.u32 $0xD0000000, s2;
	s6 =	simm.s32 $0x108;
	_ =	swait.ge @!p0 [sflag:s8], $0x0  }
0x24: {  	s3 =	sadd.s32 $0x88, s3;
	s6 =	simm.s32 @!p1 $0x1082;
	[sflag:s4] =	ssyncset.s32 $0xFFFFF086  }
0x25: {  	[simem:s6], [sflag:s4] =	dma.local [hbm:s3], $0xF7A  }
0x26: {  	[smem:$0x3F95] =	sst s1;
	(tag) =	ssettag s2;
	_ =	strace s9  }
0x27: {  	s1 =	sld [smem:$0x3FA5]  }
0x28: {  	s2 =	sld [smem:$0x3FA6]  }
0x29: {  	s4 =	sld [smem:$0x3FA8]  }
0x2a: {  	p0 =	seq.s32 s5, $0x0;
	s5 =	sld [smem:$0x3FA9]  }
0x2b: {  	s6 =	sld [smem:$0x3FAA]  }
0x2c: {  	s7 =	sld [smem:$0x3FAB]  }
0x2d: {  	s3 =	simm.s32 $0x108;
	s8 =	sld [smem:$0x3FAC]  }
0x2e: {  	s3 =	simm.s32 @!p0 $0x1082;
	s9 =	sld [smem:$0x3FAD]  }
0x2f: {  	lr =	sadd.s32 s0, s3;
	s0 =	sld [smem:$0x3FA4]  }
0x30: {  	s3 =	sld [smem:$0x3FA7]  }
0x31: {  	[smem:$0x3FB0] =	sst s10  }
0x32: {  	s10 =	sld [smem:$0x3FAE];
	_ =	sdelay $0x3  }
0x33: {  	p0 =	seq.s32 s10, $0x1;
	s10 =	sld [smem:$0x3FB0];
	_ =	sdelay $0x3  }
0x34: {  	[smem:$0x3FB0] =	sst s10  }
0x35: {  	s10 =	sld [smem:$0x3FAF];
	_ =	sdelay $0x3  }
0x36: {  	p1 =	seq.s32 s10, $0x1;
	s10 =	sld [smem:$0x3FB0];
	_ =	sdelay $0x3  }
0x37: {  	[smem:$0x3FB0] =	sst s10  }
0x38: {  	s10 =	sld [smem:$0x3FB1]  }
0x39: {  	_ = 	snop;
	(pc) =	sbr.ind lr, $3  }
0x3a: {  	_ = 	snop  }
0x3b: {  	_ = 	snop  }
0x3c: {  	p2 =	seq.s32 s10, $0x1;
	s10 =	sld [smem:$0x3FB0]  }
0x3d: {  	_ =	shalt  }
0x3e: {  	_ =	shalt  }
0x3f: {  	_ =	shalt  }
0x40: {  	_ =	shalt  }
0x41: {  	_ =	shalt  }
0x42: {  	_ =	shalt  }
0x43: {  	_ =	shalt  }
0x44: {  	_ =	shalt  }
0x45: {  	_ =	shalt  }
0x46: {  	_ =	shalt  }
0x47: {  	_ =	shalt  }
0x48: {  	_ =	shalt  }
0x49: {  	_ =	shalt  }
0x4a: {  	_ =	shalt  }
0x4b: {  	_ =	shalt  }
0x4c: {  	_ =	shalt  }
0x4d: {  	_ =	shalt  }
0x4e: {  	_ =	shalt  }
0x4f: {  	_ =	shalt  }
0x50: {  	_ =	shalt  }
0x51: {  	_ =	shalt  }
0x52: {  	_ =	shalt  }
0x53: {  	_ =	shalt  }
0x54: {  	_ =	shalt  }
0x55: {  	_ =	shalt  }
0x56: {  	_ =	shalt  }
0x57: {  	_ =	shalt  }
0x58: {  	_ =	shalt  }
0x59: {  	_ =	shalt  }
0x5a: {  	_ =	shalt  }
0x5b: {  	_ =	shalt  }
0x5c: {  	_ =	shalt  }
0x5d: {  	_ =	shalt  }
0x5e: {  	_ =	shalt  }
0x5f: {  	_ =	shalt  }
0x60: {  	_ =	shalt  }
0x61: {  	_ =	shalt  }
0x62: {  	_ =	shalt  }
0x63: {  	_ =	shalt  }
0x64: {  	_ =	shalt  }
0x65: {  	_ =	shalt  }
0x66: {  	_ =	shalt  }
0x67: {  	_ =	shalt  }
0x68: {  	_ =	shalt  }
0x69: {  	_ =	shalt  }
0x6a: {  	_ =	shalt  }
0x6b: {  	_ =	shalt  }
0x6c: {  	_ =	shalt  }
0x6d: {  	_ =	shalt  }
0x6e: {  	_ =	shalt  }
0x6f: {  	_ =	shalt  }
0x70: {  	_ =	shalt  }
0x71: {  	_ =	shalt  }
0x72: {  	_ =	shalt  }
0x73: {  	_ =	shalt  }
0x74: {  	_ =	shalt  }
0x75: {  	_ =	shalt  }
0x76: {  	_ =	shalt  }
0x77: {  	_ =	shalt  }
0x78: {  	_ =	shalt  }
0x79: {  	_ =	shalt  }
0x7a: {  	_ =	shalt  }
0x7b: {  	_ =	shalt  }
0x7c: {  	_ =	shalt  }
0x7d: {  	_ =	shalt  }
0x7e: {  	_ =	shalt  }
0x7f: {  	_ =	shalt  }
0x80: {  	_ =	shalt  }
0x81: {  	_ =	shalt  }
0x82: {  	_ =	shalt  }
0x83: {  	_ =	shalt  }
0x84: {  	_ =	shalt  }
0x85: {  	_ =	shalt  }
0x86: {  	_ =	shalt  }
0x87: {  	_ =	shalt  }
.Lfunc_end0:
.L_simem_size_0:
called_computation.1_lowered:
.L_overlay_start_0:
0x88: {  	s2 =	sld [smem:$0x3FD9]  }
0x89: {  	s3 =	sld [smem:$0x3FFE];
	_ =	sdelay $0x1  }
0x8a: {  	s1 =	srdreg.scid  }
0x8b: {  	s0 =	sand.u32 $0x1, s1  }
0x8c: {  	s16 =	sshll.u32 s0, $0xA;
	s2 =	sadd.s32 s3, s2  }
0x8d: {  	s2 =	sadd.s32 s2, s16  }
0x8e: {  	[smem:$0x3FBC] =	sst s2  }
0x8f: {  	_ = 	snop  }
0x90: {  	(tm) =	ssettm $0x1  }
0x91: {  	s17 =	sld [smem:$0x3FFB];
	_ =	sdelay $0x3  }
0x92: {  	_ =	strace s17  }
0x93: {  	s2 =	sld [smem:$0x3FFC];
	_ =	sdelay $0x3  }
0x94: {  	_ =	strace s2  }
0x95: {  	s2 =	sld [smem:$0x3FFD];
	_ =	sdelay $0x3  }
0x96: {  	_ =	strace s2  }
0x97: {  	_ =	strace $0x8FFFFFFF  }
0x98: {  	s18 =	sld [smem:$0x3FDB];
	_ =	sdelay $0x1  }
0x99: {  	s19 =	simm.s32 $_scs_section_size  }
0x9a: {  	s4 =	simm.s32 $_size__tile_overlayer_lowered;
	s5 =	simm.s32 $_tile_overlayer_lowered  }
0x9b: {  	s22 =	simm.s32 $0x1BFF;
	s21 =	sshll.u32 s5, $0x1;
	s2 =	sadd.s32 s19, s18  }
0x9c: {  	s6 =	simm.s32 $0x0;
	s20 =	sshll.u32 s4, $0x1;
	s4 =	sadd.s32 s21, s2  }
0x9d: {  	[timem:s6], [sflag:s22] =	dma.local [hbm:s4], s20  }
0x9e: {  	_ =	swait.ge [sflag:s22], s20  }
0x9f: {  	s3 =	ssub.s32 $0x0, s20;
	[sflag:s22] =	ssyncset.done $0x0  }
0xa0: {  	[sflag:s22] =	ssyncadd.s32 s3;
	_ =	sdelay $0x1  }
0xa1: {  	s23 =	simm.s32 $0x1B8B  }
0xa2: {  	_ =	swait.ge [sflag:s23], $0x1  }
0xa3: {  	[sflag:s23] =	ssyncset.done $0x0  }
0xa4: {  	s25 =	simm.s32 $0x1B8E;
	s24 =	sld [smem:$0x3FFE];
	[sflag:s23] =	ssyncadd.s32 $0xFFFFFFFF  }
0xa5: {  	s26 =	simm.s32 $execute0_lowered;
	[smem:$0x3FD2] =	sst s25  }
0xa6: {  	s4 =	sshll.u32 s26, $0x1;
	_ =	strace $0x80000049;
	[dreg:$0x1] =	wrdreg $0xFFFFFFFF  }
0xa7: {  	s28 =	simm.s32 $_size_execute0_lowered;
	s2 =	sadd.s32 s2, s4;
	[dreg:$0x0] =	wrdreg $0x0  }
0xa8: {  	s4 =	sshll.u32 s28, $0x1;
	[dreg:$0x2] =	wrdreg s2  }
0xa9: {  	[dreg:$0x3] =	wrdreg s4  }
0xaa: {  	[dreg:$0x4] =	wrdreg $0xC0  }
0xab: {  	_ =	task [dreg:s6], $0x5FFFF  }
0xac: {  	[dreg:$0x1] =	wrdreg $0xFFFFFFFF  }
0xad: {  	[dreg:$0x0] =	wrdreg $0x60  }
0xae: {  	[dreg:$0x2] =	wrdreg s24  }
0xaf: {  	[dreg:$0x3] =	wrdreg $0x90000  }
0xb0: {  	[dreg:$0x4] =	wrdreg $0x9  }
0xb1: {  	_ =	task.clear_ibuf [dreg:s6], $0x5FFFF;
	_ =	strace $0x90000049  }
0xb2: {  	s29 =	simm.s32 $0x9;
	_ =	strace $0x8000004B  }
0xb3: {  	_ =	swait.ge [sflag:s29], $0x1  }
0xb4: {  	[sflag:s29] =	ssyncadd.s32 $0xFFFFFFFF  }
0xb5: {  	_ =	strace $0x9000004B  }
0xb6: {  	_ =	sfence  }
0xb7: {  	s30 =	sld [smem:$0x0];
	_ =	sdelay $0x2  }
0xb8: {  	s31 =	sshll.u32 s1, $0xD;
	s1 =	sshrl.u32 s1, $0x2  }
0xb9: {  	s3 =	sand.u32 $0x4000, s31;
	s1 =	sadd.s32 s1, s30  }
0xba: {  	s0 =	sor.u32 s3, s0;
	s1 =	sshll.u32 s1, $0x11  }
0xbb: {  	s0 =	sor.u32 s1, s0  }
0xbc: {  	s0 =	sadd.s32 $0x8F2B, s0  }
0xbd: {  	[sflag:s0] =	ssyncadd.remote.s32 $0x1  }
0xbe: {  	_ =	sfence.sel $0xFFFF  }
0xbf: {  	[dreg:$0x0] =	wrdreg $0xFFFFFFFF;
	(pc) =	sbr.abs _section_cstart, $3  }
0xc0: {  	[dreg:$0x1] =	wrdreg $0xFFFFFFFF  }
0xc1: {  	_ =	task.clear_ibuf [dreg:s6], $0x2FFFF;
	_ =	strace $0x9FFFFFFF  }
0xc2: {  	(tm) =	ssettm $0x7FFFFFFF  }
0xc3: {  	_ =	shalt  }
tec
execute0_lowered:
.L_overlay_start_1:
0x0: {  	(tag) =	ssettag $0x1  }
0x1: {  	s0 =	srdreg.scid  }
0x2: {  	s1 =	rddreg [dreg:$0x0];
	s9 =	stileid.u32  }
0x3: {  	s2 =	rddreg [dreg:$0x1];
	s3 =	simm.s32 $0x0;
	s17 =	simm.s32 $0x400  }
0x4: {  	s18 =	simm.s32 $0x100;
	s19 =	simm.s32 $0x480;
	[smem:$0x7FF] =	sst s3  }
0x5: {  	s21 =	simm.s32 $0x180;
	_ =	strace $0x8000004A;
	[dreg:$0x5] =	wrdreg s17  }
0x6: {  	s22 =	simm.s32 $0x500;
	s24 =	simm.s32 $0x200;
	[dreg:$0x6] =	wrdreg s18  }
0x7: {  	s26 =	simm.s32 $0x580;
	s11 =	simm.s32 $0x280;
	[dreg:$0x7] =	wrdreg s19  }
0x8: {  	s13 =	simm.s32 $0x600;
	s14 =	simm.s32 $0x300;
	[dreg:$0x8] =	wrdreg s21  }
0x9: {  	s28 =	simm.s32 $0xE80;
	s5 =	smul.u32 $0x13C00, s9;
	[dreg:$0x9] =	wrdreg s22  }
0xa: {  	s29 =	simm.s32 $0xB80;
	s7 =	smul.u32 $0x5000, s9;
	[dreg:$0xa] =	wrdreg s24  }
0xb: {  	s0 =	sand.u32 $0x1, s0;
	s9 =	smul.u32 $0x4F000, s9;
	[dreg:$0xb] =	wrdreg s26  }
0xc: {  	s30 =	simm.s32 $0x1;
	s4 =	smul.u32 $0x13C000, s0;
	[dreg:$0xc] =	wrdreg s11  }
0xd: {  	s31 =	simm.s32 $0xF00;
	s6 =	smul.u32 $0x50000, s0;
	[dreg:$0xd] =	wrdreg s13  }
0xe: {  	s0 =	ssub.s32 $0x2, s0;
	[dreg:$0xe] =	wrdreg s14;
	s17 =	simm.s32 $0x380  }
0xf: {  	s18 =	simm.s32 $0x700;
	s19 =	simm.s32 $0x780;
	[dreg:$0x10] =	wrdreg s17  }
0x10: {  	s21 =	simm.s32 $0xC00;
	s22 =	simm.s32 $0x900;
	[dreg:$0x11] =	wrdreg s18  }
0x11: {  	s24 =	simm.s32 $0x980;
	s26 =	simm.s32 $0xA00;
	[dreg:$0x12] =	wrdreg s19  }
0x12: {  	s16 =	sshrl.u32 s0, $0x1;
	s20 =	sshrl.u32 s9, $0x2;
	[dreg:$0x14] =	wrdreg s21  }
0x13: {  	s17 =	simm.s32 $0x800;
	s18 =	simm.s32 $0x80;
	[dreg:$0x15] =	wrdreg s22  }
0x14: {  	s19 =	simm.s32 $0x5000;
	[dreg:$0x17] =	wrdreg s24;
	s21 =	simm.s32 $0x4  }
0x15: {  	s22 =	simm.s32 $0x2;
	[dreg:$0x19] =	wrdreg s26;
	s24 =	simm.s32 $0xA80  }
0x16: {  	s26 =	simm.s32 $0xB00;
	s5 =	sadd.s32 s5, s4;
	s4 =	sadd.s32 $0x16400, s1  }
0x17: {  	s7 =	sadd.s32 s7, s6;
	s0 =	ssub.s32 s0, s16;
	s8 =	sshrl.u32 s5, $0x3  }
0x18: {  	s5 =	sadd.s32 $0x2400, s1;
	s6 =	sadd.s32 $0x1000, s7;
	s15 =	sadd.s32 $0x1800, s7  }
0x19: {  	s7 =	sshrl.u32 s7, $0x3;
	s14 =	smax.u32 s0, $0x1;
	[dreg:$0x3] =	wrdreg s6  }
0x1a: {  	s0 =	simm.s32 $0x0;
	[dreg:$0x4] =	wrdreg s15;
	s15 =	simm.s32 $0x680  }
0x1b: {  	s6 =	sadd.s32 s20, s2;
	s20 =	simm.s32 $0x880;
	[dreg:$0xf] =	wrdreg s15  }
0x1c: {  	s1 =	sadd.s32 s8, s1;
	s23 =	sadd.s32 $0x4000, s6;
	[dreg:$0x13] =	wrdreg s20  }
0x1d: {  	s11 =	sadd.s32 s5, s7;
	s25 =	sadd.s32 $0x8000, s6;
	[dreg:$0x1a] =	wrdreg s23  }
0x1e: {  	s10 =	sadd.s32 $0xC000, s6;
	s12 =	sadd.s32 $0x10000, s6;
	[dreg:$0x1b] =	wrdreg s25  }
0x1f: {  	s16 =	sadd.s32 $0x100, s11;
	s13 =	sadd.s32 $0x3D600, s1;
	[dreg:$0x1c] =	wrdreg s10  }
0x20: {  	s15 =	simm.s32 $0x1000;
	s20 =	simm.s32 $0x3;
	[dreg:$0x1d] =	wrdreg s12  }
0x21: {  	s1 =	simm.s32 $0xF80;
	[dreg:$0x1e] =	wrdreg s16;
	s23 =	simm.s32 $0xC80  }
0x22: {  	s16 =	simm.s32 $0x5;
	s25 =	simm.s32 $0xD00;
	[dreg:$0x16] =	wrdreg s23  }
0x23: {  	v0 =	vimm.f32 $0.0e+00;
	[dreg:$0x18] =	wrdreg s25;
	s23 =	simm.s32 $0xD80;
	s25 =	simm.s32 $0xE00  }
.LBB2_1:
0x24: {  	s7 =	simm.s32 $0x0;
	s8 =	simm.s32 $0x200  }
.LBB2_2:
0x25: {  	p0 =	sne.s32 s8, $0xFE00;
	[tilespmem:s7+$0x1070] =	vst v0  }
0x26: {  	[tilespmem:s7+$0x1000] =	vst v0  }
0x27: {  	[tilespmem:s7+$0x1010] =	vst v0  }
.Ltmp0:
0x28: {  	[tilespmem:s7+$0x1020] =	vst v0;
	(pc) =	sbr.rel @p0 .LBB2_2-.Ltmp0, $4  }
0x29: {  	[tilespmem:s7+$0x1030] =	vst v0  }
0x2a: {  	[tilespmem:s7+$0x1040] =	vst v0  }
0x2b: {  	[tilespmem:s7+$0x1050] =	vst v0  }
0x2c: {  	[tilespmem:s7+$0x1060] =	vst v0;
	s7 =	sshra.s32 s8, $0x2;
	s8 =	sadd.s32 $0x200, s8  }
0x2d: {  	[tilespmem:s7+$0x1070] =	vst v0  }
0x2e: {  	[tilespmem:s7+$0x1000] =	vst v0  }
0x2f: {  	[tilespmem:s7+$0x1010] =	vst v0  }
0x30: {  	[tilespmem:s7+$0x1020] =	vst v0  }
0x31: {  	[tilespmem:s7+$0x1030] =	vst v0  }
0x32: {  	[tilespmem:s7+$0x1040] =	vst v0  }
0x33: {  	[tilespmem:s7+$0x1050] =	vst v0  }
0x34: {  	[tilespmem:s7+$0x1060] =	vst v0  }
0x35: {  	[spmem:s6] =	stream.linear.scatter [tilespmem:s15], [sflag:$0x5], $0x4000, $0x38;
	[tilespmem:$0x1CC00] =	vst v63  }
0x36: {  	_ =	swait.ge [sflag:s16], $0x4000  }
0x37: {  	[sflag:s16] =	ssyncset.done $0x0  }
0x38: {  	s9 =	rddreg [dreg:$0x1a];
	[sflag:s16] =	ssyncadd.s32 $0xFFFFC000  }
0x39: {  	[spmem:s9] =	stream.linear.scatter [tilespmem:s15], [sflag:$0x5], $0x4000, $0x38;
	[tilespmem:$0x1CC00] =	vst v63  }
0x3a: {  	_ =	swait.ge [sflag:s16], $0x4000  }
0x3b: {  	[sflag:s16] =	ssyncset.done $0x0  }
0x3c: {  	s10 =	rddreg [dreg:$0x1b];
	[sflag:s16] =	ssyncadd.s32 $0xFFFFC000  }
0x3d: {  	[spmem:s10] =	stream.linear.scatter [tilespmem:s15], [sflag:$0x5], $0x4000, $0x38;
	[tilespmem:$0x1CC00] =	vst v63  }
0x3e: {  	_ =	swait.ge [sflag:s16], $0x4000  }
0x3f: {  	[sflag:s16] =	ssyncset.done $0x0  }
0x40: {  	s12 =	rddreg [dreg:$0x1c];
	[sflag:s16] =	ssyncadd.s32 $0xFFFFC000  }
0x41: {  	[spmem:s12] =	stream.linear.scatter [tilespmem:s15], [sflag:$0x5], $0x4000, $0x38;
	[tilespmem:$0x1CC00] =	vst v63  }
0x42: {  	_ =	swait.ge [sflag:s16], $0x4000  }
0x43: {  	[sflag:s16] =	ssyncset.done $0x0  }
0x44: {  	s8 =	rddreg [dreg:$0x1d];
	[sflag:s16] =	ssyncadd.s32 $0xFFFFC000  }
0x45: {  	[spmem:s8] =	stream.linear.scatter [tilespmem:s15], [sflag:$0x5], $0x3C00, $0x38;
	[tilespmem:$0x1CC00] =	vst v63  }
0x46: {  	_ =	swait.ge [sflag:s16], $0x3C00  }
0x47: {  	[sflag:s16] =	ssyncset.done $0x0  }
0x48: {  	[sflag:s16] =	ssyncadd.s32 $0xFFFFC400  }
0x49: {  	s7 =	simm.s32 $0x0;
	[bflag:$0x0] =	sbarrier.arrive $0xFFFF  }
0x4a: {  	[tilespmem:s7], [sflag:$0x5] =	stream.linear.gather [hbm4b:s11+s7], $0x800, $0x38;
	[tilespmem:$0x1CC00] =	vst v63  }
0x4b: {  	_ =	swait.ge [sflag:s16], $0x800  }
0x4c: {  	[sflag:s16] =	ssyncset.done $0x0  }
0x4d: {  	s8 =	rddreg [dreg:$0x1e];
	[sflag:s16] =	ssyncadd.s32 $0xFFFFF800  }
0x4e: {  	[tilespmem:s17], [sflag:$0x2] =	stream.linear.gather [hbm4b:s8+s7], $0x800, $0x38;
	[tilespmem:$0x1CC00] =	vst v63  }
0x4f: {  	_ = 	snop  }
0x50: {  	[tilespmem:s15], [sflag:$0x3] =	stream.indirect.gather [hbm4b:s4+s18], $0x80, s7, s18, $0xb8;
	[tilespmem:$0x1CC00] =	vst v63  }
0x51: {  	_ = 	snop  }
0x52: {  	[tilespmem:s19], [sflag:$0x4] =	stream.indirect.gather [hbm4b:s4+s18], $0x80, s18, s18, $0xb8;
	[tilespmem:$0x1CC00] =	vst v63  }
0x53: {  	_ =	swait.ge [sflag:s20], $0x4000  }
0x54: {  	[sflag:s20] =	ssyncset.done $0x0  }
0x55: {  	s9 =	rddreg [dreg:$0x5];
	[sflag:s20] =	ssyncadd.s32 $0xFFFFC000  }
0x56: {  	[spmem:s2] =	stream.indirect.scatter.add.f32 [tilespmem:s15], [sflag:$0x5], $0x80, s9, s18, $0xb8;
	[tilespmem:$0x1CC00] =	vst v63  }
0x57: {  	_ =	swait.ge [sflag:s16], $0x4000  }
0x58: {  	[sflag:s16] =	ssyncset.done $0x0  }
0x59: {  	s10 =	rddreg [dreg:$0x6];
	[sflag:s16] =	ssyncadd.s32 $0xFFFFC000  }
0x5a: {  	[tilespmem:s15], [sflag:$0x3] =	stream.indirect.gather [hbm4b:s4+s18], $0x80, s10, s18, $0xb8;
	[tilespmem:$0x1CC00] =	vst v63  }
0x5b: {  	_ =	swait.ge [sflag:s21], $0x4000  }
0x5c: {  	[sflag:s21] =	ssyncset.done $0x0  }
0x5d: {  	s12 =	rddreg [dreg:$0x7];
	[sflag:s21] =	ssyncadd.s32 $0xFFFFC000  }
0x5e: {  	[spmem:s2] =	stream.indirect.scatter.add.f32 [tilespmem:s19], [sflag:$0x5], $0x80, s12, s18, $0xb8;
	[tilespmem:$0x1CC00] =	vst v63  }
0x5f: {  	_ =	swait.ge [sflag:s16], $0x4000  }
0x60: {  	[sflag:s16] =	ssyncset.done $0x0  }
0x61: {  	s9 =	rddreg [dreg:$0x8];
	[sflag:s16] =	ssyncadd.s32 $0xFFFFC000  }
0x62: {  	[tilespmem:s19], [sflag:$0x4] =	stream.indirect.gather [hbm4b:s4+s18], $0x80, s9, s18, $0xb8;
	[tilespmem:$0x1CC00] =	vst v63  }
0x63: {  	_ =	swait.ge [sflag:s20], $0x4000  }
0x64: {  	[sflag:s20] =	ssyncset.done $0x0  }
0x65: {  	s10 =	rddreg [dreg:$0x9];
	[sflag:s20] =	ssyncadd.s32 $0xFFFFC000  }
0x66: {  	[spmem:s2] =	stream.indirect.scatter.add.f32 [tilespmem:s15], [sflag:$0x5], $0x80, s10, s18, $0xb8;
	[tilespmem:$0x1CC00] =	vst v63  }
0x67: {  	_ =	swait.ge [sflag:s16], $0x4000  }
0x68: {  	[sflag:s16] =	ssyncset.done $0x0  }
0x69: {  	s12 =	rddreg [dreg:$0xa];
	[sflag:s16] =	ssyncadd.s32 $0xFFFFC000  }
0x6a: {  	[tilespmem:s15], [sflag:$0x3] =	stream.indirect.gather [hbm4b:s4+s18], $0x80, s12, s18, $0xb8;
	[tilespmem:$0x1CC00] =	vst v63  }
0x6b: {  	_ =	swait.ge [sflag:s21], $0x4000  }
0x6c: {  	[sflag:s21] =	ssyncset.done $0x0  }
0x6d: {  	s9 =	rddreg [dreg:$0xb];
	[sflag:s21] =	ssyncadd.s32 $0xFFFFC000  }
0x6e: {  	[spmem:s2] =	stream.indirect.scatter.add.f32 [tilespmem:s19], [sflag:$0x5], $0x80, s9, s18, $0xb8;
	[tilespmem:$0x1CC00] =	vst v63  }
0x6f: {  	_ =	swait.ge [sflag:s16], $0x4000  }
0x70: {  	[sflag:s16] =	ssyncset.done $0x0  }
0x71: {  	s10 =	rddreg [dreg:$0xc];
	[sflag:s16] =	ssyncadd.s32 $0xFFFFC000  }
0x72: {  	[tilespmem:s19], [sflag:$0x4] =	stream.indirect.gather [hbm4b:s4+s18], $0x80, s10, s18, $0xb8;
	[tilespmem:$0x1CC00] =	vst v63  }
0x73: {  	_ =	swait.ge [sflag:s20], $0x4000  }
0x74: {  	[sflag:s20] =	ssyncset.done $0x0  }
0x75: {  	s12 =	rddreg [dreg:$0xd];
	[sflag:s20] =	ssyncadd.s32 $0xFFFFC000  }
0x76: {  	[spmem:s2] =	stream.indirect.scatter.add.f32 [tilespmem:s15], [sflag:$0x5], $0x80, s12, s18, $0xb8;
	[tilespmem:$0x1CC00] =	vst v63  }
0x77: {  	_ =	swait.ge [sflag:s16], $0x4000  }
0x78: {  	[sflag:s16] =	ssyncset.done $0x0  }
0x79: {  	s9 =	rddreg [dreg:$0xe];
	[sflag:s16] =	ssyncadd.s32 $0xFFFFC000  }
0x7a: {  	[tilespmem:s15], [sflag:$0x3] =	stream.indirect.gather [hbm4b:s4+s18], $0x80, s9, s18, $0xb8;
	[tilespmem:$0x1CC00] =	vst v63  }
0x7b: {  	_ =	swait.ge [sflag:s21], $0x4000  }
0x7c: {  	[sflag:s21] =	ssyncset.done $0x0  }
0x7d: {  	s10 =	rddreg [dreg:$0xf];
	[sflag:s21] =	ssyncadd.s32 $0xFFFFC000  }
0x7e: {  	[spmem:s2] =	stream.indirect.scatter.add.f32 [tilespmem:s19], [sflag:$0x5], $0x80, s10, s18, $0xb8;
	[tilespmem:$0x1CC00] =	vst v63  }
0x7f: {  	_ =	swait.ge [sflag:s16], $0x4000  }
0x80: {  	[sflag:s16] =	ssyncset.done $0x0  }
0x81: {  	s12 =	rddreg [dreg:$0x10];
	[sflag:s16] =	ssyncadd.s32 $0xFFFFC000  }
0x82: {  	[tilespmem:s19], [sflag:$0x4] =	stream.indirect.gather [hbm4b:s4+s18], $0x80, s12, s18, $0xb8;
	[tilespmem:$0x1CC00] =	vst v63  }
0x83: {  	_ =	swait.ge [sflag:s22], $0x800  }
0x84: {  	[sflag:s22] =	ssyncset.done $0x0  }
0x85: {  	[sflag:s22] =	ssyncadd.s32 $0xFFFFF800  }
0x86: {  	_ =	swait.ge [sflag:s20], $0x4000  }
0x87: {  	[sflag:s20] =	ssyncset.done $0x0  }
0x88: {  	s9 =	rddreg [dreg:$0x11];
	[sflag:s20] =	ssyncadd.s32 $0xFFFFC000  }
0x89: {  	[spmem:s2] =	stream.indirect.scatter.add.f32 [tilespmem:s15], [sflag:$0x5], $0x80, s9, s18, $0xb8;
	[tilespmem:$0x1CC00] =	vst v63  }
0x8a: {  	_ =	swait.ge [sflag:s16], $0x4000  }
0x8b: {  	[sflag:s16] =	ssyncset.done $0x0  }
0x8c: {  	[sflag:s16] =	ssyncadd.s32 $0xFFFFC000  }
0x8d: {  	[tilespmem:s15], [sflag:$0x3] =	stream.indirect.gather [hbm4b:s4+s18], $0x80, s17, s18, $0xb8;
	[tilespmem:$0x1CC00] =	vst v63  }
0x8e: {  	_ =	swait.ge [sflag:s21], $0x4000  }
0x8f: {  	[sflag:s21] =	ssyncset.done $0x0  }
0x90: {  	s10 =	rddreg [dreg:$0x12];
	[sflag:s21] =	ssyncadd.s32 $0xFFFFC000  }
0x91: {  	[spmem:s2] =	stream.indirect.scatter.add.f32 [tilespmem:s19], [sflag:$0x5], $0x80, s10, s18, $0xb8;
	[tilespmem:$0x1CC00] =	vst v63  }
0x92: {  	s10 =	smin.u32 s7, $0x7;
	_ =	swait.ge [sflag:s16], $0x4000  }
0x93: {  	s10 =	sshll.u32 s10, $0xB;
	s12 =	rddreg [dreg:$0x3];
	[sflag:s16] =	ssyncset.done $0x0  }
0x94: {  	s9 =	rddreg [dreg:$0x13];
	s8 =	sadd.s32 s10, s12;
	[sflag:s16] =	ssyncadd.s32 $0xFFFFC000  }
0x95: {  	[tilespmem:s19], [sflag:$0x4] =	stream.indirect.gather [hbm4b:s4+s18], $0x80, s9, s18, $0xb8;
	[tilespmem:$0x1CC00] =	vst v63  }
0x96: {  	s8 =	sshrl.u32 s8, $0x3  }
0x97: {  	s8 =	sadd.s32 s5, s8  }
0x98: {  	[tilespmem:s3], [sflag:$0x1] =	stream.linear.gather [hbm4b:s8+s3], $0x800, $0x38;
	[tilespmem:$0x1CC00] =	vst v63  }
0x99: {  	_ =	swait.ge [sflag:s20], $0x4000  }
0x9a: {  	[sflag:s20] =	ssyncset.done $0x0  }
0x9b: {  	s12 =	rddreg [dreg:$0x14];
	[sflag:s20] =	ssyncadd.s32 $0xFFFFC000  }
0x9c: {  	[spmem:s2] =	stream.indirect.scatter.add.f32 [tilespmem:s15], [sflag:$0x5], $0x80, s12, s18, $0xb8;
	[tilespmem:$0x1CC00] =	vst v63  }
0x9d: {  	_ =	swait.ge [sflag:s16], $0x4000  }
0x9e: {  	[sflag:s16] =	ssyncset.done $0x0  }
0x9f: {  	s9 =	rddreg [dreg:$0x15];
	[sflag:s16] =	ssyncadd.s32 $0xFFFFC000  }
0xa0: {  	[tilespmem:s15], [sflag:$0x3] =	stream.indirect.gather [hbm4b:s4+s18], $0x80, s9, s18, $0xb8;
	[tilespmem:$0x1CC00] =	vst v63  }
0xa1: {  	_ =	swait.ge [sflag:s21], $0x4000  }
0xa2: {  	[sflag:s21] =	ssyncset.done $0x0  }
0xa3: {  	s10 =	rddreg [dreg:$0x16];
	[sflag:s21] =	ssyncadd.s32 $0xFFFFC000  }
0xa4: {  	[spmem:s2] =	stream.indirect.scatter.add.f32 [tilespmem:s19], [sflag:$0x5], $0x80, s10, s18, $0xb8;
	[tilespmem:$0x1CC00] =	vst v63  }
0xa5: {  	_ =	swait.ge [sflag:s16], $0x4000  }
0xa6: {  	[sflag:s16] =	ssyncset.done $0x0  }
0xa7: {  	s12 =	rddreg [dreg:$0x17];
	[sflag:s16] =	ssyncadd.s32 $0xFFFFC000  }
0xa8: {  	[tilespmem:s19], [sflag:$0x4] =	stream.indirect.gather [hbm4b:s4+s18], $0x80, s12, s18, $0xb8;
	[tilespmem:$0x1CC00] =	vst v63  }
0xa9: {  	_ =	swait.ge [sflag:s20], $0x4000  }
0xaa: {  	[sflag:s20] =	ssyncset.done $0x0  }
0xab: {  	s9 =	rddreg [dreg:$0x18];
	[sflag:s20] =	ssyncadd.s32 $0xFFFFC000  }
0xac: {  	[spmem:s2] =	stream.indirect.scatter.add.f32 [tilespmem:s15], [sflag:$0x5], $0x80, s9, s18, $0xb8;
	[tilespmem:$0x1CC00] =	vst v63  }
0xad: {  	_ =	swait.ge [sflag:s16], $0x4000  }
0xae: {  	[sflag:s16] =	ssyncset.done $0x0  }
0xaf: {  	s10 =	rddreg [dreg:$0x19];
	[sflag:s16] =	ssyncadd.s32 $0xFFFFC000  }
0xb0: {  	[tilespmem:s15], [sflag:$0x3] =	stream.indirect.gather [hbm4b:s4+s18], $0x80, s10, s18, $0xb8;
	[tilespmem:$0x1CC00] =	vst v63  }
0xb1: {  	_ =	swait.ge [sflag:s21], $0x4000  }
0xb2: {  	[sflag:s21] =	ssyncset.done $0x0  }
0xb3: {  	[sflag:s21] =	ssyncadd.s32 $0xFFFFC000  }
0xb4: {  	[spmem:s2] =	stream.indirect.scatter.add.f32 [tilespmem:s19], [sflag:$0x5], $0x80, s23, s18, $0xb8;
	[tilespmem:$0x1CC00] =	vst v63  }
0xb5: {  	_ =	swait.ge [sflag:s16], $0x4000  }
0xb6: {  	[sflag:s16] =	ssyncset.done $0x0  }
0xb7: {  	[sflag:s16] =	ssyncadd.s32 $0xFFFFC000  }
0xb8: {  	[tilespmem:s19], [sflag:$0x4] =	stream.indirect.gather [hbm4b:s4+s18], $0x80, s24, s18, $0xb8;
	[tilespmem:$0x1CC00] =	vst v63  }
0xb9: {  	_ =	swait.ge [sflag:s20], $0x4000  }
0xba: {  	[sflag:s20] =	ssyncset.done $0x0  }
0xbb: {  	[sflag:s20] =	ssyncadd.s32 $0xFFFFC000  }
0xbc: {  	[spmem:s2] =	stream.indirect.scatter.add.f32 [tilespmem:s15], [sflag:$0x5], $0x80, s25, s18, $0xb8;
	[tilespmem:$0x1CC00] =	vst v63  }
0xbd: {  	_ =	swait.ge [sflag:s16], $0x4000  }
0xbe: {  	[sflag:s16] =	ssyncset.done $0x0  }
0xbf: {  	[sflag:s16] =	ssyncadd.s32 $0xFFFFC000  }
0xc0: {  	[tilespmem:s15], [sflag:$0x3] =	stream.indirect.gather [hbm4b:s4+s18], $0x80, s26, s18, $0xb8;
	[tilespmem:$0x1CC00] =	vst v63  }
0xc1: {  	_ =	swait.ge [sflag:s21], $0x4000  }
0xc2: {  	[sflag:s21] =	ssyncset.done $0x0  }
0xc3: {  	[sflag:s21] =	ssyncadd.s32 $0xFFFFC000  }
0xc4: {  	[spmem:s2] =	stream.indirect.scatter.add.f32 [tilespmem:s19], [sflag:$0x5], $0x80, s28, s18, $0xb8;
	[tilespmem:$0x1CC00] =	vst v63  }
0xc5: {  	_ =	swait.ge [sflag:s16], $0x4000  }
0xc6: {  	[sflag:s16] =	ssyncset.done $0x0  }
0xc7: {  	[sflag:s16] =	ssyncadd.s32 $0xFFFFC000  }
0xc8: {  	[tilespmem:s19], [sflag:$0x4] =	stream.indirect.gather [hbm4b:s4+s18], $0x80, s29, s18, $0xb8;
	[tilespmem:$0x1CC00] =	vst v63  }
0xc9: {  	_ =	swait.ge [sflag:s30], $0x800  }
0xca: {  	[sflag:s30] =	ssyncset.done $0x0  }
0xcb: {  	[sflag:s30] =	ssyncadd.s32 $0xFFFFF800  }
0xcc: {  	_ =	swait.ge [sflag:s20], $0x4000  }
0xcd: {  	[sflag:s20] =	ssyncset.done $0x0  }
0xce: {  	[sflag:s20] =	ssyncadd.s32 $0xFFFFC000  }
0xcf: {  	[spmem:s2] =	stream.indirect.scatter.add.f32 [tilespmem:s15], [sflag:$0x5], $0x80, s31, s18, $0xb8;
	[tilespmem:$0x1CC00] =	vst v63  }
0xd0: {  	_ =	swait.ge [sflag:s16], $0x4000  }
0xd1: {  	[sflag:s16] =	ssyncset.done $0x0  }
0xd2: {  	[sflag:s16] =	ssyncadd.s32 $0xFFFFC000  }
0xd3: {  	[tilespmem:s15], [sflag:$0x3] =	stream.indirect.gather [hbm4b:s4+s18], $0x80, s3, s18, $0xb8;
	[tilespmem:$0x1CC00] =	vst v63  }
0xd4: {  	_ =	swait.ge [sflag:s21], $0x4000  }
0xd5: {  	[sflag:s21] =	ssyncset.done $0x0  }
0xd6: {  	[sflag:s21] =	ssyncadd.s32 $0xFFFFC000  }
0xd7: {  	[spmem:s2] =	stream.indirect.scatter.add.f32 [tilespmem:s19], [sflag:$0x5], $0x80, s1, s18, $0xb8;
	[tilespmem:$0x1CC00] =	vst v63  }
0xd8: {  	s7 =	smin.u32 s7, $0x6;
	_ =	swait.ge [sflag:s16], $0x4000  }
0xd9: {  	s7 =	sshll.u32 s7, $0xB;
	[sflag:s16] =	ssyncset.done $0x0;
	s12 =	rddreg [dreg:$0x4]  }
0xda: {  	[sflag:s16] =	ssyncadd.s32 $0xFFFFC000;
	s8 =	sadd.s32 s7, s12;
	s7 =	simm.s32 $0x2  }
0xdb: {  	[tilespmem:s19], [sflag:$0x4] =	stream.indirect.gather [hbm4b:s4+s18], $0x80, s18, s18, $0xb8;
	[tilespmem:$0x1CC00] =	vst v63  }
.LBB2_4:
0xdc: {  	s9 =	sshrl.u32 s8, $0x3  }
0xdd: {  	s9 =	sadd.s32 s5, s9  }
0xde: {  	[tilespmem:s17], [sflag:$0x2] =	stream.linear.gather [hbm4b:s9+s3], $0x800, $0x38;
	[tilespmem:$0x1CC00] =	vst v63  }
0xdf: {  	_ =	swait.ge [sflag:s20], $0x4000  }
0xe0: {  	[sflag:s20] =	ssyncset.done $0x0  }
0xe1: {  	s12 =	rddreg [dreg:$0x5];
	[sflag:s20] =	ssyncadd.s32 $0xFFFFC000  }
0xe2: {  	[spmem:s2] =	stream.indirect.scatter.add.f32 [tilespmem:s15], [sflag:$0x5], $0x80, s12, s18, $0xb8;
	[tilespmem:$0x1CC00] =	vst v63  }
0xe3: {  	_ =	swait.ge [sflag:s16], $0x4000  }
0xe4: {  	[sflag:s16] =	ssyncset.done $0x0  }
0xe5: {  	s10 =	rddreg [dreg:$0x6];
	[sflag:s16] =	ssyncadd.s32 $0xFFFFC000  }
0xe6: {  	[tilespmem:s15], [sflag:$0x3] =	stream.indirect.gather [hbm4b:s4+s18], $0x80, s10, s18, $0xb8;
	[tilespmem:$0x1CC00] =	vst v63  }
0xe7: {  	_ =	swait.ge [sflag:s21], $0x4000  }
0xe8: {  	[sflag:s21] =	ssyncset.done $0x0  }
0xe9: {  	s12 =	rddreg [dreg:$0x7];
	[sflag:s21] =	ssyncadd.s32 $0xFFFFC000  }
0xea: {  	[spmem:s2] =	stream.indirect.scatter.add.f32 [tilespmem:s19], [sflag:$0x5], $0x80, s12, s18, $0xb8;
	[tilespmem:$0x1CC00] =	vst v63  }
0xeb: {  	_ =	swait.ge [sflag:s16], $0x4000  }
0xec: {  	[sflag:s16] =	ssyncset.done $0x0  }
0xed: {  	s10 =	rddreg [dreg:$0x8];
	[sflag:s16] =	ssyncadd.s32 $0xFFFFC000  }
0xee: {  	[tilespmem:s19], [sflag:$0x4] =	stream.indirect.gather [hbm4b:s4+s18], $0x80, s10, s18, $0xb8;
	[tilespmem:$0x1CC00] =	vst v63  }
0xef: {  	_ =	swait.ge [sflag:s20], $0x4000  }
0xf0: {  	[sflag:s20] =	ssyncset.done $0x0  }
0xf1: {  	s12 =	rddreg [dreg:$0x9];
	[sflag:s20] =	ssyncadd.s32 $0xFFFFC000  }
0xf2: {  	[spmem:s2] =	stream.indirect.scatter.add.f32 [tilespmem:s15], [sflag:$0x5], $0x80, s12, s18, $0xb8;
	[tilespmem:$0x1CC00] =	vst v63  }
0xf3: {  	_ =	swait.ge [sflag:s16], $0x4000  }
0xf4: {  	[sflag:s16] =	ssyncset.done $0x0  }
0xf5: {  	s10 =	rddreg [dreg:$0xa];
	[sflag:s16] =	ssyncadd.s32 $0xFFFFC000  }
0xf6: {  	[tilespmem:s15], [sflag:$0x3] =	stream.indirect.gather [hbm4b:s4+s18], $0x80, s10, s18, $0xb8;
	[tilespmem:$0x1CC00] =	vst v63  }
0xf7: {  	_ =	swait.ge [sflag:s21], $0x4000  }
0xf8: {  	[sflag:s21] =	ssyncset.done $0x0  }
0xf9: {  	s12 =	rddreg [dreg:$0xb];
	[sflag:s21] =	ssyncadd.s32 $0xFFFFC000  }
0xfa: {  	[spmem:s2] =	stream.indirect.scatter.add.f32 [tilespmem:s19], [sflag:$0x5], $0x80, s12, s18, $0xb8;
	[tilespmem:$0x1CC00] =	vst v63  }
0xfb: {  	_ =	swait.ge [sflag:s16], $0x4000  }
0xfc: {  	[sflag:s16] =	ssyncset.done $0x0  }
0xfd: {  	s10 =	rddreg [dreg:$0xc];
	[sflag:s16] =	ssyncadd.s32 $0xFFFFC000  }
0xfe: {  	[tilespmem:s19], [sflag:$0x4] =	stream.indirect.gather [hbm4b:s4+s18], $0x80, s10, s18, $0xb8;
	[tilespmem:$0x1CC00] =	vst v63  }
0xff: {  	_ =	swait.ge [sflag:s20], $0x4000  }
0x100: {  	[sflag:s20] =	ssyncset.done $0x0  }
0x101: {  	s12 =	rddreg [dreg:$0xd];
	[sflag:s20] =	ssyncadd.s32 $0xFFFFC000  }
0x102: {  	[spmem:s2] =	stream.indirect.scatter.add.f32 [tilespmem:s15], [sflag:$0x5], $0x80, s12, s18, $0xb8;
	[tilespmem:$0x1CC00] =	vst v63  }
0x103: {  	_ =	swait.ge [sflag:s16], $0x4000  }
0x104: {  	[sflag:s16] =	ssyncset.done $0x0  }
0x105: {  	s10 =	rddreg [dreg:$0xe];
	[sflag:s16] =	ssyncadd.s32 $0xFFFFC000  }
0x106: {  	[tilespmem:s15], [sflag:$0x3] =	stream.indirect.gather [hbm4b:s4+s18], $0x80, s10, s18, $0xb8;
	[tilespmem:$0x1CC00] =	vst v63  }
0x107: {  	_ =	swait.ge [sflag:s21], $0x4000  }
0x108: {  	[sflag:s21] =	ssyncset.done $0x0  }
0x109: {  	s12 =	rddreg [dreg:$0xf];
	[sflag:s21] =	ssyncadd.s32 $0xFFFFC000  }
0x10a: {  	[spmem:s2] =	stream.indirect.scatter.add.f32 [tilespmem:s19], [sflag:$0x5], $0x80, s12, s18, $0xb8;
	[tilespmem:$0x1CC00] =	vst v63  }
0x10b: {  	_ =	swait.ge [sflag:s16], $0x4000  }
0x10c: {  	[sflag:s16] =	ssyncset.done $0x0  }
0x10d: {  	s10 =	rddreg [dreg:$0x10];
	[sflag:s16] =	ssyncadd.s32 $0xFFFFC000  }
0x10e: {  	[tilespmem:s19], [sflag:$0x4] =	stream.indirect.gather [hbm4b:s4+s18], $0x80, s10, s18, $0xb8;
	[tilespmem:$0x1CC00] =	vst v63  }
0x10f: {  	_ =	swait.ge [sflag:s22], $0x800  }
0x110: {  	[sflag:s22] =	ssyncset.done $0x0  }
0x111: {  	[sflag:s22] =	ssyncadd.s32 $0xFFFFF800  }
0x112: {  	_ =	swait.ge [sflag:s20], $0x4000  }
0x113: {  	[sflag:s20] =	ssyncset.done $0x0  }
0x114: {  	s12 =	rddreg [dreg:$0x11];
	[sflag:s20] =	ssyncadd.s32 $0xFFFFC000  }
0x115: {  	[spmem:s2] =	stream.indirect.scatter.add.f32 [tilespmem:s15], [sflag:$0x5], $0x80, s12, s18, $0xb8;
	[tilespmem:$0x1CC00] =	vst v63  }
0x116: {  	_ =	swait.ge [sflag:s16], $0x4000  }
0x117: {  	[sflag:s16] =	ssyncset.done $0x0  }
0x118: {  	[sflag:s16] =	ssyncadd.s32 $0xFFFFC000  }
0x119: {  	[tilespmem:s15], [sflag:$0x3] =	stream.indirect.gather [hbm4b:s4+s18], $0x80, s17, s18, $0xb8;
	[tilespmem:$0x1CC00] =	vst v63  }
0x11a: {  	_ =	swait.ge [sflag:s21], $0x4000  }
0x11b: {  	[sflag:s21] =	ssyncset.done $0x0  }
0x11c: {  	s8 =	smov.u32 s7;
	s10 =	rddreg [dreg:$0x12];
	[sflag:s21] =	ssyncadd.s32 $0xFFFFC000  }
0x11d: {  	[spmem:s2] =	stream.indirect.scatter.add.f32 [tilespmem:s19], [sflag:$0x5], $0x80, s10, s18, $0xb8;
	[tilespmem:$0x1CC00] =	vst v63  }
0x11e: {  	s12 =	smin.u32 s8, $0x7;
	_ =	swait.ge [sflag:s16], $0x4000  }
0x11f: {  	s12 =	sshll.u32 s12, $0xB;
	s9 =	rddreg [dreg:$0x3]  }
0x120: {  	[sflag:s16] =	ssyncset.done $0x0;
	s9 =	sadd.s32 s12, s9  }
0x121: {  	s10 =	rddreg [dreg:$0x13];
	[sflag:s16] =	ssyncadd.s32 $0xFFFFC000;
	s9 =	sshrl.u32 s9, $0x3  }
0x122: {  	[tilespmem:s19], [sflag:$0x4] =	stream.indirect.gather [hbm4b:s4+s18], $0x80, s10, s18, $0xb8;
	[tilespmem:$0x1CC00] =	vst v63  }
0x123: {  	s9 =	sadd.s32 s5, s9  }
0x124: {  	[tilespmem:s3], [sflag:$0x1] =	stream.linear.gather [hbm4b:s9+s3], $0x800, $0x38;
	[tilespmem:$0x1CC00] =	vst v63  }
0x125: {  	_ =	swait.ge [sflag:s20], $0x4000  }
0x126: {  	[sflag:s20] =	ssyncset.done $0x0  }
0x127: {  	s12 =	rddreg [dreg:$0x14];
	[sflag:s20] =	ssyncadd.s32 $0xFFFFC000  }
0x128: {  	[spmem:s2] =	stream.indirect.scatter.add.f32 [tilespmem:s15], [sflag:$0x5], $0x80, s12, s18, $0xb8;
	[tilespmem:$0x1CC00] =	vst v63  }
0x129: {  	_ =	swait.ge [sflag:s16], $0x4000  }
0x12a: {  	[sflag:s16] =	ssyncset.done $0x0  }
0x12b: {  	s10 =	rddreg [dreg:$0x15];
	[sflag:s16] =	ssyncadd.s32 $0xFFFFC000  }
0x12c: {  	[tilespmem:s15], [sflag:$0x3] =	stream.indirect.gather [hbm4b:s4+s18], $0x80, s10, s18, $0xb8;
	[tilespmem:$0x1CC00] =	vst v63  }
0x12d: {  	_ =	swait.ge [sflag:s21], $0x4000  }
0x12e: {  	[sflag:s21] =	ssyncset.done $0x0  }
0x12f: {  	s12 =	rddreg [dreg:$0x16];
	[sflag:s21] =	ssyncadd.s32 $0xFFFFC000  }
0x130: {  	[spmem:s2] =	stream.indirect.scatter.add.f32 [tilespmem:s19], [sflag:$0x5], $0x80, s12, s18, $0xb8;
	[tilespmem:$0x1CC00] =	vst v63  }
0x131: {  	_ =	swait.ge [sflag:s16], $0x4000  }
0x132: {  	[sflag:s16] =	ssyncset.done $0x0  }
0x133: {  	s10 =	rddreg [dreg:$0x17];
	[sflag:s16] =	ssyncadd.s32 $0xFFFFC000  }
0x134: {  	[tilespmem:s19], [sflag:$0x4] =	stream.indirect.gather [hbm4b:s4+s18], $0x80, s10, s18, $0xb8;
	[tilespmem:$0x1CC00] =	vst v63  }
0x135: {  	_ =	swait.ge [sflag:s20], $0x4000  }
0x136: {  	[sflag:s20] =	ssyncset.done $0x0  }
0x137: {  	s12 =	rddreg [dreg:$0x18];
	[sflag:s20] =	ssyncadd.s32 $0xFFFFC000  }
0x138: {  	[spmem:s2] =	stream.indirect.scatter.add.f32 [tilespmem:s15], [sflag:$0x5], $0x80, s12, s18, $0xb8;
	[tilespmem:$0x1CC00] =	vst v63  }
0x139: {  	_ =	swait.ge [sflag:s16], $0x4000  }
0x13a: {  	[sflag:s16] =	ssyncset.done $0x0  }
0x13b: {  	s10 =	rddreg [dreg:$0x19];
	[sflag:s16] =	ssyncadd.s32 $0xFFFFC000  }
0x13c: {  	[tilespmem:s15], [sflag:$0x3] =	stream.indirect.gather [hbm4b:s4+s18], $0x80, s10, s18, $0xb8;
	[tilespmem:$0x1CC00] =	vst v63  }
0x13d: {  	_ =	swait.ge [sflag:s21], $0x4000  }
0x13e: {  	[sflag:s21] =	ssyncset.done $0x0  }
0x13f: {  	[sflag:s21] =	ssyncadd.s32 $0xFFFFC000  }
0x140: {  	[spmem:s2] =	stream.indirect.scatter.add.f32 [tilespmem:s19], [sflag:$0x5], $0x80, s23, s18, $0xb8;
	[tilespmem:$0x1CC00] =	vst v63  }
0x141: {  	_ =	swait.ge [sflag:s16], $0x4000  }
0x142: {  	[sflag:s16] =	ssyncset.done $0x0  }
0x143: {  	[sflag:s16] =	ssyncadd.s32 $0xFFFFC000  }
0x144: {  	[tilespmem:s19], [sflag:$0x4] =	stream.indirect.gather [hbm4b:s4+s18], $0x80, s24, s18, $0xb8;
	[tilespmem:$0x1CC00] =	vst v63  }
0x145: {  	_ =	swait.ge [sflag:s20], $0x4000  }
0x146: {  	[sflag:s20] =	ssyncset.done $0x0  }
0x147: {  	[sflag:s20] =	ssyncadd.s32 $0xFFFFC000  }
0x148: {  	[spmem:s2] =	stream.indirect.scatter.add.f32 [tilespmem:s15], [sflag:$0x5], $0x80, s25, s18, $0xb8;
	[tilespmem:$0x1CC00] =	vst v63  }
0x149: {  	_ =	swait.ge [sflag:s16], $0x4000  }
0x14a: {  	[sflag:s16] =	ssyncset.done $0x0  }
0x14b: {  	[sflag:s16] =	ssyncadd.s32 $0xFFFFC000  }
0x14c: {  	[tilespmem:s15], [sflag:$0x3] =	stream.indirect.gather [hbm4b:s4+s18], $0x80, s26, s18, $0xb8;
	[tilespmem:$0x1CC00] =	vst v63  }
0x14d: {  	_ =	swait.ge [sflag:s21], $0x4000  }
0x14e: {  	[sflag:s21] =	ssyncset.done $0x0  }
0x14f: {  	[sflag:s21] =	ssyncadd.s32 $0xFFFFC000  }
0x150: {  	[spmem:s2] =	stream.indirect.scatter.add.f32 [tilespmem:s19], [sflag:$0x5], $0x80, s28, s18, $0xb8;
	[tilespmem:$0x1CC00] =	vst v63  }
0x151: {  	_ =	swait.ge [sflag:s16], $0x4000  }
0x152: {  	[sflag:s16] =	ssyncset.done $0x0  }
0x153: {  	[sflag:s16] =	ssyncadd.s32 $0xFFFFC000  }
0x154: {  	[tilespmem:s19], [sflag:$0x4] =	stream.indirect.gather [hbm4b:s4+s18], $0x80, s29, s18, $0xb8;
	[tilespmem:$0x1CC00] =	vst v63  }
0x155: {  	_ =	swait.ge [sflag:s30], $0x800  }
0x156: {  	[sflag:s30] =	ssyncset.done $0x0  }
0x157: {  	[sflag:s30] =	ssyncadd.s32 $0xFFFFF800  }
0x158: {  	_ =	swait.ge [sflag:s20], $0x4000  }
0x159: {  	[sflag:s20] =	ssyncset.done $0x0  }
0x15a: {  	[sflag:s20] =	ssyncadd.s32 $0xFFFFC000  }
0x15b: {  	[spmem:s2] =	stream.indirect.scatter.add.f32 [tilespmem:s15], [sflag:$0x5], $0x80, s31, s18, $0xb8;
	[tilespmem:$0x1CC00] =	vst v63  }
0x15c: {  	_ =	swait.ge [sflag:s16], $0x4000  }
0x15d: {  	[sflag:s16] =	ssyncset.done $0x0  }
0x15e: {  	[sflag:s16] =	ssyncadd.s32 $0xFFFFC000  }
0x15f: {  	[tilespmem:s15], [sflag:$0x3] =	stream.indirect.gather [hbm4b:s4+s18], $0x80, s3, s18, $0xb8;
	[tilespmem:$0x1CC00] =	vst v63  }
0x160: {  	_ =	swait.ge [sflag:s21], $0x4000  }
0x161: {  	[sflag:s21] =	ssyncset.done $0x0  }
0x162: {  	p0 =	sne.s32 s7, $0x8;
	[sflag:s21] =	ssyncadd.s32 $0xFFFFC000  }
0x163: {  	[spmem:s2] =	stream.indirect.scatter.add.f32 [tilespmem:s19], [sflag:$0x5], $0x80, s1, s18, $0xb8;
	[tilespmem:$0x1CC00] =	vst v63  }
.Ltmp1:
0x164: {  	_ = 	snop;
	(pc) =	sbr.rel @p0 .LBB2_4-.Ltmp1, $4  }
0x165: {  	s8 =	smin.u32 s8, $0x6;
	_ =	swait.ge [sflag:s16], $0x4000  }
0x166: {  	s8 =	sshll.u32 s8, $0xB;
	[sflag:s16] =	ssyncset.done $0x0;
	s12 =	rddreg [dreg:$0x4]  }
0x167: {  	s7 =	sadd.s32 $0x2, s7;
	[sflag:s16] =	ssyncadd.s32 $0xFFFFC000;
	s8 =	sadd.s32 s8, s12  }
0x168: {  	[tilespmem:s19], [sflag:$0x4] =	stream.indirect.gather [hbm4b:s4+s18], $0x80, s18, s18, $0xb8;
	[tilespmem:$0x1CC00] =	vst v63  }
0x169: {  	s7 =	sshrl.u32 s8, $0x3  }
0x16a: {  	s7 =	sadd.s32 s5, s7  }
0x16b: {  	[tilespmem:s17], [sflag:$0x2] =	stream.linear.gather [hbm4b:s7+s3], $0x800, $0x38;
	[tilespmem:$0x1CC00] =	vst v63  }
0x16c: {  	_ =	swait.ge [sflag:s20], $0x4000  }
0x16d: {  	[sflag:s20] =	ssyncset.done $0x0  }
0x16e: {  	[sflag:s20] =	ssyncadd.s32 $0xFFFFC000  }
0x16f: {  	_ =	swait.ge [sflag:s21], $0x4000  }
0x170: {  	[sflag:s21] =	ssyncset.done $0x0  }
0x171: {  	[sflag:s21] =	ssyncadd.s32 $0xFFFFC000  }
0x172: {  	s10 =	stileid.u32;
	_ =	swait.ge [sflag:s22], $0x800  }
0x173: {  	s12 =	sshrl.u32 s6, $0x3;
	s0 =	sadd.s32 $0x1, s0;
	[sflag:s22] =	ssyncset.done $0x0  }
0x174: {  	p0 =	sne.s32 s0, s14;
	s7 =	sshll.u32 s10, $0x6;
	[sflag:s22] =	ssyncadd.s32 $0xFFFFF800  }
.Ltmp2:
0x175: {  	s7 =	sor.u32 $0x1C05, s7;
	[bflag:$0x0] =	sbarrier.arrive $0xFFFF;
	(pc) =	sbr.rel @p0 .LBB2_1-.Ltmp2, $4  }
0x176: {  	[hbm:s13], [sflag:s7] =	dma.local [spmem:s12], $0x2780  }
0x177: {  	_ =	swait.ge [sflag:s16], $0x2780  }
0x178: {  	[sflag:s16] =	ssyncset.done $0x0  }
0x179: {  	[sflag:s16] =	ssyncadd.s32 $0xFFFFD880  }
0x17a: {  	_ =	sfence.sel $0x180000  }
0x17b: {  	[bflag:$0x0] =	sbarrier.arrive $0xFFFF  }
0x17c: {  	_ =	strace $0x9000004A  }
0x17d: {  	s0 =	stileid.u32;
	[bflag:$0x2] =	sbarrier.arrive $0xFFFF  }
0x17e: {  	p0 =	sne.s32 s0, $0x0;
	s0 =	rddreg [dreg:$0x2]  }
0x17f: {  	s0 =	sadd.s32 @!p0 $0x100000, s0  }
0x180: {  	[sflag:s0] =	ssyncadd.tile.s32 @!p0 $0x1;
	_ =	shalt  }
.Lfunc_end2:
_tile_overlayer_lowered:
.L_overlay_start_2:
0x181: {  	(tag) =	ssettag $0x2  }
0x182: {  	s0 =	rddreg [dreg:$0x0];
	s2 =	stileid.u32  }
0x183: {  	s1 =	rddreg [dreg:$0x1];
	p0 =	sne.s32 s2, $0x0  }
0x184: {  	s3 =	rddreg [dreg:$0x2];
	[bflag:$0x3] =	sbarrier.arrive $0xFFFF;
	s2 =	simm.s32 @!p0 $0x1C05  }
0x185: {  	[timem:s3], [sflag:s2] =	dma.local @!p0 [hbm:s0], s1  }
0x186: {  	s0 =	simm.s32 @!p0 $0x5  }
0x187: {  	_ =	swait.ge @!p0 [sflag:s0], s1  }
0x188: {  	s1 =	ssub.s32 @!p0 $0x0, s1;
	[sflag:s0] =	ssyncset.done @!p0 $0x0  }
0x189: {  	[sflag:s0] =	ssyncadd.s32 @!p0 s1  }
0x18a: {  	[bflag:$0x3] =	sbarrier.arrive $0xFFFF  }
0x18b: {  	_ =	shalt  }

</sc_bundles>
